<compile_context>
chip_gen: v7x
topology: tpu7x:2x2x1
jax: 0.10.2.dev20260603
libtpu: 0.0.44.dev20260713+nightly
codegen_flags: <defaults>
</compile_context>

<pallas_src>
import functools

import jax
import jax.numpy as jnp
from jax import lax
from jax.experimental import pallas as pl
from jax.experimental.pallas import tpu as pltpu
from jax.experimental.pallas import tpu_sc as plsc

N_NODES = 10000
N_EDGES = 320000
DIM = 128
HID = 128
N_LAYERS = 4
N_PROPS = 4
N_GRAPHS = 128

NC = 2
NS = 16
NW = NC * NS
CW = 128
NCHUNK = 80
EPW = NCHUNK * CW
EPAD = NW * EPW
NPAD = 10240
RPT = NPAD // NS

_HIGH = lax.Precision.HIGHEST
_TC_PARAMS = pltpu.CompilerParams(vmem_limit_bytes=120 * 1024 * 1024)
_mesh = plsc.VectorSubcoreMesh(core_axis_name="c", subcore_axis_name="s")



@functools.partial(
    pl.kernel,
    mesh=_mesh,
    out_type=jax.ShapeDtypeStruct((NC, NS, RPT), jnp.float32),
    scratch_types=[
        pltpu.VMEM((NCHUNK, CW), jnp.int32),
        pltpu.VMEM((CW,), jnp.float32),
        pltpu.VMEM((RPT,), jnp.float32),
        pltpu.VMEM_SHARED((NPAD,), jnp.float32),
    ],
)
def _sc_degree(dst_hbm, out_hbm, dst_v, ones_v, zrow_v, deg_sh):
    c = lax.axis_index("c")
    s = lax.axis_index("s")
    wid = s * NC + c
    zeros16 = jnp.zeros((16,), jnp.float32)
    ones16 = jnp.ones((16,), jnp.float32)
    for cc in range(CW // 16):
        ones_v[pl.ds(cc * 16, 16)] = ones16

    def zero_local(i, carry):
        zrow_v[pl.ds(i * 16, 16)] = zeros16
        return carry

    lax.fori_loop(0, RPT // 16, zero_local, 0)
    pltpu.sync_copy(zrow_v, deg_sh.at[pl.ds(s * RPT, RPT)])
    pltpu.sync_copy(dst_hbm.at[wid], dst_v)
    plsc.subcore_barrier()

    def count(j, carry):
        pltpu.sync_copy(ones_v, deg_sh.at[dst_v.at[j]], add=True)
        return carry

    lax.fori_loop(0, NCHUNK, count, 0)
    plsc.subcore_barrier()
    pltpu.sync_copy(deg_sh.at[pl.ds(s * RPT, RPT)], out_hbm.at[c, s])


@functools.partial(
    pl.kernel,
    mesh=_mesh,
    out_type=jax.ShapeDtypeStruct((NC, NPAD, HID), jnp.float32),
    scratch_types=[
        pltpu.VMEM((NCHUNK // 2, CW), jnp.int32),
        pltpu.VMEM((NCHUNK // 2, CW), jnp.int32),
        pltpu.VMEM((2, CW, HID), jnp.float32),
        pltpu.VMEM((16, HID), jnp.float32),
        pltpu.VMEM_SHARED((NPAD, HID), jnp.float32),
        pltpu.SemaphoreType.DMA,
        pltpu.SemaphoreType.DMA,
    ],
)
def _sc_aggregate(xs_hbm, src_hbm, dst_hbm, out_hbm,
                  src_v, dst_v, rows_v, zbuf, acc_sh, gsem0, gsem1):
    c = lax.axis_index("c")
    s = lax.axis_index("s")
    wid = s * NC + c
    zeros16 = jnp.zeros((16,), jnp.float32)
    seg_n = NCHUNK // 2

    def zb_row(r, carry):
        for cc in range(HID // 16):
            zbuf[r, pl.ds(cc * 16, 16)] = zeros16
        return carry

    lax.fori_loop(0, 16, zb_row, 0)

    for seg in range(2):
        pltpu.sync_copy(src_hbm.at[wid, pl.ds(seg * seg_n, seg_n)], src_v)
        pltpu.sync_copy(dst_hbm.at[wid, pl.ds(seg * seg_n, seg_n)], dst_v)
        pltpu.async_copy(xs_hbm.at[src_v.at[0]], rows_v.at[0], gsem0)
        pltpu.async_copy(xs_hbm.at[src_v.at[1]], rows_v.at[1], gsem1)
        if seg == 0:
            def zero_slice(i, carry):
                pltpu.sync_copy(zbuf, acc_sh.at[pl.ds(s * RPT + i * 16, 16)])
                return carry

            lax.fori_loop(0, RPT // 16, zero_slice, 0)
            plsc.subcore_barrier()

        def pair(jj, carry):
            j0 = jj * 2
            pltpu.make_async_copy(xs_hbm.at[src_v.at[j0]],
                                  rows_v.at[0], gsem0).wait()
            pltpu.sync_copy(rows_v.at[0], acc_sh.at[dst_v.at[j0]], add=True)

            @pl.when(j0 + 2 < seg_n)
            def _():
                pltpu.async_copy(xs_hbm.at[src_v.at[j0 + 2]],
                                 rows_v.at[0], gsem0)

            pltpu.make_async_copy(xs_hbm.at[src_v.at[j0 + 1]],
                                  rows_v.at[1], gsem1).wait()
            pltpu.sync_copy(rows_v.at[1], acc_sh.at[dst_v.at[j0 + 1]], add=True)

            @pl.when(j0 + 3 < seg_n)
            def _():
                pltpu.async_copy(xs_hbm.at[src_v.at[j0 + 3]],
                                 rows_v.at[1], gsem1)

            return carry

        lax.fori_loop(0, seg_n // 2, pair, 0)

    plsc.subcore_barrier()
    pltpu.sync_copy(acc_sh.at[pl.ds(s * RPT, RPT)],
                    out_hbm.at[c, pl.ds(s * RPT, RPT)])



def _row_mask():
    rowid = lax.broadcasted_iota(jnp.int32, (NPAD, 1), 0)
    return (rowid < N_NODES).astype(jnp.float32)


def _tc_embed_body(x_ref, ew_ref, eb_ref, degp_ref, w0_ref,
                   h_ref, xs_ref, dis_ref):
    h = jnp.maximum(
        jnp.dot(x_ref[...], ew_ref[...], precision=_HIGH,
                preferred_element_type=jnp.float32) + eb_ref[...], 0.0)
    deg = degp_ref[0] + degp_ref[1] + 1.0
    dis = lax.rsqrt(deg) * _row_mask()
    h_ref[...] = h
    dis_ref[...] = jnp.broadcast_to(dis, (NPAD, HID))
    xs_ref[...] = jnp.dot(h, w0_ref[...], precision=_HIGH,
                          preferred_element_type=jnp.float32) * dis


_tc_embed = pl.pallas_call(
    _tc_embed_body,
    out_shape=(
        jax.ShapeDtypeStruct((NPAD, HID), jnp.float32),
        jax.ShapeDtypeStruct((NPAD, HID), jnp.float32),
        jax.ShapeDtypeStruct((NPAD, HID), jnp.float32),
    ),
    compiler_params=_TC_PARAMS,
)


def _bn_block(sc_ref, xs_ref, h_ref, dis_ref, b_ref, gam_ref, bet_ref):
    mask = _row_mask()
    agg = ((sc_ref[0] + sc_ref[1] + xs_ref[...]) * dis_ref[...]
           + b_ref[...]) * mask
    mean = jnp.sum(agg, axis=0, keepdims=True) * (1.0 / N_NODES)
    d = (agg - mean) * mask
    var = jnp.sum(d * d, axis=0, keepdims=True) * (1.0 / N_NODES)
    hbn = (agg - mean) * lax.rsqrt(var + 1e-5) * gam_ref[...] + bet_ref[...]
    return jnp.maximum(hbn, 0.0) + h_ref[...]


def _tc_layer_body(sc_ref, xs_ref, h_ref, dis_ref, b_ref, gam_ref, bet_ref,
                   wn_ref, h_out, xs_out):
    hn = _bn_block(sc_ref, xs_ref, h_ref, dis_ref, b_ref, gam_ref, bet_ref)
    h_out[...] = hn
    xs_out[...] = jnp.dot(hn, wn_ref[...], precision=_HIGH,
                          preferred_element_type=jnp.float32) * dis_ref[...]


_tc_layer = pl.pallas_call(
    _tc_layer_body,
    out_shape=(
        jax.ShapeDtypeStruct((NPAD, HID), jnp.float32),
        jax.ShapeDtypeStruct((NPAD, HID), jnp.float32),
    ),
    compiler_params=_TC_PARAMS,
)


def _tc_final_body(sc_ref, xs_ref, h_ref, dis_ref, b_ref, gam_ref, bet_ref,
                   batch_ref, w1_ref, b1_ref, w2_ref, b2_ref, w3_ref, b3_ref,
                   out_ref):
    hn = _bn_block(sc_ref, xs_ref, h_ref, dis_ref, b_ref, gam_ref, bet_ref)
    gid = lax.broadcasted_iota(jnp.int32, (N_GRAPHS, NPAD), 0)
    a = (gid == batch_ref[...]).astype(jnp.float32)
    sums = jnp.dot(a, hn, precision=_HIGH, preferred_element_type=jnp.float32)
    cnt = jnp.sum(a, axis=1, keepdims=True)
    g = sums / jnp.maximum(cnt, 1.0)
    t = jnp.maximum(jnp.dot(g, w1_ref[...], precision=_HIGH,
                            preferred_element_type=jnp.float32) + b1_ref[...], 0.0)
    t = jnp.maximum(jnp.dot(t, w2_ref[...], precision=_HIGH,
                            preferred_element_type=jnp.float32) + b2_ref[...], 0.0)
    out_ref[...] = jnp.dot(t, w3_ref[...], precision=_HIGH,
                           preferred_element_type=jnp.float32) + b3_ref[...]


_tc_final = pl.pallas_call(
    _tc_final_body,
    out_shape=jax.ShapeDtypeStruct((N_GRAPHS, N_PROPS), jnp.float32),
    compiler_params=_TC_PARAMS,
)



def kernel(x, params, edge_index, batch):
    f32 = jnp.float32
    pad_idx = (N_NODES
               + jnp.arange(EPAD - N_EDGES, dtype=jnp.int32)
               % (NPAD - N_NODES))
    src_flat = jnp.concatenate([edge_index[0], pad_idx])
    dst_flat = jnp.concatenate([edge_index[1], pad_idx])
    dst_deg = dst_flat.reshape(NW, NCHUNK, CW)
    src = src_flat.reshape(NW, NCHUNK, CW)
    dst = dst_flat.reshape(NW, NCHUNK, CW)
    xp = jnp.pad(x, ((0, NPAD - N_NODES), (0, 0)))
    batch_row = jnp.pad(batch, (0, NPAD - N_NODES),
                        constant_values=N_GRAPHS).reshape(1, NPAD)

    hw1 = params["head_w1"]
    hw2 = params["head_w2"]
    hw3 = params["head_w3"]
    h2, h4 = HID // 2, HID // 4
    w1cat = jnp.concatenate([hw1[p] for p in range(N_PROPS)], axis=1)
    b1cat = jnp.concatenate([params["head_b1"][p] for p in range(N_PROPS)],
                            axis=0).reshape(1, N_PROPS * h2)
    w2blk = jnp.zeros((N_PROPS * h2, N_PROPS * h4), f32)
    for p in range(N_PROPS):
        w2blk = w2blk.at[p * h2:(p + 1) * h2, p * h4:(p + 1) * h4].set(hw2[p])
    b2cat = jnp.concatenate([params["head_b2"][p] for p in range(N_PROPS)],
                            axis=0).reshape(1, N_PROPS * h4)
    w3blk = jnp.zeros((N_PROPS * h4, N_PROPS), f32)
    for p in range(N_PROPS):
        w3blk = w3blk.at[p * h4:(p + 1) * h4, p].set(hw3[p][:, 0])
    b3cat = params["head_b3"].reshape(1, N_PROPS)

    degp = _sc_degree(dst_deg).reshape(NC, NPAD, 1)
    h, xs, dis = _tc_embed(xp, params["node_emb_w"],
                           params["node_emb_b"].reshape(1, HID), degp,
                           params["gcn_w"][0])
    for i in range(N_LAYERS):
        sc_out = _sc_aggregate(xs, src, dst)
        gcn_b = params["gcn_b"][i].reshape(1, HID)
        gam = params["bn_gamma"][i].reshape(1, HID)
        bet = params["bn_beta"][i].reshape(1, HID)
        if i < N_LAYERS - 1:
            h, xs = _tc_layer(sc_out, xs, h, dis, gcn_b, gam, bet,
                              params["gcn_w"][i + 1])
        else:
            preds = _tc_final(sc_out, xs, h, dis, gcn_b, gam, bet, batch_row,
                              w1cat, b1cat, w2blk, b2cat, w3blk, b3cat)
    return preds

# --- scband reference (transcript-rebuilt; emitter-appended) ---
"""Pipeline reference for scband-property-predictor-51118700757156 (READ-ONLY COPY).

The authoritative reference and input builder live on the scoring server;
editing this copy changes nothing except your own understanding.
"""

import jax, jax.numpy as jnp
import numpy as np

N = 10000   # nodes
E = 320000  # edges
D = 128     # node_dim
H = 128     # hidden_dim
L = 4       # num gnn layers
P = 4       # num_properties
G = 128     # num graphs in batch


def setup_inputs(seed: int = 0) -> dict:
    key = jax.random.key(seed)
    ks = jax.random.split(key, 24)
    x = jax.random.normal(ks[0], (N, D), dtype=jnp.float32)
    edge_index = jax.random.randint(ks[1], (2, E), 0, N, dtype=jnp.int32)
    batch = jnp.sort(jax.random.randint(ks[2], (N,), 0, G, dtype=jnp.int32))
    s = 0.05
    params = {
        "node_emb_w": jax.random.normal(ks[3], (D, H), jnp.float32) * s,
        "node_emb_b": jnp.zeros((H,), jnp.float32),
        "gcn_w": jax.random.normal(ks[4], (L, H, H), jnp.float32) * s,
        "gcn_b": jnp.zeros((L, H), jnp.float32),
        "bn_gamma": jnp.ones((L, H), jnp.float32),
        "bn_beta": jnp.zeros((L, H), jnp.float32),
        "head_w1": jax.random.normal(ks[5], (P, H, H // 2), jnp.float32) * s,
        "head_b1": jnp.zeros((P, H // 2), jnp.float32),
        "head_w2": jax.random.normal(ks[6], (P, H // 2, H // 4), jnp.float32) * s,
        "head_b2": jnp.zeros((P, H // 4), jnp.float32),
        "head_w3": jax.random.normal(ks[7], (P, H // 4, 1), jnp.float32) * s,
        "head_b3": jnp.zeros((P, 1), jnp.float32),
    }
    return {"x": x, "params": params, "edge_index": edge_index, "batch": batch}


def _forward(x, params, edge_index, batch):
    # node embedding + activation
    h = jax.nn.relu(x @ params["node_emb_w"] + params["node_emb_b"])
    # GCN normalization with self-loops (PyG GCNConv semantics)
    loop = jnp.arange(N, dtype=edge_index.dtype)
    src = jnp.concatenate([edge_index[0], loop])
    dst = jnp.concatenate([edge_index[1], loop])
    deg = jnp.zeros((N,), h.dtype).at[dst].add(1.0)
    dis = jnp.where(deg > 0, jax.lax.rsqrt(deg), 0.0)
    norm = dis[src] * dis[dst]
    for i in range(L):
        res = h
        xw = h @ params["gcn_w"][i]
        msg = xw[src] * norm[:, None]                      # gather
        agg = jnp.zeros_like(xw).at[dst].add(msg)          # scatter-add
        agg = agg + params["gcn_b"][i]
        # BatchNorm (training-mode statistics over nodes)
        mean = jnp.mean(agg, axis=0)
        var = jnp.var(agg, axis=0)
        hbn = (agg - mean) / jnp.sqrt(var + 1e-5) * params["bn_gamma"][i] + params["bn_beta"][i]
        h = jax.nn.relu(hbn) + res                         # residual (dropout is identity in eval)
    # global mean pool per graph
    sums = jax.ops.segment_sum(h, batch, num_segments=G)
    cnt = jax.ops.segment_sum(jnp.ones((N, 1), h.dtype), batch, num_segments=G)
    g = sums / jnp.maximum(cnt, 1.0)
    # per-property MLP heads
    preds = []
    for p in range(P):
        t = jax.nn.relu(g @ params["head_w1"][p] + params["head_b1"][p])
        t = jax.nn.relu(t @ params["head_w2"][p] + params["head_b2"][p])
        t = t @ params["head_w3"][p] + params["head_b3"][p]
        preds.append(t)
    return jnp.concatenate(preds, axis=1)  # [G, P]


def reference(x, params, edge_index, batch):
    return _forward(x, params, edge_index, batch)

if __name__ == "__main__":
    import jax
    _d = setup_inputs()
    print(jax.jit(kernel)(*tuple(_d.values())))

</pallas_src>

<mosaic_0001>
#map = affine_map<(d0, d1) -> (0, 0)>
#map1 = affine_map<(d0, d1) -> (0, 0, 0)>
module attributes {stable_mosaic.version = 14 : i64} {
  func.func @_sc_aggregate(%arg0: i32, %arg1: i32, %arg2: memref<10240x128xf32, #tpu.memory_space<hbm>>, %arg3: memref<32x80x128xi32, #tpu.memory_space<hbm>>, %arg4: memref<32x80x128xi32, #tpu.memory_space<hbm>>, %arg5: memref<2x10240x128xf32, #tpu.memory_space<hbm>>, %arg6: memref<40x128xi32, #tpu.memory_space<vmem>>, %arg7: memref<40x128xi32, #tpu.memory_space<vmem>>, %arg8: memref<2x128x128xf32, #tpu.memory_space<vmem>>, %arg9: memref<16x128xf32, #tpu.memory_space<vmem>>, %arg10: memref<10240x128xf32, #tpu.memory_space<vmem_shared>>, %arg11: memref<!tpu.dma_semaphore, #tpu.memory_space<semaphore_mem>>, %arg12: memref<!tpu.dma_semaphore, #tpu.memory_space<semaphore_mem>>) attributes {dimension_semantics = [#tpu.dimension_semantics<core_parallel>, #tpu.dimension_semantics<subcore_parallel>], iteration_bounds = array<i64: 2, 16>, scalar_prefetch = 0 : i64, scratch_operands = 7 : i64, tpu.core_type = #tpu.core_type<sc_vector_subcore>, window_params = [{transform_indices = #map}, {transform_indices = #map1}, {transform_indices = #map1}, {transform_indices = #map1}]} {
    %mul3A = arith.constant 2 : i32
    %mul3A_0 = arith.muli %arg1, %mul3A : i32
    %add3A = arith.addi %mul3A_0, %arg0 : i32
    %broadcast_in_dim3A = arith.constant 0.000000e+00 : f32
    %broadcast_in_dim3A_1 = vector.broadcast %broadcast_in_dim3A : f32 to vector<16xf32>
    %scan3A = arith.constant 0 : i32
    %scan3A_2 = arith.constant 0 : i32
    %scan3A_3 = arith.constant 16 : i32
    %scan3A_4 = arith.addi %scan3A_2, %scan3A_3 : i32
    %scan3A_5 = arith.constant 1 : i32
    scf.for %scan3A_77 = %scan3A_2 to %scan3A_4 step %scan3A_5  : i32 {
      %swap3A = arith.index_cast %scan3A_77 : i32 to index
      %swap3A_78 = arith.constant 0 : index
      %swap3A_79 = tpu.vector_load %arg9[%swap3A, %swap3A_78] {strides = array<i32>} : memref<16x128xf32, #tpu.memory_space<vmem>>, vector<1x16xf32>,
      %swap3A_80 = vector.shape_cast %swap3A_79 : vector<1x16xf32> to vector<16xf32>
      %swap3A_81 = vector.shape_cast %broadcast_in_dim3A_1 : vector<16xf32> to vector<1x16xf32>
      tpu.vector_store %arg9[%swap3A, %swap3A_78], %swap3A_81 {strides = array<i32>} : memref<16x128xf32, #tpu.memory_space<vmem>>, vector<1x16xf32>,
      %swap3A_82 = arith.index_cast %scan3A_77 : i32 to index
      %swap3A_83 = arith.constant 16 : index
      %swap3A_84 = tpu.vector_load %arg9[%swap3A_82, %swap3A_83] {strides = array<i32>} : memref<16x128xf32, #tpu.memory_space<vmem>>, vector<1x16xf32>,
      %swap3A_85 = vector.shape_cast %swap3A_84 : vector<1x16xf32> to vector<16xf32>
      %swap3A_86 = vector.shape_cast %broadcast_in_dim3A_1 : vector<16xf32> to vector<1x16xf32>
      tpu.vector_store %arg9[%swap3A_82, %swap3A_83], %swap3A_86 {strides = array<i32>} : memref<16x128xf32, #tpu.memory_space<vmem>>, vector<1x16xf32>,
      %swap3A_87 = arith.index_cast %scan3A_77 : i32 to index
      %swap3A_88 = arith.constant 32 : index
      %swap3A_89 = tpu.vector_load %arg9[%swap3A_87, %swap3A_88] {strides = array<i32>} : memref<16x128xf32, #tpu.memory_space<vmem>>, vector<1x16xf32>,
      %swap3A_90 = vector.shape_cast %swap3A_89 : vector<1x16xf32> to vector<16xf32>
      %swap3A_91 = vector.shape_cast %broadcast_in_dim3A_1 : vector<16xf32> to vector<1x16xf32>
      tpu.vector_store %arg9[%swap3A_87, %swap3A_88], %swap3A_91 {strides = array<i32>} : memref<16x128xf32, #tpu.memory_space<vmem>>, vector<1x16xf32>,
      %swap3A_92 = arith.index_cast %scan3A_77 : i32 to index
      %swap3A_93 = arith.constant 48 : index
      %swap3A_94 = tpu.vector_load %arg9[%swap3A_92, %swap3A_93] {strides = array<i32>} : memref<16x128xf32, #tpu.memory_space<vmem>>, vector<1x16xf32>,
      %swap3A_95 = vector.shape_cast %swap3A_94 : vector<1x16xf32> to vector<16xf32>
      %swap3A_96 = vector.shape_cast %broadcast_in_dim3A_1 : vector<16xf32> to vector<1x16xf32>
      tpu.vector_store %arg9[%swap3A_92, %swap3A_93], %swap3A_96 {strides = array<i32>} : memref<16x128xf32, #tpu.memory_space<vmem>>, vector<1x16xf32>,
      %swap3A_97 = arith.index_cast %scan3A_77 : i32 to index
      %swap3A_98 = arith.constant 64 : index
      %swap3A_99 = tpu.vector_load %arg9[%swap3A_97, %swap3A_98] {strides = array<i32>} : memref<16x128xf32, #tpu.memory_space<vmem>>, vector<1x16xf32>,
      %swap3A_100 = vector.shape_cast %swap3A_99 : vector<1x16xf32> to vector<16xf32>
      %swap3A_101 = vector.shape_cast %broadcast_in_dim3A_1 : vector<16xf32> to vector<1x16xf32>
      tpu.vector_store %arg9[%swap3A_97, %swap3A_98], %swap3A_101 {strides = array<i32>} : memref<16x128xf32, #tpu.memory_space<vmem>>, vector<1x16xf32>,
      %swap3A_102 = arith.index_cast %scan3A_77 : i32 to index
      %swap3A_103 = arith.constant 80 : index
      %swap3A_104 = tpu.vector_load %arg9[%swap3A_102, %swap3A_103] {strides = array<i32>} : memref<16x128xf32, #tpu.memory_space<vmem>>, vector<1x16xf32>,
      %swap3A_105 = vector.shape_cast %swap3A_104 : vector<1x16xf32> to vector<16xf32>
      %swap3A_106 = vector.shape_cast %broadcast_in_dim3A_1 : vector<16xf32> to vector<1x16xf32>
      tpu.vector_store %arg9[%swap3A_102, %swap3A_103], %swap3A_106 {strides = array<i32>} : memref<16x128xf32, #tpu.memory_space<vmem>>, vector<1x16xf32>,
      %swap3A_107 = arith.index_cast %scan3A_77 : i32 to index
      %swap3A_108 = arith.constant 96 : index
      %swap3A_109 = tpu.vector_load %arg9[%swap3A_107, %swap3A_108] {strides = array<i32>} : memref<16x128xf32, #tpu.memory_space<vmem>>, vector<1x16xf32>,
      %swap3A_110 = vector.shape_cast %swap3A_109 : vector<1x16xf32> to vector<16xf32>
      %swap3A_111 = vector.shape_cast %broadcast_in_dim3A_1 : vector<16xf32> to vector<1x16xf32>
      tpu.vector_store %arg9[%swap3A_107, %swap3A_108], %swap3A_111 {strides = array<i32>} : memref<16x128xf32, #tpu.memory_space<vmem>>, vector<1x16xf32>,
      %swap3A_112 = arith.index_cast %scan3A_77 : i32 to index
      %swap3A_113 = arith.constant 112 : index
      %swap3A_114 = tpu.vector_load %arg9[%swap3A_112, %swap3A_113] {strides = array<i32>} : memref<16x128xf32, #tpu.memory_space<vmem>>, vector<1x16xf32>,
      %swap3A_115 = vector.shape_cast %swap3A_114 : vector<1x16xf32> to vector<16xf32>
      %swap3A_116 = vector.shape_cast %broadcast_in_dim3A_1 : vector<16xf32> to vector<1x16xf32>
      tpu.vector_store %arg9[%swap3A_112, %swap3A_113], %swap3A_116 {strides = array<i32>} : memref<16x128xf32, #tpu.memory_space<vmem>>, vector<1x16xf32>,
    }
    %scan3A_6 = arith.constant 16 : i32
    "tpu.region"() ({
      %run_scoped3A = tpu.sem_alloc : memref<!tpu.dma_semaphore, #tpu.memory_space<semaphore_mem>>
      %dma_start3A_77 = arith.constant 0 : i32
      %dma_start3A_78 = arith.constant 0 : i32
      %dma_start3A_79 = tpu.memref_slice %arg3[%add3A, %dma_start3A_77, %dma_start3A_78] : memref<32x80x128xi32, #tpu.memory_space<hbm>> -> memref<1x40x128xi32, #tpu.memory_space<hbm>>
      %dma_start3A_80 = tpu.memref_squeeze %dma_start3A_79 : memref<1x40x128xi32, #tpu.memory_space<hbm>> -> memref<40x128xi32, #tpu.memory_space<hbm>>
      %dma_start3A_81 = arith.constant 0 : i32
      %dma_start3A_82 = arith.constant 0 : i32
      %dma_start3A_83 = tpu.memref_slice %arg3[%add3A, %dma_start3A_81, %dma_start3A_82] : memref<32x80x128xi32, #tpu.memory_space<hbm>> -> memref<1x40x128xi32, #tpu.memory_space<hbm>>
      %dma_start3A_84 = tpu.memref_squeeze %dma_start3A_83 : memref<1x40x128xi32, #tpu.memory_space<hbm>> -> memref<40x128xi32, #tpu.memory_space<hbm>>
      tpu.enqueue_dma source(%dma_start3A_84 : memref<40x128xi32, #tpu.memory_space<hbm>>) target(%arg6 : memref<40x128xi32, #tpu.memory_space<vmem>>) target_semaphore(%run_scoped3A : memref<!tpu.dma_semaphore, #tpu.memory_space<semaphore_mem>>)
      %dma_wait3A = arith.constant 0 : i32
      %dma_wait3A_85 = arith.constant 0 : i32
      %dma_wait3A_86 = tpu.memref_slice %arg3[%add3A, %dma_wait3A, %dma_wait3A_85] : memref<32x80x128xi32, #tpu.memory_space<hbm>> -> memref<1x40x128xi32, #tpu.memory_space<hbm>>
      %dma_wait3A_87 = tpu.memref_squeeze %dma_wait3A_86 : memref<1x40x128xi32, #tpu.memory_space<hbm>> -> memref<40x128xi32, #tpu.memory_space<hbm>>
      %dma_wait3A_88 = arith.constant 0 : i32
      %dma_wait3A_89 = arith.constant 0 : i32
      %dma_wait3A_90 = tpu.memref_slice %arg3[%add3A, %dma_wait3A_88, %dma_wait3A_89] : memref<32x80x128xi32, #tpu.memory_space<hbm>> -> memref<1x40x128xi32, #tpu.memory_space<hbm>>
      %dma_wait3A_91 = tpu.memref_squeeze %dma_wait3A_90 : memref<1x40x128xi32, #tpu.memory_space<hbm>> -> memref<40x128xi32, #tpu.memory_space<hbm>>
      tpu.wait_dma2 semaphore(%run_scoped3A : memref<!tpu.dma_semaphore, #tpu.memory_space<semaphore_mem>>) src(%dma_wait3A_91 : memref<40x128xi32, #tpu.memory_space<hbm>>) dst(%arg6 : memref<40x128xi32, #tpu.memory_space<vmem>>)
      tpu.yield
    }) : () -> ()
    "tpu.region"() ({
      %run_scoped3A = tpu.sem_alloc : memref<!tpu.dma_semaphore, #tpu.memory_space<semaphore_mem>>
      %dma_start3A_77 = arith.constant 0 : i32
      %dma_start3A_78 = arith.constant 0 : i32
      %dma_start3A_79 = tpu.memref_slice %arg4[%add3A, %dma_start3A_77, %dma_start3A_78] : memref<32x80x128xi32, #tpu.memory_space<hbm>> -> memref<1x40x128xi32, #tpu.memory_space<hbm>>
      %dma_start3A_80 = tpu.memref_squeeze %dma_start3A_79 : memref<1x40x128xi32, #tpu.memory_space<hbm>> -> memref<40x128xi32, #tpu.memory_space<hbm>>
      %dma_start3A_81 = arith.constant 0 : i32
      %dma_start3A_82 = arith.constant 0 : i32
      %dma_start3A_83 = tpu.memref_slice %arg4[%add3A, %dma_start3A_81, %dma_start3A_82] : memref<32x80x128xi32, #tpu.memory_space<hbm>> -> memref<1x40x128xi32, #tpu.memory_space<hbm>>
      %dma_start3A_84 = tpu.memref_squeeze %dma_start3A_83 : memref<1x40x128xi32, #tpu.memory_space<hbm>> -> memref<40x128xi32, #tpu.memory_space<hbm>>
      tpu.enqueue_dma source(%dma_start3A_84 : memref<40x128xi32, #tpu.memory_space<hbm>>) target(%arg7 : memref<40x128xi32, #tpu.memory_space<vmem>>) target_semaphore(%run_scoped3A : memref<!tpu.dma_semaphore, #tpu.memory_space<semaphore_mem>>)
      %dma_wait3A = arith.constant 0 : i32
      %dma_wait3A_85 = arith.constant 0 : i32
      %dma_wait3A_86 = tpu.memref_slice %arg4[%add3A, %dma_wait3A, %dma_wait3A_85] : memref<32x80x128xi32, #tpu.memory_space<hbm>> -> memref<1x40x128xi32, #tpu.memory_space<hbm>>
      %dma_wait3A_87 = tpu.memref_squeeze %dma_wait3A_86 : memref<1x40x128xi32, #tpu.memory_space<hbm>> -> memref<40x128xi32, #tpu.memory_space<hbm>>
      %dma_wait3A_88 = arith.constant 0 : i32
      %dma_wait3A_89 = arith.constant 0 : i32
      %dma_wait3A_90 = tpu.memref_slice %arg4[%add3A, %dma_wait3A_88, %dma_wait3A_89] : memref<32x80x128xi32, #tpu.memory_space<hbm>> -> memref<1x40x128xi32, #tpu.memory_space<hbm>>
      %dma_wait3A_91 = tpu.memref_squeeze %dma_wait3A_90 : memref<1x40x128xi32, #tpu.memory_space<hbm>> -> memref<40x128xi32, #tpu.memory_space<hbm>>
      tpu.wait_dma2 semaphore(%run_scoped3A : memref<!tpu.dma_semaphore, #tpu.memory_space<semaphore_mem>>) src(%dma_wait3A_91 : memref<40x128xi32, #tpu.memory_space<hbm>>) dst(%arg7 : memref<40x128xi32, #tpu.memory_space<vmem>>)
      tpu.yield
    }) : () -> ()
    %dma_start3A = arith.constant 0 : i32
    %dma_start3A_7 = arith.constant 0 : i32
    %dma_start3A_8 = arith.constant 0 : i32
    %dma_start3A_9 = arith.constant 0 : i32
    %dma_start3A_10 = tpu.memref_slice %arg8[%dma_start3A_7, %dma_start3A_8, %dma_start3A_9] : memref<2x128x128xf32, #tpu.memory_space<vmem>> -> memref<1x128x128xf32, #tpu.memory_space<vmem>>
    %dma_start3A_11 = tpu.memref_squeeze %dma_start3A_10 : memref<1x128x128xf32, #tpu.memory_space<vmem>> -> memref<128x128xf32, #tpu.memory_space<vmem>>
    %dma_start3A_12 = arith.constant 0 : i32
    %dma_start3A_13 = tpu.memref_slice %arg6[%dma_start3A, %dma_start3A_12] : memref<40x128xi32, #tpu.memory_space<vmem>> -> memref<1x128xi32, #tpu.memory_space<vmem>>
    %dma_start3A_14 = tpu.memref_squeeze %dma_start3A_13 : memref<1x128xi32, #tpu.memory_space<vmem>> -> memref<128xi32, #tpu.memory_space<vmem>>
    %dma_start3A_15 = arith.constant 0 : i32
    %dma_start3A_16 = arith.constant 0 : i32
    %dma_start3A_17 = tpu.memref_slice %arg2[%dma_start3A_15, %dma_start3A_16] : memref<10240x128xf32, #tpu.memory_space<hbm>> -> memref<10240x128xf32, #tpu.memory_space<hbm>>
    tpu.enqueue_indirect_dma source(%dma_start3A_17 : memref<10240x128xf32, #tpu.memory_space<hbm>>) target(%dma_start3A_11 : memref<128x128xf32, #tpu.memory_space<vmem>>) offsets(%dma_start3A_14 : memref<128xi32, #tpu.memory_space<vmem>>) semaphore(%arg11 : memref<!tpu.dma_semaphore, #tpu.memory_space<semaphore_mem>>)
    %dma_start3A_18 = arith.constant 1 : i32
    %dma_start3A_19 = arith.constant 1 : i32
    %dma_start3A_20 = arith.constant 0 : i32
    %dma_start3A_21 = arith.constant 0 : i32
    %dma_start3A_22 = tpu.memref_slice %arg8[%dma_start3A_19, %dma_start3A_20, %dma_start3A_21] : memref<2x128x128xf32, #tpu.memory_space<vmem>> -> memref<1x128x128xf32, #tpu.memory_space<vmem>>
    %dma_start3A_23 = tpu.memref_squeeze %dma_start3A_22 : memref<1x128x128xf32, #tpu.memory_space<vmem>> -> memref<128x128xf32, #tpu.memory_space<vmem>>
    %dma_start3A_24 = arith.constant 0 : i32
    %dma_start3A_25 = tpu.memref_slice %arg6[%dma_start3A_18, %dma_start3A_24] : memref<40x128xi32, #tpu.memory_space<vmem>> -> memref<1x128xi32, #tpu.memory_space<vmem>>
    %dma_start3A_26 = tpu.memref_squeeze %dma_start3A_25 : memref<1x128xi32, #tpu.memory_space<vmem>> -> memref<128xi32, #tpu.memory_space<vmem>>
    %dma_start3A_27 = arith.constant 0 : i32
    %dma_start3A_28 = arith.constant 0 : i32
    %dma_start3A_29 = tpu.memref_slice %arg2[%dma_start3A_27, %dma_start3A_28] : memref<10240x128xf32, #tpu.memory_space<hbm>> -> memref<10240x128xf32, #tpu.memory_space<hbm>>
    tpu.enqueue_indirect_dma source(%dma_start3A_29 : memref<10240x128xf32, #tpu.memory_space<hbm>>) target(%dma_start3A_23 : memref<128x128xf32, #tpu.memory_space<vmem>>) offsets(%dma_start3A_26 : memref<128xi32, #tpu.memory_space<vmem>>) semaphore(%arg12 : memref<!tpu.dma_semaphore, #tpu.memory_space<semaphore_mem>>)
    %scan3A_30 = arith.constant 0 : i32
    %scan3A_31 = arith.constant 0 : i32
    %scan3A_32 = arith.constant 40 : i32
    %scan3A_33 = arith.addi %scan3A_31, %scan3A_32 : i32
    %scan3A_34 = arith.constant 1 : i32
    scf.for %scan3A_77 = %scan3A_31 to %scan3A_33 step %scan3A_34  : i32 {
      %mul3A_78 = arith.constant 640 : i32
      %mul3A_79 = arith.muli %arg1, %mul3A_78 : i32
      %mul3A_80 = arith.constant 16 : i32
      %mul3A_81 = arith.muli %scan3A_77, %mul3A_80 : i32
      %add3A_82 = arith.addi %mul3A_79, %mul3A_81 : i32
      "tpu.region"() ({
        %run_scoped3A = tpu.sem_alloc : memref<!tpu.dma_semaphore, #tpu.memory_space<semaphore_mem>>
        %dma_start3A_83 = arith.constant 0 : i32
        %dma_start3A_84 = tpu.memref_slice %arg10[%add3A_82, %dma_start3A_83] : memref<10240x128xf32, #tpu.memory_space<vmem_shared>> -> memref<16x128xf32, #tpu.memory_space<vmem_shared>>
        %dma_start3A_85 = arith.constant 0 : i32
        %dma_start3A_86 = tpu.memref_slice %arg10[%add3A_82, %dma_start3A_85] : memref<10240x128xf32, #tpu.memory_space<vmem_shared>> -> memref<16x128xf32, #tpu.memory_space<vmem_shared>>
        tpu.enqueue_dma source(%arg9 : memref<16x128xf32, #tpu.memory_space<vmem>>) target(%dma_start3A_86 : memref<16x128xf32, #tpu.memory_space<vmem_shared>>) target_semaphore(%run_scoped3A : memref<!tpu.dma_semaphore, #tpu.memory_space<semaphore_mem>>)
        %dma_wait3A = arith.constant 0 : i32
        %dma_wait3A_87 = tpu.memref_slice %arg10[%add3A_82, %dma_wait3A] : memref<10240x128xf32, #tpu.memory_space<vmem_shared>> -> memref<16x128xf32, #tpu.memory_space<vmem_shared>>
        %dma_wait3A_88 = arith.constant 0 : i32
        %dma_wait3A_89 = tpu.memref_slice %arg10[%add3A_82, %dma_wait3A_88] : memref<10240x128xf32, #tpu.memory_space<vmem_shared>> -> memref<16x128xf32, #tpu.memory_space<vmem_shared>>
        tpu.wait_dma2 semaphore(%run_scoped3A : memref<!tpu.dma_semaphore, #tpu.memory_space<semaphore_mem>>) src(%arg9 : memref<16x128xf32, #tpu.memory_space<vmem>>) dst(%dma_wait3A_89 : memref<16x128xf32, #tpu.memory_space<vmem_shared>>)
        tpu.yield
      }) : () -> ()
    }
    %scan3A_35 = arith.constant 40 : i32
    %barrier3A = arith.constant 0 : index
    tpu.barrier barrier_id(%barrier3A)
    %scan3A_36 = arith.constant 0 : i32
    %scan3A_37 = arith.constant 0 : i32
    %scan3A_38 = arith.constant 20 : i32
    %scan3A_39 = arith.addi %scan3A_37, %scan3A_38 : i32
    %scan3A_40 = arith.constant 1 : i32
    scf.for %scan3A_77 = %scan3A_37 to %scan3A_39 step %scan3A_40  : i32 {
      %mul3A_78 = arith.constant 2 : i32
      %mul3A_79 = arith.muli %scan3A_77, %mul3A_78 : i32
      %dma_wait3A = arith.constant 0 : i32
      %dma_wait3A_80 = arith.constant 0 : i32
      %dma_wait3A_81 = arith.constant 0 : i32
      %dma_wait3A_82 = tpu.memref_slice %arg8[%dma_wait3A, %dma_wait3A_80, %dma_wait3A_81] : memref<2x128x128xf32, #tpu.memory_space<vmem>> -> memref<1x128x128xf32, #tpu.memory_space<vmem>>
      %dma_wait3A_83 = tpu.memref_squeeze %dma_wait3A_82 : memref<1x128x128xf32, #tpu.memory_space<vmem>> -> memref<128x128xf32, #tpu.memory_space<vmem>>
      %dma_wait3A_84 = arith.constant 0 : i32
      %dma_wait3A_85 = tpu.memref_slice %arg6[%mul3A_79, %dma_wait3A_84] : memref<40x128xi32, #tpu.memory_space<vmem>> -> memref<1x128xi32, #tpu.memory_space<vmem>>
      %dma_wait3A_86 = tpu.memref_squeeze %dma_wait3A_85 : memref<1x128xi32, #tpu.memory_space<vmem>> -> memref<128xi32, #tpu.memory_space<vmem>>
      %dma_wait3A_87 = arith.constant 0 : i32
      %dma_wait3A_88 = arith.constant 0 : i32
      %dma_wait3A_89 = tpu.memref_slice %arg2[%dma_wait3A_87, %dma_wait3A_88] : memref<10240x128xf32, #tpu.memory_space<hbm>> -> memref<10240x128xf32, #tpu.memory_space<hbm>>
      tpu.wait_indirect_dma semaphore(%arg11 : memref<!tpu.dma_semaphore, #tpu.memory_space<semaphore_mem>>) src(%dma_wait3A_89 : memref<10240x128xf32, #tpu.memory_space<hbm>>) dst(%dma_wait3A_83 : memref<128x128xf32, #tpu.memory_space<vmem>>)
      %run_scoped3A = arith.constant 0 : i32
      "tpu.region"() ({
        %run_scoped3A_117 = tpu.sem_alloc : memref<!tpu.dma_semaphore, #tpu.memory_space<semaphore_mem>>
        %dma_start3A_118 = arith.constant 0 : i32
        %dma_start3A_119 = arith.constant 0 : i32
        %dma_start3A_120 = tpu.memref_slice %arg8[%run_scoped3A, %dma_start3A_118, %dma_start3A_119] : memref<2x128x128xf32, #tpu.memory_space<vmem>> -> memref<1x128x128xf32, #tpu.memory_space<vmem>>
        %dma_start3A_121 = tpu.memref_squeeze %dma_start3A_120 : memref<1x128x128xf32, #tpu.memory_space<vmem>> -> memref<128x128xf32, #tpu.memory_space<vmem>>
        %dma_start3A_122 = arith.constant 0 : i32
        %dma_start3A_123 = tpu.memref_slice %arg7[%mul3A_79, %dma_start3A_122] : memref<40x128xi32, #tpu.memory_space<vmem>> -> memref<1x128xi32, #tpu.memory_space<vmem>>
        %dma_start3A_124 = tpu.memref_squeeze %dma_start3A_123 : memref<1x128xi32, #tpu.memory_space<vmem>> -> memref<128xi32, #tpu.memory_space<vmem>>
        %dma_start3A_125 = arith.constant 0 : i32
        %dma_start3A_126 = arith.constant 0 : i32
        %dma_start3A_127 = tpu.memref_slice %arg10[%dma_start3A_125, %dma_start3A_126] : memref<10240x128xf32, #tpu.memory_space<vmem_shared>> -> memref<10240x128xf32, #tpu.memory_space<vmem_shared>>
        tpu.enqueue_indirect_dma source(%dma_start3A_121 : memref<128x128xf32, #tpu.memory_space<vmem>>) target(%dma_start3A_127 : memref<10240x128xf32, #tpu.memory_space<vmem_shared>>) offsets(%dma_start3A_124 : memref<128xi32, #tpu.memory_space<vmem>>) semaphore(%run_scoped3A_117 : memref<!tpu.dma_semaphore, #tpu.memory_space<semaphore_mem>>) {add = true}
        %dma_wait3A_128 = arith.constant 0 : i32
        %dma_wait3A_129 = arith.constant 0 : i32
        %dma_wait3A_130 = tpu.memref_slice %arg8[%run_scoped3A, %dma_wait3A_128, %dma_wait3A_129] : memref<2x128x128xf32, #tpu.memory_space<vmem>> -> memref<1x128x128xf32, #tpu.memory_space<vmem>>
        %dma_wait3A_131 = tpu.memref_squeeze %dma_wait3A_130 : memref<1x128x128xf32, #tpu.memory_space<vmem>> -> memref<128x128xf32, #tpu.memory_space<vmem>>
        %dma_wait3A_132 = arith.constant 0 : i32
        %dma_wait3A_133 = tpu.memref_slice %arg7[%mul3A_79, %dma_wait3A_132] : memref<40x128xi32, #tpu.memory_space<vmem>> -> memref<1x128xi32, #tpu.memory_space<vmem>>
        %dma_wait3A_134 = tpu.memref_squeeze %dma_wait3A_133 : memref<1x128xi32, #tpu.memory_space<vmem>> -> memref<128xi32, #tpu.memory_space<vmem>>
        %dma_wait3A_135 = arith.constant 0 : i32
        %dma_wait3A_136 = arith.constant 0 : i32
        %dma_wait3A_137 = tpu.memref_slice %arg10[%dma_wait3A_135, %dma_wait3A_136] : memref<10240x128xf32, #tpu.memory_space<vmem_shared>> -> memref<10240x128xf32, #tpu.memory_space<vmem_shared>>
        tpu.wait_indirect_dma semaphore(%run_scoped3A_117 : memref<!tpu.dma_semaphore, #tpu.memory_space<semaphore_mem>>) src(%dma_wait3A_131 : memref<128x128xf32, #tpu.memory_space<vmem>>) dst(%dma_wait3A_137 : memref<10240x128xf32, #tpu.memory_space<vmem_shared>>)
        tpu.yield
      }) : () -> ()
      %add3A_90 = arith.constant 2 : i32
      %add3A_91 = arith.addi %mul3A_79, %add3A_90 : i32
      %lt3A = arith.constant 40 : i32
      %lt3A_92 = arith.cmpi slt, %add3A_91, %lt3A : i32
      %convert_element_type3A = arith.extui %lt3A_92 : i1 to i32
      %cond3A = arith.constant 0 : i32
      %cond3A_93 = arith.cmpi ne, %convert_element_type3A, %cond3A : i32
      scf.if %cond3A_93 {
        %add3A_117 = arith.constant 2 : i32
        %add3A_118 = arith.addi %mul3A_79, %add3A_117 : i32
        %dma_start3A_119 = arith.constant 0 : i32
        %dma_start3A_120 = arith.constant 0 : i32
        %dma_start3A_121 = arith.constant 0 : i32
        %dma_start3A_122 = tpu.memref_slice %arg8[%dma_start3A_119, %dma_start3A_120, %dma_start3A_121] : memref<2x128x128xf32, #tpu.memory_space<vmem>> -> memref<1x128x128xf32, #tpu.memory_space<vmem>>
        %dma_start3A_123 = tpu.memref_squeeze %dma_start3A_122 : memref<1x128x128xf32, #tpu.memory_space<vmem>> -> memref<128x128xf32, #tpu.memory_space<vmem>>
        %dma_start3A_124 = arith.constant 0 : i32
        %dma_start3A_125 = tpu.memref_slice %arg6[%add3A_118, %dma_start3A_124] : memref<40x128xi32, #tpu.memory_space<vmem>> -> memref<1x128xi32, #tpu.memory_space<vmem>>
        %dma_start3A_126 = tpu.memref_squeeze %dma_start3A_125 : memref<1x128xi32, #tpu.memory_space<vmem>> -> memref<128xi32, #tpu.memory_space<vmem>>
        %dma_start3A_127 = arith.constant 0 : i32
        %dma_start3A_128 = arith.constant 0 : i32
        %dma_start3A_129 = tpu.memref_slice %arg2[%dma_start3A_127, %dma_start3A_128] : memref<10240x128xf32, #tpu.memory_space<hbm>> -> memref<10240x128xf32, #tpu.memory_space<hbm>>
        tpu.enqueue_indirect_dma source(%dma_start3A_129 : memref<10240x128xf32, #tpu.memory_space<hbm>>) target(%dma_start3A_123 : memref<128x128xf32, #tpu.memory_space<vmem>>) offsets(%dma_start3A_126 : memref<128xi32, #tpu.memory_space<vmem>>) semaphore(%arg11 : memref<!tpu.dma_semaphore, #tpu.memory_space<semaphore_mem>>)
      } else {
      }
      %add3A_94 = arith.constant 1 : i32
      %add3A_95 = arith.addi %mul3A_79, %add3A_94 : i32
      %dma_wait3A_96 = arith.constant 1 : i32
      %dma_wait3A_97 = arith.constant 0 : i32
      %dma_wait3A_98 = arith.constant 0 : i32
      %dma_wait3A_99 = tpu.memref_slice %arg8[%dma_wait3A_96, %dma_wait3A_97, %dma_wait3A_98] : memref<2x128x128xf32, #tpu.memory_space<vmem>> -> memref<1x128x128xf32, #tpu.memory_space<vmem>>
      %dma_wait3A_100 = tpu.memref_squeeze %dma_wait3A_99 : memref<1x128x128xf32, #tpu.memory_space<vmem>> -> memref<128x128xf32, #tpu.memory_space<vmem>>
      %dma_wait3A_101 = arith.constant 0 : i32
      %dma_wait3A_102 = tpu.memref_slice %arg6[%add3A_95, %dma_wait3A_101] : memref<40x128xi32, #tpu.memory_space<vmem>> -> memref<1x128xi32, #tpu.memory_space<vmem>>
      %dma_wait3A_103 = tpu.memref_squeeze %dma_wait3A_102 : memref<1x128xi32, #tpu.memory_space<vmem>> -> memref<128xi32, #tpu.memory_space<vmem>>
      %dma_wait3A_104 = arith.constant 0 : i32
      %dma_wait3A_105 = arith.constant 0 : i32
      %dma_wait3A_106 = tpu.memref_slice %arg2[%dma_wait3A_104, %dma_wait3A_105] : memref<10240x128xf32, #tpu.memory_space<hbm>> -> memref<10240x128xf32, #tpu.memory_space<hbm>>
      tpu.wait_indirect_dma semaphore(%arg12 : memref<!tpu.dma_semaphore, #tpu.memory_space<semaphore_mem>>) src(%dma_wait3A_106 : memref<10240x128xf32, #tpu.memory_space<hbm>>) dst(%dma_wait3A_100 : memref<128x128xf32, #tpu.memory_space<vmem>>)
      %add3A_107 = arith.constant 1 : i32
      %add3A_108 = arith.addi %mul3A_79, %add3A_107 : i32
      %run_scoped3A_109 = arith.constant 1 : i32
      "tpu.region"() ({
        %run_scoped3A_117 = tpu.sem_alloc : memref<!tpu.dma_semaphore, #tpu.memory_space<semaphore_mem>>
        %dma_start3A_118 = arith.constant 0 : i32
        %dma_start3A_119 = arith.constant 0 : i32
        %dma_start3A_120 = tpu.memref_slice %arg8[%run_scoped3A_109, %dma_start3A_118, %dma_start3A_119] : memref<2x128x128xf32, #tpu.memory_space<vmem>> -> memref<1x128x128xf32, #tpu.memory_space<vmem>>
        %dma_start3A_121 = tpu.memref_squeeze %dma_start3A_120 : memref<1x128x128xf32, #tpu.memory_space<vmem>> -> memref<128x128xf32, #tpu.memory_space<vmem>>
        %dma_start3A_122 = arith.constant 0 : i32
        %dma_start3A_123 = tpu.memref_slice %arg7[%add3A_108, %dma_start3A_122] : memref<40x128xi32, #tpu.memory_space<vmem>> -> memref<1x128xi32, #tpu.memory_space<vmem>>
        %dma_start3A_124 = tpu.memref_squeeze %dma_start3A_123 : memref<1x128xi32, #tpu.memory_space<vmem>> -> memref<128xi32, #tpu.memory_space<vmem>>
        %dma_start3A_125 = arith.constant 0 : i32
        %dma_start3A_126 = arith.constant 0 : i32
        %dma_start3A_127 = tpu.memref_slice %arg10[%dma_start3A_125, %dma_start3A_126] : memref<10240x128xf32, #tpu.memory_space<vmem_shared>> -> memref<10240x128xf32, #tpu.memory_space<vmem_shared>>
        tpu.enqueue_indirect_dma source(%dma_start3A_121 : memref<128x128xf32, #tpu.memory_space<vmem>>) target(%dma_start3A_127 : memref<10240x128xf32, #tpu.memory_space<vmem_shared>>) offsets(%dma_start3A_124 : memref<128xi32, #tpu.memory_space<vmem>>) semaphore(%run_scoped3A_117 : memref<!tpu.dma_semaphore, #tpu.memory_space<semaphore_mem>>) {add = true}
        %dma_wait3A_128 = arith.constant 0 : i32
        %dma_wait3A_129 = arith.constant 0 : i32
        %dma_wait3A_130 = tpu.memref_slice %arg8[%run_scoped3A_109, %dma_wait3A_128, %dma_wait3A_129] : memref<2x128x128xf32, #tpu.memory_space<vmem>> -> memref<1x128x128xf32, #tpu.memory_space<vmem>>
        %dma_wait3A_131 = tpu.memref_squeeze %dma_wait3A_130 : memref<1x128x128xf32, #tpu.memory_space<vmem>> -> memref<128x128xf32, #tpu.memory_space<vmem>>
        %dma_wait3A_132 = arith.constant 0 : i32
        %dma_wait3A_133 = tpu.memref_slice %arg7[%add3A_108, %dma_wait3A_132] : memref<40x128xi32, #tpu.memory_space<vmem>> -> memref<1x128xi32, #tpu.memory_space<vmem>>
        %dma_wait3A_134 = tpu.memref_squeeze %dma_wait3A_133 : memref<1x128xi32, #tpu.memory_space<vmem>> -> memref<128xi32, #tpu.memory_space<vmem>>
        %dma_wait3A_135 = arith.constant 0 : i32
        %dma_wait3A_136 = arith.constant 0 : i32
        %dma_wait3A_137 = tpu.memref_slice %arg10[%dma_wait3A_135, %dma_wait3A_136] : memref<10240x128xf32, #tpu.memory_space<vmem_shared>> -> memref<10240x128xf32, #tpu.memory_space<vmem_shared>>
        tpu.wait_indirect_dma semaphore(%run_scoped3A_117 : memref<!tpu.dma_semaphore, #tpu.memory_space<semaphore_mem>>) src(%dma_wait3A_131 : memref<128x128xf32, #tpu.memory_space<vmem>>) dst(%dma_wait3A_137 : memref<10240x128xf32, #tpu.memory_space<vmem_shared>>)
        tpu.yield
      }) : () -> ()
      %add3A_110 = arith.constant 3 : i32
      %add3A_111 = arith.addi %mul3A_79, %add3A_110 : i32
      %lt3A_112 = arith.constant 40 : i32
      %lt3A_113 = arith.cmpi slt, %add3A_111, %lt3A_112 : i32
      %convert_element_type3A_114 = arith.extui %lt3A_113 : i1 to i32
      %cond3A_115 = arith.constant 0 : i32
      %cond3A_116 = arith.cmpi ne, %convert_element_type3A_114, %cond3A_115 : i32
      scf.if %cond3A_116 {
        %add3A_117 = arith.constant 3 : i32
        %add3A_118 = arith.addi %mul3A_79, %add3A_117 : i32
        %dma_start3A_119 = arith.constant 1 : i32
        %dma_start3A_120 = arith.constant 0 : i32
        %dma_start3A_121 = arith.constant 0 : i32
        %dma_start3A_122 = tpu.memref_slice %arg8[%dma_start3A_119, %dma_start3A_120, %dma_start3A_121] : memref<2x128x128xf32, #tpu.memory_space<vmem>> -> memref<1x128x128xf32, #tpu.memory_space<vmem>>
        %dma_start3A_123 = tpu.memref_squeeze %dma_start3A_122 : memref<1x128x128xf32, #tpu.memory_space<vmem>> -> memref<128x128xf32, #tpu.memory_space<vmem>>
        %dma_start3A_124 = arith.constant 0 : i32
        %dma_start3A_125 = tpu.memref_slice %arg6[%add3A_118, %dma_start3A_124] : memref<40x128xi32, #tpu.memory_space<vmem>> -> memref<1x128xi32, #tpu.memory_space<vmem>>
        %dma_start3A_126 = tpu.memref_squeeze %dma_start3A_125 : memref<1x128xi32, #tpu.memory_space<vmem>> -> memref<128xi32, #tpu.memory_space<vmem>>
        %dma_start3A_127 = arith.constant 0 : i32
        %dma_start3A_128 = arith.constant 0 : i32
        %dma_start3A_129 = tpu.memref_slice %arg2[%dma_start3A_127, %dma_start3A_128] : memref<10240x128xf32, #tpu.memory_space<hbm>> -> memref<10240x128xf32, #tpu.memory_space<hbm>>
        tpu.enqueue_indirect_dma source(%dma_start3A_129 : memref<10240x128xf32, #tpu.memory_space<hbm>>) target(%dma_start3A_123 : memref<128x128xf32, #tpu.memory_space<vmem>>) offsets(%dma_start3A_126 : memref<128xi32, #tpu.memory_space<vmem>>) semaphore(%arg12 : memref<!tpu.dma_semaphore, #tpu.memory_space<semaphore_mem>>)
      } else {
      }
    }
    %scan3A_41 = arith.constant 20 : i32
    "tpu.region"() ({
      %run_scoped3A = tpu.sem_alloc : memref<!tpu.dma_semaphore, #tpu.memory_space<semaphore_mem>>
      %dma_start3A_77 = arith.constant 40 : i32
      %dma_start3A_78 = arith.constant 0 : i32
      %dma_start3A_79 = tpu.memref_slice %arg3[%add3A, %dma_start3A_77, %dma_start3A_78] : memref<32x80x128xi32, #tpu.memory_space<hbm>> -> memref<1x40x128xi32, #tpu.memory_space<hbm>>
      %dma_start3A_80 = tpu.memref_squeeze %dma_start3A_79 : memref<1x40x128xi32, #tpu.memory_space<hbm>> -> memref<40x128xi32, #tpu.memory_space<hbm>>
      %dma_start3A_81 = arith.constant 40 : i32
      %dma_start3A_82 = arith.constant 0 : i32
      %dma_start3A_83 = tpu.memref_slice %arg3[%add3A, %dma_start3A_81, %dma_start3A_82] : memref<32x80x128xi32, #tpu.memory_space<hbm>> -> memref<1x40x128xi32, #tpu.memory_space<hbm>>
      %dma_start3A_84 = tpu.memref_squeeze %dma_start3A_83 : memref<1x40x128xi32, #tpu.memory_space<hbm>> -> memref<40x128xi32, #tpu.memory_space<hbm>>
      tpu.enqueue_dma source(%dma_start3A_84 : memref<40x128xi32, #tpu.memory_space<hbm>>) target(%arg6 : memref<40x128xi32, #tpu.memory_space<vmem>>) target_semaphore(%run_scoped3A : memref<!tpu.dma_semaphore, #tpu.memory_space<semaphore_mem>>)
      %dma_wait3A = arith.constant 40 : i32
      %dma_wait3A_85 = arith.constant 0 : i32
      %dma_wait3A_86 = tpu.memref_slice %arg3[%add3A, %dma_wait3A, %dma_wait3A_85] : memref<32x80x128xi32, #tpu.memory_space<hbm>> -> memref<1x40x128xi32, #tpu.memory_space<hbm>>
      %dma_wait3A_87 = tpu.memref_squeeze %dma_wait3A_86 : memref<1x40x128xi32, #tpu.memory_space<hbm>> -> memref<40x128xi32, #tpu.memory_space<hbm>>
      %dma_wait3A_88 = arith.constant 40 : i32
      %dma_wait3A_89 = arith.constant 0 : i32
      %dma_wait3A_90 = tpu.memref_slice %arg3[%add3A, %dma_wait3A_88, %dma_wait3A_89] : memref<32x80x128xi32, #tpu.memory_space<hbm>> -> memref<1x40x128xi32, #tpu.memory_space<hbm>>
      %dma_wait3A_91 = tpu.memref_squeeze %dma_wait3A_90 : memref<1x40x128xi32, #tpu.memory_space<hbm>> -> memref<40x128xi32, #tpu.memory_space<hbm>>
      tpu.wait_dma2 semaphore(%run_scoped3A : memref<!tpu.dma_semaphore, #tpu.memory_space<semaphore_mem>>) src(%dma_wait3A_91 : memref<40x128xi32, #tpu.memory_space<hbm>>) dst(%arg6 : memref<40x128xi32, #tpu.memory_space<vmem>>)
      tpu.yield
    }) : () -> ()
    "tpu.region"() ({
      %run_scoped3A = tpu.sem_alloc : memref<!tpu.dma_semaphore, #tpu.memory_space<semaphore_mem>>
      %dma_start3A_77 = arith.constant 40 : i32
      %dma_start3A_78 = arith.constant 0 : i32
      %dma_start3A_79 = tpu.memref_slice %arg4[%add3A, %dma_start3A_77, %dma_start3A_78] : memref<32x80x128xi32, #tpu.memory_space<hbm>> -> memref<1x40x128xi32, #tpu.memory_space<hbm>>
      %dma_start3A_80 = tpu.memref_squeeze %dma_start3A_79 : memref<1x40x128xi32, #tpu.memory_space<hbm>> -> memref<40x128xi32, #tpu.memory_space<hbm>>
      %dma_start3A_81 = arith.constant 40 : i32
      %dma_start3A_82 = arith.constant 0 : i32
      %dma_start3A_83 = tpu.memref_slice %arg4[%add3A, %dma_start3A_81, %dma_start3A_82] : memref<32x80x128xi32, #tpu.memory_space<hbm>> -> memref<1x40x128xi32, #tpu.memory_space<hbm>>
      %dma_start3A_84 = tpu.memref_squeeze %dma_start3A_83 : memref<1x40x128xi32, #tpu.memory_space<hbm>> -> memref<40x128xi32, #tpu.memory_space<hbm>>
      tpu.enqueue_dma source(%dma_start3A_84 : memref<40x128xi32, #tpu.memory_space<hbm>>) target(%arg7 : memref<40x128xi32, #tpu.memory_space<vmem>>) target_semaphore(%run_scoped3A : memref<!tpu.dma_semaphore, #tpu.memory_space<semaphore_mem>>)
      %dma_wait3A = arith.constant 40 : i32
      %dma_wait3A_85 = arith.constant 0 : i32
      %dma_wait3A_86 = tpu.memref_slice %arg4[%add3A, %dma_wait3A, %dma_wait3A_85] : memref<32x80x128xi32, #tpu.memory_space<hbm>> -> memref<1x40x128xi32, #tpu.memory_space<hbm>>
      %dma_wait3A_87 = tpu.memref_squeeze %dma_wait3A_86 : memref<1x40x128xi32, #tpu.memory_space<hbm>> -> memref<40x128xi32, #tpu.memory_space<hbm>>
      %dma_wait3A_88 = arith.constant 40 : i32
      %dma_wait3A_89 = arith.constant 0 : i32
      %dma_wait3A_90 = tpu.memref_slice %arg4[%add3A, %dma_wait3A_88, %dma_wait3A_89] : memref<32x80x128xi32, #tpu.memory_space<hbm>> -> memref<1x40x128xi32, #tpu.memory_space<hbm>>
      %dma_wait3A_91 = tpu.memref_squeeze %dma_wait3A_90 : memref<1x40x128xi32, #tpu.memory_space<hbm>> -> memref<40x128xi32, #tpu.memory_space<hbm>>
      tpu.wait_dma2 semaphore(%run_scoped3A : memref<!tpu.dma_semaphore, #tpu.memory_space<semaphore_mem>>) src(%dma_wait3A_91 : memref<40x128xi32, #tpu.memory_space<hbm>>) dst(%arg7 : memref<40x128xi32, #tpu.memory_space<vmem>>)
      tpu.yield
    }) : () -> ()
    %dma_start3A_42 = arith.constant 0 : i32
    %dma_start3A_43 = arith.constant 0 : i32
    %dma_start3A_44 = arith.constant 0 : i32
    %dma_start3A_45 = arith.constant 0 : i32
    %dma_start3A_46 = tpu.memref_slice %arg8[%dma_start3A_43, %dma_start3A_44, %dma_start3A_45] : memref<2x128x128xf32, #tpu.memory_space<vmem>> -> memref<1x128x128xf32, #tpu.memory_space<vmem>>
    %dma_start3A_47 = tpu.memref_squeeze %dma_start3A_46 : memref<1x128x128xf32, #tpu.memory_space<vmem>> -> memref<128x128xf32, #tpu.memory_space<vmem>>
    %dma_start3A_48 = arith.constant 0 : i32
    %dma_start3A_49 = tpu.memref_slice %arg6[%dma_start3A_42, %dma_start3A_48] : memref<40x128xi32, #tpu.memory_space<vmem>> -> memref<1x128xi32, #tpu.memory_space<vmem>>
    %dma_start3A_50 = tpu.memref_squeeze %dma_start3A_49 : memref<1x128xi32, #tpu.memory_space<vmem>> -> memref<128xi32, #tpu.memory_space<vmem>>
    %dma_start3A_51 = arith.constant 0 : i32
    %dma_start3A_52 = arith.constant 0 : i32
    %dma_start3A_53 = tpu.memref_slice %arg2[%dma_start3A_51, %dma_start3A_52] : memref<10240x128xf32, #tpu.memory_space<hbm>> -> memref<10240x128xf32, #tpu.memory_space<hbm>>
    tpu.enqueue_indirect_dma source(%dma_start3A_53 : memref<10240x128xf32, #tpu.memory_space<hbm>>) target(%dma_start3A_47 : memref<128x128xf32, #tpu.memory_space<vmem>>) offsets(%dma_start3A_50 : memref<128xi32, #tpu.memory_space<vmem>>) semaphore(%arg11 : memref<!tpu.dma_semaphore, #tpu.memory_space<semaphore_mem>>)
    %dma_start3A_54 = arith.constant 1 : i32
    %dma_start3A_55 = arith.constant 1 : i32
    %dma_start3A_56 = arith.constant 0 : i32
    %dma_start3A_57 = arith.constant 0 : i32
    %dma_start3A_58 = tpu.memref_slice %arg8[%dma_start3A_55, %dma_start3A_56, %dma_start3A_57] : memref<2x128x128xf32, #tpu.memory_space<vmem>> -> memref<1x128x128xf32, #tpu.memory_space<vmem>>
    %dma_start3A_59 = tpu.memref_squeeze %dma_start3A_58 : memref<1x128x128xf32, #tpu.memory_space<vmem>> -> memref<128x128xf32, #tpu.memory_space<vmem>>
    %dma_start3A_60 = arith.constant 0 : i32
    %dma_start3A_61 = tpu.memref_slice %arg6[%dma_start3A_54, %dma_start3A_60] : memref<40x128xi32, #tpu.memory_space<vmem>> -> memref<1x128xi32, #tpu.memory_space<vmem>>
    %dma_start3A_62 = tpu.memref_squeeze %dma_start3A_61 : memref<1x128xi32, #tpu.memory_space<vmem>> -> memref<128xi32, #tpu.memory_space<vmem>>
    %dma_start3A_63 = arith.constant 0 : i32
    %dma_start3A_64 = arith.constant 0 : i32
    %dma_start3A_65 = tpu.memref_slice %arg2[%dma_start3A_63, %dma_start3A_64] : memref<10240x128xf32, #tpu.memory_space<hbm>> -> memref<10240x128xf32, #tpu.memory_space<hbm>>
    tpu.enqueue_indirect_dma source(%dma_start3A_65 : memref<10240x128xf32, #tpu.memory_space<hbm>>) target(%dma_start3A_59 : memref<128x128xf32, #tpu.memory_space<vmem>>) offsets(%dma_start3A_62 : memref<128xi32, #tpu.memory_space<vmem>>) semaphore(%arg12 : memref<!tpu.dma_semaphore, #tpu.memory_space<semaphore_mem>>)
    %scan3A_66 = arith.constant 0 : i32
    %scan3A_67 = arith.constant 0 : i32
    %scan3A_68 = arith.constant 20 : i32
    %scan3A_69 = arith.addi %scan3A_67, %scan3A_68 : i32
    %scan3A_70 = arith.constant 1 : i32
    scf.for %scan3A_77 = %scan3A_67 to %scan3A_69 step %scan3A_70  : i32 {
      %mul3A_78 = arith.constant 2 : i32
      %mul3A_79 = arith.muli %scan3A_77, %mul3A_78 : i32
      %dma_wait3A = arith.constant 0 : i32
      %dma_wait3A_80 = arith.constant 0 : i32
      %dma_wait3A_81 = arith.constant 0 : i32
      %dma_wait3A_82 = tpu.memref_slice %arg8[%dma_wait3A, %dma_wait3A_80, %dma_wait3A_81] : memref<2x128x128xf32, #tpu.memory_space<vmem>> -> memref<1x128x128xf32, #tpu.memory_space<vmem>>
      %dma_wait3A_83 = tpu.memref_squeeze %dma_wait3A_82 : memref<1x128x128xf32, #tpu.memory_space<vmem>> -> memref<128x128xf32, #tpu.memory_space<vmem>>
      %dma_wait3A_84 = arith.constant 0 : i32
      %dma_wait3A_85 = tpu.memref_slice %arg6[%mul3A_79, %dma_wait3A_84] : memref<40x128xi32, #tpu.memory_space<vmem>> -> memref<1x128xi32, #tpu.memory_space<vmem>>
      %dma_wait3A_86 = tpu.memref_squeeze %dma_wait3A_85 : memref<1x128xi32, #tpu.memory_space<vmem>> -> memref<128xi32, #tpu.memory_space<vmem>>
      %dma_wait3A_87 = arith.constant 0 : i32
      %dma_wait3A_88 = arith.constant 0 : i32
      %dma_wait3A_89 = tpu.memref_slice %arg2[%dma_wait3A_87, %dma_wait3A_88] : memref<10240x128xf32, #tpu.memory_space<hbm>> -> memref<10240x128xf32, #tpu.memory_space<hbm>>
      tpu.wait_indirect_dma semaphore(%arg11 : memref<!tpu.dma_semaphore, #tpu.memory_space<semaphore_mem>>) src(%dma_wait3A_89 : memref<10240x128xf32, #tpu.memory_space<hbm>>) dst(%dma_wait3A_83 : memref<128x128xf32, #tpu.memory_space<vmem>>)
      %run_scoped3A = arith.constant 0 : i32
      "tpu.region"() ({
        %run_scoped3A_117 = tpu.sem_alloc : memref<!tpu.dma_semaphore, #tpu.memory_space<semaphore_mem>>
        %dma_start3A_118 = arith.constant 0 : i32
        %dma_start3A_119 = arith.constant 0 : i32
        %dma_start3A_120 = tpu.memref_slice %arg8[%run_scoped3A, %dma_start3A_118, %dma_start3A_119] : memref<2x128x128xf32, #tpu.memory_space<vmem>> -> memref<1x128x128xf32, #tpu.memory_space<vmem>>
        %dma_start3A_121 = tpu.memref_squeeze %dma_start3A_120 : memref<1x128x128xf32, #tpu.memory_space<vmem>> -> memref<128x128xf32, #tpu.memory_space<vmem>>
        %dma_start3A_122 = arith.constant 0 : i32
        %dma_start3A_123 = tpu.memref_slice %arg7[%mul3A_79, %dma_start3A_122] : memref<40x128xi32, #tpu.memory_space<vmem>> -> memref<1x128xi32, #tpu.memory_space<vmem>>
        %dma_start3A_124 = tpu.memref_squeeze %dma_start3A_123 : memref<1x128xi32, #tpu.memory_space<vmem>> -> memref<128xi32, #tpu.memory_space<vmem>>
        %dma_start3A_125 = arith.constant 0 : i32
        %dma_start3A_126 = arith.constant 0 : i32
        %dma_start3A_127 = tpu.memref_slice %arg10[%dma_start3A_125, %dma_start3A_126] : memref<10240x128xf32, #tpu.memory_space<vmem_shared>> -> memref<10240x128xf32, #tpu.memory_space<vmem_shared>>
        tpu.enqueue_indirect_dma source(%dma_start3A_121 : memref<128x128xf32, #tpu.memory_space<vmem>>) target(%dma_start3A_127 : memref<10240x128xf32, #tpu.memory_space<vmem_shared>>) offsets(%dma_start3A_124 : memref<128xi32, #tpu.memory_space<vmem>>) semaphore(%run_scoped3A_117 : memref<!tpu.dma_semaphore, #tpu.memory_space<semaphore_mem>>) {add = true}
        %dma_wait3A_128 = arith.constant 0 : i32
        %dma_wait3A_129 = arith.constant 0 : i32
        %dma_wait3A_130 = tpu.memref_slice %arg8[%run_scoped3A, %dma_wait3A_128, %dma_wait3A_129] : memref<2x128x128xf32, #tpu.memory_space<vmem>> -> memref<1x128x128xf32, #tpu.memory_space<vmem>>
        %dma_wait3A_131 = tpu.memref_squeeze %dma_wait3A_130 : memref<1x128x128xf32, #tpu.memory_space<vmem>> -> memref<128x128xf32, #tpu.memory_space<vmem>>
        %dma_wait3A_132 = arith.constant 0 : i32
        %dma_wait3A_133 = tpu.memref_slice %arg7[%mul3A_79, %dma_wait3A_132] : memref<40x128xi32, #tpu.memory_space<vmem>> -> memref<1x128xi32, #tpu.memory_space<vmem>>
        %dma_wait3A_134 = tpu.memref_squeeze %dma_wait3A_133 : memref<1x128xi32, #tpu.memory_space<vmem>> -> memref<128xi32, #tpu.memory_space<vmem>>
        %dma_wait3A_135 = arith.constant 0 : i32
        %dma_wait3A_136 = arith.constant 0 : i32
        %dma_wait3A_137 = tpu.memref_slice %arg10[%dma_wait3A_135, %dma_wait3A_136] : memref<10240x128xf32, #tpu.memory_space<vmem_shared>> -> memref<10240x128xf32, #tpu.memory_space<vmem_shared>>
        tpu.wait_indirect_dma semaphore(%run_scoped3A_117 : memref<!tpu.dma_semaphore, #tpu.memory_space<semaphore_mem>>) src(%dma_wait3A_131 : memref<128x128xf32, #tpu.memory_space<vmem>>) dst(%dma_wait3A_137 : memref<10240x128xf32, #tpu.memory_space<vmem_shared>>)
        tpu.yield
      }) : () -> ()
      %add3A_90 = arith.constant 2 : i32
      %add3A_91 = arith.addi %mul3A_79, %add3A_90 : i32
      %lt3A = arith.constant 40 : i32
      %lt3A_92 = arith.cmpi slt, %add3A_91, %lt3A : i32
      %convert_element_type3A = arith.extui %lt3A_92 : i1 to i32
      %cond3A = arith.constant 0 : i32
      %cond3A_93 = arith.cmpi ne, %convert_element_type3A, %cond3A : i32
      scf.if %cond3A_93 {
        %add3A_117 = arith.constant 2 : i32
        %add3A_118 = arith.addi %mul3A_79, %add3A_117 : i32
        %dma_start3A_119 = arith.constant 0 : i32
        %dma_start3A_120 = arith.constant 0 : i32
        %dma_start3A_121 = arith.constant 0 : i32
        %dma_start3A_122 = tpu.memref_slice %arg8[%dma_start3A_119, %dma_start3A_120, %dma_start3A_121] : memref<2x128x128xf32, #tpu.memory_space<vmem>> -> memref<1x128x128xf32, #tpu.memory_space<vmem>>
        %dma_start3A_123 = tpu.memref_squeeze %dma_start3A_122 : memref<1x128x128xf32, #tpu.memory_space<vmem>> -> memref<128x128xf32, #tpu.memory_space<vmem>>
        %dma_start3A_124 = arith.constant 0 : i32
        %dma_start3A_125 = tpu.memref_slice %arg6[%add3A_118, %dma_start3A_124] : memref<40x128xi32, #tpu.memory_space<vmem>> -> memref<1x128xi32, #tpu.memory_space<vmem>>
        %dma_start3A_126 = tpu.memref_squeeze %dma_start3A_125 : memref<1x128xi32, #tpu.memory_space<vmem>> -> memref<128xi32, #tpu.memory_space<vmem>>
        %dma_start3A_127 = arith.constant 0 : i32
        %dma_start3A_128 = arith.constant 0 : i32
        %dma_start3A_129 = tpu.memref_slice %arg2[%dma_start3A_127, %dma_start3A_128] : memref<10240x128xf32, #tpu.memory_space<hbm>> -> memref<10240x128xf32, #tpu.memory_space<hbm>>
        tpu.enqueue_indirect_dma source(%dma_start3A_129 : memref<10240x128xf32, #tpu.memory_space<hbm>>) target(%dma_start3A_123 : memref<128x128xf32, #tpu.memory_space<vmem>>) offsets(%dma_start3A_126 : memref<128xi32, #tpu.memory_space<vmem>>) semaphore(%arg11 : memref<!tpu.dma_semaphore, #tpu.memory_space<semaphore_mem>>)
      } else {
      }
      %add3A_94 = arith.constant 1 : i32
      %add3A_95 = arith.addi %mul3A_79, %add3A_94 : i32
      %dma_wait3A_96 = arith.constant 1 : i32
      %dma_wait3A_97 = arith.constant 0 : i32
      %dma_wait3A_98 = arith.constant 0 : i32
      %dma_wait3A_99 = tpu.memref_slice %arg8[%dma_wait3A_96, %dma_wait3A_97, %dma_wait3A_98] : memref<2x128x128xf32, #tpu.memory_space<vmem>> -> memref<1x128x128xf32, #tpu.memory_space<vmem>>
      %dma_wait3A_100 = tpu.memref_squeeze %dma_wait3A_99 : memref<1x128x128xf32, #tpu.memory_space<vmem>> -> memref<128x128xf32, #tpu.memory_space<vmem>>
      %dma_wait3A_101 = arith.constant 0 : i32
      %dma_wait3A_102 = tpu.memref_slice %arg6[%add3A_95, %dma_wait3A_101] : memref<40x128xi32, #tpu.memory_space<vmem>> -> memref<1x128xi32, #tpu.memory_space<vmem>>
      %dma_wait3A_103 = tpu.memref_squeeze %dma_wait3A_102 : memref<1x128xi32, #tpu.memory_space<vmem>> -> memref<128xi32, #tpu.memory_space<vmem>>
      %dma_wait3A_104 = arith.constant 0 : i32
      %dma_wait3A_105 = arith.constant 0 : i32
      %dma_wait3A_106 = tpu.memref_slice %arg2[%dma_wait3A_104, %dma_wait3A_105] : memref<10240x128xf32, #tpu.memory_space<hbm>> -> memref<10240x128xf32, #tpu.memory_space<hbm>>
      tpu.wait_indirect_dma semaphore(%arg12 : memref<!tpu.dma_semaphore, #tpu.memory_space<semaphore_mem>>) src(%dma_wait3A_106 : memref<10240x128xf32, #tpu.memory_space<hbm>>) dst(%dma_wait3A_100 : memref<128x128xf32, #tpu.memory_space<vmem>>)
      %add3A_107 = arith.constant 1 : i32
      %add3A_108 = arith.addi %mul3A_79, %add3A_107 : i32
      %run_scoped3A_109 = arith.constant 1 : i32
      "tpu.region"() ({
        %run_scoped3A_117 = tpu.sem_alloc : memref<!tpu.dma_semaphore, #tpu.memory_space<semaphore_mem>>
        %dma_start3A_118 = arith.constant 0 : i32
        %dma_start3A_119 = arith.constant 0 : i32
        %dma_start3A_120 = tpu.memref_slice %arg8[%run_scoped3A_109, %dma_start3A_118, %dma_start3A_119] : memref<2x128x128xf32, #tpu.memory_space<vmem>> -> memref<1x128x128xf32, #tpu.memory_space<vmem>>
        %dma_start3A_121 = tpu.memref_squeeze %dma_start3A_120 : memref<1x128x128xf32, #tpu.memory_space<vmem>> -> memref<128x128xf32, #tpu.memory_space<vmem>>
        %dma_start3A_122 = arith.constant 0 : i32
        %dma_start3A_123 = tpu.memref_slice %arg7[%add3A_108, %dma_start3A_122] : memref<40x128xi32, #tpu.memory_space<vmem>> -> memref<1x128xi32, #tpu.memory_space<vmem>>
        %dma_start3A_124 = tpu.memref_squeeze %dma_start3A_123 : memref<1x128xi32, #tpu.memory_space<vmem>> -> memref<128xi32, #tpu.memory_space<vmem>>
        %dma_start3A_125 = arith.constant 0 : i32
        %dma_start3A_126 = arith.constant 0 : i32
        %dma_start3A_127 = tpu.memref_slice %arg10[%dma_start3A_125, %dma_start3A_126] : memref<10240x128xf32, #tpu.memory_space<vmem_shared>> -> memref<10240x128xf32, #tpu.memory_space<vmem_shared>>
        tpu.enqueue_indirect_dma source(%dma_start3A_121 : memref<128x128xf32, #tpu.memory_space<vmem>>) target(%dma_start3A_127 : memref<10240x128xf32, #tpu.memory_space<vmem_shared>>) offsets(%dma_start3A_124 : memref<128xi32, #tpu.memory_space<vmem>>) semaphore(%run_scoped3A_117 : memref<!tpu.dma_semaphore, #tpu.memory_space<semaphore_mem>>) {add = true}
        %dma_wait3A_128 = arith.constant 0 : i32
        %dma_wait3A_129 = arith.constant 0 : i32
        %dma_wait3A_130 = tpu.memref_slice %arg8[%run_scoped3A_109, %dma_wait3A_128, %dma_wait3A_129] : memref<2x128x128xf32, #tpu.memory_space<vmem>> -> memref<1x128x128xf32, #tpu.memory_space<vmem>>
        %dma_wait3A_131 = tpu.memref_squeeze %dma_wait3A_130 : memref<1x128x128xf32, #tpu.memory_space<vmem>> -> memref<128x128xf32, #tpu.memory_space<vmem>>
        %dma_wait3A_132 = arith.constant 0 : i32
        %dma_wait3A_133 = tpu.memref_slice %arg7[%add3A_108, %dma_wait3A_132] : memref<40x128xi32, #tpu.memory_space<vmem>> -> memref<1x128xi32, #tpu.memory_space<vmem>>
        %dma_wait3A_134 = tpu.memref_squeeze %dma_wait3A_133 : memref<1x128xi32, #tpu.memory_space<vmem>> -> memref<128xi32, #tpu.memory_space<vmem>>
        %dma_wait3A_135 = arith.constant 0 : i32
        %dma_wait3A_136 = arith.constant 0 : i32
        %dma_wait3A_137 = tpu.memref_slice %arg10[%dma_wait3A_135, %dma_wait3A_136] : memref<10240x128xf32, #tpu.memory_space<vmem_shared>> -> memref<10240x128xf32, #tpu.memory_space<vmem_shared>>
        tpu.wait_indirect_dma semaphore(%run_scoped3A_117 : memref<!tpu.dma_semaphore, #tpu.memory_space<semaphore_mem>>) src(%dma_wait3A_131 : memref<128x128xf32, #tpu.memory_space<vmem>>) dst(%dma_wait3A_137 : memref<10240x128xf32, #tpu.memory_space<vmem_shared>>)
        tpu.yield
      }) : () -> ()
      %add3A_110 = arith.constant 3 : i32
      %add3A_111 = arith.addi %mul3A_79, %add3A_110 : i32
      %lt3A_112 = arith.constant 40 : i32
      %lt3A_113 = arith.cmpi slt, %add3A_111, %lt3A_112 : i32
      %convert_element_type3A_114 = arith.extui %lt3A_113 : i1 to i32
      %cond3A_115 = arith.constant 0 : i32
      %cond3A_116 = arith.cmpi ne, %convert_element_type3A_114, %cond3A_115 : i32
      scf.if %cond3A_116 {
        %add3A_117 = arith.constant 3 : i32
        %add3A_118 = arith.addi %mul3A_79, %add3A_117 : i32
        %dma_start3A_119 = arith.constant 1 : i32
        %dma_start3A_120 = arith.constant 0 : i32
        %dma_start3A_121 = arith.constant 0 : i32
        %dma_start3A_122 = tpu.memref_slice %arg8[%dma_start3A_119, %dma_start3A_120, %dma_start3A_121] : memref<2x128x128xf32, #tpu.memory_space<vmem>> -> memref<1x128x128xf32, #tpu.memory_space<vmem>>
        %dma_start3A_123 = tpu.memref_squeeze %dma_start3A_122 : memref<1x128x128xf32, #tpu.memory_space<vmem>> -> memref<128x128xf32, #tpu.memory_space<vmem>>
        %dma_start3A_124 = arith.constant 0 : i32
        %dma_start3A_125 = tpu.memref_slice %arg6[%add3A_118, %dma_start3A_124] : memref<40x128xi32, #tpu.memory_space<vmem>> -> memref<1x128xi32, #tpu.memory_space<vmem>>
        %dma_start3A_126 = tpu.memref_squeeze %dma_start3A_125 : memref<1x128xi32, #tpu.memory_space<vmem>> -> memref<128xi32, #tpu.memory_space<vmem>>
        %dma_start3A_127 = arith.constant 0 : i32
        %dma_start3A_128 = arith.constant 0 : i32
        %dma_start3A_129 = tpu.memref_slice %arg2[%dma_start3A_127, %dma_start3A_128] : memref<10240x128xf32, #tpu.memory_space<hbm>> -> memref<10240x128xf32, #tpu.memory_space<hbm>>
        tpu.enqueue_indirect_dma source(%dma_start3A_129 : memref<10240x128xf32, #tpu.memory_space<hbm>>) target(%dma_start3A_123 : memref<128x128xf32, #tpu.memory_space<vmem>>) offsets(%dma_start3A_126 : memref<128xi32, #tpu.memory_space<vmem>>) semaphore(%arg12 : memref<!tpu.dma_semaphore, #tpu.memory_space<semaphore_mem>>)
      } else {
      }
    }
    %scan3A_71 = arith.constant 20 : i32
    %barrier3A_72 = arith.constant 0 : index
    tpu.barrier barrier_id(%barrier3A_72)
    %mul3A_73 = arith.constant 640 : i32
    %mul3A_74 = arith.muli %arg1, %mul3A_73 : i32
    %mul3A_75 = arith.constant 640 : i32
    %mul3A_76 = arith.muli %arg1, %mul3A_75 : i32
    "tpu.region"() ({
      %run_scoped3A = tpu.sem_alloc : memref<!tpu.dma_semaphore, #tpu.memory_space<semaphore_mem>>
      %dma_start3A_77 = arith.constant 0 : i32
      %dma_start3A_78 = tpu.memref_slice %arg5[%arg0, %mul3A_76, %dma_start3A_77] : memref<2x10240x128xf32, #tpu.memory_space<hbm>> -> memref<1x640x128xf32, #tpu.memory_space<hbm>>
      %dma_start3A_79 = tpu.memref_squeeze %dma_start3A_78 : memref<1x640x128xf32, #tpu.memory_space<hbm>> -> memref<640x128xf32, #tpu.memory_space<hbm>>
      %dma_start3A_80 = arith.constant 0 : i32
      %dma_start3A_81 = tpu.memref_slice %arg10[%mul3A_74, %dma_start3A_80] : memref<10240x128xf32, #tpu.memory_space<vmem_shared>> -> memref<640x128xf32, #tpu.memory_space<vmem_shared>>
      tpu.enqueue_dma source(%dma_start3A_81 : memref<640x128xf32, #tpu.memory_space<vmem_shared>>) target(%dma_start3A_79 : memref<640x128xf32, #tpu.memory_space<hbm>>) target_semaphore(%run_scoped3A : memref<!tpu.dma_semaphore, #tpu.memory_space<semaphore_mem>>)
      %dma_wait3A = arith.constant 0 : i32
      %dma_wait3A_82 = tpu.memref_slice %arg5[%arg0, %mul3A_76, %dma_wait3A] : memref<2x10240x128xf32, #tpu.memory_space<hbm>> -> memref<1x640x128xf32, #tpu.memory_space<hbm>>
      %dma_wait3A_83 = tpu.memref_squeeze %dma_wait3A_82 : memref<1x640x128xf32, #tpu.memory_space<hbm>> -> memref<640x128xf32, #tpu.memory_space<hbm>>
      %dma_wait3A_84 = arith.constant 0 : i32
      %dma_wait3A_85 = tpu.memref_slice %arg10[%mul3A_74, %dma_wait3A_84] : memref<10240x128xf32, #tpu.memory_space<vmem_shared>> -> memref<640x128xf32, #tpu.memory_space<vmem_shared>>
      tpu.wait_dma2 semaphore(%run_scoped3A : memref<!tpu.dma_semaphore, #tpu.memory_space<semaphore_mem>>) src(%dma_wait3A_85 : memref<640x128xf32, #tpu.memory_space<vmem_shared>>) dst(%dma_wait3A_83 : memref<640x128xf32, #tpu.memory_space<hbm>>)
      tpu.yield
    }) : () -> ()
    return
  }
}

#map = affine_map<(d0, d1) -> (0, 0)>
#map1 = affine_map<(d0, d1) -> (0, 0, 0)>
module attributes {stable_mosaic.version = 14 : i64} {
  func.func @_sc_aggregate(%arg0: i32, %arg1: i32, %arg2: memref<10240x128xf32, #tpu.memory_space<hbm>>, %arg3: memref<32x80x128xi32, #tpu.memory_space<hbm>>, %arg4: memref<32x80x128xi32, #tpu.memory_space<hbm>>, %arg5: memref<2x10240x128xf32, #tpu.memory_space<hbm>>, %arg6: memref<40x128xi32, #tpu.memory_space<vmem>>, %arg7: memref<40x128xi32, #tpu.memory_space<vmem>>, %arg8: memref<2x128x128xf32, #tpu.memory_space<vmem>>, %arg9: memref<16x128xf32, #tpu.memory_space<vmem>>, %arg10: memref<10240x128xf32, #tpu.memory_space<vmem_shared>>, %arg11: memref<!tpu.dma_semaphore, #tpu.memory_space<semaphore_mem>>, %arg12: memref<!tpu.dma_semaphore, #tpu.memory_space<semaphore_mem>>) attributes {dimension_semantics = [#tpu.dimension_semantics<core_parallel>, #tpu.dimension_semantics<subcore_parallel>], iteration_bounds = array<i64: 2, 16>, scalar_prefetch = 0 : i64, scratch_operands = 7 : i64, tpu.core_type = #tpu.core_type<sc_vector_subcore>, window_params = [{transform_indices = #map}, {transform_indices = #map1}, {transform_indices = #map1}, {transform_indices = #map1}]} {
    %mul3A = arith.constant 2 : i32
    %mul3A_0 = arith.muli %arg1, %mul3A : i32
    %add3A = arith.addi %mul3A_0, %arg0 : i32
    %broadcast_in_dim3A = arith.constant 0.000000e+00 : f32
    %broadcast_in_dim3A_1 = vector.broadcast %broadcast_in_dim3A : f32 to vector<16xf32>
    %scan3A = arith.constant 0 : i32
    %scan3A_2 = arith.constant 0 : i32
    %scan3A_3 = arith.constant 16 : i32
    %scan3A_4 = arith.addi %scan3A_2, %scan3A_3 : i32
    %scan3A_5 = arith.constant 1 : i32
    scf.for %scan3A_77 = %scan3A_2 to %scan3A_4 step %scan3A_5  : i32 {
      %swap3A = arith.index_cast %scan3A_77 : i32 to index
      %swap3A_78 = arith.constant 0 : index
      %swap3A_79 = tpu.vector_load %arg9[%swap3A, %swap3A_78] {strides = array<i32>} : memref<16x128xf32, #tpu.memory_space<vmem>>, vector<1x16xf32>,
      %swap3A_80 = vector.shape_cast %swap3A_79 : vector<1x16xf32> to vector<16xf32>
      %swap3A_81 = vector.shape_cast %broadcast_in_dim3A_1 : vector<16xf32> to vector<1x16xf32>
      tpu.vector_store %arg9[%swap3A, %swap3A_78], %swap3A_81 {strides = array<i32>} : memref<16x128xf32, #tpu.memory_space<vmem>>, vector<1x16xf32>,
      %swap3A_82 = arith.index_cast %scan3A_77 : i32 to index
      %swap3A_83 = arith.constant 16 : index
      %swap3A_84 = tpu.vector_load %arg9[%swap3A_82, %swap3A_83] {strides = array<i32>} : memref<16x128xf32, #tpu.memory_space<vmem>>, vector<1x16xf32>,
      %swap3A_85 = vector.shape_cast %swap3A_84 : vector<1x16xf32> to vector<16xf32>
      %swap3A_86 = vector.shape_cast %broadcast_in_dim3A_1 : vector<16xf32> to vector<1x16xf32>
      tpu.vector_store %arg9[%swap3A_82, %swap3A_83], %swap3A_86 {strides = array<i32>} : memref<16x128xf32, #tpu.memory_space<vmem>>, vector<1x16xf32>,
      %swap3A_87 = arith.index_cast %scan3A_77 : i32 to index
      %swap3A_88 = arith.constant 32 : index
      %swap3A_89 = tpu.vector_load %arg9[%swap3A_87, %swap3A_88] {strides = array<i32>} : memref<16x128xf32, #tpu.memory_space<vmem>>, vector<1x16xf32>,
      %swap3A_90 = vector.shape_cast %swap3A_89 : vector<1x16xf32> to vector<16xf32>
      %swap3A_91 = vector.shape_cast %broadcast_in_dim3A_1 : vector<16xf32> to vector<1x16xf32>
      tpu.vector_store %arg9[%swap3A_87, %swap3A_88], %swap3A_91 {strides = array<i32>} : memref<16x128xf32, #tpu.memory_space<vmem>>, vector<1x16xf32>,
      %swap3A_92 = arith.index_cast %scan3A_77 : i32 to index
      %swap3A_93 = arith.constant 48 : index
      %swap3A_94 = tpu.vector_load %arg9[%swap3A_92, %swap3A_93] {strides = array<i32>} : memref<16x128xf32, #tpu.memory_space<vmem>>, vector<1x16xf32>,
      %swap3A_95 = vector.shape_cast %swap3A_94 : vector<1x16xf32> to vector<16xf32>
      %swap3A_96 = vector.shape_cast %broadcast_in_dim3A_1 : vector<16xf32> to vector<1x16xf32>
      tpu.vector_store %arg9[%swap3A_92, %swap3A_93], %swap3A_96 {strides = array<i32>} : memref<16x128xf32, #tpu.memory_space<vmem>>, vector<1x16xf32>,
      %swap3A_97 = arith.index_cast %scan3A_77 : i32 to index
      %swap3A_98 = arith.constant 64 : index
      %swap3A_99 = tpu.vector_load %arg9[%swap3A_97, %swap3A_98] {strides = array<i32>} : memref<16x128xf32, #tpu.memory_space<vmem>>, vector<1x16xf32>,
      %swap3A_100 = vector.shape_cast %swap3A_99 : vector<1x16xf32> to vector<16xf32>
      %swap3A_101 = vector.shape_cast %broadcast_in_dim3A_1 : vector<16xf32> to vector<1x16xf32>
      tpu.vector_store %arg9[%swap3A_97, %swap3A_98], %swap3A_101 {strides = array<i32>} : memref<16x128xf32, #tpu.memory_space<vmem>>, vector<1x16xf32>,
      %swap3A_102 = arith.index_cast %scan3A_77 : i32 to index
      %swap3A_103 = arith.constant 80 : index
      %swap3A_104 = tpu.vector_load %arg9[%swap3A_102, %swap3A_103] {strides = array<i32>} : memref<16x128xf32, #tpu.memory_space<vmem>>, vector<1x16xf32>,
      %swap3A_105 = vector.shape_cast %swap3A_104 : vector<1x16xf32> to vector<16xf32>
      %swap3A_106 = vector.shape_cast %broadcast_in_dim3A_1 : vector<16xf32> to vector<1x16xf32>
      tpu.vector_store %arg9[%swap3A_102, %swap3A_103], %swap3A_106 {strides = array<i32>} : memref<16x128xf32, #tpu.memory_space<vmem>>, vector<1x16xf32>,
      %swap3A_107 = arith.index_cast %scan3A_77 : i32 to index
      %swap3A_108 = arith.constant 96 : index
      %swap3A_109 = tpu.vector_load %arg9[%swap3A_107, %swap3A_108] {strides = array<i32>} : memref<16x128xf32, #tpu.memory_space<vmem>>, vector<1x16xf32>,
      %swap3A_110 = vector.shape_cast %swap3A_109 : vector<1x16xf32> to vector<16xf32>
      %swap3A_111 = vector.shape_cast %broadcast_in_dim3A_1 : vector<16xf32> to vector<1x16xf32>
      tpu.vector_store %arg9[%swap3A_107, %swap3A_108], %swap3A_111 {strides = array<i32>} : memref<16x128xf32, #tpu.memory_space<vmem>>, vector<1x16xf32>,
      %swap3A_112 = arith.index_cast %scan3A_77 : i32 to index
      %swap3A_113 = arith.constant 112 : index
      %swap3A_114 = tpu.vector_load %arg9[%swap3A_112, %swap3A_113] {strides = array<i32>} : memref<16x128xf32, #tpu.memory_space<vmem>>, vector<1x16xf32>,
      %swap3A_115 = vector.shape_cast %swap3A_114 : vector<1x16xf32> to vector<16xf32>
      %swap3A_116 = vector.shape_cast %broadcast_in_dim3A_1 : vector<16xf32> to vector<1x16xf32>
      tpu.vector_store %arg9[%swap3A_112, %swap3A_113], %swap3A_116 {strides = array<i32>} : memref<16x128xf32, #tpu.memory_space<vmem>>, vector<1x16xf32>,
    }
    %scan3A_6 = arith.constant 16 : i32
    "tpu.region"() ({
      %run_scoped3A = tpu.sem_alloc : memref<!tpu.dma_semaphore, #tpu.memory_space<semaphore_mem>>
      %dma_start3A_77 = arith.constant 0 : i32
      %dma_start3A_78 = arith.constant 0 : i32
      %dma_start3A_79 = tpu.memref_slice %arg3[%add3A, %dma_start3A_77, %dma_start3A_78] : memref<32x80x128xi32, #tpu.memory_space<hbm>> -> memref<1x40x128xi32, #tpu.memory_space<hbm>>
      %dma_start3A_80 = tpu.memref_squeeze %dma_start3A_79 : memref<1x40x128xi32, #tpu.memory_space<hbm>> -> memref<40x128xi32, #tpu.memory_space<hbm>>
      %dma_start3A_81 = arith.constant 0 : i32
      %dma_start3A_82 = arith.constant 0 : i32
      %dma_start3A_83 = tpu.memref_slice %arg3[%add3A, %dma_start3A_81, %dma_start3A_82] : memref<32x80x128xi32, #tpu.memory_space<hbm>> -> memref<1x40x128xi32, #tpu.memory_space<hbm>>
      %dma_start3A_84 = tpu.memref_squeeze %dma_start3A_83 : memref<1x40x128xi32, #tpu.memory_space<hbm>> -> memref<40x128xi32, #tpu.memory_space<hbm>>
      tpu.enqueue_dma source(%dma_start3A_84 : memref<40x128xi32, #tpu.memory_space<hbm>>) target(%arg6 : memref<40x128xi32, #tpu.memory_space<vmem>>) target_semaphore(%run_scoped3A : memref<!tpu.dma_semaphore, #tpu.memory_space<semaphore_mem>>)
      %dma_wait3A = arith.constant 0 : i32
      %dma_wait3A_85 = arith.constant 0 : i32
      %dma_wait3A_86 = tpu.memref_slice %arg3[%add3A, %dma_wait3A, %dma_wait3A_85] : memref<32x80x128xi32, #tpu.memory_space<hbm>> -> memref<1x40x128xi32, #tpu.memory_space<hbm>>
      %dma_wait3A_87 = tpu.memref_squeeze %dma_wait3A_86 : memref<1x40x128xi32, #tpu.memory_space<hbm>> -> memref<40x128xi32, #tpu.memory_space<hbm>>
      %dma_wait3A_88 = arith.constant 0 : i32
      %dma_wait3A_89 = arith.constant 0 : i32
      %dma_wait3A_90 = tpu.memref_slice %arg3[%add3A, %dma_wait3A_88, %dma_wait3A_89] : memref<32x80x128xi32, #tpu.memory_space<hbm>> -> memref<1x40x128xi32, #tpu.memory_space<hbm>>
      %dma_wait3A_91 = tpu.memref_squeeze %dma_wait3A_90 : memref<1x40x128xi32, #tpu.memory_space<hbm>> -> memref<40x128xi32, #tpu.memory_space<hbm>>
      tpu.wait_dma2 semaphore(%run_scoped3A : memref<!tpu.dma_semaphore, #tpu.memory_space<semaphore_mem>>) src(%dma_wait3A_91 : memref<40x128xi32, #tpu.memory_space<hbm>>) dst(%arg6 : memref<40x128xi32, #tpu.memory_space<vmem>>)
      tpu.yield
    }) : () -> ()
    "tpu.region"() ({
      %run_scoped3A = tpu.sem_alloc : memref<!tpu.dma_semaphore, #tpu.memory_space<semaphore_mem>>
      %dma_start3A_77 = arith.constant 0 : i32
      %dma_start3A_78 = arith.constant 0 : i32
      %dma_start3A_79 = tpu.memref_slice %arg4[%add3A, %dma_start3A_77, %dma_start3A_78] : memref<32x80x128xi32, #tpu.memory_space<hbm>> -> memref<1x40x128xi32, #tpu.memory_space<hbm>>
      %dma_start3A_80 = tpu.memref_squeeze %dma_start3A_79 : memref<1x40x128xi32, #tpu.memory_space<hbm>> -> memref<40x128xi32, #tpu.memory_space<hbm>>
      %dma_start3A_81 = arith.constant 0 : i32
      %dma_start3A_82 = arith.constant 0 : i32
      %dma_start3A_83 = tpu.memref_slice %arg4[%add3A, %dma_start3A_81, %dma_start3A_82] : memref<32x80x128xi32, #tpu.memory_space<hbm>> -> memref<1x40x128xi32, #tpu.memory_space<hbm>>
      %dma_start3A_84 = tpu.memref_squeeze %dma_start3A_83 : memref<1x40x128xi32, #tpu.memory_space<hbm>> -> memref<40x128xi32, #tpu.memory_space<hbm>>
      tpu.enqueue_dma source(%dma_start3A_84 : memref<40x128xi32, #tpu.memory_space<hbm>>) target(%arg7 : memref<40x128xi32, #tpu.memory_space<vmem>>) target_semaphore(%run_scoped3A : memref<!tpu.dma_semaphore, #tpu.memory_space<semaphore_mem>>)
      %dma_wait3A = arith.constant 0 : i32
      %dma_wait3A_85 = arith.constant 0 : i32
      %dma_wait3A_86 = tpu.memref_slice %arg4[%add3A, %dma_wait3A, %dma_wait3A_85] : memref<32x80x128xi32, #tpu.memory_space<hbm>> -> memref<1x40x128xi32, #tpu.memory_space<hbm>>
      %dma_wait3A_87 = tpu.memref_squeeze %dma_wait3A_86 : memref<1x40x128xi32, #tpu.memory_space<hbm>> -> memref<40x128xi32, #tpu.memory_space<hbm>>
      %dma_wait3A_88 = arith.constant 0 : i32
      %dma_wait3A_89 = arith.constant 0 : i32
      %dma_wait3A_90 = tpu.memref_slice %arg4[%add3A, %dma_wait3A_88, %dma_wait3A_89] : memref<32x80x128xi32, #tpu.memory_space<hbm>> -> memref<1x40x128xi32, #tpu.memory_space<hbm>>
      %dma_wait3A_91 = tpu.memref_squeeze %dma_wait3A_90 : memref<1x40x128xi32, #tpu.memory_space<hbm>> -> memref<40x128xi32, #tpu.memory_space<hbm>>
      tpu.wait_dma2 semaphore(%run_scoped3A : memref<!tpu.dma_semaphore, #tpu.memory_space<semaphore_mem>>) src(%dma_wait3A_91 : memref<40x128xi32, #tpu.memory_space<hbm>>) dst(%arg7 : memref<40x128xi32, #tpu.memory_space<vmem>>)
      tpu.yield
    }) : () -> ()
    %dma_start3A = arith.constant 0 : i32
    %dma_start3A_7 = arith.constant 0 : i32
    %dma_start3A_8 = arith.constant 0 : i32
    %dma_start3A_9 = arith.constant 0 : i32
    %dma_start3A_10 = tpu.memref_slice %arg8[%dma_start3A_7, %dma_start3A_8, %dma_start3A_9] : memref<2x128x128xf32, #tpu.memory_space<vmem>> -> memref<1x128x128xf32, #tpu.memory_space<vmem>>
    %dma_start3A_11 = tpu.memref_squeeze %dma_start3A_10 : memref<1x128x128xf32, #tpu.memory_space<vmem>> -> memref<128x128xf32, #tpu.memory_space<vmem>>
    %dma_start3A_12 = arith.constant 0 : i32
    %dma_start3A_13 = tpu.memref_slice %arg6[%dma_start3A, %dma_start3A_12] : memref<40x128xi32, #tpu.memory_space<vmem>> -> memref<1x128xi32, #tpu.memory_space<vmem>>
    %dma_start3A_14 = tpu.memref_squeeze %dma_start3A_13 : memref<1x128xi32, #tpu.memory_space<vmem>> -> memref<128xi32, #tpu.memory_space<vmem>>
    %dma_start3A_15 = arith.constant 0 : i32
    %dma_start3A_16 = arith.constant 0 : i32
    %dma_start3A_17 = tpu.memref_slice %arg2[%dma_start3A_15, %dma_start3A_16] : memref<10240x128xf32, #tpu.memory_space<hbm>> -> memref<10240x128xf32, #tpu.memory_space<hbm>>
    tpu.enqueue_indirect_dma source(%dma_start3A_17 : memref<10240x128xf32, #tpu.memory_space<hbm>>) target(%dma_start3A_11 : memref<128x128xf32, #tpu.memory_space<vmem>>) offsets(%dma_start3A_14 : memref<128xi32, #tpu.memory_space<vmem>>) semaphore(%arg11 : memref<!tpu.dma_semaphore, #tpu.memory_space<semaphore_mem>>)
    %dma_start3A_18 = arith.constant 1 : i32
    %dma_start3A_19 = arith.constant 1 : i32
    %dma_start3A_20 = arith.constant 0 : i32
    %dma_start3A_21 = arith.constant 0 : i32
    %dma_start3A_22 = tpu.memref_slice %arg8[%dma_start3A_19, %dma_start3A_20, %dma_start3A_21] : memref<2x128x128xf32, #tpu.memory_space<vmem>> -> memref<1x128x128xf32, #tpu.memory_space<vmem>>
    %dma_start3A_23 = tpu.memref_squeeze %dma_start3A_22 : memref<1x128x128xf32, #tpu.memory_space<vmem>> -> memref<128x128xf32, #tpu.memory_space<vmem>>
    %dma_start3A_24 = arith.constant 0 : i32
    %dma_start3A_25 = tpu.memref_slice %arg6[%dma_start3A_18, %dma_start3A_24] : memref<40x128xi32, #tpu.memory_space<vmem>> -> memref<1x128xi32, #tpu.memory_space<vmem>>
    %dma_start3A_26 = tpu.memref_squeeze %dma_start3A_25 : memref<1x128xi32, #tpu.memory_space<vmem>> -> memref<128xi32, #tpu.memory_space<vmem>>
    %dma_start3A_27 = arith.constant 0 : i32
    %dma_start3A_28 = arith.constant 0 : i32
    %dma_start3A_29 = tpu.memref_slice %arg2[%dma_start3A_27, %dma_start3A_28] : memref<10240x128xf32, #tpu.memory_space<hbm>> -> memref<10240x128xf32, #tpu.memory_space<hbm>>
    tpu.enqueue_indirect_dma source(%dma_start3A_29 : memref<10240x128xf32, #tpu.memory_space<hbm>>) target(%dma_start3A_23 : memref<128x128xf32, #tpu.memory_space<vmem>>) offsets(%dma_start3A_26 : memref<128xi32, #tpu.memory_space<vmem>>) semaphore(%arg12 : memref<!tpu.dma_semaphore, #tpu.memory_space<semaphore_mem>>)
    %scan3A_30 = arith.constant 0 : i32
    %scan3A_31 = arith.constant 0 : i32
    %scan3A_32 = arith.constant 40 : i32
    %scan3A_33 = arith.addi %scan3A_31, %scan3A_32 : i32
    %scan3A_34 = arith.constant 1 : i32
    scf.for %scan3A_77 = %scan3A_31 to %scan3A_33 step %scan3A_34  : i32 {
      %mul3A_78 = arith.constant 640 : i32
      %mul3A_79 = arith.muli %arg1, %mul3A_78 : i32
      %mul3A_80 = arith.constant 16 : i32
      %mul3A_81 = arith.muli %scan3A_77, %mul3A_80 : i32
      %add3A_82 = arith.addi %mul3A_79, %mul3A_81 : i32
      "tpu.region"() ({
        %run_scoped3A = tpu.sem_alloc : memref<!tpu.dma_semaphore, #tpu.memory_space<semaphore_mem>>
        %dma_start3A_83 = arith.constant 0 : i32
        %dma_start3A_84 = tpu.memref_slice %arg10[%add3A_82, %dma_start3A_83] : memref<10240x128xf32, #tpu.memory_space<vmem_shared>> -> memref<16x128xf32, #tpu.memory_space<vmem_shared>>
        %dma_start3A_85 = arith.constant 0 : i32
        %dma_start3A_86 = tpu.memref_slice %arg10[%add3A_82, %dma_start3A_85] : memref<10240x128xf32, #tpu.memory_space<vmem_shared>> -> memref<16x128xf32, #tpu.memory_space<vmem_shared>>
        tpu.enqueue_dma source(%arg9 : memref<16x128xf32, #tpu.memory_space<vmem>>) target(%dma_start3A_86 : memref<16x128xf32, #tpu.memory_space<vmem_shared>>) target_semaphore(%run_scoped3A : memref<!tpu.dma_semaphore, #tpu.memory_space<semaphore_mem>>)
        %dma_wait3A = arith.constant 0 : i32
        %dma_wait3A_87 = tpu.memref_slice %arg10[%add3A_82, %dma_wait3A] : memref<10240x128xf32, #tpu.memory_space<vmem_shared>> -> memref<16x128xf32, #tpu.memory_space<vmem_shared>>
        %dma_wait3A_88 = arith.constant 0 : i32
        %dma_wait3A_89 = tpu.memref_slice %arg10[%add3A_82, %dma_wait3A_88] : memref<10240x128xf32, #tpu.memory_space<vmem_shared>> -> memref<16x128xf32, #tpu.memory_space<vmem_shared>>
        tpu.wait_dma2 semaphore(%run_scoped3A : memref<!tpu.dma_semaphore, #tpu.memory_space<semaphore_mem>>) src(%arg9 : memref<16x128xf32, #tpu.memory_space<vmem>>) dst(%dma_wait3A_89 : memref<16x128xf32, #tpu.memory_space<vmem_shared>>)
        tpu.yield
      }) : () -> ()
    }
    %scan3A_35 = arith.constant 40 : i32
    %barrier3A = arith.constant 0 : index
    tpu.barrier barrier_id(%barrier3A)
    %scan3A_36 = arith.constant 0 : i32
    %scan3A_37 = arith.constant 0 : i32
    %scan3A_38 = arith.constant 20 : i32
    %scan3A_39 = arith.addi %scan3A_37, %scan3A_38 : i32
    %scan3A_40 = arith.constant 1 : i32
    scf.for %scan3A_77 = %scan3A_37 to %scan3A_39 step %scan3A_40  : i32 {
      %mul3A_78 = arith.constant 2 : i32
      %mul3A_79 = arith.muli %scan3A_77, %mul3A_78 : i32
      %dma_wait3A = arith.constant 0 : i32
      %dma_wait3A_80 = arith.constant 0 : i32
      %dma_wait3A_81 = arith.constant 0 : i32
      %dma_wait3A_82 = tpu.memref_slice %arg8[%dma_wait3A, %dma_wait3A_80, %dma_wait3A_81] : memref<2x128x128xf32, #tpu.memory_space<vmem>> -> memref<1x128x128xf32, #tpu.memory_space<vmem>>
      %dma_wait3A_83 = tpu.memref_squeeze %dma_wait3A_82 : memref<1x128x128xf32, #tpu.memory_space<vmem>> -> memref<128x128xf32, #tpu.memory_space<vmem>>
      %dma_wait3A_84 = arith.constant 0 : i32
      %dma_wait3A_85 = tpu.memref_slice %arg6[%mul3A_79, %dma_wait3A_84] : memref<40x128xi32, #tpu.memory_space<vmem>> -> memref<1x128xi32, #tpu.memory_space<vmem>>
      %dma_wait3A_86 = tpu.memref_squeeze %dma_wait3A_85 : memref<1x128xi32, #tpu.memory_space<vmem>> -> memref<128xi32, #tpu.memory_space<vmem>>
      %dma_wait3A_87 = arith.constant 0 : i32
      %dma_wait3A_88 = arith.constant 0 : i32
      %dma_wait3A_89 = tpu.memref_slice %arg2[%dma_wait3A_87, %dma_wait3A_88] : memref<10240x128xf32, #tpu.memory_space<hbm>> -> memref<10240x128xf32, #tpu.memory_space<hbm>>
      tpu.wait_indirect_dma semaphore(%arg11 : memref<!tpu.dma_semaphore, #tpu.memory_space<semaphore_mem>>) src(%dma_wait3A_89 : memref<10240x128xf32, #tpu.memory_space<hbm>>) dst(%dma_wait3A_83 : memref<128x128xf32, #tpu.memory_space<vmem>>)
      %run_scoped3A = arith.constant 0 : i32
      "tpu.region"() ({
        %run_scoped3A_117 = tpu.sem_alloc : memref<!tpu.dma_semaphore, #tpu.memory_space<semaphore_mem>>
        %dma_start3A_118 = arith.constant 0 : i32
        %dma_start3A_119 = arith.constant 0 : i32
        %dma_start3A_120 = tpu.memref_slice %arg8[%run_scoped3A, %dma_start3A_118, %dma_start3A_119] : memref<2x128x128xf32, #tpu.memory_space<vmem>> -> memref<1x128x128xf32, #tpu.memory_space<vmem>>
        %dma_start3A_121 = tpu.memref_squeeze %dma_start3A_120 : memref<1x128x128xf32, #tpu.memory_space<vmem>> -> memref<128x128xf32, #tpu.memory_space<vmem>>
        %dma_start3A_122 = arith.constant 0 : i32
        %dma_start3A_123 = tpu.memref_slice %arg7[%mul3A_79, %dma_start3A_122] : memref<40x128xi32, #tpu.memory_space<vmem>> -> memref<1x128xi32, #tpu.memory_space<vmem>>
        %dma_start3A_124 = tpu.memref_squeeze %dma_start3A_123 : memref<1x128xi32, #tpu.memory_space<vmem>> -> memref<128xi32, #tpu.memory_space<vmem>>
        %dma_start3A_125 = arith.constant 0 : i32
        %dma_start3A_126 = arith.constant 0 : i32
        %dma_start3A_127 = tpu.memref_slice %arg10[%dma_start3A_125, %dma_start3A_126] : memref<10240x128xf32, #tpu.memory_space<vmem_shared>> -> memref<10240x128xf32, #tpu.memory_space<vmem_shared>>
        tpu.enqueue_indirect_dma source(%dma_start3A_121 : memref<128x128xf32, #tpu.memory_space<vmem>>) target(%dma_start3A_127 : memref<10240x128xf32, #tpu.memory_space<vmem_shared>>) offsets(%dma_start3A_124 : memref<128xi32, #tpu.memory_space<vmem>>) semaphore(%run_scoped3A_117 : memref<!tpu.dma_semaphore, #tpu.memory_space<semaphore_mem>>) {add = true}
        %dma_wait3A_128 = arith.constant 0 : i32
        %dma_wait3A_129 = arith.constant 0 : i32
        %dma_wait3A_130 = tpu.memref_slice %arg8[%run_scoped3A, %dma_wait3A_128, %dma_wait3A_129] : memref<2x128x128xf32, #tpu.memory_space<vmem>> -> memref<1x128x128xf32, #tpu.memory_space<vmem>>
        %dma_wait3A_131 = tpu.memref_squeeze %dma_wait3A_130 : memref<1x128x128xf32, #tpu.memory_space<vmem>> -> memref<128x128xf32, #tpu.memory_space<vmem>>
        %dma_wait3A_132 = arith.constant 0 : i32
        %dma_wait3A_133 = tpu.memref_slice %arg7[%mul3A_79, %dma_wait3A_132] : memref<40x128xi32, #tpu.memory_space<vmem>> -> memref<1x128xi32, #tpu.memory_space<vmem>>
        %dma_wait3A_134 = tpu.memref_squeeze %dma_wait3A_133 : memref<1x128xi32, #tpu.memory_space<vmem>> -> memref<128xi32, #tpu.memory_space<vmem>>
        %dma_wait3A_135 = arith.constant 0 : i32
        %dma_wait3A_136 = arith.constant 0 : i32
        %dma_wait3A_137 = tpu.memref_slice %arg10[%dma_wait3A_135, %dma_wait3A_136] : memref<10240x128xf32, #tpu.memory_space<vmem_shared>> -> memref<10240x128xf32, #tpu.memory_space<vmem_shared>>
        tpu.wait_indirect_dma semaphore(%run_scoped3A_117 : memref<!tpu.dma_semaphore, #tpu.memory_space<semaphore_mem>>) src(%dma_wait3A_131 : memref<128x128xf32, #tpu.memory_space<vmem>>) dst(%dma_wait3A_137 : memref<10240x128xf32, #tpu.memory_space<vmem_shared>>)
        tpu.yield
      }) : () -> ()
      %add3A_90 = arith.constant 2 : i32
      %add3A_91 = arith.addi %mul3A_79, %add3A_90 : i32
      %lt3A = arith.constant 40 : i32
      %lt3A_92 = arith.cmpi slt, %add3A_91, %lt3A : i32
      %convert_element_type3A = arith.extui %lt3A_92 : i1 to i32
      %cond3A = arith.constant 0 : i32
      %cond3A_93 = arith.cmpi ne, %convert_element_type3A, %cond3A : i32
      scf.if %cond3A_93 {
        %add3A_117 = arith.constant 2 : i32
        %add3A_118 = arith.addi %mul3A_79, %add3A_117 : i32
        %dma_start3A_119 = arith.constant 0 : i32
        %dma_start3A_120 = arith.constant 0 : i32
        %dma_start3A_121 = arith.constant 0 : i32
        %dma_start3A_122 = tpu.memref_slice %arg8[%dma_start3A_119, %dma_start3A_120, %dma_start3A_121] : memref<2x128x128xf32, #tpu.memory_space<vmem>> -> memref<1x128x128xf32, #tpu.memory_space<vmem>>
        %dma_start3A_123 = tpu.memref_squeeze %dma_start3A_122 : memref<1x128x128xf32, #tpu.memory_space<vmem>> -> memref<128x128xf32, #tpu.memory_space<vmem>>
        %dma_start3A_124 = arith.constant 0 : i32
        %dma_start3A_125 = tpu.memref_slice %arg6[%add3A_118, %dma_start3A_124] : memref<40x128xi32, #tpu.memory_space<vmem>> -> memref<1x128xi32, #tpu.memory_space<vmem>>
        %dma_start3A_126 = tpu.memref_squeeze %dma_start3A_125 : memref<1x128xi32, #tpu.memory_space<vmem>> -> memref<128xi32, #tpu.memory_space<vmem>>
        %dma_start3A_127 = arith.constant 0 : i32
        %dma_start3A_128 = arith.constant 0 : i32
        %dma_start3A_129 = tpu.memref_slice %arg2[%dma_start3A_127, %dma_start3A_128] : memref<10240x128xf32, #tpu.memory_space<hbm>> -> memref<10240x128xf32, #tpu.memory_space<hbm>>
        tpu.enqueue_indirect_dma source(%dma_start3A_129 : memref<10240x128xf32, #tpu.memory_space<hbm>>) target(%dma_start3A_123 : memref<128x128xf32, #tpu.memory_space<vmem>>) offsets(%dma_start3A_126 : memref<128xi32, #tpu.memory_space<vmem>>) semaphore(%arg11 : memref<!tpu.dma_semaphore, #tpu.memory_space<semaphore_mem>>)
      } else {
      }
      %add3A_94 = arith.constant 1 : i32
      %add3A_95 = arith.addi %mul3A_79, %add3A_94 : i32
      %dma_wait3A_96 = arith.constant 1 : i32
      %dma_wait3A_97 = arith.constant 0 : i32
      %dma_wait3A_98 = arith.constant 0 : i32
      %dma_wait3A_99 = tpu.memref_slice %arg8[%dma_wait3A_96, %dma_wait3A_97, %dma_wait3A_98] : memref<2x128x128xf32, #tpu.memory_space<vmem>> -> memref<1x128x128xf32, #tpu.memory_space<vmem>>
      %dma_wait3A_100 = tpu.memref_squeeze %dma_wait3A_99 : memref<1x128x128xf32, #tpu.memory_space<vmem>> -> memref<128x128xf32, #tpu.memory_space<vmem>>
      %dma_wait3A_101 = arith.constant 0 : i32
      %dma_wait3A_102 = tpu.memref_slice %arg6[%add3A_95, %dma_wait3A_101] : memref<40x128xi32, #tpu.memory_space<vmem>> -> memref<1x128xi32, #tpu.memory_space<vmem>>
      %dma_wait3A_103 = tpu.memref_squeeze %dma_wait3A_102 : memref<1x128xi32, #tpu.memory_space<vmem>> -> memref<128xi32, #tpu.memory_space<vmem>>
      %dma_wait3A_104 = arith.constant 0 : i32
      %dma_wait3A_105 = arith.constant 0 : i32
      %dma_wait3A_106 = tpu.memref_slice %arg2[%dma_wait3A_104, %dma_wait3A_105] : memref<10240x128xf32, #tpu.memory_space<hbm>> -> memref<10240x128xf32, #tpu.memory_space<hbm>>
      tpu.wait_indirect_dma semaphore(%arg12 : memref<!tpu.dma_semaphore, #tpu.memory_space<semaphore_mem>>) src(%dma_wait3A_106 : memref<10240x128xf32, #tpu.memory_space<hbm>>) dst(%dma_wait3A_100 : memref<128x128xf32, #tpu.memory_space<vmem>>)
      %add3A_107 = arith.constant 1 : i32
      %add3A_108 = arith.addi %mul3A_79, %add3A_107 : i32
      %run_scoped3A_109 = arith.constant 1 : i32
      "tpu.region"() ({
        %run_scoped3A_117 = tpu.sem_alloc : memref<!tpu.dma_semaphore, #tpu.memory_space<semaphore_mem>>
        %dma_start3A_118 = arith.constant 0 : i32
        %dma_start3A_119 = arith.constant 0 : i32
        %dma_start3A_120 = tpu.memref_slice %arg8[%run_scoped3A_109, %dma_start3A_118, %dma_start3A_119] : memref<2x128x128xf32, #tpu.memory_space<vmem>> -> memref<1x128x128xf32, #tpu.memory_space<vmem>>
        %dma_start3A_121 = tpu.memref_squeeze %dma_start3A_120 : memref<1x128x128xf32, #tpu.memory_space<vmem>> -> memref<128x128xf32, #tpu.memory_space<vmem>>
        %dma_start3A_122 = arith.constant 0 : i32
        %dma_start3A_123 = tpu.memref_slice %arg7[%add3A_108, %dma_start3A_122] : memref<40x128xi32, #tpu.memory_space<vmem>> -> memref<1x128xi32, #tpu.memory_space<vmem>>
        %dma_start3A_124 = tpu.memref_squeeze %dma_start3A_123 : memref<1x128xi32, #tpu.memory_space<vmem>> -> memref<128xi32, #tpu.memory_space<vmem>>
        %dma_start3A_125 = arith.constant 0 : i32
        %dma_start3A_126 = arith.constant 0 : i32
        %dma_start3A_127 = tpu.memref_slice %arg10[%dma_start3A_125, %dma_start3A_126] : memref<10240x128xf32, #tpu.memory_space<vmem_shared>> -> memref<10240x128xf32, #tpu.memory_space<vmem_shared>>
        tpu.enqueue_indirect_dma source(%dma_start3A_121 : memref<128x128xf32, #tpu.memory_space<vmem>>) target(%dma_start3A_127 : memref<10240x128xf32, #tpu.memory_space<vmem_shared>>) offsets(%dma_start3A_124 : memref<128xi32, #tpu.memory_space<vmem>>) semaphore(%run_scoped3A_117 : memref<!tpu.dma_semaphore, #tpu.memory_space<semaphore_mem>>) {add = true}
        %dma_wait3A_128 = arith.constant 0 : i32
        %dma_wait3A_129 = arith.constant 0 : i32
        %dma_wait3A_130 = tpu.memref_slice %arg8[%run_scoped3A_109, %dma_wait3A_128, %dma_wait3A_129] : memref<2x128x128xf32, #tpu.memory_space<vmem>> -> memref<1x128x128xf32, #tpu.memory_space<vmem>>
        %dma_wait3A_131 = tpu.memref_squeeze %dma_wait3A_130 : memref<1x128x128xf32, #tpu.memory_space<vmem>> -> memref<128x128xf32, #tpu.memory_space<vmem>>
        %dma_wait3A_132 = arith.constant 0 : i32
        %dma_wait3A_133 = tpu.memref_slice %arg7[%add3A_108, %dma_wait3A_132] : memref<40x128xi32, #tpu.memory_space<vmem>> -> memref<1x128xi32, #tpu.memory_space<vmem>>
        %dma_wait3A_134 = tpu.memref_squeeze %dma_wait3A_133 : memref<1x128xi32, #tpu.memory_space<vmem>> -> memref<128xi32, #tpu.memory_space<vmem>>
        %dma_wait3A_135 = arith.constant 0 : i32
        %dma_wait3A_136 = arith.constant 0 : i32
        %dma_wait3A_137 = tpu.memref_slice %arg10[%dma_wait3A_135, %dma_wait3A_136] : memref<10240x128xf32, #tpu.memory_space<vmem_shared>> -> memref<10240x128xf32, #tpu.memory_space<vmem_shared>>
        tpu.wait_indirect_dma semaphore(%run_scoped3A_117 : memref<!tpu.dma_semaphore, #tpu.memory_space<semaphore_mem>>) src(%dma_wait3A_131 : memref<128x128xf32, #tpu.memory_space<vmem>>) dst(%dma_wait3A_137 : memref<10240x128xf32, #tpu.memory_space<vmem_shared>>)
        tpu.yield
      }) : () -> ()
      %add3A_110 = arith.constant 3 : i32
      %add3A_111 = arith.addi %mul3A_79, %add3A_110 : i32
      %lt3A_112 = arith.constant 40 : i32
      %lt3A_113 = arith.cmpi slt, %add3A_111, %lt3A_112 : i32
      %convert_element_type3A_114 = arith.extui %lt3A_113 : i1 to i32
      %cond3A_115 = arith.constant 0 : i32
      %cond3A_116 = arith.cmpi ne, %convert_element_type3A_114, %cond3A_115 : i32
      scf.if %cond3A_116 {
        %add3A_117 = arith.constant 3 : i32
        %add3A_118 = arith.addi %mul3A_79, %add3A_117 : i32
        %dma_start3A_119 = arith.constant 1 : i32
        %dma_start3A_120 = arith.constant 0 : i32
        %dma_start3A_121 = arith.constant 0 : i32
        %dma_start3A_122 = tpu.memref_slice %arg8[%dma_start3A_119, %dma_start3A_120, %dma_start3A_121] : memref<2x128x128xf32, #tpu.memory_space<vmem>> -> memref<1x128x128xf32, #tpu.memory_space<vmem>>
        %dma_start3A_123 = tpu.memref_squeeze %dma_start3A_122 : memref<1x128x128xf32, #tpu.memory_space<vmem>> -> memref<128x128xf32, #tpu.memory_space<vmem>>
        %dma_start3A_124 = arith.constant 0 : i32
        %dma_start3A_125 = tpu.memref_slice %arg6[%add3A_118, %dma_start3A_124] : memref<40x128xi32, #tpu.memory_space<vmem>> -> memref<1x128xi32, #tpu.memory_space<vmem>>
        %dma_start3A_126 = tpu.memref_squeeze %dma_start3A_125 : memref<1x128xi32, #tpu.memory_space<vmem>> -> memref<128xi32, #tpu.memory_space<vmem>>
        %dma_start3A_127 = arith.constant 0 : i32
        %dma_start3A_128 = arith.constant 0 : i32
        %dma_start3A_129 = tpu.memref_slice %arg2[%dma_start3A_127, %dma_start3A_128] : memref<10240x128xf32, #tpu.memory_space<hbm>> -> memref<10240x128xf32, #tpu.memory_space<hbm>>
        tpu.enqueue_indirect_dma source(%dma_start3A_129 : memref<10240x128xf32, #tpu.memory_space<hbm>>) target(%dma_start3A_123 : memref<128x128xf32, #tpu.memory_space<vmem>>) offsets(%dma_start3A_126 : memref<128xi32, #tpu.memory_space<vmem>>) semaphore(%arg12 : memref<!tpu.dma_semaphore, #tpu.memory_space<semaphore_mem>>)
      } else {
      }
    }
    %scan3A_41 = arith.constant 20 : i32
    "tpu.region"() ({
      %run_scoped3A = tpu.sem_alloc : memref<!tpu.dma_semaphore, #tpu.memory_space<semaphore_mem>>
      %dma_start3A_77 = arith.constant 40 : i32
      %dma_start3A_78 = arith.constant 0 : i32
      %dma_start3A_79 = tpu.memref_slice %arg3[%add3A, %dma_start3A_77, %dma_start3A_78] : memref<32x80x128xi32, #tpu.memory_space<hbm>> -> memref<1x40x128xi32, #tpu.memory_space<hbm>>
      %dma_start3A_80 = tpu.memref_squeeze %dma_start3A_79 : memref<1x40x128xi32, #tpu.memory_space<hbm>> -> memref<40x128xi32, #tpu.memory_space<hbm>>
      %dma_start3A_81 = arith.constant 40 : i32
      %dma_start3A_82 = arith.constant 0 : i32
      %dma_start3A_83 = tpu.memref_slice %arg3[%add3A, %dma_start3A_81, %dma_start3A_82] : memref<32x80x128xi32, #tpu.memory_space<hbm>> -> memref<1x40x128xi32, #tpu.memory_space<hbm>>
      %dma_start3A_84 = tpu.memref_squeeze %dma_start3A_83 : memref<1x40x128xi32, #tpu.memory_space<hbm>> -> memref<40x128xi32, #tpu.memory_space<hbm>>
      tpu.enqueue_dma source(%dma_start3A_84 : memref<40x128xi32, #tpu.memory_space<hbm>>) target(%arg6 : memref<40x128xi32, #tpu.memory_space<vmem>>) target_semaphore(%run_scoped3A : memref<!tpu.dma_semaphore, #tpu.memory_space<semaphore_mem>>)
      %dma_wait3A = arith.constant 40 : i32
      %dma_wait3A_85 = arith.constant 0 : i32
      %dma_wait3A_86 = tpu.memref_slice %arg3[%add3A, %dma_wait3A, %dma_wait3A_85] : memref<32x80x128xi32, #tpu.memory_space<hbm>> -> memref<1x40x128xi32, #tpu.memory_space<hbm>>
      %dma_wait3A_87 = tpu.memref_squeeze %dma_wait3A_86 : memref<1x40x128xi32, #tpu.memory_space<hbm>> -> memref<40x128xi32, #tpu.memory_space<hbm>>
      %dma_wait3A_88 = arith.constant 40 : i32
      %dma_wait3A_89 = arith.constant 0 : i32
      %dma_wait3A_90 = tpu.memref_slice %arg3[%add3A, %dma_wait3A_88, %dma_wait3A_89] : memref<32x80x128xi32, #tpu.memory_space<hbm>> -> memref<1x40x128xi32, #tpu.memory_space<hbm>>
      %dma_wait3A_91 = tpu.memref_squeeze %dma_wait3A_90 : memref<1x40x128xi32, #tpu.memory_space<hbm>> -> memref<40x128xi32, #tpu.memory_space<hbm>>
      tpu.wait_dma2 semaphore(%run_scoped3A : memref<!tpu.dma_semaphore, #tpu.memory_space<semaphore_mem>>) src(%dma_wait3A_91 : memref<40x128xi32, #tpu.memory_space<hbm>>) dst(%arg6 : memref<40x128xi32, #tpu.memory_space<vmem>>)
      tpu.yield
    }) : () -> ()
    "tpu.region"() ({
      %run_scoped3A = tpu.sem_alloc : memref<!tpu.dma_semaphore, #tpu.memory_space<semaphore_mem>>
      %dma_start3A_77 = arith.constant 40 : i32
      %dma_start3A_78 = arith.constant 0 : i32
      %dma_start3A_79 = tpu.memref_slice %arg4[%add3A, %dma_start3A_77, %dma_start3A_78] : memref<32x80x128xi32, #tpu.memory_space<hbm>> -> memref<1x40x128xi32, #tpu.memory_space<hbm>>
      %dma_start3A_80 = tpu.memref_squeeze %dma_start3A_79 : memref<1x40x128xi32, #tpu.memory_space<hbm>> -> memref<40x128xi32, #tpu.memory_space<hbm>>
      %dma_start3A_81 = arith.constant 40 : i32
      %dma_start3A_82 = arith.constant 0 : i32
      %dma_start3A_83 = tpu.memref_slice %arg4[%add3A, %dma_start3A_81, %dma_start3A_82] : memref<32x80x128xi32, #tpu.memory_space<hbm>> -> memref<1x40x128xi32, #tpu.memory_space<hbm>>
      %dma_start3A_84 = tpu.memref_squeeze %dma_start3A_83 : memref<1x40x128xi32, #tpu.memory_space<hbm>> -> memref<40x128xi32, #tpu.memory_space<hbm>>
      tpu.enqueue_dma source(%dma_start3A_84 : memref<40x128xi32, #tpu.memory_space<hbm>>) target(%arg7 : memref<40x128xi32, #tpu.memory_space<vmem>>) target_semaphore(%run_scoped3A : memref<!tpu.dma_semaphore, #tpu.memory_space<semaphore_mem>>)
      %dma_wait3A = arith.constant 40 : i32
      %dma_wait3A_85 = arith.constant 0 : i32
      %dma_wait3A_86 = tpu.memref_slice %arg4[%add3A, %dma_wait3A, %dma_wait3A_85] : memref<32x80x128xi32, #tpu.memory_space<hbm>> -> memref<1x40x128xi32, #tpu.memory_space<hbm>>
      %dma_wait3A_87 = tpu.memref_squeeze %dma_wait3A_86 : memref<1x40x128xi32, #tpu.memory_space<hbm>> -> memref<40x128xi32, #tpu.memory_space<hbm>>
      %dma_wait3A_88 = arith.constant 40 : i32
      %dma_wait3A_89 = arith.constant 0 : i32
      %dma_wait3A_90 = tpu.memref_slice %arg4[%add3A, %dma_wait3A_88, %dma_wait3A_89] : memref<32x80x128xi32, #tpu.memory_space<hbm>> -> memref<1x40x128xi32, #tpu.memory_space<hbm>>
      %dma_wait3A_91 = tpu.memref_squeeze %dma_wait3A_90 : memref<1x40x128xi32, #tpu.memory_space<hbm>> -> memref<40x128xi32, #tpu.memory_space<hbm>>
      tpu.wait_dma2 semaphore(%run_scoped3A : memref<!tpu.dma_semaphore, #tpu.memory_space<semaphore_mem>>) src(%dma_wait3A_91 : memref<40x128xi32, #tpu.memory_space<hbm>>) dst(%arg7 : memref<40x128xi32, #tpu.memory_space<vmem>>)
      tpu.yield
    }) : () -> ()
    %dma_start3A_42 = arith.constant 0 : i32
    %dma_start3A_43 = arith.constant 0 : i32
    %dma_start3A_44 = arith.constant 0 : i32
    %dma_start3A_45 = arith.constant 0 : i32
    %dma_start3A_46 = tpu.memref_slice %arg8[%dma_start3A_43, %dma_start3A_44, %dma_start3A_45] : memref<2x128x128xf32, #tpu.memory_space<vmem>> -> memref<1x128x128xf32, #tpu.memory_space<vmem>>
    %dma_start3A_47 = tpu.memref_squeeze %dma_start3A_46 : memref<1x128x128xf32, #tpu.memory_space<vmem>> -> memref<128x128xf32, #tpu.memory_space<vmem>>
    %dma_start3A_48 = arith.constant 0 : i32
    %dma_start3A_49 = tpu.memref_slice %arg6[%dma_start3A_42, %dma_start3A_48] : memref<40x128xi32, #tpu.memory_space<vmem>> -> memref<1x128xi32, #tpu.memory_space<vmem>>
    %dma_start3A_50 = tpu.memref_squeeze %dma_start3A_49 : memref<1x128xi32, #tpu.memory_space<vmem>> -> memref<128xi32, #tpu.memory_space<vmem>>
    %dma_start3A_51 = arith.constant 0 : i32
    %dma_start3A_52 = arith.constant 0 : i32
    %dma_start3A_53 = tpu.memref_slice %arg2[%dma_start3A_51, %dma_start3A_52] : memref<10240x128xf32, #tpu.memory_space<hbm>> -> memref<10240x128xf32, #tpu.memory_space<hbm>>
    tpu.enqueue_indirect_dma source(%dma_start3A_53 : memref<10240x128xf32, #tpu.memory_space<hbm>>) target(%dma_start3A_47 : memref<128x128xf32, #tpu.memory_space<vmem>>) offsets(%dma_start3A_50 : memref<128xi32, #tpu.memory_space<vmem>>) semaphore(%arg11 : memref<!tpu.dma_semaphore, #tpu.memory_space<semaphore_mem>>)
    %dma_start3A_54 = arith.constant 1 : i32
    %dma_start3A_55 = arith.constant 1 : i32
    %dma_start3A_56 = arith.constant 0 : i32
    %dma_start3A_57 = arith.constant 0 : i32
    %dma_start3A_58 = tpu.memref_slice %arg8[%dma_start3A_55, %dma_start3A_56, %dma_start3A_57] : memref<2x128x128xf32, #tpu.memory_space<vmem>> -> memref<1x128x128xf32, #tpu.memory_space<vmem>>
    %dma_start3A_59 = tpu.memref_squeeze %dma_start3A_58 : memref<1x128x128xf32, #tpu.memory_space<vmem>> -> memref<128x128xf32, #tpu.memory_space<vmem>>
    %dma_start3A_60 = arith.constant 0 : i32
    %dma_start3A_61 = tpu.memref_slice %arg6[%dma_start3A_54, %dma_start3A_60] : memref<40x128xi32, #tpu.memory_space<vmem>> -> memref<1x128xi32, #tpu.memory_space<vmem>>
    %dma_start3A_62 = tpu.memref_squeeze %dma_start3A_61 : memref<1x128xi32, #tpu.memory_space<vmem>> -> memref<128xi32, #tpu.memory_space<vmem>>
    %dma_start3A_63 = arith.constant 0 : i32
    %dma_start3A_64 = arith.constant 0 : i32
    %dma_start3A_65 = tpu.memref_slice %arg2[%dma_start3A_63, %dma_start3A_64] : memref<10240x128xf32, #tpu.memory_space<hbm>> -> memref<10240x128xf32, #tpu.memory_space<hbm>>
    tpu.enqueue_indirect_dma source(%dma_start3A_65 : memref<10240x128xf32, #tpu.memory_space<hbm>>) target(%dma_start3A_59 : memref<128x128xf32, #tpu.memory_space<vmem>>) offsets(%dma_start3A_62 : memref<128xi32, #tpu.memory_space<vmem>>) semaphore(%arg12 : memref<!tpu.dma_semaphore, #tpu.memory_space<semaphore_mem>>)
    %scan3A_66 = arith.constant 0 : i32
    %scan3A_67 = arith.constant 0 : i32
    %scan3A_68 = arith.constant 20 : i32
    %scan3A_69 = arith.addi %scan3A_67, %scan3A_68 : i32
    %scan3A_70 = arith.constant 1 : i32
    scf.for %scan3A_77 = %scan3A_67 to %scan3A_69 step %scan3A_70  : i32 {
      %mul3A_78 = arith.constant 2 : i32
      %mul3A_79 = arith.muli %scan3A_77, %mul3A_78 : i32
      %dma_wait3A = arith.constant 0 : i32
      %dma_wait3A_80 = arith.constant 0 : i32
      %dma_wait3A_81 = arith.constant 0 : i32
      %dma_wait3A_82 = tpu.memref_slice %arg8[%dma_wait3A, %dma_wait3A_80, %dma_wait3A_81] : memref<2x128x128xf32, #tpu.memory_space<vmem>> -> memref<1x128x128xf32, #tpu.memory_space<vmem>>
      %dma_wait3A_83 = tpu.memref_squeeze %dma_wait3A_82 : memref<1x128x128xf32, #tpu.memory_space<vmem>> -> memref<128x128xf32, #tpu.memory_space<vmem>>
      %dma_wait3A_84 = arith.constant 0 : i32
      %dma_wait3A_85 = tpu.memref_slice %arg6[%mul3A_79, %dma_wait3A_84] : memref<40x128xi32, #tpu.memory_space<vmem>> -> memref<1x128xi32, #tpu.memory_space<vmem>>
      %dma_wait3A_86 = tpu.memref_squeeze %dma_wait3A_85 : memref<1x128xi32, #tpu.memory_space<vmem>> -> memref<128xi32, #tpu.memory_space<vmem>>
      %dma_wait3A_87 = arith.constant 0 : i32
      %dma_wait3A_88 = arith.constant 0 : i32
      %dma_wait3A_89 = tpu.memref_slice %arg2[%dma_wait3A_87, %dma_wait3A_88] : memref<10240x128xf32, #tpu.memory_space<hbm>> -> memref<10240x128xf32, #tpu.memory_space<hbm>>
      tpu.wait_indirect_dma semaphore(%arg11 : memref<!tpu.dma_semaphore, #tpu.memory_space<semaphore_mem>>) src(%dma_wait3A_89 : memref<10240x128xf32, #tpu.memory_space<hbm>>) dst(%dma_wait3A_83 : memref<128x128xf32, #tpu.memory_space<vmem>>)
      %run_scoped3A = arith.constant 0 : i32
      "tpu.region"() ({
        %run_scoped3A_117 = tpu.sem_alloc : memref<!tpu.dma_semaphore, #tpu.memory_space<semaphore_mem>>
        %dma_start3A_118 = arith.constant 0 : i32
        %dma_start3A_119 = arith.constant 0 : i32
        %dma_start3A_120 = tpu.memref_slice %arg8[%run_scoped3A, %dma_start3A_118, %dma_start3A_119] : memref<2x128x128xf32, #tpu.memory_space<vmem>> -> memref<1x128x128xf32, #tpu.memory_space<vmem>>
        %dma_start3A_121 = tpu.memref_squeeze %dma_start3A_120 : memref<1x128x128xf32, #tpu.memory_space<vmem>> -> memref<128x128xf32, #tpu.memory_space<vmem>>
        %dma_start3A_122 = arith.constant 0 : i32
        %dma_start3A_123 = tpu.memref_slice %arg7[%mul3A_79, %dma_start3A_122] : memref<40x128xi32, #tpu.memory_space<vmem>> -> memref<1x128xi32, #tpu.memory_space<vmem>>
        %dma_start3A_124 = tpu.memref_squeeze %dma_start3A_123 : memref<1x128xi32, #tpu.memory_space<vmem>> -> memref<128xi32, #tpu.memory_space<vmem>>
        %dma_start3A_125 = arith.constant 0 : i32
        %dma_start3A_126 = arith.constant 0 : i32
        %dma_start3A_127 = tpu.memref_slice %arg10[%dma_start3A_125, %dma_start3A_126] : memref<10240x128xf32, #tpu.memory_space<vmem_shared>> -> memref<10240x128xf32, #tpu.memory_space<vmem_shared>>
        tpu.enqueue_indirect_dma source(%dma_start3A_121 : memref<128x128xf32, #tpu.memory_space<vmem>>) target(%dma_start3A_127 : memref<10240x128xf32, #tpu.memory_space<vmem_shared>>) offsets(%dma_start3A_124 : memref<128xi32, #tpu.memory_space<vmem>>) semaphore(%run_scoped3A_117 : memref<!tpu.dma_semaphore, #tpu.memory_space<semaphore_mem>>) {add = true}
        %dma_wait3A_128 = arith.constant 0 : i32
        %dma_wait3A_129 = arith.constant 0 : i32
        %dma_wait3A_130 = tpu.memref_slice %arg8[%run_scoped3A, %dma_wait3A_128, %dma_wait3A_129] : memref<2x128x128xf32, #tpu.memory_space<vmem>> -> memref<1x128x128xf32, #tpu.memory_space<vmem>>
        %dma_wait3A_131 = tpu.memref_squeeze %dma_wait3A_130 : memref<1x128x128xf32, #tpu.memory_space<vmem>> -> memref<128x128xf32, #tpu.memory_space<vmem>>
        %dma_wait3A_132 = arith.constant 0 : i32
        %dma_wait3A_133 = tpu.memref_slice %arg7[%mul3A_79, %dma_wait3A_132] : memref<40x128xi32, #tpu.memory_space<vmem>> -> memref<1x128xi32, #tpu.memory_space<vmem>>
        %dma_wait3A_134 = tpu.memref_squeeze %dma_wait3A_133 : memref<1x128xi32, #tpu.memory_space<vmem>> -> memref<128xi32, #tpu.memory_space<vmem>>
        %dma_wait3A_135 = arith.constant 0 : i32
        %dma_wait3A_136 = arith.constant 0 : i32
        %dma_wait3A_137 = tpu.memref_slice %arg10[%dma_wait3A_135, %dma_wait3A_136] : memref<10240x128xf32, #tpu.memory_space<vmem_shared>> -> memref<10240x128xf32, #tpu.memory_space<vmem_shared>>
        tpu.wait_indirect_dma semaphore(%run_scoped3A_117 : memref<!tpu.dma_semaphore, #tpu.memory_space<semaphore_mem>>) src(%dma_wait3A_131 : memref<128x128xf32, #tpu.memory_space<vmem>>) dst(%dma_wait3A_137 : memref<10240x128xf32, #tpu.memory_space<vmem_shared>>)
        tpu.yield
      }) : () -> ()
      %add3A_90 = arith.constant 2 : i32
      %add3A_91 = arith.addi %mul3A_79, %add3A_90 : i32
      %lt3A = arith.constant 40 : i32
      %lt3A_92 = arith.cmpi slt, %add3A_91, %lt3A : i32
      %convert_element_type3A = arith.extui %lt3A_92 : i1 to i32
      %cond3A = arith.constant 0 : i32
      %cond3A_93 = arith.cmpi ne, %convert_element_type3A, %cond3A : i32
      scf.if %cond3A_93 {
        %add3A_117 = arith.constant 2 : i32
        %add3A_118 = arith.addi %mul3A_79, %add3A_117 : i32
        %dma_start3A_119 = arith.constant 0 : i32
        %dma_start3A_120 = arith.constant 0 : i32
        %dma_start3A_121 = arith.constant 0 : i32
        %dma_start3A_122 = tpu.memref_slice %arg8[%dma_start3A_119, %dma_start3A_120, %dma_start3A_121] : memref<2x128x128xf32, #tpu.memory_space<vmem>> -> memref<1x128x128xf32, #tpu.memory_space<vmem>>
        %dma_start3A_123 = tpu.memref_squeeze %dma_start3A_122 : memref<1x128x128xf32, #tpu.memory_space<vmem>> -> memref<128x128xf32, #tpu.memory_space<vmem>>
        %dma_start3A_124 = arith.constant 0 : i32
        %dma_start3A_125 = tpu.memref_slice %arg6[%add3A_118, %dma_start3A_124] : memref<40x128xi32, #tpu.memory_space<vmem>> -> memref<1x128xi32, #tpu.memory_space<vmem>>
        %dma_start3A_126 = tpu.memref_squeeze %dma_start3A_125 : memref<1x128xi32, #tpu.memory_space<vmem>> -> memref<128xi32, #tpu.memory_space<vmem>>
        %dma_start3A_127 = arith.constant 0 : i32
        %dma_start3A_128 = arith.constant 0 : i32
        %dma_start3A_129 = tpu.memref_slice %arg2[%dma_start3A_127, %dma_start3A_128] : memref<10240x128xf32, #tpu.memory_space<hbm>> -> memref<10240x128xf32, #tpu.memory_space<hbm>>
        tpu.enqueue_indirect_dma source(%dma_start3A_129 : memref<10240x128xf32, #tpu.memory_space<hbm>>) target(%dma_start3A_123 : memref<128x128xf32, #tpu.memory_space<vmem>>) offsets(%dma_start3A_126 : memref<128xi32, #tpu.memory_space<vmem>>) semaphore(%arg11 : memref<!tpu.dma_semaphore, #tpu.memory_space<semaphore_mem>>)
      } else {
      }
      %add3A_94 = arith.constant 1 : i32
      %add3A_95 = arith.addi %mul3A_79, %add3A_94 : i32
      %dma_wait3A_96 = arith.constant 1 : i32
      %dma_wait3A_97 = arith.constant 0 : i32
      %dma_wait3A_98 = arith.constant 0 : i32
      %dma_wait3A_99 = tpu.memref_slice %arg8[%dma_wait3A_96, %dma_wait3A_97, %dma_wait3A_98] : memref<2x128x128xf32, #tpu.memory_space<vmem>> -> memref<1x128x128xf32, #tpu.memory_space<vmem>>
      %dma_wait3A_100 = tpu.memref_squeeze %dma_wait3A_99 : memref<1x128x128xf32, #tpu.memory_space<vmem>> -> memref<128x128xf32, #tpu.memory_space<vmem>>
      %dma_wait3A_101 = arith.constant 0 : i32
      %dma_wait3A_102 = tpu.memref_slice %arg6[%add3A_95, %dma_wait3A_101] : memref<40x128xi32, #tpu.memory_space<vmem>> -> memref<1x128xi32, #tpu.memory_space<vmem>>
      %dma_wait3A_103 = tpu.memref_squeeze %dma_wait3A_102 : memref<1x128xi32, #tpu.memory_space<vmem>> -> memref<128xi32, #tpu.memory_space<vmem>>
      %dma_wait3A_104 = arith.constant 0 : i32
      %dma_wait3A_105 = arith.constant 0 : i32
      %dma_wait3A_106 = tpu.memref_slice %arg2[%dma_wait3A_104, %dma_wait3A_105] : memref<10240x128xf32, #tpu.memory_space<hbm>> -> memref<10240x128xf32, #tpu.memory_space<hbm>>
      tpu.wait_indirect_dma semaphore(%arg12 : memref<!tpu.dma_semaphore, #tpu.memory_space<semaphore_mem>>) src(%dma_wait3A_106 : memref<10240x128xf32, #tpu.memory_space<hbm>>) dst(%dma_wait3A_100 : memref<128x128xf32, #tpu.memory_space<vmem>>)
      %add3A_107 = arith.constant 1 : i32
      %add3A_108 = arith.addi %mul3A_79, %add3A_107 : i32
      %run_scoped3A_109 = arith.constant 1 : i32
      "tpu.region"() ({
        %run_scoped3A_117 = tpu.sem_alloc : memref<!tpu.dma_semaphore, #tpu.memory_space<semaphore_mem>>
        %dma_start3A_118 = arith.constant 0 : i32
        %dma_start3A_119 = arith.constant 0 : i32
        %dma_start3A_120 = tpu.memref_slice %arg8[%run_scoped3A_109, %dma_start3A_118, %dma_start3A_119] : memref<2x128x128xf32, #tpu.memory_space<vmem>> -> memref<1x128x128xf32, #tpu.memory_space<vmem>>
        %dma_start3A_121 = tpu.memref_squeeze %dma_start3A_120 : memref<1x128x128xf32, #tpu.memory_space<vmem>> -> memref<128x128xf32, #tpu.memory_space<vmem>>
        %dma_start3A_122 = arith.constant 0 : i32
        %dma_start3A_123 = tpu.memref_slice %arg7[%add3A_108, %dma_start3A_122] : memref<40x128xi32, #tpu.memory_space<vmem>> -> memref<1x128xi32, #tpu.memory_space<vmem>>
        %dma_start3A_124 = tpu.memref_squeeze %dma_start3A_123 : memref<1x128xi32, #tpu.memory_space<vmem>> -> memref<128xi32, #tpu.memory_space<vmem>>
        %dma_start3A_125 = arith.constant 0 : i32
        %dma_start3A_126 = arith.constant 0 : i32
        %dma_start3A_127 = tpu.memref_slice %arg10[%dma_start3A_125, %dma_start3A_126] : memref<10240x128xf32, #tpu.memory_space<vmem_shared>> -> memref<10240x128xf32, #tpu.memory_space<vmem_shared>>
        tpu.enqueue_indirect_dma source(%dma_start3A_121 : memref<128x128xf32, #tpu.memory_space<vmem>>) target(%dma_start3A_127 : memref<10240x128xf32, #tpu.memory_space<vmem_shared>>) offsets(%dma_start3A_124 : memref<128xi32, #tpu.memory_space<vmem>>) semaphore(%run_scoped3A_117 : memref<!tpu.dma_semaphore, #tpu.memory_space<semaphore_mem>>) {add = true}
        %dma_wait3A_128 = arith.constant 0 : i32
        %dma_wait3A_129 = arith.constant 0 : i32
        %dma_wait3A_130 = tpu.memref_slice %arg8[%run_scoped3A_109, %dma_wait3A_128, %dma_wait3A_129] : memref<2x128x128xf32, #tpu.memory_space<vmem>> -> memref<1x128x128xf32, #tpu.memory_space<vmem>>
        %dma_wait3A_131 = tpu.memref_squeeze %dma_wait3A_130 : memref<1x128x128xf32, #tpu.memory_space<vmem>> -> memref<128x128xf32, #tpu.memory_space<vmem>>
        %dma_wait3A_132 = arith.constant 0 : i32
        %dma_wait3A_133 = tpu.memref_slice %arg7[%add3A_108, %dma_wait3A_132] : memref<40x128xi32, #tpu.memory_space<vmem>> -> memref<1x128xi32, #tpu.memory_space<vmem>>
        %dma_wait3A_134 = tpu.memref_squeeze %dma_wait3A_133 : memref<1x128xi32, #tpu.memory_space<vmem>> -> memref<128xi32, #tpu.memory_space<vmem>>
        %dma_wait3A_135 = arith.constant 0 : i32
        %dma_wait3A_136 = arith.constant 0 : i32
        %dma_wait3A_137 = tpu.memref_slice %arg10[%dma_wait3A_135, %dma_wait3A_136] : memref<10240x128xf32, #tpu.memory_space<vmem_shared>> -> memref<10240x128xf32, #tpu.memory_space<vmem_shared>>
        tpu.wait_indirect_dma semaphore(%run_scoped3A_117 : memref<!tpu.dma_semaphore, #tpu.memory_space<semaphore_mem>>) src(%dma_wait3A_131 : memref<128x128xf32, #tpu.memory_space<vmem>>) dst(%dma_wait3A_137 : memref<10240x128xf32, #tpu.memory_space<vmem_shared>>)
        tpu.yield
      }) : () -> ()
      %add3A_110 = arith.constant 3 : i32
      %add3A_111 = arith.addi %mul3A_79, %add3A_110 : i32
      %lt3A_112 = arith.constant 40 : i32
      %lt3A_113 = arith.cmpi slt, %add3A_111, %lt3A_112 : i32
      %convert_element_type3A_114 = arith.extui %lt3A_113 : i1 to i32
      %cond3A_115 = arith.constant 0 : i32
      %cond3A_116 = arith.cmpi ne, %convert_element_type3A_114, %cond3A_115 : i32
      scf.if %cond3A_116 {
        %add3A_117 = arith.constant 3 : i32
        %add3A_118 = arith.addi %mul3A_79, %add3A_117 : i32
        %dma_start3A_119 = arith.constant 1 : i32
        %dma_start3A_120 = arith.constant 0 : i32
        %dma_start3A_121 = arith.constant 0 : i32
        %dma_start3A_122 = tpu.memref_slice %arg8[%dma_start3A_119, %dma_start3A_120, %dma_start3A_121] : memref<2x128x128xf32, #tpu.memory_space<vmem>> -> memref<1x128x128xf32, #tpu.memory_space<vmem>>
        %dma_start3A_123 = tpu.memref_squeeze %dma_start3A_122 : memref<1x128x128xf32, #tpu.memory_space<vmem>> -> memref<128x128xf32, #tpu.memory_space<vmem>>
        %dma_start3A_124 = arith.constant 0 : i32
        %dma_start3A_125 = tpu.memref_slice %arg6[%add3A_118, %dma_start3A_124] : memref<40x128xi32, #tpu.memory_space<vmem>> -> memref<1x128xi32, #tpu.memory_space<vmem>>
        %dma_start3A_126 = tpu.memref_squeeze %dma_start3A_125 : memref<1x128xi32, #tpu.memory_space<vmem>> -> memref<128xi32, #tpu.memory_space<vmem>>
        %dma_start3A_127 = arith.constant 0 : i32
        %dma_start3A_128 = arith.constant 0 : i32
        %dma_start3A_129 = tpu.memref_slice %arg2[%dma_start3A_127, %dma_start3A_128] : memref<10240x128xf32, #tpu.memory_space<hbm>> -> memref<10240x128xf32, #tpu.memory_space<hbm>>
        tpu.enqueue_indirect_dma source(%dma_start3A_129 : memref<10240x128xf32, #tpu.memory_space<hbm>>) target(%dma_start3A_123 : memref<128x128xf32, #tpu.memory_space<vmem>>) offsets(%dma_start3A_126 : memref<128xi32, #tpu.memory_space<vmem>>) semaphore(%arg12 : memref<!tpu.dma_semaphore, #tpu.memory_space<semaphore_mem>>)
      } else {
      }
    }
    %scan3A_71 = arith.constant 20 : i32
    %barrier3A_72 = arith.constant 0 : index
    tpu.barrier barrier_id(%barrier3A_72)
    %mul3A_73 = arith.constant 640 : i32
    %mul3A_74 = arith.muli %arg1, %mul3A_73 : i32
    %mul3A_75 = arith.constant 640 : i32
    %mul3A_76 = arith.muli %arg1, %mul3A_75 : i32
    "tpu.region"() ({
      %run_scoped3A = tpu.sem_alloc : memref<!tpu.dma_semaphore, #tpu.memory_space<semaphore_mem>>
      %dma_start3A_77 = arith.constant 0 : i32
      %dma_start3A_78 = tpu.memref_slice %arg5[%arg0, %mul3A_76, %dma_start3A_77] : memref<2x10240x128xf32, #tpu.memory_space<hbm>> -> memref<1x640x128xf32, #tpu.memory_space<hbm>>
      %dma_start3A_79 = tpu.memref_squeeze %dma_start3A_78 : memref<1x640x128xf32, #tpu.memory_space<hbm>> -> memref<640x128xf32, #tpu.memory_space<hbm>>
      %dma_start3A_80 = arith.constant 0 : i32
      %dma_start3A_81 = tpu.memref_slice %arg10[%mul3A_74, %dma_start3A_80] : memref<10240x128xf32, #tpu.memory_space<vmem_shared>> -> memref<640x128xf32, #tpu.memory_space<vmem_shared>>
      tpu.enqueue_dma source(%dma_start3A_81 : memref<640x128xf32, #tpu.memory_space<vmem_shared>>) target(%dma_start3A_79 : memref<640x128xf32, #tpu.memory_space<hbm>>) target_semaphore(%run_scoped3A : memref<!tpu.dma_semaphore, #tpu.memory_space<semaphore_mem>>)
      %dma_wait3A = arith.constant 0 : i32
      %dma_wait3A_82 = tpu.memref_slice %arg5[%arg0, %mul3A_76, %dma_wait3A] : memref<2x10240x128xf32, #tpu.memory_space<hbm>> -> memref<1x640x128xf32, #tpu.memory_space<hbm>>
      %dma_wait3A_83 = tpu.memref_squeeze %dma_wait3A_82 : memref<1x640x128xf32, #tpu.memory_space<hbm>> -> memref<640x128xf32, #tpu.memory_space<hbm>>
      %dma_wait3A_84 = arith.constant 0 : i32
      %dma_wait3A_85 = tpu.memref_slice %arg10[%mul3A_74, %dma_wait3A_84] : memref<10240x128xf32, #tpu.memory_space<vmem_shared>> -> memref<640x128xf32, #tpu.memory_space<vmem_shared>>
      tpu.wait_dma2 semaphore(%run_scoped3A : memref<!tpu.dma_semaphore, #tpu.memory_space<semaphore_mem>>) src(%dma_wait3A_85 : memref<640x128xf32, #tpu.memory_space<vmem_shared>>) dst(%dma_wait3A_83 : memref<640x128xf32, #tpu.memory_space<hbm>>)
      tpu.yield
    }) : () -> ()
    return
  }
}

#map = affine_map<(d0, d1) -> (0, 0, 0)>
module attributes {stable_mosaic.version = 14 : i64} {
  func.func @_sc_degree(%arg0: i32, %arg1: i32, %arg2: memref<32x80x128xi32, #tpu.memory_space<hbm>>, %arg3: memref<2x16x640xf32, #tpu.memory_space<hbm>>, %arg4: memref<80x128xi32, #tpu.memory_space<vmem>>, %arg5: memref<128xf32, #tpu.memory_space<vmem>>, %arg6: memref<640xf32, #tpu.memory_space<vmem>>, %arg7: memref<10240xf32, #tpu.memory_space<vmem_shared>>) attributes {dimension_semantics = [#tpu.dimension_semantics<core_parallel>, #tpu.dimension_semantics<subcore_parallel>], iteration_bounds = array<i64: 2, 16>, scalar_prefetch = 0 : i64, scratch_operands = 4 : i64, tpu.core_type = #tpu.core_type<sc_vector_subcore>, window_params = [{transform_indices = #map}, {transform_indices = #map}]} {
    %mul3A = arith.constant 2 : i32
    %mul3A_0 = arith.muli %arg1, %mul3A : i32
    %add3A = arith.addi %mul3A_0, %arg0 : i32
    %broadcast_in_dim3A = arith.constant 0.000000e+00 : f32
    %broadcast_in_dim3A_1 = vector.broadcast %broadcast_in_dim3A : f32 to vector<16xf32>
    %broadcast_in_dim3A_2 = arith.constant 1.000000e+00 : f32
    %broadcast_in_dim3A_3 = vector.broadcast %broadcast_in_dim3A_2 : f32 to vector<16xf32>
    %swap3A = arith.constant 0 : index
    %swap3A_4 = tpu.vector_load %arg5[%swap3A] {strides = array<i32>} : memref<128xf32, #tpu.memory_space<vmem>>, vector<16xf32>,
    %swap3A_5 = vector.shape_cast %swap3A_4 : vector<16xf32> to vector<16xf32>
    %swap3A_6 = vector.shape_cast %broadcast_in_dim3A_3 : vector<16xf32> to vector<16xf32>
    tpu.vector_store %arg5[%swap3A], %swap3A_6 {strides = array<i32>} : memref<128xf32, #tpu.memory_space<vmem>>, vector<16xf32>,
    %swap3A_7 = arith.constant 16 : index
    %swap3A_8 = tpu.vector_load %arg5[%swap3A_7] {strides = array<i32>} : memref<128xf32, #tpu.memory_space<vmem>>, vector<16xf32>,
    %swap3A_9 = vector.shape_cast %swap3A_8 : vector<16xf32> to vector<16xf32>
    %swap3A_10 = vector.shape_cast %broadcast_in_dim3A_3 : vector<16xf32> to vector<16xf32>
    tpu.vector_store %arg5[%swap3A_7], %swap3A_10 {strides = array<i32>} : memref<128xf32, #tpu.memory_space<vmem>>, vector<16xf32>,
    %swap3A_11 = arith.constant 32 : index
    %swap3A_12 = tpu.vector_load %arg5[%swap3A_11] {strides = array<i32>} : memref<128xf32, #tpu.memory_space<vmem>>, vector<16xf32>,
    %swap3A_13 = vector.shape_cast %swap3A_12 : vector<16xf32> to vector<16xf32>
    %swap3A_14 = vector.shape_cast %broadcast_in_dim3A_3 : vector<16xf32> to vector<16xf32>
    tpu.vector_store %arg5[%swap3A_11], %swap3A_14 {strides = array<i32>} : memref<128xf32, #tpu.memory_space<vmem>>, vector<16xf32>,
    %swap3A_15 = arith.constant 48 : index
    %swap3A_16 = tpu.vector_load %arg5[%swap3A_15] {strides = array<i32>} : memref<128xf32, #tpu.memory_space<vmem>>, vector<16xf32>,
    %swap3A_17 = vector.shape_cast %swap3A_16 : vector<16xf32> to vector<16xf32>
    %swap3A_18 = vector.shape_cast %broadcast_in_dim3A_3 : vector<16xf32> to vector<16xf32>
    tpu.vector_store %arg5[%swap3A_15], %swap3A_18 {strides = array<i32>} : memref<128xf32, #tpu.memory_space<vmem>>, vector<16xf32>,
    %swap3A_19 = arith.constant 64 : index
    %swap3A_20 = tpu.vector_load %arg5[%swap3A_19] {strides = array<i32>} : memref<128xf32, #tpu.memory_space<vmem>>, vector<16xf32>,
    %swap3A_21 = vector.shape_cast %swap3A_20 : vector<16xf32> to vector<16xf32>
    %swap3A_22 = vector.shape_cast %broadcast_in_dim3A_3 : vector<16xf32> to vector<16xf32>
    tpu.vector_store %arg5[%swap3A_19], %swap3A_22 {strides = array<i32>} : memref<128xf32, #tpu.memory_space<vmem>>, vector<16xf32>,
    %swap3A_23 = arith.constant 80 : index
    %swap3A_24 = tpu.vector_load %arg5[%swap3A_23] {strides = array<i32>} : memref<128xf32, #tpu.memory_space<vmem>>, vector<16xf32>,
    %swap3A_25 = vector.shape_cast %swap3A_24 : vector<16xf32> to vector<16xf32>
    %swap3A_26 = vector.shape_cast %broadcast_in_dim3A_3 : vector<16xf32> to vector<16xf32>
    tpu.vector_store %arg5[%swap3A_23], %swap3A_26 {strides = array<i32>} : memref<128xf32, #tpu.memory_space<vmem>>, vector<16xf32>,
    %swap3A_27 = arith.constant 96 : index
    %swap3A_28 = tpu.vector_load %arg5[%swap3A_27] {strides = array<i32>} : memref<128xf32, #tpu.memory_space<vmem>>, vector<16xf32>,
    %swap3A_29 = vector.shape_cast %swap3A_28 : vector<16xf32> to vector<16xf32>
    %swap3A_30 = vector.shape_cast %broadcast_in_dim3A_3 : vector<16xf32> to vector<16xf32>
    tpu.vector_store %arg5[%swap3A_27], %swap3A_30 {strides = array<i32>} : memref<128xf32, #tpu.memory_space<vmem>>, vector<16xf32>,
    %swap3A_31 = arith.constant 112 : index
    %swap3A_32 = tpu.vector_load %arg5[%swap3A_31] {strides = array<i32>} : memref<128xf32, #tpu.memory_space<vmem>>, vector<16xf32>,
    %swap3A_33 = vector.shape_cast %swap3A_32 : vector<16xf32> to vector<16xf32>
    %swap3A_34 = vector.shape_cast %broadcast_in_dim3A_3 : vector<16xf32> to vector<16xf32>
    tpu.vector_store %arg5[%swap3A_31], %swap3A_34 {strides = array<i32>} : memref<128xf32, #tpu.memory_space<vmem>>, vector<16xf32>,
    %scan3A = arith.constant 0 : i32
    %scan3A_35 = arith.constant 0 : i32
    %scan3A_36 = arith.constant 40 : i32
    %scan3A_37 = arith.addi %scan3A_35, %scan3A_36 : i32
    %scan3A_38 = arith.constant 1 : i32
    scf.for %scan3A_51 = %scan3A_35 to %scan3A_37 step %scan3A_38  : i32 {
      %mul3A_52 = arith.constant 16 : i32
      %mul3A_53 = arith.muli %scan3A_51, %mul3A_52 : i32
      %swap3A_54 = arith.index_cast %mul3A_53 : i32 to index
      %swap3A_55 = tpu.vector_load %arg6[%swap3A_54] {strides = array<i32>} : memref<640xf32, #tpu.memory_space<vmem>>, vector<16xf32>,
      %swap3A_56 = vector.shape_cast %swap3A_55 : vector<16xf32> to vector<16xf32>
      %swap3A_57 = vector.shape_cast %broadcast_in_dim3A_1 : vector<16xf32> to vector<16xf32>
      tpu.vector_store %arg6[%swap3A_54], %swap3A_57 {strides = array<i32>} : memref<640xf32, #tpu.memory_space<vmem>>, vector<16xf32>,
    }
    %scan3A_39 = arith.constant 40 : i32
    %mul3A_40 = arith.constant 640 : i32
    %mul3A_41 = arith.muli %arg1, %mul3A_40 : i32
    "tpu.region"() ({
      %run_scoped3A = tpu.sem_alloc : memref<!tpu.dma_semaphore, #tpu.memory_space<semaphore_mem>>
      %dma_start3A = tpu.memref_slice %arg7[%mul3A_41] : memref<10240xf32, #tpu.memory_space<vmem_shared>> -> memref<640xf32, #tpu.memory_space<vmem_shared>>
      %dma_start3A_51 = tpu.memref_slice %arg7[%mul3A_41] : memref<10240xf32, #tpu.memory_space<vmem_shared>> -> memref<640xf32, #tpu.memory_space<vmem_shared>>
      tpu.enqueue_dma source(%arg6 : memref<640xf32, #tpu.memory_space<vmem>>) target(%dma_start3A_51 : memref<640xf32, #tpu.memory_space<vmem_shared>>) target_semaphore(%run_scoped3A : memref<!tpu.dma_semaphore, #tpu.memory_space<semaphore_mem>>)
      %dma_wait3A = tpu.memref_slice %arg7[%mul3A_41] : memref<10240xf32, #tpu.memory_space<vmem_shared>> -> memref<640xf32, #tpu.memory_space<vmem_shared>>
      %dma_wait3A_52 = tpu.memref_slice %arg7[%mul3A_41] : memref<10240xf32, #tpu.memory_space<vmem_shared>> -> memref<640xf32, #tpu.memory_space<vmem_shared>>
      tpu.wait_dma2 semaphore(%run_scoped3A : memref<!tpu.dma_semaphore, #tpu.memory_space<semaphore_mem>>) src(%arg6 : memref<640xf32, #tpu.memory_space<vmem>>) dst(%dma_wait3A_52 : memref<640xf32, #tpu.memory_space<vmem_shared>>)
      tpu.yield
    }) : () -> ()
    "tpu.region"() ({
      %run_scoped3A = tpu.sem_alloc : memref<!tpu.dma_semaphore, #tpu.memory_space<semaphore_mem>>
      %dma_start3A = arith.constant 0 : i32
      %dma_start3A_51 = arith.constant 0 : i32
      %dma_start3A_52 = tpu.memref_slice %arg2[%add3A, %dma_start3A, %dma_start3A_51] : memref<32x80x128xi32, #tpu.memory_space<hbm>> -> memref<1x80x128xi32, #tpu.memory_space<hbm>>
      %dma_start3A_53 = tpu.memref_squeeze %dma_start3A_52 : memref<1x80x128xi32, #tpu.memory_space<hbm>> -> memref<80x128xi32, #tpu.memory_space<hbm>>
      %dma_start3A_54 = arith.constant 0 : i32
      %dma_start3A_55 = arith.constant 0 : i32
      %dma_start3A_56 = tpu.memref_slice %arg2[%add3A, %dma_start3A_54, %dma_start3A_55] : memref<32x80x128xi32, #tpu.memory_space<hbm>> -> memref<1x80x128xi32, #tpu.memory_space<hbm>>
      %dma_start3A_57 = tpu.memref_squeeze %dma_start3A_56 : memref<1x80x128xi32, #tpu.memory_space<hbm>> -> memref<80x128xi32, #tpu.memory_space<hbm>>
      tpu.enqueue_dma source(%dma_start3A_57 : memref<80x128xi32, #tpu.memory_space<hbm>>) target(%arg4 : memref<80x128xi32, #tpu.memory_space<vmem>>) target_semaphore(%run_scoped3A : memref<!tpu.dma_semaphore, #tpu.memory_space<semaphore_mem>>)
      %dma_wait3A = arith.constant 0 : i32
      %dma_wait3A_58 = arith.constant 0 : i32
      %dma_wait3A_59 = tpu.memref_slice %arg2[%add3A, %dma_wait3A, %dma_wait3A_58] : memref<32x80x128xi32, #tpu.memory_space<hbm>> -> memref<1x80x128xi32, #tpu.memory_space<hbm>>
      %dma_wait3A_60 = tpu.memref_squeeze %dma_wait3A_59 : memref<1x80x128xi32, #tpu.memory_space<hbm>> -> memref<80x128xi32, #tpu.memory_space<hbm>>
      %dma_wait3A_61 = arith.constant 0 : i32
      %dma_wait3A_62 = arith.constant 0 : i32
      %dma_wait3A_63 = tpu.memref_slice %arg2[%add3A, %dma_wait3A_61, %dma_wait3A_62] : memref<32x80x128xi32, #tpu.memory_space<hbm>> -> memref<1x80x128xi32, #tpu.memory_space<hbm>>
      %dma_wait3A_64 = tpu.memref_squeeze %dma_wait3A_63 : memref<1x80x128xi32, #tpu.memory_space<hbm>> -> memref<80x128xi32, #tpu.memory_space<hbm>>
      tpu.wait_dma2 semaphore(%run_scoped3A : memref<!tpu.dma_semaphore, #tpu.memory_space<semaphore_mem>>) src(%dma_wait3A_64 : memref<80x128xi32, #tpu.memory_space<hbm>>) dst(%arg4 : memref<80x128xi32, #tpu.memory_space<vmem>>)
      tpu.yield
    }) : () -> ()
    %barrier3A = arith.constant 0 : index
    tpu.barrier barrier_id(%barrier3A)
    %scan3A_42 = arith.constant 0 : i32
    %scan3A_43 = arith.constant 0 : i32
    %scan3A_44 = arith.constant 80 : i32
    %scan3A_45 = arith.addi %scan3A_43, %scan3A_44 : i32
    %scan3A_46 = arith.constant 1 : i32
    scf.for %scan3A_51 = %scan3A_43 to %scan3A_45 step %scan3A_46  : i32 {
      "tpu.region"() ({
        %run_scoped3A = tpu.sem_alloc : memref<!tpu.dma_semaphore, #tpu.memory_space<semaphore_mem>>
        %dma_start3A = arith.constant 0 : i32
        %dma_start3A_52 = tpu.memref_slice %arg4[%scan3A_51, %dma_start3A] : memref<80x128xi32, #tpu.memory_space<vmem>> -> memref<1x128xi32, #tpu.memory_space<vmem>>
        %dma_start3A_53 = tpu.memref_squeeze %dma_start3A_52 : memref<1x128xi32, #tpu.memory_space<vmem>> -> memref<128xi32, #tpu.memory_space<vmem>>
        %dma_start3A_54 = arith.constant 0 : i32
        %dma_start3A_55 = tpu.memref_slice %arg7[%dma_start3A_54] : memref<10240xf32, #tpu.memory_space<vmem_shared>> -> memref<10240xf32, #tpu.memory_space<vmem_shared>>
        tpu.enqueue_indirect_dma source(%arg5 : memref<128xf32, #tpu.memory_space<vmem>>) target(%dma_start3A_55 : memref<10240xf32, #tpu.memory_space<vmem_shared>>) offsets(%dma_start3A_53 : memref<128xi32, #tpu.memory_space<vmem>>) semaphore(%run_scoped3A : memref<!tpu.dma_semaphore, #tpu.memory_space<semaphore_mem>>) {add = true}
        %dma_wait3A = arith.constant 0 : i32
        %dma_wait3A_56 = tpu.memref_slice %arg4[%scan3A_51, %dma_wait3A] : memref<80x128xi32, #tpu.memory_space<vmem>> -> memref<1x128xi32, #tpu.memory_space<vmem>>
        %dma_wait3A_57 = tpu.memref_squeeze %dma_wait3A_56 : memref<1x128xi32, #tpu.memory_space<vmem>> -> memref<128xi32, #tpu.memory_space<vmem>>
        %dma_wait3A_58 = arith.constant 0 : i32
        %dma_wait3A_59 = tpu.memref_slice %arg7[%dma_wait3A_58] : memref<10240xf32, #tpu.memory_space<vmem_shared>> -> memref<10240xf32, #tpu.memory_space<vmem_shared>>
        tpu.wait_indirect_dma semaphore(%run_scoped3A : memref<!tpu.dma_semaphore, #tpu.memory_space<semaphore_mem>>) src(%arg5 : memref<128xf32, #tpu.memory_space<vmem>>) dst(%dma_wait3A_59 : memref<10240xf32, #tpu.memory_space<vmem_shared>>)
        tpu.yield
      }) : () -> ()
    }
    %scan3A_47 = arith.constant 80 : i32
    %barrier3A_48 = arith.constant 0 : index
    tpu.barrier barrier_id(%barrier3A_48)
    %mul3A_49 = arith.constant 640 : i32
    %mul3A_50 = arith.muli %arg1, %mul3A_49 : i32
    "tpu.region"() ({
      %run_scoped3A = tpu.sem_alloc : memref<!tpu.dma_semaphore, #tpu.memory_space<semaphore_mem>>
      %dma_start3A = arith.constant 0 : i32
      %dma_start3A_51 = tpu.memref_slice %arg3[%arg0, %arg1, %dma_start3A] : memref<2x16x640xf32, #tpu.memory_space<hbm>> -> memref<1x1x640xf32, #tpu.memory_space<hbm>>
      %dma_start3A_52 = tpu.memref_squeeze %dma_start3A_51 : memref<1x1x640xf32, #tpu.memory_space<hbm>> -> memref<640xf32, #tpu.memory_space<hbm>>
      %dma_start3A_53 = tpu.memref_slice %arg7[%mul3A_50] : memref<10240xf32, #tpu.memory_space<vmem_shared>> -> memref<640xf32, #tpu.memory_space<vmem_shared>>
      tpu.enqueue_dma source(%dma_start3A_53 : memref<640xf32, #tpu.memory_space<vmem_shared>>) target(%dma_start3A_52 : memref<640xf32, #tpu.memory_space<hbm>>) target_semaphore(%run_scoped3A : memref<!tpu.dma_semaphore, #tpu.memory_space<semaphore_mem>>)
      %dma_wait3A = arith.constant 0 : i32
      %dma_wait3A_54 = tpu.memref_slice %arg3[%arg0, %arg1, %dma_wait3A] : memref<2x16x640xf32, #tpu.memory_space<hbm>> -> memref<1x1x640xf32, #tpu.memory_space<hbm>>
      %dma_wait3A_55 = tpu.memref_squeeze %dma_wait3A_54 : memref<1x1x640xf32, #tpu.memory_space<hbm>> -> memref<640xf32, #tpu.memory_space<hbm>>
      %dma_wait3A_56 = tpu.memref_slice %arg7[%mul3A_50] : memref<10240xf32, #tpu.memory_space<vmem_shared>> -> memref<640xf32, #tpu.memory_space<vmem_shared>>
      tpu.wait_dma2 semaphore(%run_scoped3A : memref<!tpu.dma_semaphore, #tpu.memory_space<semaphore_mem>>) src(%dma_wait3A_56 : memref<640xf32, #tpu.memory_space<vmem_shared>>) dst(%dma_wait3A_55 : memref<640xf32, #tpu.memory_space<hbm>>)
      tpu.yield
    }) : () -> ()
    return
  }
}

#map = affine_map<(d0, d1) -> (0, 0)>
#map1 = affine_map<(d0, d1) -> (0, 0, 0)>
module attributes {stable_mosaic.version = 14 : i64} {
  func.func @_sc_aggregate(%arg0: i32, %arg1: i32, %arg2: memref<10240x128xf32, #tpu.memory_space<hbm>>, %arg3: memref<32x80x128xi32, #tpu.memory_space<hbm>>, %arg4: memref<32x80x128xi32, #tpu.memory_space<hbm>>, %arg5: memref<2x10240x128xf32, #tpu.memory_space<hbm>>, %arg6: memref<40x128xi32, #tpu.memory_space<vmem>>, %arg7: memref<40x128xi32, #tpu.memory_space<vmem>>, %arg8: memref<2x128x128xf32, #tpu.memory_space<vmem>>, %arg9: memref<16x128xf32, #tpu.memory_space<vmem>>, %arg10: memref<10240x128xf32, #tpu.memory_space<vmem_shared>>, %arg11: memref<!tpu.dma_semaphore, #tpu.memory_space<semaphore_mem>>, %arg12: memref<!tpu.dma_semaphore, #tpu.memory_space<semaphore_mem>>) attributes {dimension_semantics = [#tpu.dimension_semantics<core_parallel>, #tpu.dimension_semantics<subcore_parallel>], iteration_bounds = array<i64: 2, 16>, scalar_prefetch = 0 : i64, scratch_operands = 7 : i64, tpu.core_type = #tpu.core_type<sc_vector_subcore>, window_params = [{transform_indices = #map}, {transform_indices = #map1}, {transform_indices = #map1}, {transform_indices = #map1}]} {
    %mul3A = arith.constant 2 : i32
    %mul3A_0 = arith.muli %arg1, %mul3A : i32
    %add3A = arith.addi %mul3A_0, %arg0 : i32
    %broadcast_in_dim3A = arith.constant 0.000000e+00 : f32
    %broadcast_in_dim3A_1 = vector.broadcast %broadcast_in_dim3A : f32 to vector<16xf32>
    %scan3A = arith.constant 0 : i32
    %scan3A_2 = arith.constant 0 : i32
    %scan3A_3 = arith.constant 16 : i32
    %scan3A_4 = arith.addi %scan3A_2, %scan3A_3 : i32
    %scan3A_5 = arith.constant 1 : i32
    scf.for %scan3A_77 = %scan3A_2 to %scan3A_4 step %scan3A_5  : i32 {
      %swap3A = arith.index_cast %scan3A_77 : i32 to index
      %swap3A_78 = arith.constant 0 : index
      %swap3A_79 = tpu.vector_load %arg9[%swap3A, %swap3A_78] {strides = array<i32>} : memref<16x128xf32, #tpu.memory_space<vmem>>, vector<1x16xf32>,
      %swap3A_80 = vector.shape_cast %swap3A_79 : vector<1x16xf32> to vector<16xf32>
      %swap3A_81 = vector.shape_cast %broadcast_in_dim3A_1 : vector<16xf32> to vector<1x16xf32>
      tpu.vector_store %arg9[%swap3A, %swap3A_78], %swap3A_81 {strides = array<i32>} : memref<16x128xf32, #tpu.memory_space<vmem>>, vector<1x16xf32>,
      %swap3A_82 = arith.index_cast %scan3A_77 : i32 to index
      %swap3A_83 = arith.constant 16 : index
      %swap3A_84 = tpu.vector_load %arg9[%swap3A_82, %swap3A_83] {strides = array<i32>} : memref<16x128xf32, #tpu.memory_space<vmem>>, vector<1x16xf32>,
      %swap3A_85 = vector.shape_cast %swap3A_84 : vector<1x16xf32> to vector<16xf32>
      %swap3A_86 = vector.shape_cast %broadcast_in_dim3A_1 : vector<16xf32> to vector<1x16xf32>
      tpu.vector_store %arg9[%swap3A_82, %swap3A_83], %swap3A_86 {strides = array<i32>} : memref<16x128xf32, #tpu.memory_space<vmem>>, vector<1x16xf32>,
      %swap3A_87 = arith.index_cast %scan3A_77 : i32 to index
      %swap3A_88 = arith.constant 32 : index
      %swap3A_89 = tpu.vector_load %arg9[%swap3A_87, %swap3A_88] {strides = array<i32>} : memref<16x128xf32, #tpu.memory_space<vmem>>, vector<1x16xf32>,
      %swap3A_90 = vector.shape_cast %swap3A_89 : vector<1x16xf32> to vector<16xf32>
      %swap3A_91 = vector.shape_cast %broadcast_in_dim3A_1 : vector<16xf32> to vector<1x16xf32>
      tpu.vector_store %arg9[%swap3A_87, %swap3A_88], %swap3A_91 {strides = array<i32>} : memref<16x128xf32, #tpu.memory_space<vmem>>, vector<1x16xf32>,
      %swap3A_92 = arith.index_cast %scan3A_77 : i32 to index
      %swap3A_93 = arith.constant 48 : index
      %swap3A_94 = tpu.vector_load %arg9[%swap3A_92, %swap3A_93] {strides = array<i32>} : memref<16x128xf32, #tpu.memory_space<vmem>>, vector<1x16xf32>,
      %swap3A_95 = vector.shape_cast %swap3A_94 : vector<1x16xf32> to vector<16xf32>
      %swap3A_96 = vector.shape_cast %broadcast_in_dim3A_1 : vector<16xf32> to vector<1x16xf32>
      tpu.vector_store %arg9[%swap3A_92, %swap3A_93], %swap3A_96 {strides = array<i32>} : memref<16x128xf32, #tpu.memory_space<vmem>>, vector<1x16xf32>,
      %swap3A_97 = arith.index_cast %scan3A_77 : i32 to index
      %swap3A_98 = arith.constant 64 : index
      %swap3A_99 = tpu.vector_load %arg9[%swap3A_97, %swap3A_98] {strides = array<i32>} : memref<16x128xf32, #tpu.memory_space<vmem>>, vector<1x16xf32>,
      %swap3A_100 = vector.shape_cast %swap3A_99 : vector<1x16xf32> to vector<16xf32>
      %swap3A_101 = vector.shape_cast %broadcast_in_dim3A_1 : vector<16xf32> to vector<1x16xf32>
      tpu.vector_store %arg9[%swap3A_97, %swap3A_98], %swap3A_101 {strides = array<i32>} : memref<16x128xf32, #tpu.memory_space<vmem>>, vector<1x16xf32>,
      %swap3A_102 = arith.index_cast %scan3A_77 : i32 to index
      %swap3A_103 = arith.constant 80 : index
      %swap3A_104 = tpu.vector_load %arg9[%swap3A_102, %swap3A_103] {strides = array<i32>} : memref<16x128xf32, #tpu.memory_space<vmem>>, vector<1x16xf32>,
      %swap3A_105 = vector.shape_cast %swap3A_104 : vector<1x16xf32> to vector<16xf32>
      %swap3A_106 = vector.shape_cast %broadcast_in_dim3A_1 : vector<16xf32> to vector<1x16xf32>
      tpu.vector_store %arg9[%swap3A_102, %swap3A_103], %swap3A_106 {strides = array<i32>} : memref<16x128xf32, #tpu.memory_space<vmem>>, vector<1x16xf32>,
      %swap3A_107 = arith.index_cast %scan3A_77 : i32 to index
      %swap3A_108 = arith.constant 96 : index
      %swap3A_109 = tpu.vector_load %arg9[%swap3A_107, %swap3A_108] {strides = array<i32>} : memref<16x128xf32, #tpu.memory_space<vmem>>, vector<1x16xf32>,
      %swap3A_110 = vector.shape_cast %swap3A_109 : vector<1x16xf32> to vector<16xf32>
      %swap3A_111 = vector.shape_cast %broadcast_in_dim3A_1 : vector<16xf32> to vector<1x16xf32>
      tpu.vector_store %arg9[%swap3A_107, %swap3A_108], %swap3A_111 {strides = array<i32>} : memref<16x128xf32, #tpu.memory_space<vmem>>, vector<1x16xf32>,
      %swap3A_112 = arith.index_cast %scan3A_77 : i32 to index
      %swap3A_113 = arith.constant 112 : index
      %swap3A_114 = tpu.vector_load %arg9[%swap3A_112, %swap3A_113] {strides = array<i32>} : memref<16x128xf32, #tpu.memory_space<vmem>>, vector<1x16xf32>,
      %swap3A_115 = vector.shape_cast %swap3A_114 : vector<1x16xf32> to vector<16xf32>
      %swap3A_116 = vector.shape_cast %broadcast_in_dim3A_1 : vector<16xf32> to vector<1x16xf32>
      tpu.vector_store %arg9[%swap3A_112, %swap3A_113], %swap3A_116 {strides = array<i32>} : memref<16x128xf32, #tpu.memory_space<vmem>>, vector<1x16xf32>,
    }
    %scan3A_6 = arith.constant 16 : i32
    "tpu.region"() ({
      %run_scoped3A = tpu.sem_alloc : memref<!tpu.dma_semaphore, #tpu.memory_space<semaphore_mem>>
      %dma_start3A_77 = arith.constant 0 : i32
      %dma_start3A_78 = arith.constant 0 : i32
      %dma_start3A_79 = tpu.memref_slice %arg3[%add3A, %dma_start3A_77, %dma_start3A_78] : memref<32x80x128xi32, #tpu.memory_space<hbm>> -> memref<1x40x128xi32, #tpu.memory_space<hbm>>
      %dma_start3A_80 = tpu.memref_squeeze %dma_start3A_79 : memref<1x40x128xi32, #tpu.memory_space<hbm>> -> memref<40x128xi32, #tpu.memory_space<hbm>>
      %dma_start3A_81 = arith.constant 0 : i32
      %dma_start3A_82 = arith.constant 0 : i32
      %dma_start3A_83 = tpu.memref_slice %arg3[%add3A, %dma_start3A_81, %dma_start3A_82] : memref<32x80x128xi32, #tpu.memory_space<hbm>> -> memref<1x40x128xi32, #tpu.memory_space<hbm>>
      %dma_start3A_84 = tpu.memref_squeeze %dma_start3A_83 : memref<1x40x128xi32, #tpu.memory_space<hbm>> -> memref<40x128xi32, #tpu.memory_space<hbm>>
      tpu.enqueue_dma source(%dma_start3A_84 : memref<40x128xi32, #tpu.memory_space<hbm>>) target(%arg6 : memref<40x128xi32, #tpu.memory_space<vmem>>) target_semaphore(%run_scoped3A : memref<!tpu.dma_semaphore, #tpu.memory_space<semaphore_mem>>)
      %dma_wait3A = arith.constant 0 : i32
      %dma_wait3A_85 = arith.constant 0 : i32
      %dma_wait3A_86 = tpu.memref_slice %arg3[%add3A, %dma_wait3A, %dma_wait3A_85] : memref<32x80x128xi32, #tpu.memory_space<hbm>> -> memref<1x40x128xi32, #tpu.memory_space<hbm>>
      %dma_wait3A_87 = tpu.memref_squeeze %dma_wait3A_86 : memref<1x40x128xi32, #tpu.memory_space<hbm>> -> memref<40x128xi32, #tpu.memory_space<hbm>>
      %dma_wait3A_88 = arith.constant 0 : i32
      %dma_wait3A_89 = arith.constant 0 : i32
      %dma_wait3A_90 = tpu.memref_slice %arg3[%add3A, %dma_wait3A_88, %dma_wait3A_89] : memref<32x80x128xi32, #tpu.memory_space<hbm>> -> memref<1x40x128xi32, #tpu.memory_space<hbm>>
      %dma_wait3A_91 = tpu.memref_squeeze %dma_wait3A_90 : memref<1x40x128xi32, #tpu.memory_space<hbm>> -> memref<40x128xi32, #tpu.memory_space<hbm>>
      tpu.wait_dma2 semaphore(%run_scoped3A : memref<!tpu.dma_semaphore, #tpu.memory_space<semaphore_mem>>) src(%dma_wait3A_91 : memref<40x128xi32, #tpu.memory_space<hbm>>) dst(%arg6 : memref<40x128xi32, #tpu.memory_space<vmem>>)
      tpu.yield
    }) : () -> ()
    "tpu.region"() ({
      %run_scoped3A = tpu.sem_alloc : memref<!tpu.dma_semaphore, #tpu.memory_space<semaphore_mem>>
      %dma_start3A_77 = arith.constant 0 : i32
      %dma_start3A_78 = arith.constant 0 : i32
      %dma_start3A_79 = tpu.memref_slice %arg4[%add3A, %dma_start3A_77, %dma_start3A_78] : memref<32x80x128xi32, #tpu.memory_space<hbm>> -> memref<1x40x128xi32, #tpu.memory_space<hbm>>
      %dma_start3A_80 = tpu.memref_squeeze %dma_start3A_79 : memref<1x40x128xi32, #tpu.memory_space<hbm>> -> memref<40x128xi32, #tpu.memory_space<hbm>>
      %dma_start3A_81 = arith.constant 0 : i32
      %dma_start3A_82 = arith.constant 0 : i32
      %dma_start3A_83 = tpu.memref_slice %arg4[%add3A, %dma_start3A_81, %dma_start3A_82] : memref<32x80x128xi32, #tpu.memory_space<hbm>> -> memref<1x40x128xi32, #tpu.memory_space<hbm>>
      %dma_start3A_84 = tpu.memref_squeeze %dma_start3A_83 : memref<1x40x128xi32, #tpu.memory_space<hbm>> -> memref<40x128xi32, #tpu.memory_space<hbm>>
      tpu.enqueue_dma source(%dma_start3A_84 : memref<40x128xi32, #tpu.memory_space<hbm>>) target(%arg7 : memref<40x128xi32, #tpu.memory_space<vmem>>) target_semaphore(%run_scoped3A : memref<!tpu.dma_semaphore, #tpu.memory_space<semaphore_mem>>)
      %dma_wait3A = arith.constant 0 : i32
      %dma_wait3A_85 = arith.constant 0 : i32
      %dma_wait3A_86 = tpu.memref_slice %arg4[%add3A, %dma_wait3A, %dma_wait3A_85] : memref<32x80x128xi32, #tpu.memory_space<hbm>> -> memref<1x40x128xi32, #tpu.memory_space<hbm>>
      %dma_wait3A_87 = tpu.memref_squeeze %dma_wait3A_86 : memref<1x40x128xi32, #tpu.memory_space<hbm>> -> memref<40x128xi32, #tpu.memory_space<hbm>>
      %dma_wait3A_88 = arith.constant 0 : i32
      %dma_wait3A_89 = arith.constant 0 : i32
      %dma_wait3A_90 = tpu.memref_slice %arg4[%add3A, %dma_wait3A_88, %dma_wait3A_89] : memref<32x80x128xi32, #tpu.memory_space<hbm>> -> memref<1x40x128xi32, #tpu.memory_space<hbm>>
      %dma_wait3A_91 = tpu.memref_squeeze %dma_wait3A_90 : memref<1x40x128xi32, #tpu.memory_space<hbm>> -> memref<40x128xi32, #tpu.memory_space<hbm>>
      tpu.wait_dma2 semaphore(%run_scoped3A : memref<!tpu.dma_semaphore, #tpu.memory_space<semaphore_mem>>) src(%dma_wait3A_91 : memref<40x128xi32, #tpu.memory_space<hbm>>) dst(%arg7 : memref<40x128xi32, #tpu.memory_space<vmem>>)
      tpu.yield
    }) : () -> ()
    %dma_start3A = arith.constant 0 : i32
    %dma_start3A_7 = arith.constant 0 : i32
    %dma_start3A_8 = arith.constant 0 : i32
    %dma_start3A_9 = arith.constant 0 : i32
    %dma_start3A_10 = tpu.memref_slice %arg8[%dma_start3A_7, %dma_start3A_8, %dma_start3A_9] : memref<2x128x128xf32, #tpu.memory_space<vmem>> -> memref<1x128x128xf32, #tpu.memory_space<vmem>>
    %dma_start3A_11 = tpu.memref_squeeze %dma_start3A_10 : memref<1x128x128xf32, #tpu.memory_space<vmem>> -> memref<128x128xf32, #tpu.memory_space<vmem>>
    %dma_start3A_12 = arith.constant 0 : i32
    %dma_start3A_13 = tpu.memref_slice %arg6[%dma_start3A, %dma_start3A_12] : memref<40x128xi32, #tpu.memory_space<vmem>> -> memref<1x128xi32, #tpu.memory_space<vmem>>
    %dma_start3A_14 = tpu.memref_squeeze %dma_start3A_13 : memref<1x128xi32, #tpu.memory_space<vmem>> -> memref<128xi32, #tpu.memory_space<vmem>>
    %dma_start3A_15 = arith.constant 0 : i32
    %dma_start3A_16 = arith.constant 0 : i32
    %dma_start3A_17 = tpu.memref_slice %arg2[%dma_start3A_15, %dma_start3A_16] : memref<10240x128xf32, #tpu.memory_space<hbm>> -> memref<10240x128xf32, #tpu.memory_space<hbm>>
    tpu.enqueue_indirect_dma source(%dma_start3A_17 : memref<10240x128xf32, #tpu.memory_space<hbm>>) target(%dma_start3A_11 : memref<128x128xf32, #tpu.memory_space<vmem>>) offsets(%dma_start3A_14 : memref<128xi32, #tpu.memory_space<vmem>>) semaphore(%arg11 : memref<!tpu.dma_semaphore, #tpu.memory_space<semaphore_mem>>)
    %dma_start3A_18 = arith.constant 1 : i32
    %dma_start3A_19 = arith.constant 1 : i32
    %dma_start3A_20 = arith.constant 0 : i32
    %dma_start3A_21 = arith.constant 0 : i32
    %dma_start3A_22 = tpu.memref_slice %arg8[%dma_start3A_19, %dma_start3A_20, %dma_start3A_21] : memref<2x128x128xf32, #tpu.memory_space<vmem>> -> memref<1x128x128xf32, #tpu.memory_space<vmem>>
    %dma_start3A_23 = tpu.memref_squeeze %dma_start3A_22 : memref<1x128x128xf32, #tpu.memory_space<vmem>> -> memref<128x128xf32, #tpu.memory_space<vmem>>
    %dma_start3A_24 = arith.constant 0 : i32
    %dma_start3A_25 = tpu.memref_slice %arg6[%dma_start3A_18, %dma_start3A_24] : memref<40x128xi32, #tpu.memory_space<vmem>> -> memref<1x128xi32, #tpu.memory_space<vmem>>
    %dma_start3A_26 = tpu.memref_squeeze %dma_start3A_25 : memref<1x128xi32, #tpu.memory_space<vmem>> -> memref<128xi32, #tpu.memory_space<vmem>>
    %dma_start3A_27 = arith.constant 0 : i32
    %dma_start3A_28 = arith.constant 0 : i32
    %dma_start3A_29 = tpu.memref_slice %arg2[%dma_start3A_27, %dma_start3A_28] : memref<10240x128xf32, #tpu.memory_space<hbm>> -> memref<10240x128xf32, #tpu.memory_space<hbm>>
    tpu.enqueue_indirect_dma source(%dma_start3A_29 : memref<10240x128xf32, #tpu.memory_space<hbm>>) target(%dma_start3A_23 : memref<128x128xf32, #tpu.memory_space<vmem>>) offsets(%dma_start3A_26 : memref<128xi32, #tpu.memory_space<vmem>>) semaphore(%arg12 : memref<!tpu.dma_semaphore, #tpu.memory_space<semaphore_mem>>)
    %scan3A_30 = arith.constant 0 : i32
    %scan3A_31 = arith.constant 0 : i32
    %scan3A_32 = arith.constant 40 : i32
    %scan3A_33 = arith.addi %scan3A_31, %scan3A_32 : i32
    %scan3A_34 = arith.constant 1 : i32
    scf.for %scan3A_77 = %scan3A_31 to %scan3A_33 step %scan3A_34  : i32 {
      %mul3A_78 = arith.constant 640 : i32
      %mul3A_79 = arith.muli %arg1, %mul3A_78 : i32
      %mul3A_80 = arith.constant 16 : i32
      %mul3A_81 = arith.muli %scan3A_77, %mul3A_80 : i32
      %add3A_82 = arith.addi %mul3A_79, %mul3A_81 : i32
      "tpu.region"() ({
        %run_scoped3A = tpu.sem_alloc : memref<!tpu.dma_semaphore, #tpu.memory_space<semaphore_mem>>
        %dma_start3A_83 = arith.constant 0 : i32
        %dma_start3A_84 = tpu.memref_slice %arg10[%add3A_82, %dma_start3A_83] : memref<10240x128xf32, #tpu.memory_space<vmem_shared>> -> memref<16x128xf32, #tpu.memory_space<vmem_shared>>
        %dma_start3A_85 = arith.constant 0 : i32
        %dma_start3A_86 = tpu.memref_slice %arg10[%add3A_82, %dma_start3A_85] : memref<10240x128xf32, #tpu.memory_space<vmem_shared>> -> memref<16x128xf32, #tpu.memory_space<vmem_shared>>
        tpu.enqueue_dma source(%arg9 : memref<16x128xf32, #tpu.memory_space<vmem>>) target(%dma_start3A_86 : memref<16x128xf32, #tpu.memory_space<vmem_shared>>) target_semaphore(%run_scoped3A : memref<!tpu.dma_semaphore, #tpu.memory_space<semaphore_mem>>)
        %dma_wait3A = arith.constant 0 : i32
        %dma_wait3A_87 = tpu.memref_slice %arg10[%add3A_82, %dma_wait3A] : memref<10240x128xf32, #tpu.memory_space<vmem_shared>> -> memref<16x128xf32, #tpu.memory_space<vmem_shared>>
        %dma_wait3A_88 = arith.constant 0 : i32
        %dma_wait3A_89 = tpu.memref_slice %arg10[%add3A_82, %dma_wait3A_88] : memref<10240x128xf32, #tpu.memory_space<vmem_shared>> -> memref<16x128xf32, #tpu.memory_space<vmem_shared>>
        tpu.wait_dma2 semaphore(%run_scoped3A : memref<!tpu.dma_semaphore, #tpu.memory_space<semaphore_mem>>) src(%arg9 : memref<16x128xf32, #tpu.memory_space<vmem>>) dst(%dma_wait3A_89 : memref<16x128xf32, #tpu.memory_space<vmem_shared>>)
        tpu.yield
      }) : () -> ()
    }
    %scan3A_35 = arith.constant 40 : i32
    %barrier3A = arith.constant 0 : index
    tpu.barrier barrier_id(%barrier3A)
    %scan3A_36 = arith.constant 0 : i32
    %scan3A_37 = arith.constant 0 : i32
    %scan3A_38 = arith.constant 20 : i32
    %scan3A_39 = arith.addi %scan3A_37, %scan3A_38 : i32
    %scan3A_40 = arith.constant 1 : i32
    scf.for %scan3A_77 = %scan3A_37 to %scan3A_39 step %scan3A_40  : i32 {
      %mul3A_78 = arith.constant 2 : i32
      %mul3A_79 = arith.muli %scan3A_77, %mul3A_78 : i32
      %dma_wait3A = arith.constant 0 : i32
      %dma_wait3A_80 = arith.constant 0 : i32
      %dma_wait3A_81 = arith.constant 0 : i32
      %dma_wait3A_82 = tpu.memref_slice %arg8[%dma_wait3A, %dma_wait3A_80, %dma_wait3A_81] : memref<2x128x128xf32, #tpu.memory_space<vmem>> -> memref<1x128x128xf32, #tpu.memory_space<vmem>>
      %dma_wait3A_83 = tpu.memref_squeeze %dma_wait3A_82 : memref<1x128x128xf32, #tpu.memory_space<vmem>> -> memref<128x128xf32, #tpu.memory_space<vmem>>
      %dma_wait3A_84 = arith.constant 0 : i32
      %dma_wait3A_85 = tpu.memref_slice %arg6[%mul3A_79, %dma_wait3A_84] : memref<40x128xi32, #tpu.memory_space<vmem>> -> memref<1x128xi32, #tpu.memory_space<vmem>>
      %dma_wait3A_86 = tpu.memref_squeeze %dma_wait3A_85 : memref<1x128xi32, #tpu.memory_space<vmem>> -> memref<128xi32, #tpu.memory_space<vmem>>
      %dma_wait3A_87 = arith.constant 0 : i32
      %dma_wait3A_88 = arith.constant 0 : i32
      %dma_wait3A_89 = tpu.memref_slice %arg2[%dma_wait3A_87, %dma_wait3A_88] : memref<10240x128xf32, #tpu.memory_space<hbm>> -> memref<10240x128xf32, #tpu.memory_space<hbm>>
      tpu.wait_indirect_dma semaphore(%arg11 : memref<!tpu.dma_semaphore, #tpu.memory_space<semaphore_mem>>) src(%dma_wait3A_89 : memref<10240x128xf32, #tpu.memory_space<hbm>>) dst(%dma_wait3A_83 : memref<128x128xf32, #tpu.memory_space<vmem>>)
      %run_scoped3A = arith.constant 0 : i32
      "tpu.region"() ({
        %run_scoped3A_117 = tpu.sem_alloc : memref<!tpu.dma_semaphore, #tpu.memory_space<semaphore_mem>>
        %dma_start3A_118 = arith.constant 0 : i32
        %dma_start3A_119 = arith.constant 0 : i32
        %dma_start3A_120 = tpu.memref_slice %arg8[%run_scoped3A, %dma_start3A_118, %dma_start3A_119] : memref<2x128x128xf32, #tpu.memory_space<vmem>> -> memref<1x128x128xf32, #tpu.memory_space<vmem>>
        %dma_start3A_121 = tpu.memref_squeeze %dma_start3A_120 : memref<1x128x128xf32, #tpu.memory_space<vmem>> -> memref<128x128xf32, #tpu.memory_space<vmem>>
        %dma_start3A_122 = arith.constant 0 : i32
        %dma_start3A_123 = tpu.memref_slice %arg7[%mul3A_79, %dma_start3A_122] : memref<40x128xi32, #tpu.memory_space<vmem>> -> memref<1x128xi32, #tpu.memory_space<vmem>>
        %dma_start3A_124 = tpu.memref_squeeze %dma_start3A_123 : memref<1x128xi32, #tpu.memory_space<vmem>> -> memref<128xi32, #tpu.memory_space<vmem>>
        %dma_start3A_125 = arith.constant 0 : i32
        %dma_start3A_126 = arith.constant 0 : i32
        %dma_start3A_127 = tpu.memref_slice %arg10[%dma_start3A_125, %dma_start3A_126] : memref<10240x128xf32, #tpu.memory_space<vmem_shared>> -> memref<10240x128xf32, #tpu.memory_space<vmem_shared>>
        tpu.enqueue_indirect_dma source(%dma_start3A_121 : memref<128x128xf32, #tpu.memory_space<vmem>>) target(%dma_start3A_127 : memref<10240x128xf32, #tpu.memory_space<vmem_shared>>) offsets(%dma_start3A_124 : memref<128xi32, #tpu.memory_space<vmem>>) semaphore(%run_scoped3A_117 : memref<!tpu.dma_semaphore, #tpu.memory_space<semaphore_mem>>) {add = true}
        %dma_wait3A_128 = arith.constant 0 : i32
        %dma_wait3A_129 = arith.constant 0 : i32
        %dma_wait3A_130 = tpu.memref_slice %arg8[%run_scoped3A, %dma_wait3A_128, %dma_wait3A_129] : memref<2x128x128xf32, #tpu.memory_space<vmem>> -> memref<1x128x128xf32, #tpu.memory_space<vmem>>
        %dma_wait3A_131 = tpu.memref_squeeze %dma_wait3A_130 : memref<1x128x128xf32, #tpu.memory_space<vmem>> -> memref<128x128xf32, #tpu.memory_space<vmem>>
        %dma_wait3A_132 = arith.constant 0 : i32
        %dma_wait3A_133 = tpu.memref_slice %arg7[%mul3A_79, %dma_wait3A_132] : memref<40x128xi32, #tpu.memory_space<vmem>> -> memref<1x128xi32, #tpu.memory_space<vmem>>
        %dma_wait3A_134 = tpu.memref_squeeze %dma_wait3A_133 : memref<1x128xi32, #tpu.memory_space<vmem>> -> memref<128xi32, #tpu.memory_space<vmem>>
        %dma_wait3A_135 = arith.constant 0 : i32
        %dma_wait3A_136 = arith.constant 0 : i32
        %dma_wait3A_137 = tpu.memref_slice %arg10[%dma_wait3A_135, %dma_wait3A_136] : memref<10240x128xf32, #tpu.memory_space<vmem_shared>> -> memref<10240x128xf32, #tpu.memory_space<vmem_shared>>
        tpu.wait_indirect_dma semaphore(%run_scoped3A_117 : memref<!tpu.dma_semaphore, #tpu.memory_space<semaphore_mem>>) src(%dma_wait3A_131 : memref<128x128xf32, #tpu.memory_space<vmem>>) dst(%dma_wait3A_137 : memref<10240x128xf32, #tpu.memory_space<vmem_shared>>)
        tpu.yield
      }) : () -> ()
      %add3A_90 = arith.constant 2 : i32
      %add3A_91 = arith.addi %mul3A_79, %add3A_90 : i32
      %lt3A = arith.constant 40 : i32
      %lt3A_92 = arith.cmpi slt, %add3A_91, %lt3A : i32
      %convert_element_type3A = arith.extui %lt3A_92 : i1 to i32
      %cond3A = arith.constant 0 : i32
      %cond3A_93 = arith.cmpi ne, %convert_element_type3A, %cond3A : i32
      scf.if %cond3A_93 {
        %add3A_117 = arith.constant 2 : i32
        %add3A_118 = arith.addi %mul3A_79, %add3A_117 : i32
        %dma_start3A_119 = arith.constant 0 : i32
        %dma_start3A_120 = arith.constant 0 : i32
        %dma_start3A_121 = arith.constant 0 : i32
        %dma_start3A_122 = tpu.memref_slice %arg8[%dma_start3A_119, %dma_start3A_120, %dma_start3A_121] : memref<2x128x128xf32, #tpu.memory_space<vmem>> -> memref<1x128x128xf32, #tpu.memory_space<vmem>>
        %dma_start3A_123 = tpu.memref_squeeze %dma_start3A_122 : memref<1x128x128xf32, #tpu.memory_space<vmem>> -> memref<128x128xf32, #tpu.memory_space<vmem>>
        %dma_start3A_124 = arith.constant 0 : i32
        %dma_start3A_125 = tpu.memref_slice %arg6[%add3A_118, %dma_start3A_124] : memref<40x128xi32, #tpu.memory_space<vmem>> -> memref<1x128xi32, #tpu.memory_space<vmem>>
        %dma_start3A_126 = tpu.memref_squeeze %dma_start3A_125 : memref<1x128xi32, #tpu.memory_space<vmem>> -> memref<128xi32, #tpu.memory_space<vmem>>
        %dma_start3A_127 = arith.constant 0 : i32
        %dma_start3A_128 = arith.constant 0 : i32
        %dma_start3A_129 = tpu.memref_slice %arg2[%dma_start3A_127, %dma_start3A_128] : memref<10240x128xf32, #tpu.memory_space<hbm>> -> memref<10240x128xf32, #tpu.memory_space<hbm>>
        tpu.enqueue_indirect_dma source(%dma_start3A_129 : memref<10240x128xf32, #tpu.memory_space<hbm>>) target(%dma_start3A_123 : memref<128x128xf32, #tpu.memory_space<vmem>>) offsets(%dma_start3A_126 : memref<128xi32, #tpu.memory_space<vmem>>) semaphore(%arg11 : memref<!tpu.dma_semaphore, #tpu.memory_space<semaphore_mem>>)
      } else {
      }
      %add3A_94 = arith.constant 1 : i32
      %add3A_95 = arith.addi %mul3A_79, %add3A_94 : i32
      %dma_wait3A_96 = arith.constant 1 : i32
      %dma_wait3A_97 = arith.constant 0 : i32
      %dma_wait3A_98 = arith.constant 0 : i32
      %dma_wait3A_99 = tpu.memref_slice %arg8[%dma_wait3A_96, %dma_wait3A_97, %dma_wait3A_98] : memref<2x128x128xf32, #tpu.memory_space<vmem>> -> memref<1x128x128xf32, #tpu.memory_space<vmem>>
      %dma_wait3A_100 = tpu.memref_squeeze %dma_wait3A_99 : memref<1x128x128xf32, #tpu.memory_space<vmem>> -> memref<128x128xf32, #tpu.memory_space<vmem>>
      %dma_wait3A_101 = arith.constant 0 : i32
      %dma_wait3A_102 = tpu.memref_slice %arg6[%add3A_95, %dma_wait3A_101] : memref<40x128xi32, #tpu.memory_space<vmem>> -> memref<1x128xi32, #tpu.memory_space<vmem>>
      %dma_wait3A_103 = tpu.memref_squeeze %dma_wait3A_102 : memref<1x128xi32, #tpu.memory_space<vmem>> -> memref<128xi32, #tpu.memory_space<vmem>>
      %dma_wait3A_104 = arith.constant 0 : i32
      %dma_wait3A_105 = arith.constant 0 : i32
      %dma_wait3A_106 = tpu.memref_slice %arg2[%dma_wait3A_104, %dma_wait3A_105] : memref<10240x128xf32, #tpu.memory_space<hbm>> -> memref<10240x128xf32, #tpu.memory_space<hbm>>
      tpu.wait_indirect_dma semaphore(%arg12 : memref<!tpu.dma_semaphore, #tpu.memory_space<semaphore_mem>>) src(%dma_wait3A_106 : memref<10240x128xf32, #tpu.memory_space<hbm>>) dst(%dma_wait3A_100 : memref<128x128xf32, #tpu.memory_space<vmem>>)
      %add3A_107 = arith.constant 1 : i32
      %add3A_108 = arith.addi %mul3A_79, %add3A_107 : i32
      %run_scoped3A_109 = arith.constant 1 : i32
      "tpu.region"() ({
        %run_scoped3A_117 = tpu.sem_alloc : memref<!tpu.dma_semaphore, #tpu.memory_space<semaphore_mem>>
        %dma_start3A_118 = arith.constant 0 : i32
        %dma_start3A_119 = arith.constant 0 : i32
        %dma_start3A_120 = tpu.memref_slice %arg8[%run_scoped3A_109, %dma_start3A_118, %dma_start3A_119] : memref<2x128x128xf32, #tpu.memory_space<vmem>> -> memref<1x128x128xf32, #tpu.memory_space<vmem>>
        %dma_start3A_121 = tpu.memref_squeeze %dma_start3A_120 : memref<1x128x128xf32, #tpu.memory_space<vmem>> -> memref<128x128xf32, #tpu.memory_space<vmem>>
        %dma_start3A_122 = arith.constant 0 : i32
        %dma_start3A_123 = tpu.memref_slice %arg7[%add3A_108, %dma_start3A_122] : memref<40x128xi32, #tpu.memory_space<vmem>> -> memref<1x128xi32, #tpu.memory_space<vmem>>
        %dma_start3A_124 = tpu.memref_squeeze %dma_start3A_123 : memref<1x128xi32, #tpu.memory_space<vmem>> -> memref<128xi32, #tpu.memory_space<vmem>>
        %dma_start3A_125 = arith.constant 0 : i32
        %dma_start3A_126 = arith.constant 0 : i32
        %dma_start3A_127 = tpu.memref_slice %arg10[%dma_start3A_125, %dma_start3A_126] : memref<10240x128xf32, #tpu.memory_space<vmem_shared>> -> memref<10240x128xf32, #tpu.memory_space<vmem_shared>>
        tpu.enqueue_indirect_dma source(%dma_start3A_121 : memref<128x128xf32, #tpu.memory_space<vmem>>) target(%dma_start3A_127 : memref<10240x128xf32, #tpu.memory_space<vmem_shared>>) offsets(%dma_start3A_124 : memref<128xi32, #tpu.memory_space<vmem>>) semaphore(%run_scoped3A_117 : memref<!tpu.dma_semaphore, #tpu.memory_space<semaphore_mem>>) {add = true}
        %dma_wait3A_128 = arith.constant 0 : i32
        %dma_wait3A_129 = arith.constant 0 : i32
        %dma_wait3A_130 = tpu.memref_slice %arg8[%run_scoped3A_109, %dma_wait3A_128, %dma_wait3A_129] : memref<2x128x128xf32, #tpu.memory_space<vmem>> -> memref<1x128x128xf32, #tpu.memory_space<vmem>>
        %dma_wait3A_131 = tpu.memref_squeeze %dma_wait3A_130 : memref<1x128x128xf32, #tpu.memory_space<vmem>> -> memref<128x128xf32, #tpu.memory_space<vmem>>
        %dma_wait3A_132 = arith.constant 0 : i32
        %dma_wait3A_133 = tpu.memref_slice %arg7[%add3A_108, %dma_wait3A_132] : memref<40x128xi32, #tpu.memory_space<vmem>> -> memref<1x128xi32, #tpu.memory_space<vmem>>
        %dma_wait3A_134 = tpu.memref_squeeze %dma_wait3A_133 : memref<1x128xi32, #tpu.memory_space<vmem>> -> memref<128xi32, #tpu.memory_space<vmem>>
        %dma_wait3A_135 = arith.constant 0 : i32
        %dma_wait3A_136 = arith.constant 0 : i32
        %dma_wait3A_137 = tpu.memref_slice %arg10[%dma_wait3A_135, %dma_wait3A_136] : memref<10240x128xf32, #tpu.memory_space<vmem_shared>> -> memref<10240x128xf32, #tpu.memory_space<vmem_shared>>
        tpu.wait_indirect_dma semaphore(%run_scoped3A_117 : memref<!tpu.dma_semaphore, #tpu.memory_space<semaphore_mem>>) src(%dma_wait3A_131 : memref<128x128xf32, #tpu.memory_space<vmem>>) dst(%dma_wait3A_137 : memref<10240x128xf32, #tpu.memory_space<vmem_shared>>)
        tpu.yield
      }) : () -> ()
      %add3A_110 = arith.constant 3 : i32
      %add3A_111 = arith.addi %mul3A_79, %add3A_110 : i32
      %lt3A_112 = arith.constant 40 : i32
      %lt3A_113 = arith.cmpi slt, %add3A_111, %lt3A_112 : i32
      %convert_element_type3A_114 = arith.extui %lt3A_113 : i1 to i32
      %cond3A_115 = arith.constant 0 : i32
      %cond3A_116 = arith.cmpi ne, %convert_element_type3A_114, %cond3A_115 : i32
      scf.if %cond3A_116 {
        %add3A_117 = arith.constant 3 : i32
        %add3A_118 = arith.addi %mul3A_79, %add3A_117 : i32
        %dma_start3A_119 = arith.constant 1 : i32
        %dma_start3A_120 = arith.constant 0 : i32
        %dma_start3A_121 = arith.constant 0 : i32
        %dma_start3A_122 = tpu.memref_slice %arg8[%dma_start3A_119, %dma_start3A_120, %dma_start3A_121] : memref<2x128x128xf32, #tpu.memory_space<vmem>> -> memref<1x128x128xf32, #tpu.memory_space<vmem>>
        %dma_start3A_123 = tpu.memref_squeeze %dma_start3A_122 : memref<1x128x128xf32, #tpu.memory_space<vmem>> -> memref<128x128xf32, #tpu.memory_space<vmem>>
        %dma_start3A_124 = arith.constant 0 : i32
        %dma_start3A_125 = tpu.memref_slice %arg6[%add3A_118, %dma_start3A_124] : memref<40x128xi32, #tpu.memory_space<vmem>> -> memref<1x128xi32, #tpu.memory_space<vmem>>
        %dma_start3A_126 = tpu.memref_squeeze %dma_start3A_125 : memref<1x128xi32, #tpu.memory_space<vmem>> -> memref<128xi32, #tpu.memory_space<vmem>>
        %dma_start3A_127 = arith.constant 0 : i32
        %dma_start3A_128 = arith.constant 0 : i32
        %dma_start3A_129 = tpu.memref_slice %arg2[%dma_start3A_127, %dma_start3A_128] : memref<10240x128xf32, #tpu.memory_space<hbm>> -> memref<10240x128xf32, #tpu.memory_space<hbm>>
        tpu.enqueue_indirect_dma source(%dma_start3A_129 : memref<10240x128xf32, #tpu.memory_space<hbm>>) target(%dma_start3A_123 : memref<128x128xf32, #tpu.memory_space<vmem>>) offsets(%dma_start3A_126 : memref<128xi32, #tpu.memory_space<vmem>>) semaphore(%arg12 : memref<!tpu.dma_semaphore, #tpu.memory_space<semaphore_mem>>)
      } else {
      }
    }
    %scan3A_41 = arith.constant 20 : i32
    "tpu.region"() ({
      %run_scoped3A = tpu.sem_alloc : memref<!tpu.dma_semaphore, #tpu.memory_space<semaphore_mem>>
      %dma_start3A_77 = arith.constant 40 : i32
      %dma_start3A_78 = arith.constant 0 : i32
      %dma_start3A_79 = tpu.memref_slice %arg3[%add3A, %dma_start3A_77, %dma_start3A_78] : memref<32x80x128xi32, #tpu.memory_space<hbm>> -> memref<1x40x128xi32, #tpu.memory_space<hbm>>
      %dma_start3A_80 = tpu.memref_squeeze %dma_start3A_79 : memref<1x40x128xi32, #tpu.memory_space<hbm>> -> memref<40x128xi32, #tpu.memory_space<hbm>>
      %dma_start3A_81 = arith.constant 40 : i32
      %dma_start3A_82 = arith.constant 0 : i32
      %dma_start3A_83 = tpu.memref_slice %arg3[%add3A, %dma_start3A_81, %dma_start3A_82] : memref<32x80x128xi32, #tpu.memory_space<hbm>> -> memref<1x40x128xi32, #tpu.memory_space<hbm>>
      %dma_start3A_84 = tpu.memref_squeeze %dma_start3A_83 : memref<1x40x128xi32, #tpu.memory_space<hbm>> -> memref<40x128xi32, #tpu.memory_space<hbm>>
      tpu.enqueue_dma source(%dma_start3A_84 : memref<40x128xi32, #tpu.memory_space<hbm>>) target(%arg6 : memref<40x128xi32, #tpu.memory_space<vmem>>) target_semaphore(%run_scoped3A : memref<!tpu.dma_semaphore, #tpu.memory_space<semaphore_mem>>)
      %dma_wait3A = arith.constant 40 : i32
      %dma_wait3A_85 = arith.constant 0 : i32
      %dma_wait3A_86 = tpu.memref_slice %arg3[%add3A, %dma_wait3A, %dma_wait3A_85] : memref<32x80x128xi32, #tpu.memory_space<hbm>> -> memref<1x40x128xi32, #tpu.memory_space<hbm>>
      %dma_wait3A_87 = tpu.memref_squeeze %dma_wait3A_86 : memref<1x40x128xi32, #tpu.memory_space<hbm>> -> memref<40x128xi32, #tpu.memory_space<hbm>>
      %dma_wait3A_88 = arith.constant 40 : i32
      %dma_wait3A_89 = arith.constant 0 : i32
      %dma_wait3A_90 = tpu.memref_slice %arg3[%add3A, %dma_wait3A_88, %dma_wait3A_89] : memref<32x80x128xi32, #tpu.memory_space<hbm>> -> memref<1x40x128xi32, #tpu.memory_space<hbm>>
      %dma_wait3A_91 = tpu.memref_squeeze %dma_wait3A_90 : memref<1x40x128xi32, #tpu.memory_space<hbm>> -> memref<40x128xi32, #tpu.memory_space<hbm>>
      tpu.wait_dma2 semaphore(%run_scoped3A : memref<!tpu.dma_semaphore, #tpu.memory_space<semaphore_mem>>) src(%dma_wait3A_91 : memref<40x128xi32, #tpu.memory_space<hbm>>) dst(%arg6 : memref<40x128xi32, #tpu.memory_space<vmem>>)
      tpu.yield
    }) : () -> ()
    "tpu.region"() ({
      %run_scoped3A = tpu.sem_alloc : memref<!tpu.dma_semaphore, #tpu.memory_space<semaphore_mem>>
      %dma_start3A_77 = arith.constant 40 : i32
      %dma_start3A_78 = arith.constant 0 : i32
      %dma_start3A_79 = tpu.memref_slice %arg4[%add3A, %dma_start3A_77, %dma_start3A_78] : memref<32x80x128xi32, #tpu.memory_space<hbm>> -> memref<1x40x128xi32, #tpu.memory_space<hbm>>
      %dma_start3A_80 = tpu.memref_squeeze %dma_start3A_79 : memref<1x40x128xi32, #tpu.memory_space<hbm>> -> memref<40x128xi32, #tpu.memory_space<hbm>>
      %dma_start3A_81 = arith.constant 40 : i32
      %dma_start3A_82 = arith.constant 0 : i32
      %dma_start3A_83 = tpu.memref_slice %arg4[%add3A, %dma_start3A_81, %dma_start3A_82] : memref<32x80x128xi32, #tpu.memory_space<hbm>> -> memref<1x40x128xi32, #tpu.memory_space<hbm>>
      %dma_start3A_84 = tpu.memref_squeeze %dma_start3A_83 : memref<1x40x128xi32, #tpu.memory_space<hbm>> -> memref<40x128xi32, #tpu.memory_space<hbm>>
      tpu.enqueue_dma source(%dma_start3A_84 : memref<40x128xi32, #tpu.memory_space<hbm>>) target(%arg7 : memref<40x128xi32, #tpu.memory_space<vmem>>) target_semaphore(%run_scoped3A : memref<!tpu.dma_semaphore, #tpu.memory_space<semaphore_mem>>)
      %dma_wait3A = arith.constant 40 : i32
      %dma_wait3A_85 = arith.constant 0 : i32
      %dma_wait3A_86 = tpu.memref_slice %arg4[%add3A, %dma_wait3A, %dma_wait3A_85] : memref<32x80x128xi32, #tpu.memory_space<hbm>> -> memref<1x40x128xi32, #tpu.memory_space<hbm>>
      %dma_wait3A_87 = tpu.memref_squeeze %dma_wait3A_86 : memref<1x40x128xi32, #tpu.memory_space<hbm>> -> memref<40x128xi32, #tpu.memory_space<hbm>>
      %dma_wait3A_88 = arith.constant 40 : i32
      %dma_wait3A_89 = arith.constant 0 : i32
      %dma_wait3A_90 = tpu.memref_slice %arg4[%add3A, %dma_wait3A_88, %dma_wait3A_89] : memref<32x80x128xi32, #tpu.memory_space<hbm>> -> memref<1x40x128xi32, #tpu.memory_space<hbm>>
      %dma_wait3A_91 = tpu.memref_squeeze %dma_wait3A_90 : memref<1x40x128xi32, #tpu.memory_space<hbm>> -> memref<40x128xi32, #tpu.memory_space<hbm>>
      tpu.wait_dma2 semaphore(%run_scoped3A : memref<!tpu.dma_semaphore, #tpu.memory_space<semaphore_mem>>) src(%dma_wait3A_91 : memref<40x128xi32, #tpu.memory_space<hbm>>) dst(%arg7 : memref<40x128xi32, #tpu.memory_space<vmem>>)
      tpu.yield
    }) : () -> ()
    %dma_start3A_42 = arith.constant 0 : i32
    %dma_start3A_43 = arith.constant 0 : i32
    %dma_start3A_44 = arith.constant 0 : i32
    %dma_start3A_45 = arith.constant 0 : i32
    %dma_start3A_46 = tpu.memref_slice %arg8[%dma_start3A_43, %dma_start3A_44, %dma_start3A_45] : memref<2x128x128xf32, #tpu.memory_space<vmem>> -> memref<1x128x128xf32, #tpu.memory_space<vmem>>
    %dma_start3A_47 = tpu.memref_squeeze %dma_start3A_46 : memref<1x128x128xf32, #tpu.memory_space<vmem>> -> memref<128x128xf32, #tpu.memory_space<vmem>>
    %dma_start3A_48 = arith.constant 0 : i32
    %dma_start3A_49 = tpu.memref_slice %arg6[%dma_start3A_42, %dma_start3A_48] : memref<40x128xi32, #tpu.memory_space<vmem>> -> memref<1x128xi32, #tpu.memory_space<vmem>>
    %dma_start3A_50 = tpu.memref_squeeze %dma_start3A_49 : memref<1x128xi32, #tpu.memory_space<vmem>> -> memref<128xi32, #tpu.memory_space<vmem>>
    %dma_start3A_51 = arith.constant 0 : i32
    %dma_start3A_52 = arith.constant 0 : i32
    %dma_start3A_53 = tpu.memref_slice %arg2[%dma_start3A_51, %dma_start3A_52] : memref<10240x128xf32, #tpu.memory_space<hbm>> -> memref<10240x128xf32, #tpu.memory_space<hbm>>
    tpu.enqueue_indirect_dma source(%dma_start3A_53 : memref<10240x128xf32, #tpu.memory_space<hbm>>) target(%dma_start3A_47 : memref<128x128xf32, #tpu.memory_space<vmem>>) offsets(%dma_start3A_50 : memref<128xi32, #tpu.memory_space<vmem>>) semaphore(%arg11 : memref<!tpu.dma_semaphore, #tpu.memory_space<semaphore_mem>>)
    %dma_start3A_54 = arith.constant 1 : i32
    %dma_start3A_55 = arith.constant 1 : i32
    %dma_start3A_56 = arith.constant 0 : i32
    %dma_start3A_57 = arith.constant 0 : i32
    %dma_start3A_58 = tpu.memref_slice %arg8[%dma_start3A_55, %dma_start3A_56, %dma_start3A_57] : memref<2x128x128xf32, #tpu.memory_space<vmem>> -> memref<1x128x128xf32, #tpu.memory_space<vmem>>
    %dma_start3A_59 = tpu.memref_squeeze %dma_start3A_58 : memref<1x128x128xf32, #tpu.memory_space<vmem>> -> memref<128x128xf32, #tpu.memory_space<vmem>>
    %dma_start3A_60 = arith.constant 0 : i32
    %dma_start3A_61 = tpu.memref_slice %arg6[%dma_start3A_54, %dma_start3A_60] : memref<40x128xi32, #tpu.memory_space<vmem>> -> memref<1x128xi32, #tpu.memory_space<vmem>>
    %dma_start3A_62 = tpu.memref_squeeze %dma_start3A_61 : memref<1x128xi32, #tpu.memory_space<vmem>> -> memref<128xi32, #tpu.memory_space<vmem>>
    %dma_start3A_63 = arith.constant 0 : i32
    %dma_start3A_64 = arith.constant 0 : i32
    %dma_start3A_65 = tpu.memref_slice %arg2[%dma_start3A_63, %dma_start3A_64] : memref<10240x128xf32, #tpu.memory_space<hbm>> -> memref<10240x128xf32, #tpu.memory_space<hbm>>
    tpu.enqueue_indirect_dma source(%dma_start3A_65 : memref<10240x128xf32, #tpu.memory_space<hbm>>) target(%dma_start3A_59 : memref<128x128xf32, #tpu.memory_space<vmem>>) offsets(%dma_start3A_62 : memref<128xi32, #tpu.memory_space<vmem>>) semaphore(%arg12 : memref<!tpu.dma_semaphore, #tpu.memory_space<semaphore_mem>>)
    %scan3A_66 = arith.constant 0 : i32
    %scan3A_67 = arith.constant 0 : i32
    %scan3A_68 = arith.constant 20 : i32
    %scan3A_69 = arith.addi %scan3A_67, %scan3A_68 : i32
    %scan3A_70 = arith.constant 1 : i32
    scf.for %scan3A_77 = %scan3A_67 to %scan3A_69 step %scan3A_70  : i32 {
      %mul3A_78 = arith.constant 2 : i32
      %mul3A_79 = arith.muli %scan3A_77, %mul3A_78 : i32
      %dma_wait3A = arith.constant 0 : i32
      %dma_wait3A_80 = arith.constant 0 : i32
      %dma_wait3A_81 = arith.constant 0 : i32
      %dma_wait3A_82 = tpu.memref_slice %arg8[%dma_wait3A, %dma_wait3A_80, %dma_wait3A_81] : memref<2x128x128xf32, #tpu.memory_space<vmem>> -> memref<1x128x128xf32, #tpu.memory_space<vmem>>
      %dma_wait3A_83 = tpu.memref_squeeze %dma_wait3A_82 : memref<1x128x128xf32, #tpu.memory_space<vmem>> -> memref<128x128xf32, #tpu.memory_space<vmem>>
      %dma_wait3A_84 = arith.constant 0 : i32
      %dma_wait3A_85 = tpu.memref_slice %arg6[%mul3A_79, %dma_wait3A_84] : memref<40x128xi32, #tpu.memory_space<vmem>> -> memref<1x128xi32, #tpu.memory_space<vmem>>
      %dma_wait3A_86 = tpu.memref_squeeze %dma_wait3A_85 : memref<1x128xi32, #tpu.memory_space<vmem>> -> memref<128xi32, #tpu.memory_space<vmem>>
      %dma_wait3A_87 = arith.constant 0 : i32
      %dma_wait3A_88 = arith.constant 0 : i32
      %dma_wait3A_89 = tpu.memref_slice %arg2[%dma_wait3A_87, %dma_wait3A_88] : memref<10240x128xf32, #tpu.memory_space<hbm>> -> memref<10240x128xf32, #tpu.memory_space<hbm>>
      tpu.wait_indirect_dma semaphore(%arg11 : memref<!tpu.dma_semaphore, #tpu.memory_space<semaphore_mem>>) src(%dma_wait3A_89 : memref<10240x128xf32, #tpu.memory_space<hbm>>) dst(%dma_wait3A_83 : memref<128x128xf32, #tpu.memory_space<vmem>>)
      %run_scoped3A = arith.constant 0 : i32
      "tpu.region"() ({
        %run_scoped3A_117 = tpu.sem_alloc : memref<!tpu.dma_semaphore, #tpu.memory_space<semaphore_mem>>
        %dma_start3A_118 = arith.constant 0 : i32
        %dma_start3A_119 = arith.constant 0 : i32
        %dma_start3A_120 = tpu.memref_slice %arg8[%run_scoped3A, %dma_start3A_118, %dma_start3A_119] : memref<2x128x128xf32, #tpu.memory_space<vmem>> -> memref<1x128x128xf32, #tpu.memory_space<vmem>>
        %dma_start3A_121 = tpu.memref_squeeze %dma_start3A_120 : memref<1x128x128xf32, #tpu.memory_space<vmem>> -> memref<128x128xf32, #tpu.memory_space<vmem>>
        %dma_start3A_122 = arith.constant 0 : i32
        %dma_start3A_123 = tpu.memref_slice %arg7[%mul3A_79, %dma_start3A_122] : memref<40x128xi32, #tpu.memory_space<vmem>> -> memref<1x128xi32, #tpu.memory_space<vmem>>
        %dma_start3A_124 = tpu.memref_squeeze %dma_start3A_123 : memref<1x128xi32, #tpu.memory_space<vmem>> -> memref<128xi32, #tpu.memory_space<vmem>>
        %dma_start3A_125 = arith.constant 0 : i32
        %dma_start3A_126 = arith.constant 0 : i32
        %dma_start3A_127 = tpu.memref_slice %arg10[%dma_start3A_125, %dma_start3A_126] : memref<10240x128xf32, #tpu.memory_space<vmem_shared>> -> memref<10240x128xf32, #tpu.memory_space<vmem_shared>>
        tpu.enqueue_indirect_dma source(%dma_start3A_121 : memref<128x128xf32, #tpu.memory_space<vmem>>) target(%dma_start3A_127 : memref<10240x128xf32, #tpu.memory_space<vmem_shared>>) offsets(%dma_start3A_124 : memref<128xi32, #tpu.memory_space<vmem>>) semaphore(%run_scoped3A_117 : memref<!tpu.dma_semaphore, #tpu.memory_space<semaphore_mem>>) {add = true}
        %dma_wait3A_128 = arith.constant 0 : i32
        %dma_wait3A_129 = arith.constant 0 : i32
        %dma_wait3A_130 = tpu.memref_slice %arg8[%run_scoped3A, %dma_wait3A_128, %dma_wait3A_129] : memref<2x128x128xf32, #tpu.memory_space<vmem>> -> memref<1x128x128xf32, #tpu.memory_space<vmem>>
        %dma_wait3A_131 = tpu.memref_squeeze %dma_wait3A_130 : memref<1x128x128xf32, #tpu.memory_space<vmem>> -> memref<128x128xf32, #tpu.memory_space<vmem>>
        %dma_wait3A_132 = arith.constant 0 : i32
        %dma_wait3A_133 = tpu.memref_slice %arg7[%mul3A_79, %dma_wait3A_132] : memref<40x128xi32, #tpu.memory_space<vmem>> -> memref<1x128xi32, #tpu.memory_space<vmem>>
        %dma_wait3A_134 = tpu.memref_squeeze %dma_wait3A_133 : memref<1x128xi32, #tpu.memory_space<vmem>> -> memref<128xi32, #tpu.memory_space<vmem>>
        %dma_wait3A_135 = arith.constant 0 : i32
        %dma_wait3A_136 = arith.constant 0 : i32
        %dma_wait3A_137 = tpu.memref_slice %arg10[%dma_wait3A_135, %dma_wait3A_136] : memref<10240x128xf32, #tpu.memory_space<vmem_shared>> -> memref<10240x128xf32, #tpu.memory_space<vmem_shared>>
        tpu.wait_indirect_dma semaphore(%run_scoped3A_117 : memref<!tpu.dma_semaphore, #tpu.memory_space<semaphore_mem>>) src(%dma_wait3A_131 : memref<128x128xf32, #tpu.memory_space<vmem>>) dst(%dma_wait3A_137 : memref<10240x128xf32, #tpu.memory_space<vmem_shared>>)
        tpu.yield
      }) : () -> ()
      %add3A_90 = arith.constant 2 : i32
      %add3A_91 = arith.addi %mul3A_79, %add3A_90 : i32
      %lt3A = arith.constant 40 : i32
      %lt3A_92 = arith.cmpi slt, %add3A_91, %lt3A : i32
      %convert_element_type3A = arith.extui %lt3A_92 : i1 to i32
      %cond3A = arith.constant 0 : i32
      %cond3A_93 = arith.cmpi ne, %convert_element_type3A, %cond3A : i32
      scf.if %cond3A_93 {
        %add3A_117 = arith.constant 2 : i32
        %add3A_118 = arith.addi %mul3A_79, %add3A_117 : i32
        %dma_start3A_119 = arith.constant 0 : i32
        %dma_start3A_120 = arith.constant 0 : i32
        %dma_start3A_121 = arith.constant 0 : i32
        %dma_start3A_122 = tpu.memref_slice %arg8[%dma_start3A_119, %dma_start3A_120, %dma_start3A_121] : memref<2x128x128xf32, #tpu.memory_space<vmem>> -> memref<1x128x128xf32, #tpu.memory_space<vmem>>
        %dma_start3A_123 = tpu.memref_squeeze %dma_start3A_122 : memref<1x128x128xf32, #tpu.memory_space<vmem>> -> memref<128x128xf32, #tpu.memory_space<vmem>>
        %dma_start3A_124 = arith.constant 0 : i32
        %dma_start3A_125 = tpu.memref_slice %arg6[%add3A_118, %dma_start3A_124] : memref<40x128xi32, #tpu.memory_space<vmem>> -> memref<1x128xi32, #tpu.memory_space<vmem>>
        %dma_start3A_126 = tpu.memref_squeeze %dma_start3A_125 : memref<1x128xi32, #tpu.memory_space<vmem>> -> memref<128xi32, #tpu.memory_space<vmem>>
        %dma_start3A_127 = arith.constant 0 : i32
        %dma_start3A_128 = arith.constant 0 : i32
        %dma_start3A_129 = tpu.memref_slice %arg2[%dma_start3A_127, %dma_start3A_128] : memref<10240x128xf32, #tpu.memory_space<hbm>> -> memref<10240x128xf32, #tpu.memory_space<hbm>>
        tpu.enqueue_indirect_dma source(%dma_start3A_129 : memref<10240x128xf32, #tpu.memory_space<hbm>>) target(%dma_start3A_123 : memref<128x128xf32, #tpu.memory_space<vmem>>) offsets(%dma_start3A_126 : memref<128xi32, #tpu.memory_space<vmem>>) semaphore(%arg11 : memref<!tpu.dma_semaphore, #tpu.memory_space<semaphore_mem>>)
      } else {
      }
      %add3A_94 = arith.constant 1 : i32
      %add3A_95 = arith.addi %mul3A_79, %add3A_94 : i32
      %dma_wait3A_96 = arith.constant 1 : i32
      %dma_wait3A_97 = arith.constant 0 : i32
      %dma_wait3A_98 = arith.constant 0 : i32
      %dma_wait3A_99 = tpu.memref_slice %arg8[%dma_wait3A_96, %dma_wait3A_97, %dma_wait3A_98] : memref<2x128x128xf32, #tpu.memory_space<vmem>> -> memref<1x128x128xf32, #tpu.memory_space<vmem>>
      %dma_wait3A_100 = tpu.memref_squeeze %dma_wait3A_99 : memref<1x128x128xf32, #tpu.memory_space<vmem>> -> memref<128x128xf32, #tpu.memory_space<vmem>>
      %dma_wait3A_101 = arith.constant 0 : i32
      %dma_wait3A_102 = tpu.memref_slice %arg6[%add3A_95, %dma_wait3A_101] : memref<40x128xi32, #tpu.memory_space<vmem>> -> memref<1x128xi32, #tpu.memory_space<vmem>>
      %dma_wait3A_103 = tpu.memref_squeeze %dma_wait3A_102 : memref<1x128xi32, #tpu.memory_space<vmem>> -> memref<128xi32, #tpu.memory_space<vmem>>
      %dma_wait3A_104 = arith.constant 0 : i32
      %dma_wait3A_105 = arith.constant 0 : i32
      %dma_wait3A_106 = tpu.memref_slice %arg2[%dma_wait3A_104, %dma_wait3A_105] : memref<10240x128xf32, #tpu.memory_space<hbm>> -> memref<10240x128xf32, #tpu.memory_space<hbm>>
      tpu.wait_indirect_dma semaphore(%arg12 : memref<!tpu.dma_semaphore, #tpu.memory_space<semaphore_mem>>) src(%dma_wait3A_106 : memref<10240x128xf32, #tpu.memory_space<hbm>>) dst(%dma_wait3A_100 : memref<128x128xf32, #tpu.memory_space<vmem>>)
      %add3A_107 = arith.constant 1 : i32
      %add3A_108 = arith.addi %mul3A_79, %add3A_107 : i32
      %run_scoped3A_109 = arith.constant 1 : i32
      "tpu.region"() ({
        %run_scoped3A_117 = tpu.sem_alloc : memref<!tpu.dma_semaphore, #tpu.memory_space<semaphore_mem>>
        %dma_start3A_118 = arith.constant 0 : i32
        %dma_start3A_119 = arith.constant 0 : i32
        %dma_start3A_120 = tpu.memref_slice %arg8[%run_scoped3A_109, %dma_start3A_118, %dma_start3A_119] : memref<2x128x128xf32, #tpu.memory_space<vmem>> -> memref<1x128x128xf32, #tpu.memory_space<vmem>>
        %dma_start3A_121 = tpu.memref_squeeze %dma_start3A_120 : memref<1x128x128xf32, #tpu.memory_space<vmem>> -> memref<128x128xf32, #tpu.memory_space<vmem>>
        %dma_start3A_122 = arith.constant 0 : i32
        %dma_start3A_123 = tpu.memref_slice %arg7[%add3A_108, %dma_start3A_122] : memref<40x128xi32, #tpu.memory_space<vmem>> -> memref<1x128xi32, #tpu.memory_space<vmem>>
        %dma_start3A_124 = tpu.memref_squeeze %dma_start3A_123 : memref<1x128xi32, #tpu.memory_space<vmem>> -> memref<128xi32, #tpu.memory_space<vmem>>
        %dma_start3A_125 = arith.constant 0 : i32
        %dma_start3A_126 = arith.constant 0 : i32
        %dma_start3A_127 = tpu.memref_slice %arg10[%dma_start3A_125, %dma_start3A_126] : memref<10240x128xf32, #tpu.memory_space<vmem_shared>> -> memref<10240x128xf32, #tpu.memory_space<vmem_shared>>
        tpu.enqueue_indirect_dma source(%dma_start3A_121 : memref<128x128xf32, #tpu.memory_space<vmem>>) target(%dma_start3A_127 : memref<10240x128xf32, #tpu.memory_space<vmem_shared>>) offsets(%dma_start3A_124 : memref<128xi32, #tpu.memory_space<vmem>>) semaphore(%run_scoped3A_117 : memref<!tpu.dma_semaphore, #tpu.memory_space<semaphore_mem>>) {add = true}
        %dma_wait3A_128 = arith.constant 0 : i32
        %dma_wait3A_129 = arith.constant 0 : i32
        %dma_wait3A_130 = tpu.memref_slice %arg8[%run_scoped3A_109, %dma_wait3A_128, %dma_wait3A_129] : memref<2x128x128xf32, #tpu.memory_space<vmem>> -> memref<1x128x128xf32, #tpu.memory_space<vmem>>
        %dma_wait3A_131 = tpu.memref_squeeze %dma_wait3A_130 : memref<1x128x128xf32, #tpu.memory_space<vmem>> -> memref<128x128xf32, #tpu.memory_space<vmem>>
        %dma_wait3A_132 = arith.constant 0 : i32
        %dma_wait3A_133 = tpu.memref_slice %arg7[%add3A_108, %dma_wait3A_132] : memref<40x128xi32, #tpu.memory_space<vmem>> -> memref<1x128xi32, #tpu.memory_space<vmem>>
        %dma_wait3A_134 = tpu.memref_squeeze %dma_wait3A_133 : memref<1x128xi32, #tpu.memory_space<vmem>> -> memref<128xi32, #tpu.memory_space<vmem>>
        %dma_wait3A_135 = arith.constant 0 : i32
        %dma_wait3A_136 = arith.constant 0 : i32
        %dma_wait3A_137 = tpu.memref_slice %arg10[%dma_wait3A_135, %dma_wait3A_136] : memref<10240x128xf32, #tpu.memory_space<vmem_shared>> -> memref<10240x128xf32, #tpu.memory_space<vmem_shared>>
        tpu.wait_indirect_dma semaphore(%run_scoped3A_117 : memref<!tpu.dma_semaphore, #tpu.memory_space<semaphore_mem>>) src(%dma_wait3A_131 : memref<128x128xf32, #tpu.memory_space<vmem>>) dst(%dma_wait3A_137 : memref<10240x128xf32, #tpu.memory_space<vmem_shared>>)
        tpu.yield
      }) : () -> ()
      %add3A_110 = arith.constant 3 : i32
      %add3A_111 = arith.addi %mul3A_79, %add3A_110 : i32
      %lt3A_112 = arith.constant 40 : i32
      %lt3A_113 = arith.cmpi slt, %add3A_111, %lt3A_112 : i32
      %convert_element_type3A_114 = arith.extui %lt3A_113 : i1 to i32
      %cond3A_115 = arith.constant 0 : i32
      %cond3A_116 = arith.cmpi ne, %convert_element_type3A_114, %cond3A_115 : i32
      scf.if %cond3A_116 {
        %add3A_117 = arith.constant 3 : i32
        %add3A_118 = arith.addi %mul3A_79, %add3A_117 : i32
        %dma_start3A_119 = arith.constant 1 : i32
        %dma_start3A_120 = arith.constant 0 : i32
        %dma_start3A_121 = arith.constant 0 : i32
        %dma_start3A_122 = tpu.memref_slice %arg8[%dma_start3A_119, %dma_start3A_120, %dma_start3A_121] : memref<2x128x128xf32, #tpu.memory_space<vmem>> -> memref<1x128x128xf32, #tpu.memory_space<vmem>>
        %dma_start3A_123 = tpu.memref_squeeze %dma_start3A_122 : memref<1x128x128xf32, #tpu.memory_space<vmem>> -> memref<128x128xf32, #tpu.memory_space<vmem>>
        %dma_start3A_124 = arith.constant 0 : i32
        %dma_start3A_125 = tpu.memref_slice %arg6[%add3A_118, %dma_start3A_124] : memref<40x128xi32, #tpu.memory_space<vmem>> -> memref<1x128xi32, #tpu.memory_space<vmem>>
        %dma_start3A_126 = tpu.memref_squeeze %dma_start3A_125 : memref<1x128xi32, #tpu.memory_space<vmem>> -> memref<128xi32, #tpu.memory_space<vmem>>
        %dma_start3A_127 = arith.constant 0 : i32
        %dma_start3A_128 = arith.constant 0 : i32
        %dma_start3A_129 = tpu.memref_slice %arg2[%dma_start3A_127, %dma_start3A_128] : memref<10240x128xf32, #tpu.memory_space<hbm>> -> memref<10240x128xf32, #tpu.memory_space<hbm>>
        tpu.enqueue_indirect_dma source(%dma_start3A_129 : memref<10240x128xf32, #tpu.memory_space<hbm>>) target(%dma_start3A_123 : memref<128x128xf32, #tpu.memory_space<vmem>>) offsets(%dma_start3A_126 : memref<128xi32, #tpu.memory_space<vmem>>) semaphore(%arg12 : memref<!tpu.dma_semaphore, #tpu.memory_space<semaphore_mem>>)
      } else {
      }
    }
    %scan3A_71 = arith.constant 20 : i32
    %barrier3A_72 = arith.constant 0 : index
    tpu.barrier barrier_id(%barrier3A_72)
    %mul3A_73 = arith.constant 640 : i32
    %mul3A_74 = arith.muli %arg1, %mul3A_73 : i32
    %mul3A_75 = arith.constant 640 : i32
    %mul3A_76 = arith.muli %arg1, %mul3A_75 : i32
    "tpu.region"() ({
      %run_scoped3A = tpu.sem_alloc : memref<!tpu.dma_semaphore, #tpu.memory_space<semaphore_mem>>
      %dma_start3A_77 = arith.constant 0 : i32
      %dma_start3A_78 = tpu.memref_slice %arg5[%arg0, %mul3A_76, %dma_start3A_77] : memref<2x10240x128xf32, #tpu.memory_space<hbm>> -> memref<1x640x128xf32, #tpu.memory_space<hbm>>
      %dma_start3A_79 = tpu.memref_squeeze %dma_start3A_78 : memref<1x640x128xf32, #tpu.memory_space<hbm>> -> memref<640x128xf32, #tpu.memory_space<hbm>>
      %dma_start3A_80 = arith.constant 0 : i32
      %dma_start3A_81 = tpu.memref_slice %arg10[%mul3A_74, %dma_start3A_80] : memref<10240x128xf32, #tpu.memory_space<vmem_shared>> -> memref<640x128xf32, #tpu.memory_space<vmem_shared>>
      tpu.enqueue_dma source(%dma_start3A_81 : memref<640x128xf32, #tpu.memory_space<vmem_shared>>) target(%dma_start3A_79 : memref<640x128xf32, #tpu.memory_space<hbm>>) target_semaphore(%run_scoped3A : memref<!tpu.dma_semaphore, #tpu.memory_space<semaphore_mem>>)
      %dma_wait3A = arith.constant 0 : i32
      %dma_wait3A_82 = tpu.memref_slice %arg5[%arg0, %mul3A_76, %dma_wait3A] : memref<2x10240x128xf32, #tpu.memory_space<hbm>> -> memref<1x640x128xf32, #tpu.memory_space<hbm>>
      %dma_wait3A_83 = tpu.memref_squeeze %dma_wait3A_82 : memref<1x640x128xf32, #tpu.memory_space<hbm>> -> memref<640x128xf32, #tpu.memory_space<hbm>>
      %dma_wait3A_84 = arith.constant 0 : i32
      %dma_wait3A_85 = tpu.memref_slice %arg10[%mul3A_74, %dma_wait3A_84] : memref<10240x128xf32, #tpu.memory_space<vmem_shared>> -> memref<640x128xf32, #tpu.memory_space<vmem_shared>>
      tpu.wait_dma2 semaphore(%run_scoped3A : memref<!tpu.dma_semaphore, #tpu.memory_space<semaphore_mem>>) src(%dma_wait3A_85 : memref<640x128xf32, #tpu.memory_space<vmem_shared>>) dst(%dma_wait3A_83 : memref<640x128xf32, #tpu.memory_space<hbm>>)
      tpu.yield
    }) : () -> ()
    return
  }
}

#map = affine_map<(d0, d1) -> (0, 0)>
#map1 = affine_map<(d0, d1) -> (0, 0, 0)>
module attributes {stable_mosaic.version = 14 : i64} {
  func.func @_sc_aggregate(%arg0: i32, %arg1: i32, %arg2: memref<10240x128xf32, #tpu.memory_space<hbm>>, %arg3: memref<32x80x128xi32, #tpu.memory_space<hbm>>, %arg4: memref<32x80x128xi32, #tpu.memory_space<hbm>>, %arg5: memref<2x10240x128xf32, #tpu.memory_space<hbm>>, %arg6: memref<40x128xi32, #tpu.memory_space<vmem>>, %arg7: memref<40x128xi32, #tpu.memory_space<vmem>>, %arg8: memref<2x128x128xf32, #tpu.memory_space<vmem>>, %arg9: memref<16x128xf32, #tpu.memory_space<vmem>>, %arg10: memref<10240x128xf32, #tpu.memory_space<vmem_shared>>, %arg11: memref<!tpu.dma_semaphore, #tpu.memory_space<semaphore_mem>>, %arg12: memref<!tpu.dma_semaphore, #tpu.memory_space<semaphore_mem>>) attributes {dimension_semantics = [#tpu.dimension_semantics<core_parallel>, #tpu.dimension_semantics<subcore_parallel>], iteration_bounds = array<i64: 2, 16>, scalar_prefetch = 0 : i64, scratch_operands = 7 : i64, tpu.core_type = #tpu.core_type<sc_vector_subcore>, window_params = [{transform_indices = #map}, {transform_indices = #map1}, {transform_indices = #map1}, {transform_indices = #map1}]} {
    %mul3A = arith.constant 2 : i32
    %mul3A_0 = arith.muli %arg1, %mul3A : i32
    %add3A = arith.addi %mul3A_0, %arg0 : i32
    %broadcast_in_dim3A = arith.constant 0.000000e+00 : f32
    %broadcast_in_dim3A_1 = vector.broadcast %broadcast_in_dim3A : f32 to vector<16xf32>
    %scan3A = arith.constant 0 : i32
    %scan3A_2 = arith.constant 0 : i32
    %scan3A_3 = arith.constant 16 : i32
    %scan3A_4 = arith.addi %scan3A_2, %scan3A_3 : i32
    %scan3A_5 = arith.constant 1 : i32
    scf.for %scan3A_77 = %scan3A_2 to %scan3A_4 step %scan3A_5  : i32 {
      %swap3A = arith.index_cast %scan3A_77 : i32 to index
      %swap3A_78 = arith.constant 0 : index
      %swap3A_79 = tpu.vector_load %arg9[%swap3A, %swap3A_78] {strides = array<i32>} : memref<16x128xf32, #tpu.memory_space<vmem>>, vector<1x16xf32>,
      %swap3A_80 = vector.shape_cast %swap3A_79 : vector<1x16xf32> to vector<16xf32>
      %swap3A_81 = vector.shape_cast %broadcast_in_dim3A_1 : vector<16xf32> to vector<1x16xf32>
      tpu.vector_store %arg9[%swap3A, %swap3A_78], %swap3A_81 {strides = array<i32>} : memref<16x128xf32, #tpu.memory_space<vmem>>, vector<1x16xf32>,
      %swap3A_82 = arith.index_cast %scan3A_77 : i32 to index
      %swap3A_83 = arith.constant 16 : index
      %swap3A_84 = tpu.vector_load %arg9[%swap3A_82, %swap3A_83] {strides = array<i32>} : memref<16x128xf32, #tpu.memory_space<vmem>>, vector<1x16xf32>,
      %swap3A_85 = vector.shape_cast %swap3A_84 : vector<1x16xf32> to vector<16xf32>
      %swap3A_86 = vector.shape_cast %broadcast_in_dim3A_1 : vector<16xf32> to vector<1x16xf32>
      tpu.vector_store %arg9[%swap3A_82, %swap3A_83], %swap3A_86 {strides = array<i32>} : memref<16x128xf32, #tpu.memory_space<vmem>>, vector<1x16xf32>,
      %swap3A_87 = arith.index_cast %scan3A_77 : i32 to index
      %swap3A_88 = arith.constant 32 : index
      %swap3A_89 = tpu.vector_load %arg9[%swap3A_87, %swap3A_88] {strides = array<i32>} : memref<16x128xf32, #tpu.memory_space<vmem>>, vector<1x16xf32>,
      %swap3A_90 = vector.shape_cast %swap3A_89 : vector<1x16xf32> to vector<16xf32>
      %swap3A_91 = vector.shape_cast %broadcast_in_dim3A_1 : vector<16xf32> to vector<1x16xf32>
      tpu.vector_store %arg9[%swap3A_87, %swap3A_88], %swap3A_91 {strides = array<i32>} : memref<16x128xf32, #tpu.memory_space<vmem>>, vector<1x16xf32>,
      %swap3A_92 = arith.index_cast %scan3A_77 : i32 to index
      %swap3A_93 = arith.constant 48 : index
      %swap3A_94 = tpu.vector_load %arg9[%swap3A_92, %swap3A_93] {strides = array<i32>} : memref<16x128xf32, #tpu.memory_space<vmem>>, vector<1x16xf32>,
      %swap3A_95 = vector.shape_cast %swap3A_94 : vector<1x16xf32> to vector<16xf32>
      %swap3A_96 = vector.shape_cast %broadcast_in_dim3A_1 : vector<16xf32> to vector<1x16xf32>
      tpu.vector_store %arg9[%swap3A_92, %swap3A_93], %swap3A_96 {strides = array<i32>} : memref<16x128xf32, #tpu.memory_space<vmem>>, vector<1x16xf32>,
      %swap3A_97 = arith.index_cast %scan3A_77 : i32 to index
      %swap3A_98 = arith.constant 64 : index
      %swap3A_99 = tpu.vector_load %arg9[%swap3A_97, %swap3A_98] {strides = array<i32>} : memref<16x128xf32, #tpu.memory_space<vmem>>, vector<1x16xf32>,
      %swap3A_100 = vector.shape_cast %swap3A_99 : vector<1x16xf32> to vector<16xf32>
      %swap3A_101 = vector.shape_cast %broadcast_in_dim3A_1 : vector<16xf32> to vector<1x16xf32>
      tpu.vector_store %arg9[%swap3A_97, %swap3A_98], %swap3A_101 {strides = array<i32>} : memref<16x128xf32, #tpu.memory_space<vmem>>, vector<1x16xf32>,
      %swap3A_102 = arith.index_cast %scan3A_77 : i32 to index
      %swap3A_103 = arith.constant 80 : index
      %swap3A_104 = tpu.vector_load %arg9[%swap3A_102, %swap3A_103] {strides = array<i32>} : memref<16x128xf32, #tpu.memory_space<vmem>>, vector<1x16xf32>,
      %swap3A_105 = vector.shape_cast %swap3A_104 : vector<1x16xf32> to vector<16xf32>
      %swap3A_106 = vector.shape_cast %broadcast_in_dim3A_1 : vector<16xf32> to vector<1x16xf32>
      tpu.vector_store %arg9[%swap3A_102, %swap3A_103], %swap3A_106 {strides = array<i32>} : memref<16x128xf32, #tpu.memory_space<vmem>>, vector<1x16xf32>,
      %swap3A_107 = arith.index_cast %scan3A_77 : i32 to index
      %swap3A_108 = arith.constant 96 : index
      %swap3A_109 = tpu.vector_load %arg9[%swap3A_107, %swap3A_108] {strides = array<i32>} : memref<16x128xf32, #tpu.memory_space<vmem>>, vector<1x16xf32>,
      %swap3A_110 = vector.shape_cast %swap3A_109 : vector<1x16xf32> to vector<16xf32>
      %swap3A_111 = vector.shape_cast %broadcast_in_dim3A_1 : vector<16xf32> to vector<1x16xf32>
      tpu.vector_store %arg9[%swap3A_107, %swap3A_108], %swap3A_111 {strides = array<i32>} : memref<16x128xf32, #tpu.memory_space<vmem>>, vector<1x16xf32>,
      %swap3A_112 = arith.index_cast %scan3A_77 : i32 to index
      %swap3A_113 = arith.constant 112 : index
      %swap3A_114 = tpu.vector_load %arg9[%swap3A_112, %swap3A_113] {strides = array<i32>} : memref<16x128xf32, #tpu.memory_space<vmem>>, vector<1x16xf32>,
      %swap3A_115 = vector.shape_cast %swap3A_114 : vector<1x16xf32> to vector<16xf32>
      %swap3A_116 = vector.shape_cast %broadcast_in_dim3A_1 : vector<16xf32> to vector<1x16xf32>
      tpu.vector_store %arg9[%swap3A_112, %swap3A_113], %swap3A_116 {strides = array<i32>} : memref<16x128xf32, #tpu.memory_space<vmem>>, vector<1x16xf32>,
    }
    %scan3A_6 = arith.constant 16 : i32
    "tpu.region"() ({
      %run_scoped3A = tpu.sem_alloc : memref<!tpu.dma_semaphore, #tpu.memory_space<semaphore_mem>>
      %dma_start3A_77 = arith.constant 0 : i32
      %dma_start3A_78 = arith.constant 0 : i32
      %dma_start3A_79 = tpu.memref_slice %arg3[%add3A, %dma_start3A_77, %dma_start3A_78] : memref<32x80x128xi32, #tpu.memory_space<hbm>> -> memref<1x40x128xi32, #tpu.memory_space<hbm>>
      %dma_start3A_80 = tpu.memref_squeeze %dma_start3A_79 : memref<1x40x128xi32, #tpu.memory_space<hbm>> -> memref<40x128xi32, #tpu.memory_space<hbm>>
      %dma_start3A_81 = arith.constant 0 : i32
      %dma_start3A_82 = arith.constant 0 : i32
      %dma_start3A_83 = tpu.memref_slice %arg3[%add3A, %dma_start3A_81, %dma_start3A_82] : memref<32x80x128xi32, #tpu.memory_space<hbm>> -> memref<1x40x128xi32, #tpu.memory_space<hbm>>
      %dma_start3A_84 = tpu.memref_squeeze %dma_start3A_83 : memref<1x40x128xi32, #tpu.memory_space<hbm>> -> memref<40x128xi32, #tpu.memory_space<hbm>>
      tpu.enqueue_dma source(%dma_start3A_84 : memref<40x128xi32, #tpu.memory_space<hbm>>) target(%arg6 : memref<40x128xi32, #tpu.memory_space<vmem>>) target_semaphore(%run_scoped3A : memref<!tpu.dma_semaphore, #tpu.memory_space<semaphore_mem>>)
      %dma_wait3A = arith.constant 0 : i32
      %dma_wait3A_85 = arith.constant 0 : i32
      %dma_wait3A_86 = tpu.memref_slice %arg3[%add3A, %dma_wait3A, %dma_wait3A_85] : memref<32x80x128xi32, #tpu.memory_space<hbm>> -> memref<1x40x128xi32, #tpu.memory_space<hbm>>
      %dma_wait3A_87 = tpu.memref_squeeze %dma_wait3A_86 : memref<1x40x128xi32, #tpu.memory_space<hbm>> -> memref<40x128xi32, #tpu.memory_space<hbm>>
      %dma_wait3A_88 = arith.constant 0 : i32
      %dma_wait3A_89 = arith.constant 0 : i32
      %dma_wait3A_90 = tpu.memref_slice %arg3[%add3A, %dma_wait3A_88, %dma_wait3A_89] : memref<32x80x128xi32, #tpu.memory_space<hbm>> -> memref<1x40x128xi32, #tpu.memory_space<hbm>>
      %dma_wait3A_91 = tpu.memref_squeeze %dma_wait3A_90 : memref<1x40x128xi32, #tpu.memory_space<hbm>> -> memref<40x128xi32, #tpu.memory_space<hbm>>
      tpu.wait_dma2 semaphore(%run_scoped3A : memref<!tpu.dma_semaphore, #tpu.memory_space<semaphore_mem>>) src(%dma_wait3A_91 : memref<40x128xi32, #tpu.memory_space<hbm>>) dst(%arg6 : memref<40x128xi32, #tpu.memory_space<vmem>>)
      tpu.yield
    }) : () -> ()
    "tpu.region"() ({
      %run_scoped3A = tpu.sem_alloc : memref<!tpu.dma_semaphore, #tpu.memory_space<semaphore_mem>>
      %dma_start3A_77 = arith.constant 0 : i32
      %dma_start3A_78 = arith.constant 0 : i32
      %dma_start3A_79 = tpu.memref_slice %arg4[%add3A, %dma_start3A_77, %dma_start3A_78] : memref<32x80x128xi32, #tpu.memory_space<hbm>> -> memref<1x40x128xi32, #tpu.memory_space<hbm>>
      %dma_start3A_80 = tpu.memref_squeeze %dma_start3A_79 : memref<1x40x128xi32, #tpu.memory_space<hbm>> -> memref<40x128xi32, #tpu.memory_space<hbm>>
      %dma_start3A_81 = arith.constant 0 : i32
      %dma_start3A_82 = arith.constant 0 : i32
      %dma_start3A_83 = tpu.memref_slice %arg4[%add3A, %dma_start3A_81, %dma_start3A_82] : memref<32x80x128xi32, #tpu.memory_space<hbm>> -> memref<1x40x128xi32, #tpu.memory_space<hbm>>
      %dma_start3A_84 = tpu.memref_squeeze %dma_start3A_83 : memref<1x40x128xi32, #tpu.memory_space<hbm>> -> memref<40x128xi32, #tpu.memory_space<hbm>>
      tpu.enqueue_dma source(%dma_start3A_84 : memref<40x128xi32, #tpu.memory_space<hbm>>) target(%arg7 : memref<40x128xi32, #tpu.memory_space<vmem>>) target_semaphore(%run_scoped3A : memref<!tpu.dma_semaphore, #tpu.memory_space<semaphore_mem>>)
      %dma_wait3A = arith.constant 0 : i32
      %dma_wait3A_85 = arith.constant 0 : i32
      %dma_wait3A_86 = tpu.memref_slice %arg4[%add3A, %dma_wait3A, %dma_wait3A_85] : memref<32x80x128xi32, #tpu.memory_space<hbm>> -> memref<1x40x128xi32, #tpu.memory_space<hbm>>
      %dma_wait3A_87 = tpu.memref_squeeze %dma_wait3A_86 : memref<1x40x128xi32, #tpu.memory_space<hbm>> -> memref<40x128xi32, #tpu.memory_space<hbm>>
      %dma_wait3A_88 = arith.constant 0 : i32
      %dma_wait3A_89 = arith.constant 0 : i32
      %dma_wait3A_90 = tpu.memref_slice %arg4[%add3A, %dma_wait3A_88, %dma_wait3A_89] : memref<32x80x128xi32, #tpu.memory_space<hbm>> -> memref<1x40x128xi32, #tpu.memory_space<hbm>>
      %dma_wait3A_91 = tpu.memref_squeeze %dma_wait3A_90 : memref<1x40x128xi32, #tpu.memory_space<hbm>> -> memref<40x128xi32, #tpu.memory_space<hbm>>
      tpu.wait_dma2 semaphore(%run_scoped3A : memref<!tpu.dma_semaphore, #tpu.memory_space<semaphore_mem>>) src(%dma_wait3A_91 : memref<40x128xi32, #tpu.memory_space<hbm>>) dst(%arg7 : memref<40x128xi32, #tpu.memory_space<vmem>>)
      tpu.yield
    }) : () -> ()
    %dma_start3A = arith.constant 0 : i32
    %dma_start3A_7 = arith.constant 0 : i32
    %dma_start3A_8 = arith.constant 0 : i32
    %dma_start3A_9 = arith.constant 0 : i32
    %dma_start3A_10 = tpu.memref_slice %arg8[%dma_start3A_7, %dma_start3A_8, %dma_start3A_9] : memref<2x128x128xf32, #tpu.memory_space<vmem>> -> memref<1x128x128xf32, #tpu.memory_space<vmem>>
    %dma_start3A_11 = tpu.memref_squeeze %dma_start3A_10 : memref<1x128x128xf32, #tpu.memory_space<vmem>> -> memref<128x128xf32, #tpu.memory_space<vmem>>
    %dma_start3A_12 = arith.constant 0 : i32
    %dma_start3A_13 = tpu.memref_slice %arg6[%dma_start3A, %dma_start3A_12] : memref<40x128xi32, #tpu.memory_space<vmem>> -> memref<1x128xi32, #tpu.memory_space<vmem>>
    %dma_start3A_14 = tpu.memref_squeeze %dma_start3A_13 : memref<1x128xi32, #tpu.memory_space<vmem>> -> memref<128xi32, #tpu.memory_space<vmem>>
    %dma_start3A_15 = arith.constant 0 : i32
    %dma_start3A_16 = arith.constant 0 : i32
    %dma_start3A_17 = tpu.memref_slice %arg2[%dma_start3A_15, %dma_start3A_16] : memref<10240x128xf32, #tpu.memory_space<hbm>> -> memref<10240x128xf32, #tpu.memory_space<hbm>>
    tpu.enqueue_indirect_dma source(%dma_start3A_17 : memref<10240x128xf32, #tpu.memory_space<hbm>>) target(%dma_start3A_11 : memref<128x128xf32, #tpu.memory_space<vmem>>) offsets(%dma_start3A_14 : memref<128xi32, #tpu.memory_space<vmem>>) semaphore(%arg11 : memref<!tpu.dma_semaphore, #tpu.memory_space<semaphore_mem>>)
    %dma_start3A_18 = arith.constant 1 : i32
    %dma_start3A_19 = arith.constant 1 : i32
    %dma_start3A_20 = arith.constant 0 : i32
    %dma_start3A_21 = arith.constant 0 : i32
    %dma_start3A_22 = tpu.memref_slice %arg8[%dma_start3A_19, %dma_start3A_20, %dma_start3A_21] : memref<2x128x128xf32, #tpu.memory_space<vmem>> -> memref<1x128x128xf32, #tpu.memory_space<vmem>>
    %dma_start3A_23 = tpu.memref_squeeze %dma_start3A_22 : memref<1x128x128xf32, #tpu.memory_space<vmem>> -> memref<128x128xf32, #tpu.memory_space<vmem>>
    %dma_start3A_24 = arith.constant 0 : i32
    %dma_start3A_25 = tpu.memref_slice %arg6[%dma_start3A_18, %dma_start3A_24] : memref<40x128xi32, #tpu.memory_space<vmem>> -> memref<1x128xi32, #tpu.memory_space<vmem>>
    %dma_start3A_26 = tpu.memref_squeeze %dma_start3A_25 : memref<1x128xi32, #tpu.memory_space<vmem>> -> memref<128xi32, #tpu.memory_space<vmem>>
    %dma_start3A_27 = arith.constant 0 : i32
    %dma_start3A_28 = arith.constant 0 : i32
    %dma_start3A_29 = tpu.memref_slice %arg2[%dma_start3A_27, %dma_start3A_28] : memref<10240x128xf32, #tpu.memory_space<hbm>> -> memref<10240x128xf32, #tpu.memory_space<hbm>>
    tpu.enqueue_indirect_dma source(%dma_start3A_29 : memref<10240x128xf32, #tpu.memory_space<hbm>>) target(%dma_start3A_23 : memref<128x128xf32, #tpu.memory_space<vmem>>) offsets(%dma_start3A_26 : memref<128xi32, #tpu.memory_space<vmem>>) semaphore(%arg12 : memref<!tpu.dma_semaphore, #tpu.memory_space<semaphore_mem>>)
    %scan3A_30 = arith.constant 0 : i32
    %scan3A_31 = arith.constant 0 : i32
    %scan3A_32 = arith.constant 40 : i32
    %scan3A_33 = arith.addi %scan3A_31, %scan3A_32 : i32
    %scan3A_34 = arith.constant 1 : i32
    scf.for %scan3A_77 = %scan3A_31 to %scan3A_33 step %scan3A_34  : i32 {
      %mul3A_78 = arith.constant 640 : i32
      %mul3A_79 = arith.muli %arg1, %mul3A_78 : i32
      %mul3A_80 = arith.constant 16 : i32
      %mul3A_81 = arith.muli %scan3A_77, %mul3A_80 : i32
      %add3A_82 = arith.addi %mul3A_79, %mul3A_81 : i32
      "tpu.region"() ({
        %run_scoped3A = tpu.sem_alloc : memref<!tpu.dma_semaphore, #tpu.memory_space<semaphore_mem>>
        %dma_start3A_83 = arith.constant 0 : i32
        %dma_start3A_84 = tpu.memref_slice %arg10[%add3A_82, %dma_start3A_83] : memref<10240x128xf32, #tpu.memory_space<vmem_shared>> -> memref<16x128xf32, #tpu.memory_space<vmem_shared>>
        %dma_start3A_85 = arith.constant 0 : i32
        %dma_start3A_86 = tpu.memref_slice %arg10[%add3A_82, %dma_start3A_85] : memref<10240x128xf32, #tpu.memory_space<vmem_shared>> -> memref<16x128xf32, #tpu.memory_space<vmem_shared>>
        tpu.enqueue_dma source(%arg9 : memref<16x128xf32, #tpu.memory_space<vmem>>) target(%dma_start3A_86 : memref<16x128xf32, #tpu.memory_space<vmem_shared>>) target_semaphore(%run_scoped3A : memref<!tpu.dma_semaphore, #tpu.memory_space<semaphore_mem>>)
        %dma_wait3A = arith.constant 0 : i32
        %dma_wait3A_87 = tpu.memref_slice %arg10[%add3A_82, %dma_wait3A] : memref<10240x128xf32, #tpu.memory_space<vmem_shared>> -> memref<16x128xf32, #tpu.memory_space<vmem_shared>>
        %dma_wait3A_88 = arith.constant 0 : i32
        %dma_wait3A_89 = tpu.memref_slice %arg10[%add3A_82, %dma_wait3A_88] : memref<10240x128xf32, #tpu.memory_space<vmem_shared>> -> memref<16x128xf32, #tpu.memory_space<vmem_shared>>
        tpu.wait_dma2 semaphore(%run_scoped3A : memref<!tpu.dma_semaphore, #tpu.memory_space<semaphore_mem>>) src(%arg9 : memref<16x128xf32, #tpu.memory_space<vmem>>) dst(%dma_wait3A_89 : memref<16x128xf32, #tpu.memory_space<vmem_shared>>)
        tpu.yield
      }) : () -> ()
    }
    %scan3A_35 = arith.constant 40 : i32
    %barrier3A = arith.constant 0 : index
    tpu.barrier barrier_id(%barrier3A)
    %scan3A_36 = arith.constant 0 : i32
    %scan3A_37 = arith.constant 0 : i32
    %scan3A_38 = arith.constant 20 : i32
    %scan3A_39 = arith.addi %scan3A_37, %scan3A_38 : i32
    %scan3A_40 = arith.constant 1 : i32
    scf.for %scan3A_77 = %scan3A_37 to %scan3A_39 step %scan3A_40  : i32 {
      %mul3A_78 = arith.constant 2 : i32
      %mul3A_79 = arith.muli %scan3A_77, %mul3A_78 : i32
      %dma_wait3A = arith.constant 0 : i32
      %dma_wait3A_80 = arith.constant 0 : i32
      %dma_wait3A_81 = arith.constant 0 : i32
      %dma_wait3A_82 = tpu.memref_slice %arg8[%dma_wait3A, %dma_wait3A_80, %dma_wait3A_81] : memref<2x128x128xf32, #tpu.memory_space<vmem>> -> memref<1x128x128xf32, #tpu.memory_space<vmem>>
      %dma_wait3A_83 = tpu.memref_squeeze %dma_wait3A_82 : memref<1x128x128xf32, #tpu.memory_space<vmem>> -> memref<128x128xf32, #tpu.memory_space<vmem>>
      %dma_wait3A_84 = arith.constant 0 : i32
      %dma_wait3A_85 = tpu.memref_slice %arg6[%mul3A_79, %dma_wait3A_84] : memref<40x128xi32, #tpu.memory_space<vmem>> -> memref<1x128xi32, #tpu.memory_space<vmem>>
      %dma_wait3A_86 = tpu.memref_squeeze %dma_wait3A_85 : memref<1x128xi32, #tpu.memory_space<vmem>> -> memref<128xi32, #tpu.memory_space<vmem>>
      %dma_wait3A_87 = arith.constant 0 : i32
      %dma_wait3A_88 = arith.constant 0 : i32
      %dma_wait3A_89 = tpu.memref_slice %arg2[%dma_wait3A_87, %dma_wait3A_88] : memref<10240x128xf32, #tpu.memory_space<hbm>> -> memref<10240x128xf32, #tpu.memory_space<hbm>>
      tpu.wait_indirect_dma semaphore(%arg11 : memref<!tpu.dma_semaphore, #tpu.memory_space<semaphore_mem>>) src(%dma_wait3A_89 : memref<10240x128xf32, #tpu.memory_space<hbm>>) dst(%dma_wait3A_83 : memref<128x128xf32, #tpu.memory_space<vmem>>)
      %run_scoped3A = arith.constant 0 : i32
      "tpu.region"() ({
        %run_scoped3A_117 = tpu.sem_alloc : memref<!tpu.dma_semaphore, #tpu.memory_space<semaphore_mem>>
        %dma_start3A_118 = arith.constant 0 : i32
        %dma_start3A_119 = arith.constant 0 : i32
        %dma_start3A_120 = tpu.memref_slice %arg8[%run_scoped3A, %dma_start3A_118, %dma_start3A_119] : memref<2x128x128xf32, #tpu.memory_space<vmem>> -> memref<1x128x128xf32, #tpu.memory_space<vmem>>
        %dma_start3A_121 = tpu.memref_squeeze %dma_start3A_120 : memref<1x128x128xf32, #tpu.memory_space<vmem>> -> memref<128x128xf32, #tpu.memory_space<vmem>>
        %dma_start3A_122 = arith.constant 0 : i32
        %dma_start3A_123 = tpu.memref_slice %arg7[%mul3A_79, %dma_start3A_122] : memref<40x128xi32, #tpu.memory_space<vmem>> -> memref<1x128xi32, #tpu.memory_space<vmem>>
        %dma_start3A_124 = tpu.memref_squeeze %dma_start3A_123 : memref<1x128xi32, #tpu.memory_space<vmem>> -> memref<128xi32, #tpu.memory_space<vmem>>
        %dma_start3A_125 = arith.constant 0 : i32
        %dma_start3A_126 = arith.constant 0 : i32
        %dma_start3A_127 = tpu.memref_slice %arg10[%dma_start3A_125, %dma_start3A_126] : memref<10240x128xf32, #tpu.memory_space<vmem_shared>> -> memref<10240x128xf32, #tpu.memory_space<vmem_shared>>
        tpu.enqueue_indirect_dma source(%dma_start3A_121 : memref<128x128xf32, #tpu.memory_space<vmem>>) target(%dma_start3A_127 : memref<10240x128xf32, #tpu.memory_space<vmem_shared>>) offsets(%dma_start3A_124 : memref<128xi32, #tpu.memory_space<vmem>>) semaphore(%run_scoped3A_117 : memref<!tpu.dma_semaphore, #tpu.memory_space<semaphore_mem>>) {add = true}
        %dma_wait3A_128 = arith.constant 0 : i32
        %dma_wait3A_129 = arith.constant 0 : i32
        %dma_wait3A_130 = tpu.memref_slice %arg8[%run_scoped3A, %dma_wait3A_128, %dma_wait3A_129] : memref<2x128x128xf32, #tpu.memory_space<vmem>> -> memref<1x128x128xf32, #tpu.memory_space<vmem>>
        %dma_wait3A_131 = tpu.memref_squeeze %dma_wait3A_130 : memref<1x128x128xf32, #tpu.memory_space<vmem>> -> memref<128x128xf32, #tpu.memory_space<vmem>>
        %dma_wait3A_132 = arith.constant 0 : i32
        %dma_wait3A_133 = tpu.memref_slice %arg7[%mul3A_79, %dma_wait3A_132] : memref<40x128xi32, #tpu.memory_space<vmem>> -> memref<1x128xi32, #tpu.memory_space<vmem>>
        %dma_wait3A_134 = tpu.memref_squeeze %dma_wait3A_133 : memref<1x128xi32, #tpu.memory_space<vmem>> -> memref<128xi32, #tpu.memory_space<vmem>>
        %dma_wait3A_135 = arith.constant 0 : i32
        %dma_wait3A_136 = arith.constant 0 : i32
        %dma_wait3A_137 = tpu.memref_slice %arg10[%dma_wait3A_135, %dma_wait3A_136] : memref<10240x128xf32, #tpu.memory_space<vmem_shared>> -> memref<10240x128xf32, #tpu.memory_space<vmem_shared>>
        tpu.wait_indirect_dma semaphore(%run_scoped3A_117 : memref<!tpu.dma_semaphore, #tpu.memory_space<semaphore_mem>>) src(%dma_wait3A_131 : memref<128x128xf32, #tpu.memory_space<vmem>>) dst(%dma_wait3A_137 : memref<10240x128xf32, #tpu.memory_space<vmem_shared>>)
        tpu.yield
      }) : () -> ()
      %add3A_90 = arith.constant 2 : i32
      %add3A_91 = arith.addi %mul3A_79, %add3A_90 : i32
      %lt3A = arith.constant 40 : i32
      %lt3A_92 = arith.cmpi slt, %add3A_91, %lt3A : i32
      %convert_element_type3A = arith.extui %lt3A_92 : i1 to i32
      %cond3A = arith.constant 0 : i32
      %cond3A_93 = arith.cmpi ne, %convert_element_type3A, %cond3A : i32
      scf.if %cond3A_93 {
        %add3A_117 = arith.constant 2 : i32
        %add3A_118 = arith.addi %mul3A_79, %add3A_117 : i32
        %dma_start3A_119 = arith.constant 0 : i32
        %dma_start3A_120 = arith.constant 0 : i32
        %dma_start3A_121 = arith.constant 0 : i32
        %dma_start3A_122 = tpu.memref_slice %arg8[%dma_start3A_119, %dma_start3A_120, %dma_start3A_121] : memref<2x128x128xf32, #tpu.memory_space<vmem>> -> memref<1x128x128xf32, #tpu.memory_space<vmem>>
        %dma_start3A_123 = tpu.memref_squeeze %dma_start3A_122 : memref<1x128x128xf32, #tpu.memory_space<vmem>> -> memref<128x128xf32, #tpu.memory_space<vmem>>
        %dma_start3A_124 = arith.constant 0 : i32
        %dma_start3A_125 = tpu.memref_slice %arg6[%add3A_118, %dma_start3A_124] : memref<40x128xi32, #tpu.memory_space<vmem>> -> memref<1x128xi32, #tpu.memory_space<vmem>>
        %dma_start3A_126 = tpu.memref_squeeze %dma_start3A_125 : memref<1x128xi32, #tpu.memory_space<vmem>> -> memref<128xi32, #tpu.memory_space<vmem>>
        %dma_start3A_127 = arith.constant 0 : i32
        %dma_start3A_128 = arith.constant 0 : i32
        %dma_start3A_129 = tpu.memref_slice %arg2[%dma_start3A_127, %dma_start3A_128] : memref<10240x128xf32, #tpu.memory_space<hbm>> -> memref<10240x128xf32, #tpu.memory_space<hbm>>
        tpu.enqueue_indirect_dma source(%dma_start3A_129 : memref<10240x128xf32, #tpu.memory_space<hbm>>) target(%dma_start3A_123 : memref<128x128xf32, #tpu.memory_space<vmem>>) offsets(%dma_start3A_126 : memref<128xi32, #tpu.memory_space<vmem>>) semaphore(%arg11 : memref<!tpu.dma_semaphore, #tpu.memory_space<semaphore_mem>>)
      } else {
      }
      %add3A_94 = arith.constant 1 : i32
      %add3A_95 = arith.addi %mul3A_79, %add3A_94 : i32
      %dma_wait3A_96 = arith.constant 1 : i32
      %dma_wait3A_97 = arith.constant 0 : i32
      %dma_wait3A_98 = arith.constant 0 : i32
      %dma_wait3A_99 = tpu.memref_slice %arg8[%dma_wait3A_96, %dma_wait3A_97, %dma_wait3A_98] : memref<2x128x128xf32, #tpu.memory_space<vmem>> -> memref<1x128x128xf32, #tpu.memory_space<vmem>>
      %dma_wait3A_100 = tpu.memref_squeeze %dma_wait3A_99 : memref<1x128x128xf32, #tpu.memory_space<vmem>> -> memref<128x128xf32, #tpu.memory_space<vmem>>
      %dma_wait3A_101 = arith.constant 0 : i32
      %dma_wait3A_102 = tpu.memref_slice %arg6[%add3A_95, %dma_wait3A_101] : memref<40x128xi32, #tpu.memory_space<vmem>> -> memref<1x128xi32, #tpu.memory_space<vmem>>
      %dma_wait3A_103 = tpu.memref_squeeze %dma_wait3A_102 : memref<1x128xi32, #tpu.memory_space<vmem>> -> memref<128xi32, #tpu.memory_space<vmem>>
      %dma_wait3A_104 = arith.constant 0 : i32
      %dma_wait3A_105 = arith.constant 0 : i32
      %dma_wait3A_106 = tpu.memref_slice %arg2[%dma_wait3A_104, %dma_wait3A_105] : memref<10240x128xf32, #tpu.memory_space<hbm>> -> memref<10240x128xf32, #tpu.memory_space<hbm>>
      tpu.wait_indirect_dma semaphore(%arg12 : memref<!tpu.dma_semaphore, #tpu.memory_space<semaphore_mem>>) src(%dma_wait3A_106 : memref<10240x128xf32, #tpu.memory_space<hbm>>) dst(%dma_wait3A_100 : memref<128x128xf32, #tpu.memory_space<vmem>>)
      %add3A_107 = arith.constant 1 : i32
      %add3A_108 = arith.addi %mul3A_79, %add3A_107 : i32
      %run_scoped3A_109 = arith.constant 1 : i32
      "tpu.region"() ({
        %run_scoped3A_117 = tpu.sem_alloc : memref<!tpu.dma_semaphore, #tpu.memory_space<semaphore_mem>>
        %dma_start3A_118 = arith.constant 0 : i32
        %dma_start3A_119 = arith.constant 0 : i32
        %dma_start3A_120 = tpu.memref_slice %arg8[%run_scoped3A_109, %dma_start3A_118, %dma_start3A_119] : memref<2x128x128xf32, #tpu.memory_space<vmem>> -> memref<1x128x128xf32, #tpu.memory_space<vmem>>
        %dma_start3A_121 = tpu.memref_squeeze %dma_start3A_120 : memref<1x128x128xf32, #tpu.memory_space<vmem>> -> memref<128x128xf32, #tpu.memory_space<vmem>>
        %dma_start3A_122 = arith.constant 0 : i32
        %dma_start3A_123 = tpu.memref_slice %arg7[%add3A_108, %dma_start3A_122] : memref<40x128xi32, #tpu.memory_space<vmem>> -> memref<1x128xi32, #tpu.memory_space<vmem>>
        %dma_start3A_124 = tpu.memref_squeeze %dma_start3A_123 : memref<1x128xi32, #tpu.memory_space<vmem>> -> memref<128xi32, #tpu.memory_space<vmem>>
        %dma_start3A_125 = arith.constant 0 : i32
        %dma_start3A_126 = arith.constant 0 : i32
        %dma_start3A_127 = tpu.memref_slice %arg10[%dma_start3A_125, %dma_start3A_126] : memref<10240x128xf32, #tpu.memory_space<vmem_shared>> -> memref<10240x128xf32, #tpu.memory_space<vmem_shared>>
        tpu.enqueue_indirect_dma source(%dma_start3A_121 : memref<128x128xf32, #tpu.memory_space<vmem>>) target(%dma_start3A_127 : memref<10240x128xf32, #tpu.memory_space<vmem_shared>>) offsets(%dma_start3A_124 : memref<128xi32, #tpu.memory_space<vmem>>) semaphore(%run_scoped3A_117 : memref<!tpu.dma_semaphore, #tpu.memory_space<semaphore_mem>>) {add = true}
        %dma_wait3A_128 = arith.constant 0 : i32
        %dma_wait3A_129 = arith.constant 0 : i32
        %dma_wait3A_130 = tpu.memref_slice %arg8[%run_scoped3A_109, %dma_wait3A_128, %dma_wait3A_129] : memref<2x128x128xf32, #tpu.memory_space<vmem>> -> memref<1x128x128xf32, #tpu.memory_space<vmem>>
        %dma_wait3A_131 = tpu.memref_squeeze %dma_wait3A_130 : memref<1x128x128xf32, #tpu.memory_space<vmem>> -> memref<128x128xf32, #tpu.memory_space<vmem>>
        %dma_wait3A_132 = arith.constant 0 : i32
        %dma_wait3A_133 = tpu.memref_slice %arg7[%add3A_108, %dma_wait3A_132] : memref<40x128xi32, #tpu.memory_space<vmem>> -> memref<1x128xi32, #tpu.memory_space<vmem>>
        %dma_wait3A_134 = tpu.memref_squeeze %dma_wait3A_133 : memref<1x128xi32, #tpu.memory_space<vmem>> -> memref<128xi32, #tpu.memory_space<vmem>>
        %dma_wait3A_135 = arith.constant 0 : i32
        %dma_wait3A_136 = arith.constant 0 : i32
        %dma_wait3A_137 = tpu.memref_slice %arg10[%dma_wait3A_135, %dma_wait3A_136] : memref<10240x128xf32, #tpu.memory_space<vmem_shared>> -> memref<10240x128xf32, #tpu.memory_space<vmem_shared>>
        tpu.wait_indirect_dma semaphore(%run_scoped3A_117 : memref<!tpu.dma_semaphore, #tpu.memory_space<semaphore_mem>>) src(%dma_wait3A_131 : memref<128x128xf32, #tpu.memory_space<vmem>>) dst(%dma_wait3A_137 : memref<10240x128xf32, #tpu.memory_space<vmem_shared>>)
        tpu.yield
      }) : () -> ()
      %add3A_110 = arith.constant 3 : i32
      %add3A_111 = arith.addi %mul3A_79, %add3A_110 : i32
      %lt3A_112 = arith.constant 40 : i32
      %lt3A_113 = arith.cmpi slt, %add3A_111, %lt3A_112 : i32
      %convert_element_type3A_114 = arith.extui %lt3A_113 : i1 to i32
      %cond3A_115 = arith.constant 0 : i32
      %cond3A_116 = arith.cmpi ne, %convert_element_type3A_114, %cond3A_115 : i32
      scf.if %cond3A_116 {
        %add3A_117 = arith.constant 3 : i32
        %add3A_118 = arith.addi %mul3A_79, %add3A_117 : i32
        %dma_start3A_119 = arith.constant 1 : i32
        %dma_start3A_120 = arith.constant 0 : i32
        %dma_start3A_121 = arith.constant 0 : i32
        %dma_start3A_122 = tpu.memref_slice %arg8[%dma_start3A_119, %dma_start3A_120, %dma_start3A_121] : memref<2x128x128xf32, #tpu.memory_space<vmem>> -> memref<1x128x128xf32, #tpu.memory_space<vmem>>
        %dma_start3A_123 = tpu.memref_squeeze %dma_start3A_122 : memref<1x128x128xf32, #tpu.memory_space<vmem>> -> memref<128x128xf32, #tpu.memory_space<vmem>>
        %dma_start3A_124 = arith.constant 0 : i32
        %dma_start3A_125 = tpu.memref_slice %arg6[%add3A_118, %dma_start3A_124] : memref<40x128xi32, #tpu.memory_space<vmem>> -> memref<1x128xi32, #tpu.memory_space<vmem>>
        %dma_start3A_126 = tpu.memref_squeeze %dma_start3A_125 : memref<1x128xi32, #tpu.memory_space<vmem>> -> memref<128xi32, #tpu.memory_space<vmem>>
        %dma_start3A_127 = arith.constant 0 : i32
        %dma_start3A_128 = arith.constant 0 : i32
        %dma_start3A_129 = tpu.memref_slice %arg2[%dma_start3A_127, %dma_start3A_128] : memref<10240x128xf32, #tpu.memory_space<hbm>> -> memref<10240x128xf32, #tpu.memory_space<hbm>>
        tpu.enqueue_indirect_dma source(%dma_start3A_129 : memref<10240x128xf32, #tpu.memory_space<hbm>>) target(%dma_start3A_123 : memref<128x128xf32, #tpu.memory_space<vmem>>) offsets(%dma_start3A_126 : memref<128xi32, #tpu.memory_space<vmem>>) semaphore(%arg12 : memref<!tpu.dma_semaphore, #tpu.memory_space<semaphore_mem>>)
      } else {
      }
    }
    %scan3A_41 = arith.constant 20 : i32
    "tpu.region"() ({
      %run_scoped3A = tpu.sem_alloc : memref<!tpu.dma_semaphore, #tpu.memory_space<semaphore_mem>>
      %dma_start3A_77 = arith.constant 40 : i32
      %dma_start3A_78 = arith.constant 0 : i32
      %dma_start3A_79 = tpu.memref_slice %arg3[%add3A, %dma_start3A_77, %dma_start3A_78] : memref<32x80x128xi32, #tpu.memory_space<hbm>> -> memref<1x40x128xi32, #tpu.memory_space<hbm>>
      %dma_start3A_80 = tpu.memref_squeeze %dma_start3A_79 : memref<1x40x128xi32, #tpu.memory_space<hbm>> -> memref<40x128xi32, #tpu.memory_space<hbm>>
      %dma_start3A_81 = arith.constant 40 : i32
      %dma_start3A_82 = arith.constant 0 : i32
      %dma_start3A_83 = tpu.memref_slice %arg3[%add3A, %dma_start3A_81, %dma_start3A_82] : memref<32x80x128xi32, #tpu.memory_space<hbm>> -> memref<1x40x128xi32, #tpu.memory_space<hbm>>
      %dma_start3A_84 = tpu.memref_squeeze %dma_start3A_83 : memref<1x40x128xi32, #tpu.memory_space<hbm>> -> memref<40x128xi32, #tpu.memory_space<hbm>>
      tpu.enqueue_dma source(%dma_start3A_84 : memref<40x128xi32, #tpu.memory_space<hbm>>) target(%arg6 : memref<40x128xi32, #tpu.memory_space<vmem>>) target_semaphore(%run_scoped3A : memref<!tpu.dma_semaphore, #tpu.memory_space<semaphore_mem>>)
      %dma_wait3A = arith.constant 40 : i32
      %dma_wait3A_85 = arith.constant 0 : i32
      %dma_wait3A_86 = tpu.memref_slice %arg3[%add3A, %dma_wait3A, %dma_wait3A_85] : memref<32x80x128xi32, #tpu.memory_space<hbm>> -> memref<1x40x128xi32, #tpu.memory_space<hbm>>
      %dma_wait3A_87 = tpu.memref_squeeze %dma_wait3A_86 : memref<1x40x128xi32, #tpu.memory_space<hbm>> -> memref<40x128xi32, #tpu.memory_space<hbm>>
      %dma_wait3A_88 = arith.constant 40 : i32
      %dma_wait3A_89 = arith.constant 0 : i32
      %dma_wait3A_90 = tpu.memref_slice %arg3[%add3A, %dma_wait3A_88, %dma_wait3A_89] : memref<32x80x128xi32, #tpu.memory_space<hbm>> -> memref<1x40x128xi32, #tpu.memory_space<hbm>>
      %dma_wait3A_91 = tpu.memref_squeeze %dma_wait3A_90 : memref<1x40x128xi32, #tpu.memory_space<hbm>> -> memref<40x128xi32, #tpu.memory_space<hbm>>
      tpu.wait_dma2 semaphore(%run_scoped3A : memref<!tpu.dma_semaphore, #tpu.memory_space<semaphore_mem>>) src(%dma_wait3A_91 : memref<40x128xi32, #tpu.memory_space<hbm>>) dst(%arg6 : memref<40x128xi32, #tpu.memory_space<vmem>>)
      tpu.yield
    }) : () -> ()
    "tpu.region"() ({
      %run_scoped3A = tpu.sem_alloc : memref<!tpu.dma_semaphore, #tpu.memory_space<semaphore_mem>>
      %dma_start3A_77 = arith.constant 40 : i32
      %dma_start3A_78 = arith.constant 0 : i32
      %dma_start3A_79 = tpu.memref_slice %arg4[%add3A, %dma_start3A_77, %dma_start3A_78] : memref<32x80x128xi32, #tpu.memory_space<hbm>> -> memref<1x40x128xi32, #tpu.memory_space<hbm>>
      %dma_start3A_80 = tpu.memref_squeeze %dma_start3A_79 : memref<1x40x128xi32, #tpu.memory_space<hbm>> -> memref<40x128xi32, #tpu.memory_space<hbm>>
      %dma_start3A_81 = arith.constant 40 : i32
      %dma_start3A_82 = arith.constant 0 : i32
      %dma_start3A_83 = tpu.memref_slice %arg4[%add3A, %dma_start3A_81, %dma_start3A_82] : memref<32x80x128xi32, #tpu.memory_space<hbm>> -> memref<1x40x128xi32, #tpu.memory_space<hbm>>
      %dma_start3A_84 = tpu.memref_squeeze %dma_start3A_83 : memref<1x40x128xi32, #tpu.memory_space<hbm>> -> memref<40x128xi32, #tpu.memory_space<hbm>>
      tpu.enqueue_dma source(%dma_start3A_84 : memref<40x128xi32, #tpu.memory_space<hbm>>) target(%arg7 : memref<40x128xi32, #tpu.memory_space<vmem>>) target_semaphore(%run_scoped3A : memref<!tpu.dma_semaphore, #tpu.memory_space<semaphore_mem>>)
      %dma_wait3A = arith.constant 40 : i32
      %dma_wait3A_85 = arith.constant 0 : i32
      %dma_wait3A_86 = tpu.memref_slice %arg4[%add3A, %dma_wait3A, %dma_wait3A_85] : memref<32x80x128xi32, #tpu.memory_space<hbm>> -> memref<1x40x128xi32, #tpu.memory_space<hbm>>
      %dma_wait3A_87 = tpu.memref_squeeze %dma_wait3A_86 : memref<1x40x128xi32, #tpu.memory_space<hbm>> -> memref<40x128xi32, #tpu.memory_space<hbm>>
      %dma_wait3A_88 = arith.constant 40 : i32
      %dma_wait3A_89 = arith.constant 0 : i32
      %dma_wait3A_90 = tpu.memref_slice %arg4[%add3A, %dma_wait3A_88, %dma_wait3A_89] : memref<32x80x128xi32, #tpu.memory_space<hbm>> -> memref<1x40x128xi32, #tpu.memory_space<hbm>>
      %dma_wait3A_91 = tpu.memref_squeeze %dma_wait3A_90 : memref<1x40x128xi32, #tpu.memory_space<hbm>> -> memref<40x128xi32, #tpu.memory_space<hbm>>
      tpu.wait_dma2 semaphore(%run_scoped3A : memref<!tpu.dma_semaphore, #tpu.memory_space<semaphore_mem>>) src(%dma_wait3A_91 : memref<40x128xi32, #tpu.memory_space<hbm>>) dst(%arg7 : memref<40x128xi32, #tpu.memory_space<vmem>>)
      tpu.yield
    }) : () -> ()
    %dma_start3A_42 = arith.constant 0 : i32
    %dma_start3A_43 = arith.constant 0 : i32
    %dma_start3A_44 = arith.constant 0 : i32
    %dma_start3A_45 = arith.constant 0 : i32
    %dma_start3A_46 = tpu.memref_slice %arg8[%dma_start3A_43, %dma_start3A_44, %dma_start3A_45] : memref<2x128x128xf32, #tpu.memory_space<vmem>> -> memref<1x128x128xf32, #tpu.memory_space<vmem>>
    %dma_start3A_47 = tpu.memref_squeeze %dma_start3A_46 : memref<1x128x128xf32, #tpu.memory_space<vmem>> -> memref<128x128xf32, #tpu.memory_space<vmem>>
    %dma_start3A_48 = arith.constant 0 : i32
    %dma_start3A_49 = tpu.memref_slice %arg6[%dma_start3A_42, %dma_start3A_48] : memref<40x128xi32, #tpu.memory_space<vmem>> -> memref<1x128xi32, #tpu.memory_space<vmem>>
    %dma_start3A_50 = tpu.memref_squeeze %dma_start3A_49 : memref<1x128xi32, #tpu.memory_space<vmem>> -> memref<128xi32, #tpu.memory_space<vmem>>
    %dma_start3A_51 = arith.constant 0 : i32
    %dma_start3A_52 = arith.constant 0 : i32
    %dma_start3A_53 = tpu.memref_slice %arg2[%dma_start3A_51, %dma_start3A_52] : memref<10240x128xf32, #tpu.memory_space<hbm>> -> memref<10240x128xf32, #tpu.memory_space<hbm>>
    tpu.enqueue_indirect_dma source(%dma_start3A_53 : memref<10240x128xf32, #tpu.memory_space<hbm>>) target(%dma_start3A_47 : memref<128x128xf32, #tpu.memory_space<vmem>>) offsets(%dma_start3A_50 : memref<128xi32, #tpu.memory_space<vmem>>) semaphore(%arg11 : memref<!tpu.dma_semaphore, #tpu.memory_space<semaphore_mem>>)
    %dma_start3A_54 = arith.constant 1 : i32
    %dma_start3A_55 = arith.constant 1 : i32
    %dma_start3A_56 = arith.constant 0 : i32
    %dma_start3A_57 = arith.constant 0 : i32
    %dma_start3A_58 = tpu.memref_slice %arg8[%dma_start3A_55, %dma_start3A_56, %dma_start3A_57] : memref<2x128x128xf32, #tpu.memory_space<vmem>> -> memref<1x128x128xf32, #tpu.memory_space<vmem>>
    %dma_start3A_59 = tpu.memref_squeeze %dma_start3A_58 : memref<1x128x128xf32, #tpu.memory_space<vmem>> -> memref<128x128xf32, #tpu.memory_space<vmem>>
    %dma_start3A_60 = arith.constant 0 : i32
    %dma_start3A_61 = tpu.memref_slice %arg6[%dma_start3A_54, %dma_start3A_60] : memref<40x128xi32, #tpu.memory_space<vmem>> -> memref<1x128xi32, #tpu.memory_space<vmem>>
    %dma_start3A_62 = tpu.memref_squeeze %dma_start3A_61 : memref<1x128xi32, #tpu.memory_space<vmem>> -> memref<128xi32, #tpu.memory_space<vmem>>
    %dma_start3A_63 = arith.constant 0 : i32
    %dma_start3A_64 = arith.constant 0 : i32
    %dma_start3A_65 = tpu.memref_slice %arg2[%dma_start3A_63, %dma_start3A_64] : memref<10240x128xf32, #tpu.memory_space<hbm>> -> memref<10240x128xf32, #tpu.memory_space<hbm>>
    tpu.enqueue_indirect_dma source(%dma_start3A_65 : memref<10240x128xf32, #tpu.memory_space<hbm>>) target(%dma_start3A_59 : memref<128x128xf32, #tpu.memory_space<vmem>>) offsets(%dma_start3A_62 : memref<128xi32, #tpu.memory_space<vmem>>) semaphore(%arg12 : memref<!tpu.dma_semaphore, #tpu.memory_space<semaphore_mem>>)
    %scan3A_66 = arith.constant 0 : i32
    %scan3A_67 = arith.constant 0 : i32
    %scan3A_68 = arith.constant 20 : i32
    %scan3A_69 = arith.addi %scan3A_67, %scan3A_68 : i32
    %scan3A_70 = arith.constant 1 : i32
    scf.for %scan3A_77 = %scan3A_67 to %scan3A_69 step %scan3A_70  : i32 {
      %mul3A_78 = arith.constant 2 : i32
      %mul3A_79 = arith.muli %scan3A_77, %mul3A_78 : i32
      %dma_wait3A = arith.constant 0 : i32
      %dma_wait3A_80 = arith.constant 0 : i32
      %dma_wait3A_81 = arith.constant 0 : i32
      %dma_wait3A_82 = tpu.memref_slice %arg8[%dma_wait3A, %dma_wait3A_80, %dma_wait3A_81] : memref<2x128x128xf32, #tpu.memory_space<vmem>> -> memref<1x128x128xf32, #tpu.memory_space<vmem>>
      %dma_wait3A_83 = tpu.memref_squeeze %dma_wait3A_82 : memref<1x128x128xf32, #tpu.memory_space<vmem>> -> memref<128x128xf32, #tpu.memory_space<vmem>>
      %dma_wait3A_84 = arith.constant 0 : i32
      %dma_wait3A_85 = tpu.memref_slice %arg6[%mul3A_79, %dma_wait3A_84] : memref<40x128xi32, #tpu.memory_space<vmem>> -> memref<1x128xi32, #tpu.memory_space<vmem>>
      %dma_wait3A_86 = tpu.memref_squeeze %dma_wait3A_85 : memref<1x128xi32, #tpu.memory_space<vmem>> -> memref<128xi32, #tpu.memory_space<vmem>>
      %dma_wait3A_87 = arith.constant 0 : i32
      %dma_wait3A_88 = arith.constant 0 : i32
      %dma_wait3A_89 = tpu.memref_slice %arg2[%dma_wait3A_87, %dma_wait3A_88] : memref<10240x128xf32, #tpu.memory_space<hbm>> -> memref<10240x128xf32, #tpu.memory_space<hbm>>
      tpu.wait_indirect_dma semaphore(%arg11 : memref<!tpu.dma_semaphore, #tpu.memory_space<semaphore_mem>>) src(%dma_wait3A_89 : memref<10240x128xf32, #tpu.memory_space<hbm>>) dst(%dma_wait3A_83 : memref<128x128xf32, #tpu.memory_space<vmem>>)
      %run_scoped3A = arith.constant 0 : i32
      "tpu.region"() ({
        %run_scoped3A_117 = tpu.sem_alloc : memref<!tpu.dma_semaphore, #tpu.memory_space<semaphore_mem>>
        %dma_start3A_118 = arith.constant 0 : i32
        %dma_start3A_119 = arith.constant 0 : i32
        %dma_start3A_120 = tpu.memref_slice %arg8[%run_scoped3A, %dma_start3A_118, %dma_start3A_119] : memref<2x128x128xf32, #tpu.memory_space<vmem>> -> memref<1x128x128xf32, #tpu.memory_space<vmem>>
        %dma_start3A_121 = tpu.memref_squeeze %dma_start3A_120 : memref<1x128x128xf32, #tpu.memory_space<vmem>> -> memref<128x128xf32, #tpu.memory_space<vmem>>
        %dma_start3A_122 = arith.constant 0 : i32
        %dma_start3A_123 = tpu.memref_slice %arg7[%mul3A_79, %dma_start3A_122] : memref<40x128xi32, #tpu.memory_space<vmem>> -> memref<1x128xi32, #tpu.memory_space<vmem>>
        %dma_start3A_124 = tpu.memref_squeeze %dma_start3A_123 : memref<1x128xi32, #tpu.memory_space<vmem>> -> memref<128xi32, #tpu.memory_space<vmem>>
        %dma_start3A_125 = arith.constant 0 : i32
        %dma_start3A_126 = arith.constant 0 : i32
        %dma_start3A_127 = tpu.memref_slice %arg10[%dma_start3A_125, %dma_start3A_126] : memref<10240x128xf32, #tpu.memory_space<vmem_shared>> -> memref<10240x128xf32, #tpu.memory_space<vmem_shared>>
        tpu.enqueue_indirect_dma source(%dma_start3A_121 : memref<128x128xf32, #tpu.memory_space<vmem>>) target(%dma_start3A_127 : memref<10240x128xf32, #tpu.memory_space<vmem_shared>>) offsets(%dma_start3A_124 : memref<128xi32, #tpu.memory_space<vmem>>) semaphore(%run_scoped3A_117 : memref<!tpu.dma_semaphore, #tpu.memory_space<semaphore_mem>>) {add = true}
        %dma_wait3A_128 = arith.constant 0 : i32
        %dma_wait3A_129 = arith.constant 0 : i32
        %dma_wait3A_130 = tpu.memref_slice %arg8[%run_scoped3A, %dma_wait3A_128, %dma_wait3A_129] : memref<2x128x128xf32, #tpu.memory_space<vmem>> -> memref<1x128x128xf32, #tpu.memory_space<vmem>>
        %dma_wait3A_131 = tpu.memref_squeeze %dma_wait3A_130 : memref<1x128x128xf32, #tpu.memory_space<vmem>> -> memref<128x128xf32, #tpu.memory_space<vmem>>
        %dma_wait3A_132 = arith.constant 0 : i32
        %dma_wait3A_133 = tpu.memref_slice %arg7[%mul3A_79, %dma_wait3A_132] : memref<40x128xi32, #tpu.memory_space<vmem>> -> memref<1x128xi32, #tpu.memory_space<vmem>>
        %dma_wait3A_134 = tpu.memref_squeeze %dma_wait3A_133 : memref<1x128xi32, #tpu.memory_space<vmem>> -> memref<128xi32, #tpu.memory_space<vmem>>
        %dma_wait3A_135 = arith.constant 0 : i32
        %dma_wait3A_136 = arith.constant 0 : i32
        %dma_wait3A_137 = tpu.memref_slice %arg10[%dma_wait3A_135, %dma_wait3A_136] : memref<10240x128xf32, #tpu.memory_space<vmem_shared>> -> memref<10240x128xf32, #tpu.memory_space<vmem_shared>>
        tpu.wait_indirect_dma semaphore(%run_scoped3A_117 : memref<!tpu.dma_semaphore, #tpu.memory_space<semaphore_mem>>) src(%dma_wait3A_131 : memref<128x128xf32, #tpu.memory_space<vmem>>) dst(%dma_wait3A_137 : memref<10240x128xf32, #tpu.memory_space<vmem_shared>>)
        tpu.yield
      }) : () -> ()
      %add3A_90 = arith.constant 2 : i32
      %add3A_91 = arith.addi %mul3A_79, %add3A_90 : i32
      %lt3A = arith.constant 40 : i32
      %lt3A_92 = arith.cmpi slt, %add3A_91, %lt3A : i32
      %convert_element_type3A = arith.extui %lt3A_92 : i1 to i32
      %cond3A = arith.constant 0 : i32
      %cond3A_93 = arith.cmpi ne, %convert_element_type3A, %cond3A : i32
      scf.if %cond3A_93 {
        %add3A_117 = arith.constant 2 : i32
        %add3A_118 = arith.addi %mul3A_79, %add3A_117 : i32
        %dma_start3A_119 = arith.constant 0 : i32
        %dma_start3A_120 = arith.constant 0 : i32
        %dma_start3A_121 = arith.constant 0 : i32
        %dma_start3A_122 = tpu.memref_slice %arg8[%dma_start3A_119, %dma_start3A_120, %dma_start3A_121] : memref<2x128x128xf32, #tpu.memory_space<vmem>> -> memref<1x128x128xf32, #tpu.memory_space<vmem>>
        %dma_start3A_123 = tpu.memref_squeeze %dma_start3A_122 : memref<1x128x128xf32, #tpu.memory_space<vmem>> -> memref<128x128xf32, #tpu.memory_space<vmem>>
        %dma_start3A_124 = arith.constant 0 : i32
        %dma_start3A_125 = tpu.memref_slice %arg6[%add3A_118, %dma_start3A_124] : memref<40x128xi32, #tpu.memory_space<vmem>> -> memref<1x128xi32, #tpu.memory_space<vmem>>
        %dma_start3A_126 = tpu.memref_squeeze %dma_start3A_125 : memref<1x128xi32, #tpu.memory_space<vmem>> -> memref<128xi32, #tpu.memory_space<vmem>>
        %dma_start3A_127 = arith.constant 0 : i32
        %dma_start3A_128 = arith.constant 0 : i32
        %dma_start3A_129 = tpu.memref_slice %arg2[%dma_start3A_127, %dma_start3A_128] : memref<10240x128xf32, #tpu.memory_space<hbm>> -> memref<10240x128xf32, #tpu.memory_space<hbm>>
        tpu.enqueue_indirect_dma source(%dma_start3A_129 : memref<10240x128xf32, #tpu.memory_space<hbm>>) target(%dma_start3A_123 : memref<128x128xf32, #tpu.memory_space<vmem>>) offsets(%dma_start3A_126 : memref<128xi32, #tpu.memory_space<vmem>>) semaphore(%arg11 : memref<!tpu.dma_semaphore, #tpu.memory_space<semaphore_mem>>)
      } else {
      }
      %add3A_94 = arith.constant 1 : i32
      %add3A_95 = arith.addi %mul3A_79, %add3A_94 : i32
      %dma_wait3A_96 = arith.constant 1 : i32
      %dma_wait3A_97 = arith.constant 0 : i32
      %dma_wait3A_98 = arith.constant 0 : i32
      %dma_wait3A_99 = tpu.memref_slice %arg8[%dma_wait3A_96, %dma_wait3A_97, %dma_wait3A_98] : memref<2x128x128xf32, #tpu.memory_space<vmem>> -> memref<1x128x128xf32, #tpu.memory_space<vmem>>
      %dma_wait3A_100 = tpu.memref_squeeze %dma_wait3A_99 : memref<1x128x128xf32, #tpu.memory_space<vmem>> -> memref<128x128xf32, #tpu.memory_space<vmem>>
      %dma_wait3A_101 = arith.constant 0 : i32
      %dma_wait3A_102 = tpu.memref_slice %arg6[%add3A_95, %dma_wait3A_101] : memref<40x128xi32, #tpu.memory_space<vmem>> -> memref<1x128xi32, #tpu.memory_space<vmem>>
      %dma_wait3A_103 = tpu.memref_squeeze %dma_wait3A_102 : memref<1x128xi32, #tpu.memory_space<vmem>> -> memref<128xi32, #tpu.memory_space<vmem>>
      %dma_wait3A_104 = arith.constant 0 : i32
      %dma_wait3A_105 = arith.constant 0 : i32
      %dma_wait3A_106 = tpu.memref_slice %arg2[%dma_wait3A_104, %dma_wait3A_105] : memref<10240x128xf32, #tpu.memory_space<hbm>> -> memref<10240x128xf32, #tpu.memory_space<hbm>>
      tpu.wait_indirect_dma semaphore(%arg12 : memref<!tpu.dma_semaphore, #tpu.memory_space<semaphore_mem>>) src(%dma_wait3A_106 : memref<10240x128xf32, #tpu.memory_space<hbm>>) dst(%dma_wait3A_100 : memref<128x128xf32, #tpu.memory_space<vmem>>)
      %add3A_107 = arith.constant 1 : i32
      %add3A_108 = arith.addi %mul3A_79, %add3A_107 : i32
      %run_scoped3A_109 = arith.constant 1 : i32
      "tpu.region"() ({
        %run_scoped3A_117 = tpu.sem_alloc : memref<!tpu.dma_semaphore, #tpu.memory_space<semaphore_mem>>
        %dma_start3A_118 = arith.constant 0 : i32
        %dma_start3A_119 = arith.constant 0 : i32
        %dma_start3A_120 = tpu.memref_slice %arg8[%run_scoped3A_109, %dma_start3A_118, %dma_start3A_119] : memref<2x128x128xf32, #tpu.memory_space<vmem>> -> memref<1x128x128xf32, #tpu.memory_space<vmem>>
        %dma_start3A_121 = tpu.memref_squeeze %dma_start3A_120 : memref<1x128x128xf32, #tpu.memory_space<vmem>> -> memref<128x128xf32, #tpu.memory_space<vmem>>
        %dma_start3A_122 = arith.constant 0 : i32
        %dma_start3A_123 = tpu.memref_slice %arg7[%add3A_108, %dma_start3A_122] : memref<40x128xi32, #tpu.memory_space<vmem>> -> memref<1x128xi32, #tpu.memory_space<vmem>>
        %dma_start3A_124 = tpu.memref_squeeze %dma_start3A_123 : memref<1x128xi32, #tpu.memory_space<vmem>> -> memref<128xi32, #tpu.memory_space<vmem>>
        %dma_start3A_125 = arith.constant 0 : i32
        %dma_start3A_126 = arith.constant 0 : i32
        %dma_start3A_127 = tpu.memref_slice %arg10[%dma_start3A_125, %dma_start3A_126] : memref<10240x128xf32, #tpu.memory_space<vmem_shared>> -> memref<10240x128xf32, #tpu.memory_space<vmem_shared>>
        tpu.enqueue_indirect_dma source(%dma_start3A_121 : memref<128x128xf32, #tpu.memory_space<vmem>>) target(%dma_start3A_127 : memref<10240x128xf32, #tpu.memory_space<vmem_shared>>) offsets(%dma_start3A_124 : memref<128xi32, #tpu.memory_space<vmem>>) semaphore(%run_scoped3A_117 : memref<!tpu.dma_semaphore, #tpu.memory_space<semaphore_mem>>) {add = true}
        %dma_wait3A_128 = arith.constant 0 : i32
        %dma_wait3A_129 = arith.constant 0 : i32
        %dma_wait3A_130 = tpu.memref_slice %arg8[%run_scoped3A_109, %dma_wait3A_128, %dma_wait3A_129] : memref<2x128x128xf32, #tpu.memory_space<vmem>> -> memref<1x128x128xf32, #tpu.memory_space<vmem>>
        %dma_wait3A_131 = tpu.memref_squeeze %dma_wait3A_130 : memref<1x128x128xf32, #tpu.memory_space<vmem>> -> memref<128x128xf32, #tpu.memory_space<vmem>>
        %dma_wait3A_132 = arith.constant 0 : i32
        %dma_wait3A_133 = tpu.memref_slice %arg7[%add3A_108, %dma_wait3A_132] : memref<40x128xi32, #tpu.memory_space<vmem>> -> memref<1x128xi32, #tpu.memory_space<vmem>>
        %dma_wait3A_134 = tpu.memref_squeeze %dma_wait3A_133 : memref<1x128xi32, #tpu.memory_space<vmem>> -> memref<128xi32, #tpu.memory_space<vmem>>
        %dma_wait3A_135 = arith.constant 0 : i32
        %dma_wait3A_136 = arith.constant 0 : i32
        %dma_wait3A_137 = tpu.memref_slice %arg10[%dma_wait3A_135, %dma_wait3A_136] : memref<10240x128xf32, #tpu.memory_space<vmem_shared>> -> memref<10240x128xf32, #tpu.memory_space<vmem_shared>>
        tpu.wait_indirect_dma semaphore(%run_scoped3A_117 : memref<!tpu.dma_semaphore, #tpu.memory_space<semaphore_mem>>) src(%dma_wait3A_131 : memref<128x128xf32, #tpu.memory_space<vmem>>) dst(%dma_wait3A_137 : memref<10240x128xf32, #tpu.memory_space<vmem_shared>>)
        tpu.yield
      }) : () -> ()
      %add3A_110 = arith.constant 3 : i32
      %add3A_111 = arith.addi %mul3A_79, %add3A_110 : i32
      %lt3A_112 = arith.constant 40 : i32
      %lt3A_113 = arith.cmpi slt, %add3A_111, %lt3A_112 : i32
      %convert_element_type3A_114 = arith.extui %lt3A_113 : i1 to i32
      %cond3A_115 = arith.constant 0 : i32
      %cond3A_116 = arith.cmpi ne, %convert_element_type3A_114, %cond3A_115 : i32
      scf.if %cond3A_116 {
        %add3A_117 = arith.constant 3 : i32
        %add3A_118 = arith.addi %mul3A_79, %add3A_117 : i32
        %dma_start3A_119 = arith.constant 1 : i32
        %dma_start3A_120 = arith.constant 0 : i32
        %dma_start3A_121 = arith.constant 0 : i32
        %dma_start3A_122 = tpu.memref_slice %arg8[%dma_start3A_119, %dma_start3A_120, %dma_start3A_121] : memref<2x128x128xf32, #tpu.memory_space<vmem>> -> memref<1x128x128xf32, #tpu.memory_space<vmem>>
        %dma_start3A_123 = tpu.memref_squeeze %dma_start3A_122 : memref<1x128x128xf32, #tpu.memory_space<vmem>> -> memref<128x128xf32, #tpu.memory_space<vmem>>
        %dma_start3A_124 = arith.constant 0 : i32
        %dma_start3A_125 = tpu.memref_slice %arg6[%add3A_118, %dma_start3A_124] : memref<40x128xi32, #tpu.memory_space<vmem>> -> memref<1x128xi32, #tpu.memory_space<vmem>>
        %dma_start3A_126 = tpu.memref_squeeze %dma_start3A_125 : memref<1x128xi32, #tpu.memory_space<vmem>> -> memref<128xi32, #tpu.memory_space<vmem>>
        %dma_start3A_127 = arith.constant 0 : i32
        %dma_start3A_128 = arith.constant 0 : i32
        %dma_start3A_129 = tpu.memref_slice %arg2[%dma_start3A_127, %dma_start3A_128] : memref<10240x128xf32, #tpu.memory_space<hbm>> -> memref<10240x128xf32, #tpu.memory_space<hbm>>
        tpu.enqueue_indirect_dma source(%dma_start3A_129 : memref<10240x128xf32, #tpu.memory_space<hbm>>) target(%dma_start3A_123 : memref<128x128xf32, #tpu.memory_space<vmem>>) offsets(%dma_start3A_126 : memref<128xi32, #tpu.memory_space<vmem>>) semaphore(%arg12 : memref<!tpu.dma_semaphore, #tpu.memory_space<semaphore_mem>>)
      } else {
      }
    }
    %scan3A_71 = arith.constant 20 : i32
    %barrier3A_72 = arith.constant 0 : index
    tpu.barrier barrier_id(%barrier3A_72)
    %mul3A_73 = arith.constant 640 : i32
    %mul3A_74 = arith.muli %arg1, %mul3A_73 : i32
    %mul3A_75 = arith.constant 640 : i32
    %mul3A_76 = arith.muli %arg1, %mul3A_75 : i32
    "tpu.region"() ({
      %run_scoped3A = tpu.sem_alloc : memref<!tpu.dma_semaphore, #tpu.memory_space<semaphore_mem>>
      %dma_start3A_77 = arith.constant 0 : i32
      %dma_start3A_78 = tpu.memref_slice %arg5[%arg0, %mul3A_76, %dma_start3A_77] : memref<2x10240x128xf32, #tpu.memory_space<hbm>> -> memref<1x640x128xf32, #tpu.memory_space<hbm>>
      %dma_start3A_79 = tpu.memref_squeeze %dma_start3A_78 : memref<1x640x128xf32, #tpu.memory_space<hbm>> -> memref<640x128xf32, #tpu.memory_space<hbm>>
      %dma_start3A_80 = arith.constant 0 : i32
      %dma_start3A_81 = tpu.memref_slice %arg10[%mul3A_74, %dma_start3A_80] : memref<10240x128xf32, #tpu.memory_space<vmem_shared>> -> memref<640x128xf32, #tpu.memory_space<vmem_shared>>
      tpu.enqueue_dma source(%dma_start3A_81 : memref<640x128xf32, #tpu.memory_space<vmem_shared>>) target(%dma_start3A_79 : memref<640x128xf32, #tpu.memory_space<hbm>>) target_semaphore(%run_scoped3A : memref<!tpu.dma_semaphore, #tpu.memory_space<semaphore_mem>>)
      %dma_wait3A = arith.constant 0 : i32
      %dma_wait3A_82 = tpu.memref_slice %arg5[%arg0, %mul3A_76, %dma_wait3A] : memref<2x10240x128xf32, #tpu.memory_space<hbm>> -> memref<1x640x128xf32, #tpu.memory_space<hbm>>
      %dma_wait3A_83 = tpu.memref_squeeze %dma_wait3A_82 : memref<1x640x128xf32, #tpu.memory_space<hbm>> -> memref<640x128xf32, #tpu.memory_space<hbm>>
      %dma_wait3A_84 = arith.constant 0 : i32
      %dma_wait3A_85 = tpu.memref_slice %arg10[%mul3A_74, %dma_wait3A_84] : memref<10240x128xf32, #tpu.memory_space<vmem_shared>> -> memref<640x128xf32, #tpu.memory_space<vmem_shared>>
      tpu.wait_dma2 semaphore(%run_scoped3A : memref<!tpu.dma_semaphore, #tpu.memory_space<semaphore_mem>>) src(%dma_wait3A_85 : memref<640x128xf32, #tpu.memory_space<vmem_shared>>) dst(%dma_wait3A_83 : memref<640x128xf32, #tpu.memory_space<hbm>>)
      tpu.yield
    }) : () -> ()
    return
  }
}

module attributes {stable_mosaic.version = 14 : i64} {
  func.func @_tc_embed_body(%arg0: memref<10240x128xf32, #tpu.memory_space<vmem>>, %arg1: memref<128x128xf32, #tpu.memory_space<vmem>>, %arg2: memref<1x128xf32, #tpu.memory_space<vmem>>, %arg3: memref<2x10240x1xf32, #tpu.memory_space<vmem>>, %arg4: memref<128x128xf32, #tpu.memory_space<vmem>>, %arg5: memref<10240x128xf32, #tpu.memory_space<vmem>>, %arg6: memref<10240x128xf32, #tpu.memory_space<vmem>>, %arg7: memref<10240x128xf32, #tpu.memory_space<vmem>>) attributes {dimension_semantics = [], scalar_prefetch = 0 : i64, scratch_operands = 0 : i64, tpu.core_type = #tpu.core_type<tc>} {
    %get3A = arith.constant 0 : index
    %get3A_0 = arith.constant 0 : index
    %get3A_1 = vector.load %arg0[%get3A, %get3A_0] : memref<10240x128xf32, #tpu.memory_space<vmem>>, vector<10240x128xf32>
    %get3A_2 = arith.constant 0 : index
    %get3A_3 = arith.constant 0 : index
    %get3A_4 = vector.load %arg1[%get3A_2, %get3A_3] : memref<128x128xf32, #tpu.memory_space<vmem>>, vector<128x128xf32>
    %dot_general3A = arith.constant dense<0.000000e+00> : vector<10240x128xf32>
    %dot_general3A_5 = tpu.matmul %get3A_1, %get3A_4, %dot_general3A {dimension_numbers = #tpu.dot_dimension_numbers<[1], [0], [0], [1], [0, 0, 1, 1], [], []>, precision = #tpu.contract_precision<fp32>, transpose_lhs_hint = false} : vector<10240x128xf32>, vector<128x128xf32>, vector<10240x128xf32> -> vector<10240x128xf32>
    %get3A_6 = arith.constant 0 : index
    %get3A_7 = arith.constant 0 : index
    %get3A_8 = vector.load %arg2[%get3A_6, %get3A_7] : memref<1x128xf32, #tpu.memory_space<vmem>>, vector<1x128xf32>
    %add3A = vector.broadcast %get3A_8 : vector<1x128xf32> to vector<10240x128xf32>
    %add3A_9 = arith.addf %dot_general3A_5, %add3A : vector<10240x128xf32>
    %max3A = arith.constant 0.000000e+00 : f32
    %max3A_10 = vector.broadcast %max3A : f32 to vector<10240x128xf32>
    %max3A_11 = arith.maximumf %add3A_9, %max3A_10 : vector<10240x128xf32>
    %get3A_12 = arith.constant 0 : index
    %get3A_13 = arith.constant 0 : index
    %get3A_14 = arith.constant 0 : index
    %get3A_15 = vector.load %arg3[%get3A_12, %get3A_13, %get3A_14] : memref<2x10240x1xf32, #tpu.memory_space<vmem>>, vector<1x10240x1xf32>
    %get3A_16 = vector.shape_cast %get3A_15 : vector<1x10240x1xf32> to vector<10240x1xf32>
    %get3A_17 = arith.constant 1 : index
    %get3A_18 = arith.constant 0 : index
    %get3A_19 = arith.constant 0 : index
    %get3A_20 = vector.load %arg3[%get3A_17, %get3A_18, %get3A_19] : memref<2x10240x1xf32, #tpu.memory_space<vmem>>, vector<1x10240x1xf32>
    %get3A_21 = vector.shape_cast %get3A_20 : vector<1x10240x1xf32> to vector<10240x1xf32>
    %add3A_22 = arith.addf %get3A_16, %get3A_21 : vector<10240x1xf32>
    %add3A_23 = arith.constant 1.000000e+00 : f32
    %add3A_24 = vector.broadcast %add3A_23 : f32 to vector<10240x1xf32>
    %add3A_25 = arith.addf %add3A_22, %add3A_24 : vector<10240x1xf32>
    %rsqrt3A = math.rsqrt %add3A_25 : vector<10240x1xf32>
    %iota3A = tpu.iota {dimensions = array<i32: 0>} : vector<10240x1xi32>
    %lt3A = arith.constant 10000 : i32
    %lt3A_26 = vector.broadcast %lt3A : i32 to vector<10240x1xi32>
    %lt3A_27 = arith.cmpi slt, %iota3A, %lt3A_26 : vector<10240x1xi32>
    %convert_element_type3A = arith.extui %lt3A_27 : vector<10240x1xi1> to vector<10240x1xi32>
    %convert_element_type3A_28 = arith.sitofp %convert_element_type3A : vector<10240x1xi32> to vector<10240x1xf32>
    %mul3A = arith.mulf %rsqrt3A, %convert_element_type3A_28 : vector<10240x1xf32>
    %swap3A = arith.constant 0 : index
    %swap3A_29 = arith.constant 0 : index
    %swap3A_30 = vector.load %arg5[%swap3A, %swap3A_29] : memref<10240x128xf32, #tpu.memory_space<vmem>>, vector<10240x128xf32>
    tpu.vector_store %arg5[%swap3A, %swap3A_29], %max3A_11 {strides = array<i32>} : memref<10240x128xf32, #tpu.memory_space<vmem>>, vector<10240x128xf32>,
    %broadcast_in_dim3A = vector.shape_cast %mul3A : vector<10240x1xf32> to vector<10240x1xf32>
    %broadcast_in_dim3A_31 = vector.broadcast %broadcast_in_dim3A : vector<10240x1xf32> to vector<10240x128xf32>
    %swap3A_32 = arith.constant 0 : index
    %swap3A_33 = arith.constant 0 : index
    %swap3A_34 = vector.load %arg7[%swap3A_32, %swap3A_33] : memref<10240x128xf32, #tpu.memory_space<vmem>>, vector<10240x128xf32>
    tpu.vector_store %arg7[%swap3A_32, %swap3A_33], %broadcast_in_dim3A_31 {strides = array<i32>} : memref<10240x128xf32, #tpu.memory_space<vmem>>, vector<10240x128xf32>,
    %get3A_35 = arith.constant 0 : index
    %get3A_36 = arith.constant 0 : index
    %get3A_37 = vector.load %arg4[%get3A_35, %get3A_36] : memref<128x128xf32, #tpu.memory_space<vmem>>, vector<128x128xf32>
    %dot_general3A_38 = arith.constant dense<0.000000e+00> : vector<10240x128xf32>
    %dot_general3A_39 = tpu.matmul %max3A_11, %get3A_37, %dot_general3A_38 {dimension_numbers = #tpu.dot_dimension_numbers<[1], [0], [0], [1], [0, 0, 1, 1], [], []>, precision = #tpu.contract_precision<fp32>, transpose_lhs_hint = false} : vector<10240x128xf32>, vector<128x128xf32>, vector<10240x128xf32> -> vector<10240x128xf32>
    %mul3A_40 = vector.broadcast %mul3A : vector<10240x1xf32> to vector<10240x128xf32>
    %mul3A_41 = arith.mulf %dot_general3A_39, %mul3A_40 : vector<10240x128xf32>
    %swap3A_42 = arith.constant 0 : index
    %swap3A_43 = arith.constant 0 : index
    %swap3A_44 = vector.load %arg6[%swap3A_42, %swap3A_43] : memref<10240x128xf32, #tpu.memory_space<vmem>>, vector<10240x128xf32>
    tpu.vector_store %arg6[%swap3A_42, %swap3A_43], %mul3A_41 {strides = array<i32>} : memref<10240x128xf32, #tpu.memory_space<vmem>>, vector<10240x128xf32>,
    return
  }
}

module attributes {stable_mosaic.version = 14 : i64} {
  func.func @_tc_layer_body(%arg0: memref<2x10240x128xf32, #tpu.memory_space<vmem>>, %arg1: memref<10240x128xf32, #tpu.memory_space<vmem>>, %arg2: memref<10240x128xf32, #tpu.memory_space<vmem>>, %arg3: memref<10240x128xf32, #tpu.memory_space<vmem>>, %arg4: memref<1x128xf32, #tpu.memory_space<vmem>>, %arg5: memref<1x128xf32, #tpu.memory_space<vmem>>, %arg6: memref<1x128xf32, #tpu.memory_space<vmem>>, %arg7: memref<128x128xf32, #tpu.memory_space<vmem>>, %arg8: memref<10240x128xf32, #tpu.memory_space<vmem>>, %arg9: memref<10240x128xf32, #tpu.memory_space<vmem>>) attributes {dimension_semantics = [], scalar_prefetch = 0 : i64, scratch_operands = 0 : i64, tpu.core_type = #tpu.core_type<tc>} {
    %iota3A = tpu.iota {dimensions = array<i32: 0>} : vector<10240x1xi32>
    %lt3A = arith.constant 10000 : i32
    %lt3A_0 = vector.broadcast %lt3A : i32 to vector<10240x1xi32>
    %lt3A_1 = arith.cmpi slt, %iota3A, %lt3A_0 : vector<10240x1xi32>
    %convert_element_type3A = arith.extui %lt3A_1 : vector<10240x1xi1> to vector<10240x1xi32>
    %convert_element_type3A_2 = arith.sitofp %convert_element_type3A : vector<10240x1xi32> to vector<10240x1xf32>
    %get3A = arith.constant 0 : index
    %get3A_3 = arith.constant 0 : index
    %get3A_4 = arith.constant 0 : index
    %get3A_5 = vector.load %arg0[%get3A, %get3A_3, %get3A_4] : memref<2x10240x128xf32, #tpu.memory_space<vmem>>, vector<1x10240x128xf32>
    %get3A_6 = vector.shape_cast %get3A_5 : vector<1x10240x128xf32> to vector<10240x128xf32>
    %get3A_7 = arith.constant 1 : index
    %get3A_8 = arith.constant 0 : index
    %get3A_9 = arith.constant 0 : index
    %get3A_10 = vector.load %arg0[%get3A_7, %get3A_8, %get3A_9] : memref<2x10240x128xf32, #tpu.memory_space<vmem>>, vector<1x10240x128xf32>
    %get3A_11 = vector.shape_cast %get3A_10 : vector<1x10240x128xf32> to vector<10240x128xf32>
    %add3A = arith.addf %get3A_6, %get3A_11 : vector<10240x128xf32>
    %get3A_12 = arith.constant 0 : index
    %get3A_13 = arith.constant 0 : index
    %get3A_14 = vector.load %arg1[%get3A_12, %get3A_13] : memref<10240x128xf32, #tpu.memory_space<vmem>>, vector<10240x128xf32>
    %add3A_15 = arith.addf %add3A, %get3A_14 : vector<10240x128xf32>
    %get3A_16 = arith.constant 0 : index
    %get3A_17 = arith.constant 0 : index
    %get3A_18 = vector.load %arg3[%get3A_16, %get3A_17] : memref<10240x128xf32, #tpu.memory_space<vmem>>, vector<10240x128xf32>
    %mul3A = arith.mulf %add3A_15, %get3A_18 : vector<10240x128xf32>
    %get3A_19 = arith.constant 0 : index
    %get3A_20 = arith.constant 0 : index
    %get3A_21 = vector.load %arg4[%get3A_19, %get3A_20] : memref<1x128xf32, #tpu.memory_space<vmem>>, vector<1x128xf32>
    %add3A_22 = vector.broadcast %get3A_21 : vector<1x128xf32> to vector<10240x128xf32>
    %add3A_23 = arith.addf %mul3A, %add3A_22 : vector<10240x128xf32>
    %mul3A_24 = vector.broadcast %convert_element_type3A_2 : vector<10240x1xf32> to vector<10240x128xf32>
    %mul3A_25 = arith.mulf %add3A_23, %mul3A_24 : vector<10240x128xf32>
    %reduce_sum3A = arith.constant dense<0.000000e+00> : vector<128xf32>
    %reduce_sum3A_26 = vector.multi_reduction <add>, %mul3A_25, %reduce_sum3A [0] : vector<10240x128xf32> to vector<128xf32>
    %broadcast_in_dim3A = vector.shape_cast %reduce_sum3A_26 : vector<128xf32> to vector<1x128xf32>
    %mul3A_27 = arith.constant 9.99999974E-5 : f32
    %mul3A_28 = vector.broadcast %mul3A_27 : f32 to vector<1x128xf32>
    %mul3A_29 = arith.mulf %broadcast_in_dim3A, %mul3A_28 : vector<1x128xf32>
    %sub3A = vector.broadcast %mul3A_29 : vector<1x128xf32> to vector<10240x128xf32>
    %sub3A_30 = arith.subf %mul3A_25, %sub3A : vector<10240x128xf32>
    %mul3A_31 = vector.broadcast %convert_element_type3A_2 : vector<10240x1xf32> to vector<10240x128xf32>
    %mul3A_32 = arith.mulf %sub3A_30, %mul3A_31 : vector<10240x128xf32>
    %mul3A_33 = arith.mulf %mul3A_32, %mul3A_32 : vector<10240x128xf32>
    %reduce_sum3A_34 = arith.constant dense<0.000000e+00> : vector<128xf32>
    %reduce_sum3A_35 = vector.multi_reduction <add>, %mul3A_33, %reduce_sum3A_34 [0] : vector<10240x128xf32> to vector<128xf32>
    %broadcast_in_dim3A_36 = vector.shape_cast %reduce_sum3A_35 : vector<128xf32> to vector<1x128xf32>
    %mul3A_37 = arith.constant 9.99999974E-5 : f32
    %mul3A_38 = vector.broadcast %mul3A_37 : f32 to vector<1x128xf32>
    %mul3A_39 = arith.mulf %broadcast_in_dim3A_36, %mul3A_38 : vector<1x128xf32>
    %sub3A_40 = vector.broadcast %mul3A_29 : vector<1x128xf32> to vector<10240x128xf32>
    %sub3A_41 = arith.subf %mul3A_25, %sub3A_40 : vector<10240x128xf32>
    %add3A_42 = arith.constant 9.99999974E-6 : f32
    %add3A_43 = vector.broadcast %add3A_42 : f32 to vector<1x128xf32>
    %add3A_44 = arith.addf %mul3A_39, %add3A_43 : vector<1x128xf32>
    %rsqrt3A = math.rsqrt %add3A_44 : vector<1x128xf32>
    %mul3A_45 = vector.broadcast %rsqrt3A : vector<1x128xf32> to vector<10240x128xf32>
    %mul3A_46 = arith.mulf %sub3A_41, %mul3A_45 : vector<10240x128xf32>
    %get3A_47 = arith.constant 0 : index
    %get3A_48 = arith.constant 0 : index
    %get3A_49 = vector.load %arg5[%get3A_47, %get3A_48] : memref<1x128xf32, #tpu.memory_space<vmem>>, vector<1x128xf32>
    %mul3A_50 = vector.broadcast %get3A_49 : vector<1x128xf32> to vector<10240x128xf32>
    %mul3A_51 = arith.mulf %mul3A_46, %mul3A_50 : vector<10240x128xf32>
    %get3A_52 = arith.constant 0 : index
    %get3A_53 = arith.constant 0 : index
    %get3A_54 = vector.load %arg6[%get3A_52, %get3A_53] : memref<1x128xf32, #tpu.memory_space<vmem>>, vector<1x128xf32>
    %add3A_55 = vector.broadcast %get3A_54 : vector<1x128xf32> to vector<10240x128xf32>
    %add3A_56 = arith.addf %mul3A_51, %add3A_55 : vector<10240x128xf32>
    %max3A = arith.constant 0.000000e+00 : f32
    %max3A_57 = vector.broadcast %max3A : f32 to vector<10240x128xf32>
    %max3A_58 = arith.maximumf %add3A_56, %max3A_57 : vector<10240x128xf32>
    %get3A_59 = arith.constant 0 : index
    %get3A_60 = arith.constant 0 : index
    %get3A_61 = vector.load %arg2[%get3A_59, %get3A_60] : memref<10240x128xf32, #tpu.memory_space<vmem>>, vector<10240x128xf32>
    %add3A_62 = arith.addf %max3A_58, %get3A_61 : vector<10240x128xf32>
    %swap3A = arith.constant 0 : index
    %swap3A_63 = arith.constant 0 : index
    %swap3A_64 = vector.load %arg8[%swap3A, %swap3A_63] : memref<10240x128xf32, #tpu.memory_space<vmem>>, vector<10240x128xf32>
    tpu.vector_store %arg8[%swap3A, %swap3A_63], %add3A_62 {strides = array<i32>} : memref<10240x128xf32, #tpu.memory_space<vmem>>, vector<10240x128xf32>,
    %get3A_65 = arith.constant 0 : index
    %get3A_66 = arith.constant 0 : index
    %get3A_67 = vector.load %arg7[%get3A_65, %get3A_66] : memref<128x128xf32, #tpu.memory_space<vmem>>, vector<128x128xf32>
    %dot_general3A = arith.constant dense<0.000000e+00> : vector<10240x128xf32>
    %dot_general3A_68 = tpu.matmul %add3A_62, %get3A_67, %dot_general3A {dimension_numbers = #tpu.dot_dimension_numbers<[1], [0], [0], [1], [0, 0, 1, 1], [], []>, precision = #tpu.contract_precision<fp32>, transpose_lhs_hint = false} : vector<10240x128xf32>, vector<128x128xf32>, vector<10240x128xf32> -> vector<10240x128xf32>
    %get3A_69 = arith.constant 0 : index
    %get3A_70 = arith.constant 0 : index
    %get3A_71 = vector.load %arg3[%get3A_69, %get3A_70] : memref<10240x128xf32, #tpu.memory_space<vmem>>, vector<10240x128xf32>
    %mul3A_72 = arith.mulf %dot_general3A_68, %get3A_71 : vector<10240x128xf32>
    %swap3A_73 = arith.constant 0 : index
    %swap3A_74 = arith.constant 0 : index
    %swap3A_75 = vector.load %arg9[%swap3A_73, %swap3A_74] : memref<10240x128xf32, #tpu.memory_space<vmem>>, vector<10240x128xf32>
    tpu.vector_store %arg9[%swap3A_73, %swap3A_74], %mul3A_72 {strides = array<i32>} : memref<10240x128xf32, #tpu.memory_space<vmem>>, vector<10240x128xf32>,
    return
  }
}

module attributes {stable_mosaic.version = 14 : i64} {
  func.func @_tc_final_body(%arg0: memref<2x10240x128xf32, #tpu.memory_space<vmem>>, %arg1: memref<10240x128xf32, #tpu.memory_space<vmem>>, %arg2: memref<10240x128xf32, #tpu.memory_space<vmem>>, %arg3: memref<10240x128xf32, #tpu.memory_space<vmem>>, %arg4: memref<1x128xf32, #tpu.memory_space<vmem>>, %arg5: memref<1x128xf32, #tpu.memory_space<vmem>>, %arg6: memref<1x128xf32, #tpu.memory_space<vmem>>, %arg7: memref<1x10240xi32, #tpu.memory_space<vmem>>, %arg8: memref<128x256xf32, #tpu.memory_space<vmem>>, %arg9: memref<1x256xf32, #tpu.memory_space<vmem>>, %arg10: memref<256x128xf32, #tpu.memory_space<vmem>>, %arg11: memref<1x128xf32, #tpu.memory_space<vmem>>, %arg12: memref<128x4xf32, #tpu.memory_space<vmem>>, %arg13: memref<1x4xf32, #tpu.memory_space<vmem>>, %arg14: memref<128x4xf32, #tpu.memory_space<vmem>>) attributes {dimension_semantics = [], scalar_prefetch = 0 : i64, scratch_operands = 0 : i64, tpu.core_type = #tpu.core_type<tc>} {
    %iota3A = tpu.iota {dimensions = array<i32: 0>} : vector<10240x1xi32>
    %lt3A = arith.constant 10000 : i32
    %lt3A_0 = vector.broadcast %lt3A : i32 to vector<10240x1xi32>
    %lt3A_1 = arith.cmpi slt, %iota3A, %lt3A_0 : vector<10240x1xi32>
    %convert_element_type3A = arith.extui %lt3A_1 : vector<10240x1xi1> to vector<10240x1xi32>
    %convert_element_type3A_2 = arith.sitofp %convert_element_type3A : vector<10240x1xi32> to vector<10240x1xf32>
    %get3A = arith.constant 0 : index
    %get3A_3 = arith.constant 0 : index
    %get3A_4 = arith.constant 0 : index
    %get3A_5 = vector.load %arg0[%get3A, %get3A_3, %get3A_4] : memref<2x10240x128xf32, #tpu.memory_space<vmem>>, vector<1x10240x128xf32>
    %get3A_6 = vector.shape_cast %get3A_5 : vector<1x10240x128xf32> to vector<10240x128xf32>
    %get3A_7 = arith.constant 1 : index
    %get3A_8 = arith.constant 0 : index
    %get3A_9 = arith.constant 0 : index
    %get3A_10 = vector.load %arg0[%get3A_7, %get3A_8, %get3A_9] : memref<2x10240x128xf32, #tpu.memory_space<vmem>>, vector<1x10240x128xf32>
    %get3A_11 = vector.shape_cast %get3A_10 : vector<1x10240x128xf32> to vector<10240x128xf32>
    %add3A = arith.addf %get3A_6, %get3A_11 : vector<10240x128xf32>
    %get3A_12 = arith.constant 0 : index
    %get3A_13 = arith.constant 0 : index
    %get3A_14 = vector.load %arg1[%get3A_12, %get3A_13] : memref<10240x128xf32, #tpu.memory_space<vmem>>, vector<10240x128xf32>
    %add3A_15 = arith.addf %add3A, %get3A_14 : vector<10240x128xf32>
    %get3A_16 = arith.constant 0 : index
    %get3A_17 = arith.constant 0 : index
    %get3A_18 = vector.load %arg3[%get3A_16, %get3A_17] : memref<10240x128xf32, #tpu.memory_space<vmem>>, vector<10240x128xf32>
    %mul3A = arith.mulf %add3A_15, %get3A_18 : vector<10240x128xf32>
    %get3A_19 = arith.constant 0 : index
    %get3A_20 = arith.constant 0 : index
    %get3A_21 = vector.load %arg4[%get3A_19, %get3A_20] : memref<1x128xf32, #tpu.memory_space<vmem>>, vector<1x128xf32>
    %add3A_22 = vector.broadcast %get3A_21 : vector<1x128xf32> to vector<10240x128xf32>
    %add3A_23 = arith.addf %mul3A, %add3A_22 : vector<10240x128xf32>
    %mul3A_24 = vector.broadcast %convert_element_type3A_2 : vector<10240x1xf32> to vector<10240x128xf32>
    %mul3A_25 = arith.mulf %add3A_23, %mul3A_24 : vector<10240x128xf32>
    %reduce_sum3A = arith.constant dense<0.000000e+00> : vector<128xf32>
    %reduce_sum3A_26 = vector.multi_reduction <add>, %mul3A_25, %reduce_sum3A [0] : vector<10240x128xf32> to vector<128xf32>
    %broadcast_in_dim3A = vector.shape_cast %reduce_sum3A_26 : vector<128xf32> to vector<1x128xf32>
    %mul3A_27 = arith.constant 9.99999974E-5 : f32
    %mul3A_28 = vector.broadcast %mul3A_27 : f32 to vector<1x128xf32>
    %mul3A_29 = arith.mulf %broadcast_in_dim3A, %mul3A_28 : vector<1x128xf32>
    %sub3A = vector.broadcast %mul3A_29 : vector<1x128xf32> to vector<10240x128xf32>
    %sub3A_30 = arith.subf %mul3A_25, %sub3A : vector<10240x128xf32>
    %mul3A_31 = vector.broadcast %convert_element_type3A_2 : vector<10240x1xf32> to vector<10240x128xf32>
    %mul3A_32 = arith.mulf %sub3A_30, %mul3A_31 : vector<10240x128xf32>
    %mul3A_33 = arith.mulf %mul3A_32, %mul3A_32 : vector<10240x128xf32>
    %reduce_sum3A_34 = arith.constant dense<0.000000e+00> : vector<128xf32>
    %reduce_sum3A_35 = vector.multi_reduction <add>, %mul3A_33, %reduce_sum3A_34 [0] : vector<10240x128xf32> to vector<128xf32>
    %broadcast_in_dim3A_36 = vector.shape_cast %reduce_sum3A_35 : vector<128xf32> to vector<1x128xf32>
    %mul3A_37 = arith.constant 9.99999974E-5 : f32
    %mul3A_38 = vector.broadcast %mul3A_37 : f32 to vector<1x128xf32>
    %mul3A_39 = arith.mulf %broadcast_in_dim3A_36, %mul3A_38 : vector<1x128xf32>
    %sub3A_40 = vector.broadcast %mul3A_29 : vector<1x128xf32> to vector<10240x128xf32>
    %sub3A_41 = arith.subf %mul3A_25, %sub3A_40 : vector<10240x128xf32>
    %add3A_42 = arith.constant 9.99999974E-6 : f32
    %add3A_43 = vector.broadcast %add3A_42 : f32 to vector<1x128xf32>
    %add3A_44 = arith.addf %mul3A_39, %add3A_43 : vector<1x128xf32>
    %rsqrt3A = math.rsqrt %add3A_44 : vector<1x128xf32>
    %mul3A_45 = vector.broadcast %rsqrt3A : vector<1x128xf32> to vector<10240x128xf32>
    %mul3A_46 = arith.mulf %sub3A_41, %mul3A_45 : vector<10240x128xf32>
    %get3A_47 = arith.constant 0 : index
    %get3A_48 = arith.constant 0 : index
    %get3A_49 = vector.load %arg5[%get3A_47, %get3A_48] : memref<1x128xf32, #tpu.memory_space<vmem>>, vector<1x128xf32>
    %mul3A_50 = vector.broadcast %get3A_49 : vector<1x128xf32> to vector<10240x128xf32>
    %mul3A_51 = arith.mulf %mul3A_46, %mul3A_50 : vector<10240x128xf32>
    %get3A_52 = arith.constant 0 : index
    %get3A_53 = arith.constant 0 : index
    %get3A_54 = vector.load %arg6[%get3A_52, %get3A_53] : memref<1x128xf32, #tpu.memory_space<vmem>>, vector<1x128xf32>
    %add3A_55 = vector.broadcast %get3A_54 : vector<1x128xf32> to vector<10240x128xf32>
    %add3A_56 = arith.addf %mul3A_51, %add3A_55 : vector<10240x128xf32>
    %max3A = arith.constant 0.000000e+00 : f32
    %max3A_57 = vector.broadcast %max3A : f32 to vector<10240x128xf32>
    %max3A_58 = arith.maximumf %add3A_56, %max3A_57 : vector<10240x128xf32>
    %get3A_59 = arith.constant 0 : index
    %get3A_60 = arith.constant 0 : index
    %get3A_61 = vector.load %arg2[%get3A_59, %get3A_60] : memref<10240x128xf32, #tpu.memory_space<vmem>>, vector<10240x128xf32>
    %add3A_62 = arith.addf %max3A_58, %get3A_61 : vector<10240x128xf32>
    %iota3A_63 = tpu.iota {dimensions = array<i32: 0>} : vector<128x10240xi32>
    %get3A_64 = arith.constant 0 : index
    %get3A_65 = arith.constant 0 : index
    %get3A_66 = vector.load %arg7[%get3A_64, %get3A_65] : memref<1x10240xi32, #tpu.memory_space<vmem>>, vector<1x10240xi32>
    %eq3A = vector.broadcast %get3A_66 : vector<1x10240xi32> to vector<128x10240xi32>
    %eq3A_67 = arith.cmpi eq, %iota3A_63, %eq3A : vector<128x10240xi32>
    %convert_element_type3A_68 = arith.extui %eq3A_67 : vector<128x10240xi1> to vector<128x10240xi32>
    %convert_element_type3A_69 = arith.sitofp %convert_element_type3A_68 : vector<128x10240xi32> to vector<128x10240xf32>
    %dot_general3A = arith.constant dense<0.000000e+00> : vector<128x128xf32>
    %dot_general3A_70 = tpu.matmul %convert_element_type3A_69, %add3A_62, %dot_general3A {dimension_numbers = #tpu.dot_dimension_numbers<[1], [0], [0], [1], [0, 0, 1, 1], [], []>, precision = #tpu.contract_precision<fp32>, transpose_lhs_hint = false} : vector<128x10240xf32>, vector<10240x128xf32>, vector<128x128xf32> -> vector<128x128xf32>
    %reduce_sum3A_71 = arith.constant dense<0.000000e+00> : vector<128xf32>
    %reduce_sum3A_72 = vector.multi_reduction <add>, %convert_element_type3A_69, %reduce_sum3A_71 [1] : vector<128x10240xf32> to vector<128xf32>
    %broadcast_in_dim3A_73 = vector.shape_cast %reduce_sum3A_72 : vector<128xf32> to vector<128x1xf32>
    %max3A_74 = arith.constant 1.000000e+00 : f32
    %max3A_75 = vector.broadcast %max3A_74 : f32 to vector<128x1xf32>
    %max3A_76 = arith.maximumf %broadcast_in_dim3A_73, %max3A_75 : vector<128x1xf32>
    %div3A = vector.broadcast %max3A_76 : vector<128x1xf32> to vector<128x128xf32>
    %div3A_77 = arith.divf %dot_general3A_70, %div3A : vector<128x128xf32>
    %get3A_78 = arith.constant 0 : index
    %get3A_79 = arith.constant 0 : index
    %get3A_80 = vector.load %arg8[%get3A_78, %get3A_79] : memref<128x256xf32, #tpu.memory_space<vmem>>, vector<128x256xf32>
    %dot_general3A_81 = arith.constant dense<0.000000e+00> : vector<128x256xf32>
    %dot_general3A_82 = tpu.matmul %div3A_77, %get3A_80, %dot_general3A_81 {dimension_numbers = #tpu.dot_dimension_numbers<[1], [0], [0], [1], [0, 0, 1, 1], [], []>, precision = #tpu.contract_precision<fp32>, transpose_lhs_hint = false} : vector<128x128xf32>, vector<128x256xf32>, vector<128x256xf32> -> vector<128x256xf32>
    %get3A_83 = arith.constant 0 : index
    %get3A_84 = arith.constant 0 : index
    %get3A_85 = vector.load %arg9[%get3A_83, %get3A_84] : memref<1x256xf32, #tpu.memory_space<vmem>>, vector<1x256xf32>
    %add3A_86 = vector.broadcast %get3A_85 : vector<1x256xf32> to vector<128x256xf32>
    %add3A_87 = arith.addf %dot_general3A_82, %add3A_86 : vector<128x256xf32>
    %max3A_88 = arith.constant 0.000000e+00 : f32
    %max3A_89 = vector.broadcast %max3A_88 : f32 to vector<128x256xf32>
    %max3A_90 = arith.maximumf %add3A_87, %max3A_89 : vector<128x256xf32>
    %get3A_91 = arith.constant 0 : index
    %get3A_92 = arith.constant 0 : index
    %get3A_93 = vector.load %arg10[%get3A_91, %get3A_92] : memref<256x128xf32, #tpu.memory_space<vmem>>, vector<256x128xf32>
    %dot_general3A_94 = arith.constant dense<0.000000e+00> : vector<128x128xf32>
    %dot_general3A_95 = tpu.matmul %max3A_90, %get3A_93, %dot_general3A_94 {dimension_numbers = #tpu.dot_dimension_numbers<[1], [0], [0], [1], [0, 0, 1, 1], [], []>, precision = #tpu.contract_precision<fp32>, transpose_lhs_hint = false} : vector<128x256xf32>, vector<256x128xf32>, vector<128x128xf32> -> vector<128x128xf32>
    %get3A_96 = arith.constant 0 : index
    %get3A_97 = arith.constant 0 : index
    %get3A_98 = vector.load %arg11[%get3A_96, %get3A_97] : memref<1x128xf32, #tpu.memory_space<vmem>>, vector<1x128xf32>
    %add3A_99 = vector.broadcast %get3A_98 : vector<1x128xf32> to vector<128x128xf32>
    %add3A_100 = arith.addf %dot_general3A_95, %add3A_99 : vector<128x128xf32>
    %max3A_101 = arith.constant 0.000000e+00 : f32
    %max3A_102 = vector.broadcast %max3A_101 : f32 to vector<128x128xf32>
    %max3A_103 = arith.maximumf %add3A_100, %max3A_102 : vector<128x128xf32>
    %get3A_104 = arith.constant 0 : index
    %get3A_105 = arith.constant 0 : index
    %get3A_106 = vector.load %arg12[%get3A_104, %get3A_105] : memref<128x4xf32, #tpu.memory_space<vmem>>, vector<128x4xf32>
    %dot_general3A_107 = arith.constant dense<0.000000e+00> : vector<128x4xf32>
    %dot_general3A_108 = tpu.matmul %max3A_103, %get3A_106, %dot_general3A_107 {dimension_numbers = #tpu.dot_dimension_numbers<[1], [0], [0], [1], [0, 0, 1, 1], [], []>, precision = #tpu.contract_precision<fp32>, transpose_lhs_hint = false} : vector<128x128xf32>, vector<128x4xf32>, vector<128x4xf32> -> vector<128x4xf32>
    %get3A_109 = arith.constant 0 : index
    %get3A_110 = arith.constant 0 : index
    %get3A_111 = vector.load %arg13[%get3A_109, %get3A_110] : memref<1x4xf32, #tpu.memory_space<vmem>>, vector<1x4xf32>
    %add3A_112 = vector.broadcast %get3A_111 : vector<1x4xf32> to vector<128x4xf32>
    %add3A_113 = arith.addf %dot_general3A_108, %add3A_112 : vector<128x4xf32>
    %swap3A = arith.constant 0 : index
    %swap3A_114 = arith.constant 0 : index
    %swap3A_115 = vector.load %arg14[%swap3A, %swap3A_114] : memref<128x4xf32, #tpu.memory_space<vmem>>, vector<128x4xf32>
    tpu.vector_store %arg14[%swap3A, %swap3A_114], %add3A_113 {strides = array<i32>} : memref<128x4xf32, #tpu.memory_space<vmem>>, vector<128x4xf32>,
    return
  }
}

</mosaic_0001>

<sc_bundles>
// kernel: kernel.12.cloned.1.call-start
scs
__scs_entry_jumppad:
0x0: {  	(pc) =	sbr.rel $0x88, $3  }
0x1: {  	(tag) =	ssettag $0x0;
	lr =	simm.s32 $0x1  }
0x2: {  	[smem:$0x3F92] =	sst lr;
	_ =	strace $0xD0000000  }
0x3: {  	_ = 	snop  }
0x4: {  	_ = 	snop  }
0x5: {  	_ = 	snop  }
0x6: {  	_ = 	snop  }
0x7: {  	_ = 	snop  }
__scs_overlays_trampoline_lowered:
0x8: {  	[smem:$0x3FA1] =	sst s0  }
0x9: {  	[smem:$0x3FA2] =	sst s1  }
0xa: {  	[smem:$0x3FA3] =	sst s2  }
0xb: {  	[smem:$0x3FA4] =	sst s3  }
0xc: {  	[smem:$0x3FA5] =	sst s4  }
0xd: {  	[smem:$0x3FA6] =	sst s5  }
0xe: {  	[smem:$0x3FA7] =	sst s6  }
0xf: {  	[smem:$0x3FA8] =	sst s7  }
0x10: {  	[smem:$0x3FA9] =	sst s8  }
0x11: {  	[smem:$0x3FAA] =	sst s9;
	s0 =	simm.s32 @!p0 $0x0  }
0x12: {  	s1 =	sld [smem:$0x3F90];
	s0 =	simm.s32 @p0 $0x1  }
0x13: {  	[smem:$0x3FAB] =	sst s0;
	s0 =	simm.s32 @!p1 $0x0  }
0x14: {  	s2 =	sld [smem:$0x3F8F];
	s0 =	simm.s32 @p1 $0x1  }
0x15: {  	[smem:$0x3FAC] =	sst s0;
	s0 =	simm.s32 @!p2 $0x0  }
0x16: {  	s3 =	sld [smem:$0x3FDB];
	s0 =	simm.s32 @p2 $0x1  }
0x17: {  	s4 =	simm.s32 $0x1BF5;
	[smem:$0x3FAE] =	sst s0  }
0x18: {  	s0 =	sld [smem:$0x3F91];
	_ =	swait.ge [sflag:s4], $0x0  }
0x19: {  	s7 =	sld [smem:$0x3F92]  }
0x1a: {  	s8 =	sadd.s32 $0xFFFFE003, lr  }
0x1b: {  	s9 =	sadd.s32 $0xFFFFFEF7, lr;
	s5 =	simm.s32 $0xFFFFFFFF;
	p2 =	slt.u32 s8, $0xFFFFF086  }
0x1c: {  	p1 =	slt.u32 s9, $0xF7A;
	s5 =	simm.s32 @!p2 $0x0  }
0x1d: {  	s5 =	simm.s32 @p1 $0x1;
	p0 =	seq.s32 s7, s2  }
0x1e: {  	s7 =	smul.u32 @!p0 $0xF7A, s2;
	p2 =	seq.s32 @!p0 s5, $0x0  }
0x1f: {  	s9 =	smul.u32 $0xF7A, s1;
	s8 =	simm.s32 @!p0 $0x1BF5;
	p2 =	por !p2, p0  }
0x20: {  	[sflag:s8] =	ssyncset.s32 @!p0 $0xFFFFF086;
	s6 =	sadd.s32 @!p0 s3, s7;
	s7 =	simm.s32 @!p0 $0x108  }
0x21: {  	s3 =	sadd.s32 s3, s9;
	s6 =	sadd.s32 @!p0 $0x88, s6;
	s7 =	simm.s32 @p2 $0x1082  }
0x22: {  	[simem:s7], [sflag:s8] =	dma.local @!p0 [hbm:s6], $0xF7A  }
0x23: {  	s9 =	sor.u32 $0xD0000000, s2;
	s6 =	simm.s32 $0x108;
	_ =	swait.ge @!p0 [sflag:s8], $0x0  }
0x24: {  	s3 =	sadd.s32 $0x88, s3;
	s6 =	simm.s32 @!p1 $0x1082;
	[sflag:s4] =	ssyncset.s32 $0xFFFFF086  }
0x25: {  	[simem:s6], [sflag:s4] =	dma.local [hbm:s3], $0xF7A  }
0x26: {  	[smem:$0x3F92] =	sst s1;
	(tag) =	ssettag s2;
	_ =	strace s9  }
0x27: {  	s1 =	sld [smem:$0x3FA2]  }
0x28: {  	s2 =	sld [smem:$0x3FA3]  }
0x29: {  	s4 =	sld [smem:$0x3FA5]  }
0x2a: {  	p0 =	seq.s32 s5, $0x0;
	s5 =	sld [smem:$0x3FA6]  }
0x2b: {  	s6 =	sld [smem:$0x3FA7]  }
0x2c: {  	s7 =	sld [smem:$0x3FA8]  }
0x2d: {  	s3 =	simm.s32 $0x108;
	s8 =	sld [smem:$0x3FA9]  }
0x2e: {  	s3 =	simm.s32 @!p0 $0x1082;
	s9 =	sld [smem:$0x3FAA]  }
0x2f: {  	lr =	sadd.s32 s0, s3;
	s0 =	sld [smem:$0x3FA1]  }
0x30: {  	s3 =	sld [smem:$0x3FA4]  }
0x31: {  	[smem:$0x3FAD] =	sst s10  }
0x32: {  	s10 =	sld [smem:$0x3FAB];
	_ =	sdelay $0x3  }
0x33: {  	p0 =	seq.s32 s10, $0x1;
	s10 =	sld [smem:$0x3FAD];
	_ =	sdelay $0x3  }
0x34: {  	[smem:$0x3FAD] =	sst s10  }
0x35: {  	s10 =	sld [smem:$0x3FAC];
	_ =	sdelay $0x3  }
0x36: {  	p1 =	seq.s32 s10, $0x1;
	s10 =	sld [smem:$0x3FAD];
	_ =	sdelay $0x3  }
0x37: {  	[smem:$0x3FAD] =	sst s10  }
0x38: {  	s10 =	sld [smem:$0x3FAE]  }
0x39: {  	_ = 	snop;
	(pc) =	sbr.ind lr, $3  }
0x3a: {  	_ = 	snop  }
0x3b: {  	_ = 	snop  }
0x3c: {  	p2 =	seq.s32 s10, $0x1;
	s10 =	sld [smem:$0x3FAD]  }
0x3d: {  	_ =	shalt  }
0x3e: {  	_ =	shalt  }
0x3f: {  	_ =	shalt  }
0x40: {  	_ =	shalt  }
0x41: {  	_ =	shalt  }
0x42: {  	_ =	shalt  }
0x43: {  	_ =	shalt  }
0x44: {  	_ =	shalt  }
0x45: {  	_ =	shalt  }
0x46: {  	_ =	shalt  }
0x47: {  	_ =	shalt  }
0x48: {  	_ =	shalt  }
0x49: {  	_ =	shalt  }
0x4a: {  	_ =	shalt  }
0x4b: {  	_ =	shalt  }
0x4c: {  	_ =	shalt  }
0x4d: {  	_ =	shalt  }
0x4e: {  	_ =	shalt  }
0x4f: {  	_ =	shalt  }
0x50: {  	_ =	shalt  }
0x51: {  	_ =	shalt  }
0x52: {  	_ =	shalt  }
0x53: {  	_ =	shalt  }
0x54: {  	_ =	shalt  }
0x55: {  	_ =	shalt  }
0x56: {  	_ =	shalt  }
0x57: {  	_ =	shalt  }
0x58: {  	_ =	shalt  }
0x59: {  	_ =	shalt  }
0x5a: {  	_ =	shalt  }
0x5b: {  	_ =	shalt  }
0x5c: {  	_ =	shalt  }
0x5d: {  	_ =	shalt  }
0x5e: {  	_ =	shalt  }
0x5f: {  	_ =	shalt  }
0x60: {  	_ =	shalt  }
0x61: {  	_ =	shalt  }
0x62: {  	_ =	shalt  }
0x63: {  	_ =	shalt  }
0x64: {  	_ =	shalt  }
0x65: {  	_ =	shalt  }
0x66: {  	_ =	shalt  }
0x67: {  	_ =	shalt  }
0x68: {  	_ =	shalt  }
0x69: {  	_ =	shalt  }
0x6a: {  	_ =	shalt  }
0x6b: {  	_ =	shalt  }
0x6c: {  	_ =	shalt  }
0x6d: {  	_ =	shalt  }
0x6e: {  	_ =	shalt  }
0x6f: {  	_ =	shalt  }
0x70: {  	_ =	shalt  }
0x71: {  	_ =	shalt  }
0x72: {  	_ =	shalt  }
0x73: {  	_ =	shalt  }
0x74: {  	_ =	shalt  }
0x75: {  	_ =	shalt  }
0x76: {  	_ =	shalt  }
0x77: {  	_ =	shalt  }
0x78: {  	_ =	shalt  }
0x79: {  	_ =	shalt  }
0x7a: {  	_ =	shalt  }
0x7b: {  	_ =	shalt  }
0x7c: {  	_ =	shalt  }
0x7d: {  	_ =	shalt  }
0x7e: {  	_ =	shalt  }
0x7f: {  	_ =	shalt  }
0x80: {  	_ =	shalt  }
0x81: {  	_ =	shalt  }
0x82: {  	_ =	shalt  }
0x83: {  	_ =	shalt  }
0x84: {  	_ =	shalt  }
0x85: {  	_ =	shalt  }
0x86: {  	_ =	shalt  }
0x87: {  	_ =	shalt  }
.Lfunc_end0:
.L_simem_size_0:
called_computation_lowered:
.L_overlay_start_0:
0x88: {  	s2 =	sld [smem:$0x3FD9]  }
0x89: {  	s3 =	sld [smem:$0x3FFE];
	_ =	sdelay $0x1  }
0x8a: {  	s1 =	srdreg.scid  }
0x8b: {  	s0 =	sand.u32 $0x1, s1  }
0x8c: {  	s16 =	sshll.u32 s0, $0xA;
	s2 =	sadd.s32 s3, s2  }
0x8d: {  	s2 =	sadd.s32 s2, s16  }
0x8e: {  	[smem:$0x3FB9] =	sst s2  }
0x8f: {  	_ = 	snop  }
0x90: {  	(tm) =	ssettm $0x1  }
0x91: {  	s17 =	sld [smem:$0x3FFB];
	_ =	sdelay $0x3  }
0x92: {  	_ =	strace s17  }
0x93: {  	s2 =	sld [smem:$0x3FFC];
	_ =	sdelay $0x3  }
0x94: {  	_ =	strace s2  }
0x95: {  	s2 =	sld [smem:$0x3FFD];
	_ =	sdelay $0x3  }
0x96: {  	_ =	strace s2  }
0x97: {  	_ =	strace $0x8FFFFFFF  }
0x98: {  	s18 =	sld [smem:$0x3FDB];
	_ =	sdelay $0x1  }
0x99: {  	s19 =	simm.s32 $_scs_section_size  }
0x9a: {  	s4 =	simm.s32 $_size__tile_overlayer_lowered;
	s5 =	simm.s32 $_tile_overlayer_lowered  }
0x9b: {  	s22 =	simm.s32 $0x1BFF;
	s21 =	sshll.u32 s5, $0x1;
	s2 =	sadd.s32 s19, s18  }
0x9c: {  	s6 =	simm.s32 $0x0;
	s20 =	sshll.u32 s4, $0x1;
	s4 =	sadd.s32 s21, s2  }
0x9d: {  	[timem:s6], [sflag:s22] =	dma.local [hbm:s4], s20  }
0x9e: {  	_ =	swait.ge [sflag:s22], s20  }
0x9f: {  	s3 =	ssub.s32 $0x0, s20;
	[sflag:s22] =	ssyncset.done $0x0  }
0xa0: {  	[sflag:s22] =	ssyncadd.s32 s3;
	_ =	sdelay $0x1  }
0xa1: {  	s23 =	simm.s32 $0x1B8B  }
0xa2: {  	_ =	swait.ge [sflag:s23], $0x1  }
0xa3: {  	[sflag:s23] =	ssyncset.done $0x0  }
0xa4: {  	s25 =	simm.s32 $0x1B8E;
	s24 =	sld [smem:$0x3FFE];
	[sflag:s23] =	ssyncadd.s32 $0xFFFFFFFF  }
0xa5: {  	s26 =	simm.s32 $execute0_lowered;
	[smem:$0x3FD2] =	sst s25  }
0xa6: {  	s4 =	sshll.u32 s26, $0x1;
	_ =	strace $0x80000046;
	[dreg:$0x1] =	wrdreg $0xFFFFFFFF  }
0xa7: {  	s28 =	simm.s32 $_size_execute0_lowered;
	s2 =	sadd.s32 s2, s4;
	[dreg:$0x0] =	wrdreg $0x0  }
0xa8: {  	s4 =	sshll.u32 s28, $0x1;
	[dreg:$0x2] =	wrdreg s2  }
0xa9: {  	[dreg:$0x3] =	wrdreg s4  }
0xaa: {  	[dreg:$0x4] =	wrdreg $0xC0  }
0xab: {  	_ =	task [dreg:s6], $0x5FFFF  }
0xac: {  	[dreg:$0x1] =	wrdreg $0xFFFFFFFF  }
0xad: {  	[dreg:$0x0] =	wrdreg $0x60  }
0xae: {  	[dreg:$0x2] =	wrdreg s24  }
0xaf: {  	[dreg:$0x3] =	wrdreg $0x2B000  }
0xb0: {  	[dreg:$0x4] =	wrdreg $0x9  }
0xb1: {  	_ =	task.clear_ibuf [dreg:s6], $0x5FFFF;
	_ =	strace $0x90000046  }
0xb2: {  	s29 =	simm.s32 $0x9;
	_ =	strace $0x80000048  }
0xb3: {  	_ =	swait.ge [sflag:s29], $0x1  }
0xb4: {  	[sflag:s29] =	ssyncadd.s32 $0xFFFFFFFF  }
0xb5: {  	_ =	strace $0x90000048  }
0xb6: {  	_ =	sfence  }
0xb7: {  	s30 =	sld [smem:$0x0];
	_ =	sdelay $0x2  }
0xb8: {  	s31 =	sshll.u32 s1, $0xD;
	s1 =	sshrl.u32 s1, $0x2  }
0xb9: {  	s3 =	sand.u32 $0x4000, s31;
	s1 =	sadd.s32 s1, s30  }
0xba: {  	s0 =	sor.u32 s3, s0;
	s1 =	sshll.u32 s1, $0x11  }
0xbb: {  	s0 =	sor.u32 s1, s0  }
0xbc: {  	s0 =	sadd.s32 $0x8F2B, s0  }
0xbd: {  	[sflag:s0] =	ssyncadd.remote.s32 $0x1  }
0xbe: {  	_ =	sfence.sel $0xFFFF  }
0xbf: {  	[dreg:$0x0] =	wrdreg $0xFFFFFFFF;
	(pc) =	sbr.abs _section_cstart, $3  }
0xc0: {  	[dreg:$0x1] =	wrdreg $0xFFFFFFFF  }
0xc1: {  	_ =	task.clear_ibuf [dreg:s6], $0x2FFFF;
	_ =	strace $0x9FFFFFFF  }
0xc2: {  	(tm) =	ssettm $0x7FFFFFFF  }
0xc3: {  	_ =	shalt  }
tec
execute0_lowered:
.L_overlay_start_1:
0x0: {  	(tag) =	ssettag $0x1  }
0x1: {  	s4 =	rddreg [dreg:$0x0]  }
0x2: {  	s2 =	rddreg [dreg:$0x1]  }
0x3: {  	s0 =	rddreg [dreg:$0x2];
	s5 =	srdreg.scid  }
0x4: {  	s3 =	simm.s32 $0x0;
	s1 =	stileid.u32;
	s10 =	simm.s32 $0x80  }
0x5: {  	s11 =	simm.s32 $0x2800;
	s14 =	simm.s32 $0x10;
	s15 =	simm.s32 $0x0  }
0x6: {  	s5 =	sand.u32 $0x1, s5;
	s6 =	sshll.u32 s1, $0x1;
	s30 =	smul.u32 $0xA00, s1  }
0x7: {  	s8 =	sshrl.u32 s1, $0x3;
	[smem:$0x7FF] =	sst s3;
	s7 =	smul.u32 $0x2800, s5  }
0x8: {  	s9 =	sshll.u32 s1, $0x7;
	s12 =	sshll.u32 s1, $0x6;
	s8 =	smul.u32 $0x1400, s8  }
0x9: {  	s6 =	sor.u32 s5, s6;
	_ =	strace $0x80000047;
	s29 =	sand.u32 $0x380, s9  }
0xa: {  	s5 =	ssub.s32 $0x2, s5;
	s6 =	smul.u32 $0x500, s6;
	s7 =	sadd.s32 s7, s8  }
0xb: {  	s12 =	sor.u32 $0x1C01, s12;
	s31 =	sshrl.u32 s5, $0x1;
	s7 =	sor.u32 s29, s7  }
0xc: {  	s9 =	sshrl.u32 s30, $0x2;
	s6 =	sadd.s32 s6, s4;
	s7 =	sshrl.u32 s7, $0x3  }
0xd: {  	s8 =	ssub.s32 s5, s31;
	s5 =	sadd.s32 $0xE200, s6;
	s7 =	sadd.s32 s7, s4  }
0xe: {  	s4 =	sadd.s32 s9, s2;
	s9 =	simm.s32 $0x1;
	s6 =	sadd.s32 $0x18200, s7  }
0xf: {  	v0 =	vimm.f32 $1.000000000e+00;
	v1 =	vimm.f32 $0.0e+00;
	s7 =	smax.u32 s8, $0x1;
	s8 =	simm.s32 $0x2880;
	s13 =	sshrl.u32 s4, $0x3  }
.LBB2_1:
0x10: {  	[tilespmem:$0x2800] =	vst v0  }
0x11: {  	[tilespmem:$0x2810] =	vst v0  }
0x12: {  	[tilespmem:$0x2820] =	vst v0  }
0x13: {  	[tilespmem:$0x2830] =	vst v0  }
0x14: {  	[tilespmem:$0x2840] =	vst v0  }
0x15: {  	[tilespmem:$0x2850] =	vst v0  }
0x16: {  	[tilespmem:$0x2860] =	vst v0  }
0x17: {  	[tilespmem:$0x2870] =	vst v0  }
0x18: {  	[tilespmem:$0x2880] =	vst v1  }
0x19: {  	[tilespmem:$0x2890] =	vst v1  }
0x1a: {  	[tilespmem:$0x28A0] =	vst v1  }
0x1b: {  	[tilespmem:$0x28B0] =	vst v1  }
0x1c: {  	[tilespmem:$0x28C0] =	vst v1  }
0x1d: {  	[tilespmem:$0x28D0] =	vst v1  }
0x1e: {  	[tilespmem:$0x28E0] =	vst v1  }
0x1f: {  	[tilespmem:$0x28F0] =	vst v1  }
0x20: {  	[tilespmem:$0x2900] =	vst v1  }
0x21: {  	[tilespmem:$0x2910] =	vst v1  }
0x22: {  	[tilespmem:$0x2920] =	vst v1  }
0x23: {  	[tilespmem:$0x2930] =	vst v1  }
0x24: {  	[tilespmem:$0x2940] =	vst v1  }
0x25: {  	[tilespmem:$0x2950] =	vst v1  }
0x26: {  	[tilespmem:$0x2960] =	vst v1  }
0x27: {  	[tilespmem:$0x2970] =	vst v1  }
0x28: {  	[tilespmem:$0x2980] =	vst v1  }
0x29: {  	[tilespmem:$0x2990] =	vst v1  }
0x2a: {  	[tilespmem:$0x29A0] =	vst v1  }
0x2b: {  	[tilespmem:$0x29B0] =	vst v1  }
0x2c: {  	[tilespmem:$0x29C0] =	vst v1  }
0x2d: {  	[tilespmem:$0x29D0] =	vst v1  }
0x2e: {  	[tilespmem:$0x29E0] =	vst v1  }
0x2f: {  	[tilespmem:$0x29F0] =	vst v1  }
0x30: {  	[tilespmem:$0x2A00] =	vst v1  }
0x31: {  	[tilespmem:$0x2A10] =	vst v1  }
0x32: {  	[tilespmem:$0x2A20] =	vst v1  }
0x33: {  	[tilespmem:$0x2A30] =	vst v1  }
0x34: {  	[tilespmem:$0x2A40] =	vst v1  }
0x35: {  	[tilespmem:$0x2A50] =	vst v1  }
0x36: {  	[tilespmem:$0x2A60] =	vst v1  }
0x37: {  	[tilespmem:$0x2A70] =	vst v1  }
0x38: {  	[tilespmem:$0x2A80] =	vst v1  }
0x39: {  	[tilespmem:$0x2A90] =	vst v1  }
0x3a: {  	[tilespmem:$0x2AA0] =	vst v1  }
0x3b: {  	[tilespmem:$0x2AB0] =	vst v1  }
0x3c: {  	[tilespmem:$0x2AC0] =	vst v1  }
0x3d: {  	[tilespmem:$0x2AD0] =	vst v1  }
0x3e: {  	[tilespmem:$0x2AE0] =	vst v1  }
0x3f: {  	[tilespmem:$0x2AF0] =	vst v1  }
0x40: {  	[spmem:s4] =	stream.linear.scatter [tilespmem:s8], [sflag:$0x1], $0x280, $0x38;
	[tilespmem:$0x2D80] =	vst v63  }
0x41: {  	_ =	swait.ge [sflag:s9], $0x280  }
0x42: {  	[sflag:s9] =	ssyncset.done $0x0  }
0x43: {  	[sflag:s9] =	ssyncadd.s32 $0xFFFFFD80  }
0x44: {  	[tilespmem:s3], [sflag:$0x1] =	stream.linear.gather [hbm4b:s5+s3], $0x2800, $0x38;
	[tilespmem:$0x2D80] =	vst v63  }
0x45: {  	_ =	swait.ge [sflag:s9], $0x2800  }
0x46: {  	[sflag:s9] =	ssyncset.done $0x0  }
0x47: {  	[sflag:s9] =	ssyncadd.s32 $0xFFFFD800  }
0x48: {  	s16 =	simm.s32 $0x0;
	[bflag:$0x0] =	sbarrier.arrive $0xFFFF  }
0x49: {  	[spmem:s2] =	stream.indirect.scatter.add.f32 [tilespmem:s11], [sflag:$0x1], $0x1, s16, s10, $0xb8;
	[tilespmem:$0x2D80] =	vst v63  }
0x4a: {  	_ =	swait.ge [sflag:s9], $0x80  }
0x4b: {  	s16 =	simm.s32 $0x200;
	[sflag:s9] =	ssyncset.done $0x0  }
.LBB2_2:
0x4c: {  	s17 =	sshra.s32 s16, $0x2;
	[sflag:s9] =	ssyncadd.s32 $0xFFFFFF80;
	p0 =	sne.s32 s16, $0x9E00  }
0x4d: {  	[spmem:s2] =	stream.indirect.scatter.add.f32 [tilespmem:s11], [sflag:$0x1], $0x1, s17, s10, $0xb8;
	[tilespmem:$0x2D80] =	vst v63  }
.Ltmp0:
0x4e: {  	_ = 	snop;
	(pc) =	sbr.rel @p0 .LBB2_2-.Ltmp0, $4  }
0x4f: {  	_ = 	snop  }
0x50: {  	s16 =	sadd.s32 $0x200, s16  }
0x51: {  	_ =	swait.ge [sflag:s9], $0x80  }
0x52: {  	[sflag:s9] =	ssyncset.done $0x0  }
0x53: {  	s15 =	sadd.s32 $0x1, s15  }
0x54: {  	[sflag:s9] =	ssyncadd.s32 $0xFFFFFF80;
	p0 =	sne.s32 s15, s7  }
.Ltmp1:
0x55: {  	[bflag:$0x0] =	sbarrier.arrive $0xFFFF;
	(pc) =	sbr.rel @p0 .LBB2_1-.Ltmp1, $4  }
0x56: {  	[hbm:s6@s10], [sflag:s12] =	dma.strided [spmem:s13@s14], $0x50, s9, $0x10   }
0x57: {  	_ =	swait.ge [sflag:s9], $0x50  }
0x58: {  	[sflag:s9] =	ssyncset.done $0x0  }
0x59: {  	[sflag:s9] =	ssyncadd.s32 $0xFFFFFFB0  }
0x5a: {  	_ =	sfence.sel $0x180000  }
0x5b: {  	[bflag:$0x0] =	sbarrier.arrive $0xFFFF  }
0x5c: {  	p0 =	sne.s32 s1, $0x0;
	_ =	strace $0x90000047  }
0x5d: {  	s0 =	sadd.s32 @!p0 $0x100000, s0;
	[bflag:$0x2] =	sbarrier.arrive $0xFFFF  }
0x5e: {  	[sflag:s0] =	ssyncadd.tile.s32 @!p0 $0x1;
	_ =	shalt  }
.Lfunc_end2:
_tile_overlayer_lowered:
.L_overlay_start_2:
0x5f: {  	(tag) =	ssettag $0x2  }
0x60: {  	s0 =	rddreg [dreg:$0x0];
	s2 =	stileid.u32  }
0x61: {  	s1 =	rddreg [dreg:$0x1];
	p0 =	sne.s32 s2, $0x0  }
0x62: {  	s3 =	rddreg [dreg:$0x2];
	[bflag:$0x3] =	sbarrier.arrive $0xFFFF;
	s2 =	simm.s32 @!p0 $0x1C01  }
0x63: {  	[timem:s3], [sflag:s2] =	dma.local @!p0 [hbm:s0], s1  }
0x64: {  	s0 =	simm.s32 @!p0 $0x1  }
0x65: {  	_ =	swait.ge @!p0 [sflag:s0], s1  }
0x66: {  	s1 =	ssub.s32 @!p0 $0x0, s1;
	[sflag:s0] =	ssyncset.done @!p0 $0x0  }
0x67: {  	[sflag:s0] =	ssyncadd.s32 @!p0 s1  }
0x68: {  	[bflag:$0x3] =	sbarrier.arrive $0xFFFF  }
0x69: {  	_ =	shalt  }

// kernel: kernel.15.cloned.1.call-start
scs
__scs_entry_jumppad:
0x0: {  	(pc) =	sbr.rel $0x88, $3  }
0x1: {  	(tag) =	ssettag $0x0;
	lr =	simm.s32 $0x1  }
0x2: {  	[smem:$0x3F92] =	sst lr;
	_ =	strace $0xD0000000  }
0x3: {  	_ = 	snop  }
0x4: {  	_ = 	snop  }
0x5: {  	_ = 	snop  }
0x6: {  	_ = 	snop  }
0x7: {  	_ = 	snop  }
__scs_overlays_trampoline_lowered:
0x8: {  	[smem:$0x3FA1] =	sst s0  }
0x9: {  	[smem:$0x3FA2] =	sst s1  }
0xa: {  	[smem:$0x3FA3] =	sst s2  }
0xb: {  	[smem:$0x3FA4] =	sst s3  }
0xc: {  	[smem:$0x3FA5] =	sst s4  }
0xd: {  	[smem:$0x3FA6] =	sst s5  }
0xe: {  	[smem:$0x3FA7] =	sst s6  }
0xf: {  	[smem:$0x3FA8] =	sst s7  }
0x10: {  	[smem:$0x3FA9] =	sst s8  }
0x11: {  	[smem:$0x3FAA] =	sst s9;
	s0 =	simm.s32 @!p0 $0x0  }
0x12: {  	s1 =	sld [smem:$0x3F90];
	s0 =	simm.s32 @p0 $0x1  }
0x13: {  	[smem:$0x3FAB] =	sst s0;
	s0 =	simm.s32 @!p1 $0x0  }
0x14: {  	s2 =	sld [smem:$0x3F8F];
	s0 =	simm.s32 @p1 $0x1  }
0x15: {  	[smem:$0x3FAC] =	sst s0;
	s0 =	simm.s32 @!p2 $0x0  }
0x16: {  	s3 =	sld [smem:$0x3FDB];
	s0 =	simm.s32 @p2 $0x1  }
0x17: {  	s4 =	simm.s32 $0x1BF5;
	[smem:$0x3FAE] =	sst s0  }
0x18: {  	s0 =	sld [smem:$0x3F91];
	_ =	swait.ge [sflag:s4], $0x0  }
0x19: {  	s7 =	sld [smem:$0x3F92]  }
0x1a: {  	s8 =	sadd.s32 $0xFFFFE003, lr  }
0x1b: {  	s9 =	sadd.s32 $0xFFFFFEF7, lr;
	s5 =	simm.s32 $0xFFFFFFFF;
	p2 =	slt.u32 s8, $0xFFFFF086  }
0x1c: {  	p1 =	slt.u32 s9, $0xF7A;
	s5 =	simm.s32 @!p2 $0x0  }
0x1d: {  	s5 =	simm.s32 @p1 $0x1;
	p0 =	seq.s32 s7, s2  }
0x1e: {  	s7 =	smul.u32 @!p0 $0xF7A, s2;
	p2 =	seq.s32 @!p0 s5, $0x0  }
0x1f: {  	s9 =	smul.u32 $0xF7A, s1;
	s8 =	simm.s32 @!p0 $0x1BF5;
	p2 =	por !p2, p0  }
0x20: {  	[sflag:s8] =	ssyncset.s32 @!p0 $0xFFFFF086;
	s6 =	sadd.s32 @!p0 s3, s7;
	s7 =	simm.s32 @!p0 $0x108  }
0x21: {  	s3 =	sadd.s32 s3, s9;
	s6 =	sadd.s32 @!p0 $0x88, s6;
	s7 =	simm.s32 @p2 $0x1082  }
0x22: {  	[simem:s7], [sflag:s8] =	dma.local @!p0 [hbm:s6], $0xF7A  }
0x23: {  	s9 =	sor.u32 $0xD0000000, s2;
	s6 =	simm.s32 $0x108;
	_ =	swait.ge @!p0 [sflag:s8], $0x0  }
0x24: {  	s3 =	sadd.s32 $0x88, s3;
	s6 =	simm.s32 @!p1 $0x1082;
	[sflag:s4] =	ssyncset.s32 $0xFFFFF086  }
0x25: {  	[simem:s6], [sflag:s4] =	dma.local [hbm:s3], $0xF7A  }
0x26: {  	[smem:$0x3F92] =	sst s1;
	(tag) =	ssettag s2;
	_ =	strace s9  }
0x27: {  	s1 =	sld [smem:$0x3FA2]  }
0x28: {  	s2 =	sld [smem:$0x3FA3]  }
0x29: {  	s4 =	sld [smem:$0x3FA5]  }
0x2a: {  	p0 =	seq.s32 s5, $0x0;
	s5 =	sld [smem:$0x3FA6]  }
0x2b: {  	s6 =	sld [smem:$0x3FA7]  }
0x2c: {  	s7 =	sld [smem:$0x3FA8]  }
0x2d: {  	s3 =	simm.s32 $0x108;
	s8 =	sld [smem:$0x3FA9]  }
0x2e: {  	s3 =	simm.s32 @!p0 $0x1082;
	s9 =	sld [smem:$0x3FAA]  }
0x2f: {  	lr =	sadd.s32 s0, s3;
	s0 =	sld [smem:$0x3FA1]  }
0x30: {  	s3 =	sld [smem:$0x3FA4]  }
0x31: {  	[smem:$0x3FAD] =	sst s10  }
0x32: {  	s10 =	sld [smem:$0x3FAB];
	_ =	sdelay $0x3  }
0x33: {  	p0 =	seq.s32 s10, $0x1;
	s10 =	sld [smem:$0x3FAD];
	_ =	sdelay $0x3  }
0x34: {  	[smem:$0x3FAD] =	sst s10  }
0x35: {  	s10 =	sld [smem:$0x3FAC];
	_ =	sdelay $0x3  }
0x36: {  	p1 =	seq.s32 s10, $0x1;
	s10 =	sld [smem:$0x3FAD];
	_ =	sdelay $0x3  }
0x37: {  	[smem:$0x3FAD] =	sst s10  }
0x38: {  	s10 =	sld [smem:$0x3FAE]  }
0x39: {  	_ = 	snop;
	(pc) =	sbr.ind lr, $3  }
0x3a: {  	_ = 	snop  }
0x3b: {  	_ = 	snop  }
0x3c: {  	p2 =	seq.s32 s10, $0x1;
	s10 =	sld [smem:$0x3FAD]  }
0x3d: {  	_ =	shalt  }
0x3e: {  	_ =	shalt  }
0x3f: {  	_ =	shalt  }
0x40: {  	_ =	shalt  }
0x41: {  	_ =	shalt  }
0x42: {  	_ =	shalt  }
0x43: {  	_ =	shalt  }
0x44: {  	_ =	shalt  }
0x45: {  	_ =	shalt  }
0x46: {  	_ =	shalt  }
0x47: {  	_ =	shalt  }
0x48: {  	_ =	shalt  }
0x49: {  	_ =	shalt  }
0x4a: {  	_ =	shalt  }
0x4b: {  	_ =	shalt  }
0x4c: {  	_ =	shalt  }
0x4d: {  	_ =	shalt  }
0x4e: {  	_ =	shalt  }
0x4f: {  	_ =	shalt  }
0x50: {  	_ =	shalt  }
0x51: {  	_ =	shalt  }
0x52: {  	_ =	shalt  }
0x53: {  	_ =	shalt  }
0x54: {  	_ =	shalt  }
0x55: {  	_ =	shalt  }
0x56: {  	_ =	shalt  }
0x57: {  	_ =	shalt  }
0x58: {  	_ =	shalt  }
0x59: {  	_ =	shalt  }
0x5a: {  	_ =	shalt  }
0x5b: {  	_ =	shalt  }
0x5c: {  	_ =	shalt  }
0x5d: {  	_ =	shalt  }
0x5e: {  	_ =	shalt  }
0x5f: {  	_ =	shalt  }
0x60: {  	_ =	shalt  }
0x61: {  	_ =	shalt  }
0x62: {  	_ =	shalt  }
0x63: {  	_ =	shalt  }
0x64: {  	_ =	shalt  }
0x65: {  	_ =	shalt  }
0x66: {  	_ =	shalt  }
0x67: {  	_ =	shalt  }
0x68: {  	_ =	shalt  }
0x69: {  	_ =	shalt  }
0x6a: {  	_ =	shalt  }
0x6b: {  	_ =	shalt  }
0x6c: {  	_ =	shalt  }
0x6d: {  	_ =	shalt  }
0x6e: {  	_ =	shalt  }
0x6f: {  	_ =	shalt  }
0x70: {  	_ =	shalt  }
0x71: {  	_ =	shalt  }
0x72: {  	_ =	shalt  }
0x73: {  	_ =	shalt  }
0x74: {  	_ =	shalt  }
0x75: {  	_ =	shalt  }
0x76: {  	_ =	shalt  }
0x77: {  	_ =	shalt  }
0x78: {  	_ =	shalt  }
0x79: {  	_ =	shalt  }
0x7a: {  	_ =	shalt  }
0x7b: {  	_ =	shalt  }
0x7c: {  	_ =	shalt  }
0x7d: {  	_ =	shalt  }
0x7e: {  	_ =	shalt  }
0x7f: {  	_ =	shalt  }
0x80: {  	_ =	shalt  }
0x81: {  	_ =	shalt  }
0x82: {  	_ =	shalt  }
0x83: {  	_ =	shalt  }
0x84: {  	_ =	shalt  }
0x85: {  	_ =	shalt  }
0x86: {  	_ =	shalt  }
0x87: {  	_ =	shalt  }
.Lfunc_end0:
.L_simem_size_0:
called_computation.1_lowered:
.L_overlay_start_0:
0x88: {  	s2 =	sld [smem:$0x3FD9]  }
0x89: {  	s3 =	sld [smem:$0x3FFE];
	_ =	sdelay $0x1  }
0x8a: {  	s1 =	srdreg.scid  }
0x8b: {  	s0 =	sand.u32 $0x1, s1  }
0x8c: {  	s16 =	sshll.u32 s0, $0xA;
	s2 =	sadd.s32 s3, s2  }
0x8d: {  	s2 =	sadd.s32 s2, s16  }
0x8e: {  	[smem:$0x3FB9] =	sst s2  }
0x8f: {  	_ = 	snop  }
0x90: {  	(tm) =	ssettm $0x1  }
0x91: {  	s17 =	sld [smem:$0x3FFB];
	_ =	sdelay $0x3  }
0x92: {  	_ =	strace s17  }
0x93: {  	s2 =	sld [smem:$0x3FFC];
	_ =	sdelay $0x3  }
0x94: {  	_ =	strace s2  }
0x95: {  	s2 =	sld [smem:$0x3FFD];
	_ =	sdelay $0x3  }
0x96: {  	_ =	strace s2  }
0x97: {  	_ =	strace $0x8FFFFFFF  }
0x98: {  	s18 =	sld [smem:$0x3FDB];
	_ =	sdelay $0x1  }
0x99: {  	s19 =	simm.s32 $_scs_section_size  }
0x9a: {  	s4 =	simm.s32 $_size__tile_overlayer_lowered;
	s5 =	simm.s32 $_tile_overlayer_lowered  }
0x9b: {  	s22 =	simm.s32 $0x1BFF;
	s21 =	sshll.u32 s5, $0x1;
	s2 =	sadd.s32 s19, s18  }
0x9c: {  	s6 =	simm.s32 $0x0;
	s20 =	sshll.u32 s4, $0x1;
	s4 =	sadd.s32 s21, s2  }
0x9d: {  	[timem:s6], [sflag:s22] =	dma.local [hbm:s4], s20  }
0x9e: {  	_ =	swait.ge [sflag:s22], s20  }
0x9f: {  	s3 =	ssub.s32 $0x0, s20;
	[sflag:s22] =	ssyncset.done $0x0  }
0xa0: {  	[sflag:s22] =	ssyncadd.s32 s3;
	_ =	sdelay $0x1  }
0xa1: {  	s23 =	simm.s32 $0x1B8B  }
0xa2: {  	_ =	swait.ge [sflag:s23], $0x1  }
0xa3: {  	[sflag:s23] =	ssyncset.done $0x0  }
0xa4: {  	s25 =	simm.s32 $0x1B8E;
	s24 =	sld [smem:$0x3FFE];
	[sflag:s23] =	ssyncadd.s32 $0xFFFFFFFF  }
0xa5: {  	s26 =	simm.s32 $execute0_lowered;
	[smem:$0x3FD2] =	sst s25  }
0xa6: {  	s4 =	sshll.u32 s26, $0x1;
	_ =	strace $0x80000049;
	[dreg:$0x1] =	wrdreg $0xFFFFFFFF  }
0xa7: {  	s28 =	simm.s32 $_size_execute0_lowered;
	s2 =	sadd.s32 s2, s4;
	[dreg:$0x0] =	wrdreg $0x0  }
0xa8: {  	s4 =	sshll.u32 s28, $0x1;
	[dreg:$0x2] =	wrdreg s2  }
0xa9: {  	[dreg:$0x3] =	wrdreg s4  }
0xaa: {  	[dreg:$0x4] =	wrdreg $0xC0  }
0xab: {  	_ =	task [dreg:s6], $0x5FFFF  }
0xac: {  	[dreg:$0x1] =	wrdreg $0xFFFFFFFF  }
0xad: {  	[dreg:$0x0] =	wrdreg $0x60  }
0xae: {  	[dreg:$0x2] =	wrdreg s24  }
0xaf: {  	[dreg:$0x3] =	wrdreg $0xB0000  }
0xb0: {  	[dreg:$0x4] =	wrdreg $0x9  }
0xb1: {  	_ =	task.clear_ibuf [dreg:s6], $0x5FFFF;
	_ =	strace $0x90000049  }
0xb2: {  	s29 =	simm.s32 $0x9;
	_ =	strace $0x8000004B  }
0xb3: {  	_ =	swait.ge [sflag:s29], $0x1  }
0xb4: {  	[sflag:s29] =	ssyncadd.s32 $0xFFFFFFFF  }
0xb5: {  	_ =	strace $0x9000004B  }
0xb6: {  	_ =	sfence  }
0xb7: {  	s30 =	sld [smem:$0x0];
	_ =	sdelay $0x2  }
0xb8: {  	s31 =	sshll.u32 s1, $0xD;
	s1 =	sshrl.u32 s1, $0x2  }
0xb9: {  	s3 =	sand.u32 $0x4000, s31;
	s1 =	sadd.s32 s1, s30  }
0xba: {  	s0 =	sor.u32 s3, s0;
	s1 =	sshll.u32 s1, $0x11  }
0xbb: {  	s0 =	sor.u32 s1, s0  }
0xbc: {  	s0 =	sadd.s32 $0x8F2B, s0  }
0xbd: {  	[sflag:s0] =	ssyncadd.remote.s32 $0x1  }
0xbe: {  	_ =	sfence.sel $0xFFFF  }
0xbf: {  	[dreg:$0x0] =	wrdreg $0xFFFFFFFF;
	(pc) =	sbr.abs _section_cstart, $3  }
0xc0: {  	[dreg:$0x1] =	wrdreg $0xFFFFFFFF  }
0xc1: {  	_ =	task.clear_ibuf [dreg:s6], $0x2FFFF;
	_ =	strace $0x9FFFFFFF  }
0xc2: {  	(tm) =	ssettm $0x7FFFFFFF  }
0xc3: {  	_ =	shalt  }
tec
execute0_lowered:
.L_overlay_start_1:
0x0: {  	(tag) =	ssettag $0x1  }
0x1: {  	s5 =	rddreg [dreg:$0x0]  }
0x2: {  	s1 =	rddreg [dreg:$0x1]  }
0x3: {  	s2 =	srdreg.scid;
	s0 =	rddreg [dreg:$0x2];
	s3 =	simm.s32 $0x0  }
0x4: {  	s14 =	simm.s32 $0x80;
	s15 =	simm.s32 $0x2800;
	s16 =	simm.s32 $0x6800  }
0x5: {  	s17 =	simm.s32 $0xA800;
	s18 =	simm.s32 $0x1;
	s19 =	simm.s32 $0x2  }
0x6: {  	s20 =	simm.s32 $0x2700;
	s21 =	simm.s32 $0x2780;
	s6 =	sand.u32 $0x1, s2  }
0x7: {  	s2 =	stileid.u32;
	[smem:$0x7FF] =	sst s3;
	s4 =	sadd.s32 $0xBAC00, s5  }
0x8: {  	s10 =	sadd.s32 $0x4200, s5;
	s29 =	sadd.s32 $0xE200, s5;
	s7 =	smul.u32 $0x140000, s6  }
0x9: {  	s8 =	smul.u32 $0x14000, s2;
	s9 =	sshll.u32 s2, $0x1;
	_ =	strace $0x8000004A  }
0xa: {  	s12 =	smul.u32 $0x50000, s2;
	s9 =	sor.u32 s6, s9;
	s6 =	ssub.s32 $0x2, s6  }
0xb: {  	s7 =	sadd.s32 s8, s7;
	s28 =	smul.u32 $0x2800, s9;
	s11 =	sshrl.u32 s6, $0x1  }
0xc: {  	s30 =	sshrl.u32 s12, $0x2;
	s12 =	simm.s32 $0x3;
	s7 =	sshrl.u32 s7, $0x3  }
0xd: {  	s11 =	ssub.s32 s6, s11;
	s8 =	sshrl.u32 s28, $0x3;
	s13 =	sadd.s32 s7, s5  }
0xe: {  	s7 =	sadd.s32 s30, s1;
	s11 =	smax.u32 s11, $0x1;
	s31 =	sadd.s32 $0x280, s8  }
0xf: {  	s5 =	sadd.s32 s10, s8;
	s6 =	sadd.s32 s29, s8;
	s8 =	sadd.s32 s10, s31  }
0x10: {  	v0 =	vimm.f32 $0.0e+00;
	s9 =	sadd.s32 s29, s31;
	s10 =	sadd.s32 $0x42C00, s13;
	s13 =	simm.s32 $0x1400  }
.LBB2_1:
0x11: {  	s22 =	simm.s32 $0x0;
	s23 =	simm.s32 $0x200  }
.LBB2_2:
0x12: {  	p0 =	sne.s32 s23, $0x1E00;
	[tilespmem:s22+$0xA870] =	vst v0  }
0x13: {  	[tilespmem:s22+$0xA800] =	vst v0  }
0x14: {  	[tilespmem:s22+$0xA810] =	vst v0  }
.Ltmp0:
0x15: {  	[tilespmem:s22+$0xA820] =	vst v0;
	(pc) =	sbr.rel @p0 .LBB2_2-.Ltmp0, $4  }
0x16: {  	[tilespmem:s22+$0xA830] =	vst v0  }
0x17: {  	[tilespmem:s22+$0xA840] =	vst v0  }
0x18: {  	[tilespmem:s22+$0xA850] =	vst v0  }
0x19: {  	[tilespmem:s22+$0xA860] =	vst v0;
	s22 =	sshra.s32 s23, $0x2;
	s23 =	sadd.s32 $0x200, s23  }
0x1a: {  	[tilespmem:s22+$0xA870] =	vst v0  }
0x1b: {  	[tilespmem:s22+$0xA800] =	vst v0  }
0x1c: {  	[tilespmem:s22+$0xA810] =	vst v0  }
0x1d: {  	[tilespmem:s22+$0xA820] =	vst v0  }
0x1e: {  	[tilespmem:s22+$0xA830] =	vst v0  }
0x1f: {  	[tilespmem:s22+$0xA840] =	vst v0  }
0x20: {  	[tilespmem:s22+$0xA850] =	vst v0  }
0x21: {  	[tilespmem:s22+$0xA860] =	vst v0;
	s30 =	simm.s32 $0x0  }
0x22: {  	[tilespmem:s30], [sflag:$0x3] =	stream.linear.gather [hbm4b:s5+s30], $0x1400, $0x38;
	[tilespmem:$0x1F000] =	vst v63  }
0x23: {  	_ =	swait.ge [sflag:s12], $0x1400  }
0x24: {  	[sflag:s12] =	ssyncset.done $0x0  }
0x25: {  	[sflag:s12] =	ssyncadd.s32 $0xFFFFEC00  }
0x26: {  	[tilespmem:s13], [sflag:$0x3] =	stream.linear.gather [hbm4b:s6+s30], $0x1400, $0x38;
	[tilespmem:$0x1F000] =	vst v63  }
0x27: {  	_ =	swait.ge [sflag:s12], $0x1400  }
0x28: {  	[sflag:s12] =	ssyncset.done $0x0  }
0x29: {  	[sflag:s12] =	ssyncadd.s32 $0xFFFFEC00  }
0x2a: {  	[tilespmem:s15], [sflag:$0x1] =	stream.indirect.gather [hbm4b:s4+s14], $0x80, s30, s14, $0xb8;
	[tilespmem:$0x1F000] =	vst v63  }
0x2b: {  	_ = 	snop  }
0x2c: {  	[tilespmem:s16], [sflag:$0x2] =	stream.indirect.gather [hbm4b:s4+s14], $0x80, s14, s14, $0xb8;
	[tilespmem:$0x1F000] =	vst v63  }
0x2d: {  	s31 =	sadd.s32 $0x0, s7  }
0x2e: {  	[spmem:s31] =	stream.linear.scatter [tilespmem:s17], [sflag:$0x3], $0x800, $0x38;
	[tilespmem:$0x1F000] =	vst v63  }
0x2f: {  	s22 =	simm.s32 $0x2000;
	_ =	swait.ge [sflag:s12], $0x800  }
.LBB2_4:
0x30: {  	s23 =	sshra.s32 s22, $0x2;
	[sflag:s12] =	ssyncset.done $0x0;
	p0 =	sne.s32 s22, $0x4E000  }
.Ltmp1:
0x31: {  	s23 =	sadd.s32 s23, s7;
	[sflag:s12] =	ssyncadd.s32 $0xFFFFF800;
	(pc) =	sbr.rel @p0 .LBB2_4-.Ltmp1, $3  }
0x32: {  	[spmem:s23] =	stream.linear.scatter [tilespmem:s17], [sflag:$0x3], $0x800, $0x38;
	[tilespmem:$0x1F000] =	vst v63  }
0x33: {  	s22 =	sadd.s32 $0x2000, s22;
	_ =	sdelay $0x1  }
0x34: {  	_ =	swait.ge [sflag:s12], $0x800  }
0x35: {  	[sflag:s12] =	ssyncset.done $0x0  }
0x36: {  	[sflag:s12] =	ssyncadd.s32 $0xFFFFF800  }
0x37: {  	[bflag:$0x0] =	sbarrier.arrive $0xFFFF  }
0x38: {  	_ =	swait.ge [sflag:s18], $0x4000  }
0x39: {  	[sflag:s18] =	ssyncset.done $0x0  }
0x3a: {  	s22 =	simm.s32 $0x1400;
	[sflag:s18] =	ssyncadd.s32 $0xFFFFC000  }
0x3b: {  	[spmem:s1] =	stream.indirect.scatter.add.f32 [tilespmem:s15], [sflag:$0x3], $0x80, s22, s14, $0xb8;
	[tilespmem:$0x1F000] =	vst v63  }
0x3c: {  	_ =	swait.ge [sflag:s12], $0x4000  }
0x3d: {  	[sflag:s12] =	ssyncset.done $0x0  }
0x3e: {  	s30 =	simm.s32 $0x100;
	[sflag:s12] =	ssyncadd.s32 $0xFFFFC000  }
0x3f: {  	[tilespmem:s15], [sflag:$0x1] =	stream.indirect.gather [hbm4b:s4+s14], $0x80, s30, s14, $0xb8;
	[tilespmem:$0x1F000] =	vst v63  }
0x40: {  	_ =	swait.ge [sflag:s19], $0x4000  }
0x41: {  	[sflag:s19] =	ssyncset.done $0x0  }
0x42: {  	s31 =	simm.s32 $0x1480;
	[sflag:s19] =	ssyncadd.s32 $0xFFFFC000  }
0x43: {  	[spmem:s1] =	stream.indirect.scatter.add.f32 [tilespmem:s16], [sflag:$0x3], $0x80, s31, s14, $0xb8;
	[tilespmem:$0x1F000] =	vst v63  }
0x44: {  	_ =	swait.ge [sflag:s12], $0x4000  }
0x45: {  	[sflag:s12] =	ssyncset.done $0x0  }
0x46: {  	s23 =	simm.s32 $0x180;
	s22 =	simm.s32 $0x400;
	[sflag:s12] =	ssyncadd.s32 $0xFFFFC000  }
.LBB2_6:
0x47: {  	[tilespmem:s16], [sflag:$0x2] =	stream.indirect.gather [hbm4b:s4+s14], $0x80, s23, s14, $0xb8;
	[tilespmem:$0x1F000] =	vst v63  }
0x48: {  	s23 =	smov.u32 s22  }
0x49: {  	p0 =	sne.s32 s22, $0x4800;
	s22 =	sadd.s32 $0x400, s22;
	_ =	swait.ge [sflag:s18], $0x4000  }
0x4a: {  	s23 =	sshra.s32 s23, $0x2;
	[sflag:s18] =	ssyncset.done $0x0  }
0x4b: {  	s24 =	sadd.s32 $0x1400, s23;
	[sflag:s18] =	ssyncadd.s32 $0xFFFFC000  }
0x4c: {  	[spmem:s1] =	stream.indirect.scatter.add.f32 [tilespmem:s15], [sflag:$0x3], $0x80, s24, s14, $0xb8;
	[tilespmem:$0x1F000] =	vst v63  }
0x4d: {  	_ =	swait.ge [sflag:s12], $0x4000  }
0x4e: {  	[sflag:s12] =	ssyncset.done $0x0  }
0x4f: {  	s24 =	sadd.s32 $0x100, s23;
	[sflag:s12] =	ssyncadd.s32 $0xFFFFC000  }
0x50: {  	[tilespmem:s15], [sflag:$0x1] =	stream.indirect.gather [hbm4b:s4+s14], $0x80, s24, s14, $0xb8;
	[tilespmem:$0x1F000] =	vst v63  }
0x51: {  	_ =	swait.ge [sflag:s19], $0x4000  }
0x52: {  	[sflag:s19] =	ssyncset.done $0x0  }
.Ltmp2:
0x53: {  	s24 =	sadd.s32 $0x1480, s23;
	[sflag:s19] =	ssyncadd.s32 $0xFFFFC000;
	(pc) =	sbr.rel @p0 .LBB2_6-.Ltmp2, $4  }
0x54: {  	[spmem:s1] =	stream.indirect.scatter.add.f32 [tilespmem:s16], [sflag:$0x3], $0x80, s24, s14, $0xb8;
	[tilespmem:$0x1F000] =	vst v63  }
0x55: {  	_ =	swait.ge [sflag:s12], $0x4000  }
0x56: {  	[sflag:s12] =	ssyncset.done $0x0  }
0x57: {  	s23 =	sadd.s32 $0x180, s23;
	[sflag:s12] =	ssyncadd.s32 $0xFFFFC000  }
0x58: {  	[tilespmem:s16], [sflag:$0x2] =	stream.indirect.gather [hbm4b:s4+s14], $0x80, s23, s14, $0xb8;
	[tilespmem:$0x1F000] =	vst v63  }
0x59: {  	_ =	swait.ge [sflag:s18], $0x4000  }
0x5a: {  	[sflag:s18] =	ssyncset.done $0x0  }
0x5b: {  	[sflag:s18] =	ssyncadd.s32 $0xFFFFC000  }
0x5c: {  	[spmem:s1] =	stream.indirect.scatter.add.f32 [tilespmem:s15], [sflag:$0x3], $0x80, s20, s14, $0xb8;
	[tilespmem:$0x1F000] =	vst v63  }
0x5d: {  	_ =	swait.ge [sflag:s12], $0x4000  }
0x5e: {  	[sflag:s12] =	ssyncset.done $0x0  }
0x5f: {  	[sflag:s12] =	ssyncadd.s32 $0xFFFFC000  }
0x60: {  	_ =	swait.ge [sflag:s19], $0x4000  }
0x61: {  	[sflag:s19] =	ssyncset.done $0x0  }
0x62: {  	[sflag:s19] =	ssyncadd.s32 $0xFFFFC000  }
0x63: {  	[spmem:s1] =	stream.indirect.scatter.add.f32 [tilespmem:s16], [sflag:$0x3], $0x80, s21, s14, $0xb8;
	[tilespmem:$0x1F000] =	vst v63  }
0x64: {  	_ =	swait.ge [sflag:s12], $0x4000  }
0x65: {  	[sflag:s12] =	ssyncset.done $0x0  }
0x66: {  	s22 =	simm.s32 $0x0;
	[sflag:s12] =	ssyncadd.s32 $0xFFFFC000  }
0x67: {  	[tilespmem:s22], [sflag:$0x3] =	stream.linear.gather [hbm4b:s8+s22], $0x1400, $0x38;
	[tilespmem:$0x1F000] =	vst v63  }
0x68: {  	_ =	swait.ge [sflag:s12], $0x1400  }
0x69: {  	[sflag:s12] =	ssyncset.done $0x0  }
0x6a: {  	[sflag:s12] =	ssyncadd.s32 $0xFFFFEC00  }
0x6b: {  	[tilespmem:s13], [sflag:$0x3] =	stream.linear.gather [hbm4b:s9+s22], $0x1400, $0x38;
	[tilespmem:$0x1F000] =	vst v63  }
0x6c: {  	_ =	swait.ge [sflag:s12], $0x1400  }
0x6d: {  	[sflag:s12] =	ssyncset.done $0x0  }
0x6e: {  	[sflag:s12] =	ssyncadd.s32 $0xFFFFEC00  }
0x6f: {  	[tilespmem:s15], [sflag:$0x1] =	stream.indirect.gather [hbm4b:s4+s14], $0x80, s22, s14, $0xb8;
	[tilespmem:$0x1F000] =	vst v63  }
0x70: {  	_ = 	snop  }
0x71: {  	[tilespmem:s16], [sflag:$0x2] =	stream.indirect.gather [hbm4b:s4+s14], $0x80, s14, s14, $0xb8;
	[tilespmem:$0x1F000] =	vst v63  }
0x72: {  	_ =	swait.ge [sflag:s18], $0x4000  }
0x73: {  	[sflag:s18] =	ssyncset.done $0x0  }
0x74: {  	s29 =	simm.s32 $0x1400;
	[sflag:s18] =	ssyncadd.s32 $0xFFFFC000  }
0x75: {  	[spmem:s1] =	stream.indirect.scatter.add.f32 [tilespmem:s15], [sflag:$0x3], $0x80, s29, s14, $0xb8;
	[tilespmem:$0x1F000] =	vst v63  }
0x76: {  	_ =	swait.ge [sflag:s12], $0x4000  }
0x77: {  	[sflag:s12] =	ssyncset.done $0x0  }
0x78: {  	s30 =	simm.s32 $0x100;
	[sflag:s12] =	ssyncadd.s32 $0xFFFFC000  }
0x79: {  	[tilespmem:s15], [sflag:$0x1] =	stream.indirect.gather [hbm4b:s4+s14], $0x80, s30, s14, $0xb8;
	[tilespmem:$0x1F000] =	vst v63  }
0x7a: {  	_ =	swait.ge [sflag:s19], $0x4000  }
0x7b: {  	[sflag:s19] =	ssyncset.done $0x0  }
0x7c: {  	s31 =	simm.s32 $0x1480;
	[sflag:s19] =	ssyncadd.s32 $0xFFFFC000  }
0x7d: {  	[spmem:s1] =	stream.indirect.scatter.add.f32 [tilespmem:s16], [sflag:$0x3], $0x80, s31, s14, $0xb8;
	[tilespmem:$0x1F000] =	vst v63  }
0x7e: {  	_ =	swait.ge [sflag:s12], $0x4000  }
0x7f: {  	[sflag:s12] =	ssyncset.done $0x0  }
0x80: {  	s23 =	simm.s32 $0x180;
	s22 =	simm.s32 $0x400;
	[sflag:s12] =	ssyncadd.s32 $0xFFFFC000  }
.LBB2_8:
0x81: {  	[tilespmem:s16], [sflag:$0x2] =	stream.indirect.gather [hbm4b:s4+s14], $0x80, s23, s14, $0xb8;
	[tilespmem:$0x1F000] =	vst v63  }
0x82: {  	s23 =	smov.u32 s22  }
0x83: {  	p0 =	sne.s32 s22, $0x4800;
	s22 =	sadd.s32 $0x400, s22;
	_ =	swait.ge [sflag:s18], $0x4000  }
0x84: {  	s23 =	sshra.s32 s23, $0x2;
	[sflag:s18] =	ssyncset.done $0x0  }
0x85: {  	s24 =	sadd.s32 $0x1400, s23;
	[sflag:s18] =	ssyncadd.s32 $0xFFFFC000  }
0x86: {  	[spmem:s1] =	stream.indirect.scatter.add.f32 [tilespmem:s15], [sflag:$0x3], $0x80, s24, s14, $0xb8;
	[tilespmem:$0x1F000] =	vst v63  }
0x87: {  	_ =	swait.ge [sflag:s12], $0x4000  }
0x88: {  	[sflag:s12] =	ssyncset.done $0x0  }
0x89: {  	s24 =	sadd.s32 $0x100, s23;
	[sflag:s12] =	ssyncadd.s32 $0xFFFFC000  }
0x8a: {  	[tilespmem:s15], [sflag:$0x1] =	stream.indirect.gather [hbm4b:s4+s14], $0x80, s24, s14, $0xb8;
	[tilespmem:$0x1F000] =	vst v63  }
0x8b: {  	_ =	swait.ge [sflag:s19], $0x4000  }
0x8c: {  	[sflag:s19] =	ssyncset.done $0x0  }
.Ltmp3:
0x8d: {  	s24 =	sadd.s32 $0x1480, s23;
	[sflag:s19] =	ssyncadd.s32 $0xFFFFC000;
	(pc) =	sbr.rel @p0 .LBB2_8-.Ltmp3, $4  }
0x8e: {  	[spmem:s1] =	stream.indirect.scatter.add.f32 [tilespmem:s16], [sflag:$0x3], $0x80, s24, s14, $0xb8;
	[tilespmem:$0x1F000] =	vst v63  }
0x8f: {  	_ =	swait.ge [sflag:s12], $0x4000  }
0x90: {  	[sflag:s12] =	ssyncset.done $0x0  }
0x91: {  	s23 =	sadd.s32 $0x180, s23;
	[sflag:s12] =	ssyncadd.s32 $0xFFFFC000  }
0x92: {  	[tilespmem:s16], [sflag:$0x2] =	stream.indirect.gather [hbm4b:s4+s14], $0x80, s23, s14, $0xb8;
	[tilespmem:$0x1F000] =	vst v63  }
0x93: {  	_ =	swait.ge [sflag:s18], $0x4000  }
0x94: {  	[sflag:s18] =	ssyncset.done $0x0  }
0x95: {  	[sflag:s18] =	ssyncadd.s32 $0xFFFFC000  }
0x96: {  	[spmem:s1] =	stream.indirect.scatter.add.f32 [tilespmem:s15], [sflag:$0x3], $0x80, s20, s14, $0xb8;
	[tilespmem:$0x1F000] =	vst v63  }
0x97: {  	_ =	swait.ge [sflag:s12], $0x4000  }
0x98: {  	[sflag:s12] =	ssyncset.done $0x0  }
0x99: {  	[sflag:s12] =	ssyncadd.s32 $0xFFFFC000  }
0x9a: {  	_ =	swait.ge [sflag:s19], $0x4000  }
0x9b: {  	[sflag:s19] =	ssyncset.done $0x0  }
0x9c: {  	[sflag:s19] =	ssyncadd.s32 $0xFFFFC000  }
0x9d: {  	[spmem:s1] =	stream.indirect.scatter.add.f32 [tilespmem:s16], [sflag:$0x3], $0x80, s21, s14, $0xb8;
	[tilespmem:$0x1F000] =	vst v63  }
0x9e: {  	_ =	swait.ge [sflag:s12], $0x4000  }
0x9f: {  	s22 =	sshll.u32 s2, $0x6;
	s3 =	sadd.s32 $0x1, s3;
	[sflag:s12] =	ssyncset.done $0x0  }
0xa0: {  	s31 =	sshrl.u32 s7, $0x3;
	p0 =	sne.s32 s3, s11;
	[sflag:s12] =	ssyncadd.s32 $0xFFFFC000  }
.Ltmp4:
0xa1: {  	s22 =	sor.u32 $0x1C03, s22;
	[bflag:$0x0] =	sbarrier.arrive $0xFFFF;
	(pc) =	sbr.rel @p0 .LBB2_1-.Ltmp4, $4  }
0xa2: {  	[hbm:s10], [sflag:s22] =	dma.local [spmem:s31], $0x2800  }
0xa3: {  	_ =	swait.ge [sflag:s12], $0x2800  }
0xa4: {  	[sflag:s12] =	ssyncset.done $0x0  }
0xa5: {  	[sflag:s12] =	ssyncadd.s32 $0xFFFFD800  }
0xa6: {  	_ =	sfence.sel $0x180000  }
0xa7: {  	[bflag:$0x0] =	sbarrier.arrive $0xFFFF  }
0xa8: {  	p0 =	sne.s32 s2, $0x0;
	_ =	strace $0x9000004A  }
0xa9: {  	s0 =	sadd.s32 @!p0 $0x100000, s0;
	[bflag:$0x2] =	sbarrier.arrive $0xFFFF  }
0xaa: {  	[sflag:s0] =	ssyncadd.tile.s32 @!p0 $0x1;
	_ =	shalt  }
.Lfunc_end2:
_tile_overlayer_lowered:
.L_overlay_start_2:
0xab: {  	(tag) =	ssettag $0x2  }
0xac: {  	s0 =	rddreg [dreg:$0x0];
	s2 =	stileid.u32  }
0xad: {  	s1 =	rddreg [dreg:$0x1];
	p0 =	sne.s32 s2, $0x0  }
0xae: {  	s3 =	rddreg [dreg:$0x2];
	[bflag:$0x3] =	sbarrier.arrive $0xFFFF;
	s2 =	simm.s32 @!p0 $0x1C03  }
0xaf: {  	[timem:s3], [sflag:s2] =	dma.local @!p0 [hbm:s0], s1  }
0xb0: {  	s0 =	simm.s32 @!p0 $0x3  }
0xb1: {  	_ =	swait.ge @!p0 [sflag:s0], s1  }
0xb2: {  	s1 =	ssub.s32 @!p0 $0x0, s1;
	[sflag:s0] =	ssyncset.done @!p0 $0x0  }
0xb3: {  	[sflag:s0] =	ssyncadd.s32 @!p0 s1  }
0xb4: {  	[bflag:$0x3] =	sbarrier.arrive $0xFFFF  }
0xb5: {  	_ =	shalt  }

// kernel: kernel.18.cloned.1.call-start
scs
__scs_entry_jumppad:
0x0: {  	(pc) =	sbr.rel $0x88, $3  }
0x1: {  	(tag) =	ssettag $0x0;
	lr =	simm.s32 $0x1  }
0x2: {  	[smem:$0x3F92] =	sst lr;
	_ =	strace $0xD0000000  }
0x3: {  	_ = 	snop  }
0x4: {  	_ = 	snop  }
0x5: {  	_ = 	snop  }
0x6: {  	_ = 	snop  }
0x7: {  	_ = 	snop  }
__scs_overlays_trampoline_lowered:
0x8: {  	[smem:$0x3FA1] =	sst s0  }
0x9: {  	[smem:$0x3FA2] =	sst s1  }
0xa: {  	[smem:$0x3FA3] =	sst s2  }
0xb: {  	[smem:$0x3FA4] =	sst s3  }
0xc: {  	[smem:$0x3FA5] =	sst s4  }
0xd: {  	[smem:$0x3FA6] =	sst s5  }
0xe: {  	[smem:$0x3FA7] =	sst s6  }
0xf: {  	[smem:$0x3FA8] =	sst s7  }
0x10: {  	[smem:$0x3FA9] =	sst s8  }
0x11: {  	[smem:$0x3FAA] =	sst s9;
	s0 =	simm.s32 @!p0 $0x0  }
0x12: {  	s1 =	sld [smem:$0x3F90];
	s0 =	simm.s32 @p0 $0x1  }
0x13: {  	[smem:$0x3FAB] =	sst s0;
	s0 =	simm.s32 @!p1 $0x0  }
0x14: {  	s2 =	sld [smem:$0x3F8F];
	s0 =	simm.s32 @p1 $0x1  }
0x15: {  	[smem:$0x3FAC] =	sst s0;
	s0 =	simm.s32 @!p2 $0x0  }
0x16: {  	s3 =	sld [smem:$0x3FDB];
	s0 =	simm.s32 @p2 $0x1  }
0x17: {  	s4 =	simm.s32 $0x1BF5;
	[smem:$0x3FAE] =	sst s0  }
0x18: {  	s0 =	sld [smem:$0x3F91];
	_ =	swait.ge [sflag:s4], $0x0  }
0x19: {  	s7 =	sld [smem:$0x3F92]  }
0x1a: {  	s8 =	sadd.s32 $0xFFFFE003, lr  }
0x1b: {  	s9 =	sadd.s32 $0xFFFFFEF7, lr;
	s5 =	simm.s32 $0xFFFFFFFF;
	p2 =	slt.u32 s8, $0xFFFFF086  }
0x1c: {  	p1 =	slt.u32 s9, $0xF7A;
	s5 =	simm.s32 @!p2 $0x0  }
0x1d: {  	s5 =	simm.s32 @p1 $0x1;
	p0 =	seq.s32 s7, s2  }
0x1e: {  	s7 =	smul.u32 @!p0 $0xF7A, s2;
	p2 =	seq.s32 @!p0 s5, $0x0  }
0x1f: {  	s9 =	smul.u32 $0xF7A, s1;
	s8 =	simm.s32 @!p0 $0x1BF5;
	p2 =	por !p2, p0  }
0x20: {  	[sflag:s8] =	ssyncset.s32 @!p0 $0xFFFFF086;
	s6 =	sadd.s32 @!p0 s3, s7;
	s7 =	simm.s32 @!p0 $0x108  }
0x21: {  	s3 =	sadd.s32 s3, s9;
	s6 =	sadd.s32 @!p0 $0x88, s6;
	s7 =	simm.s32 @p2 $0x1082  }
0x22: {  	[simem:s7], [sflag:s8] =	dma.local @!p0 [hbm:s6], $0xF7A  }
0x23: {  	s9 =	sor.u32 $0xD0000000, s2;
	s6 =	simm.s32 $0x108;
	_ =	swait.ge @!p0 [sflag:s8], $0x0  }
0x24: {  	s3 =	sadd.s32 $0x88, s3;
	s6 =	simm.s32 @!p1 $0x1082;
	[sflag:s4] =	ssyncset.s32 $0xFFFFF086  }
0x25: {  	[simem:s6], [sflag:s4] =	dma.local [hbm:s3], $0xF7A  }
0x26: {  	[smem:$0x3F92] =	sst s1;
	(tag) =	ssettag s2;
	_ =	strace s9  }
0x27: {  	s1 =	sld [smem:$0x3FA2]  }
0x28: {  	s2 =	sld [smem:$0x3FA3]  }
0x29: {  	s4 =	sld [smem:$0x3FA5]  }
0x2a: {  	p0 =	seq.s32 s5, $0x0;
	s5 =	sld [smem:$0x3FA6]  }
0x2b: {  	s6 =	sld [smem:$0x3FA7]  }
0x2c: {  	s7 =	sld [smem:$0x3FA8]  }
0x2d: {  	s3 =	simm.s32 $0x108;
	s8 =	sld [smem:$0x3FA9]  }
0x2e: {  	s3 =	simm.s32 @!p0 $0x1082;
	s9 =	sld [smem:$0x3FAA]  }
0x2f: {  	lr =	sadd.s32 s0, s3;
	s0 =	sld [smem:$0x3FA1]  }
0x30: {  	s3 =	sld [smem:$0x3FA4]  }
0x31: {  	[smem:$0x3FAD] =	sst s10  }
0x32: {  	s10 =	sld [smem:$0x3FAB];
	_ =	sdelay $0x3  }
0x33: {  	p0 =	seq.s32 s10, $0x1;
	s10 =	sld [smem:$0x3FAD];
	_ =	sdelay $0x3  }
0x34: {  	[smem:$0x3FAD] =	sst s10  }
0x35: {  	s10 =	sld [smem:$0x3FAC];
	_ =	sdelay $0x3  }
0x36: {  	p1 =	seq.s32 s10, $0x1;
	s10 =	sld [smem:$0x3FAD];
	_ =	sdelay $0x3  }
0x37: {  	[smem:$0x3FAD] =	sst s10  }
0x38: {  	s10 =	sld [smem:$0x3FAE]  }
0x39: {  	_ = 	snop;
	(pc) =	sbr.ind lr, $3  }
0x3a: {  	_ = 	snop  }
0x3b: {  	_ = 	snop  }
0x3c: {  	p2 =	seq.s32 s10, $0x1;
	s10 =	sld [smem:$0x3FAD]  }
0x3d: {  	_ =	shalt  }
0x3e: {  	_ =	shalt  }
0x3f: {  	_ =	shalt  }
0x40: {  	_ =	shalt  }
0x41: {  	_ =	shalt  }
0x42: {  	_ =	shalt  }
0x43: {  	_ =	shalt  }
0x44: {  	_ =	shalt  }
0x45: {  	_ =	shalt  }
0x46: {  	_ =	shalt  }
0x47: {  	_ =	shalt  }
0x48: {  	_ =	shalt  }
0x49: {  	_ =	shalt  }
0x4a: {  	_ =	shalt  }
0x4b: {  	_ =	shalt  }
0x4c: {  	_ =	shalt  }
0x4d: {  	_ =	shalt  }
0x4e: {  	_ =	shalt  }
0x4f: {  	_ =	shalt  }
0x50: {  	_ =	shalt  }
0x51: {  	_ =	shalt  }
0x52: {  	_ =	shalt  }
0x53: {  	_ =	shalt  }
0x54: {  	_ =	shalt  }
0x55: {  	_ =	shalt  }
0x56: {  	_ =	shalt  }
0x57: {  	_ =	shalt  }
0x58: {  	_ =	shalt  }
0x59: {  	_ =	shalt  }
0x5a: {  	_ =	shalt  }
0x5b: {  	_ =	shalt  }
0x5c: {  	_ =	shalt  }
0x5d: {  	_ =	shalt  }
0x5e: {  	_ =	shalt  }
0x5f: {  	_ =	shalt  }
0x60: {  	_ =	shalt  }
0x61: {  	_ =	shalt  }
0x62: {  	_ =	shalt  }
0x63: {  	_ =	shalt  }
0x64: {  	_ =	shalt  }
0x65: {  	_ =	shalt  }
0x66: {  	_ =	shalt  }
0x67: {  	_ =	shalt  }
0x68: {  	_ =	shalt  }
0x69: {  	_ =	shalt  }
0x6a: {  	_ =	shalt  }
0x6b: {  	_ =	shalt  }
0x6c: {  	_ =	shalt  }
0x6d: {  	_ =	shalt  }
0x6e: {  	_ =	shalt  }
0x6f: {  	_ =	shalt  }
0x70: {  	_ =	shalt  }
0x71: {  	_ =	shalt  }
0x72: {  	_ =	shalt  }
0x73: {  	_ =	shalt  }
0x74: {  	_ =	shalt  }
0x75: {  	_ =	shalt  }
0x76: {  	_ =	shalt  }
0x77: {  	_ =	shalt  }
0x78: {  	_ =	shalt  }
0x79: {  	_ =	shalt  }
0x7a: {  	_ =	shalt  }
0x7b: {  	_ =	shalt  }
0x7c: {  	_ =	shalt  }
0x7d: {  	_ =	shalt  }
0x7e: {  	_ =	shalt  }
0x7f: {  	_ =	shalt  }
0x80: {  	_ =	shalt  }
0x81: {  	_ =	shalt  }
0x82: {  	_ =	shalt  }
0x83: {  	_ =	shalt  }
0x84: {  	_ =	shalt  }
0x85: {  	_ =	shalt  }
0x86: {  	_ =	shalt  }
0x87: {  	_ =	shalt  }
.Lfunc_end0:
.L_simem_size_0:
called_computation.2_lowered:
.L_overlay_start_0:
0x88: {  	s2 =	sld [smem:$0x3FD9]  }
0x89: {  	s3 =	sld [smem:$0x3FFE];
	_ =	sdelay $0x1  }
0x8a: {  	s1 =	srdreg.scid  }
0x8b: {  	s0 =	sand.u32 $0x1, s1  }
0x8c: {  	s16 =	sshll.u32 s0, $0xA;
	s2 =	sadd.s32 s3, s2  }
0x8d: {  	s2 =	sadd.s32 s2, s16  }
0x8e: {  	[smem:$0x3FB9] =	sst s2  }
0x8f: {  	_ = 	snop  }
0x90: {  	(tm) =	ssettm $0x1  }
0x91: {  	s17 =	sld [smem:$0x3FFB];
	_ =	sdelay $0x3  }
0x92: {  	_ =	strace s17  }
0x93: {  	s2 =	sld [smem:$0x3FFC];
	_ =	sdelay $0x3  }
0x94: {  	_ =	strace s2  }
0x95: {  	s2 =	sld [smem:$0x3FFD];
	_ =	sdelay $0x3  }
0x96: {  	_ =	strace s2  }
0x97: {  	_ =	strace $0x8FFFFFFF  }
0x98: {  	s18 =	sld [smem:$0x3FDB];
	_ =	sdelay $0x1  }
0x99: {  	s19 =	simm.s32 $_scs_section_size  }
0x9a: {  	s4 =	simm.s32 $_size__tile_overlayer_lowered;
	s5 =	simm.s32 $_tile_overlayer_lowered  }
0x9b: {  	s22 =	simm.s32 $0x1BFF;
	s21 =	sshll.u32 s5, $0x1;
	s2 =	sadd.s32 s19, s18  }
0x9c: {  	s6 =	simm.s32 $0x0;
	s20 =	sshll.u32 s4, $0x1;
	s4 =	sadd.s32 s21, s2  }
0x9d: {  	[timem:s6], [sflag:s22] =	dma.local [hbm:s4], s20  }
0x9e: {  	_ =	swait.ge [sflag:s22], s20  }
0x9f: {  	s3 =	ssub.s32 $0x0, s20;
	[sflag:s22] =	ssyncset.done $0x0  }
0xa0: {  	[sflag:s22] =	ssyncadd.s32 s3;
	_ =	sdelay $0x1  }
0xa1: {  	s23 =	simm.s32 $0x1B8B  }
0xa2: {  	_ =	swait.ge [sflag:s23], $0x1  }
0xa3: {  	[sflag:s23] =	ssyncset.done $0x0  }
0xa4: {  	s25 =	simm.s32 $0x1B8E;
	s24 =	sld [smem:$0x3FFE];
	[sflag:s23] =	ssyncadd.s32 $0xFFFFFFFF  }
0xa5: {  	s26 =	simm.s32 $execute0_lowered;
	[smem:$0x3FD2] =	sst s25  }
0xa6: {  	s4 =	sshll.u32 s26, $0x1;
	_ =	strace $0x8000004C;
	[dreg:$0x1] =	wrdreg $0xFFFFFFFF  }
0xa7: {  	s28 =	simm.s32 $_size_execute0_lowered;
	s2 =	sadd.s32 s2, s4;
	[dreg:$0x0] =	wrdreg $0x0  }
0xa8: {  	s4 =	sshll.u32 s28, $0x1;
	[dreg:$0x2] =	wrdreg s2  }
0xa9: {  	[dreg:$0x3] =	wrdreg s4  }
0xaa: {  	[dreg:$0x4] =	wrdreg $0xC0  }
0xab: {  	_ =	task [dreg:s6], $0x5FFFF  }
0xac: {  	[dreg:$0x1] =	wrdreg $0xFFFFFFFF  }
0xad: {  	[dreg:$0x0] =	wrdreg $0x60  }
0xae: {  	[dreg:$0x2] =	wrdreg s24  }
0xaf: {  	[dreg:$0x3] =	wrdreg $0xB0000  }
0xb0: {  	[dreg:$0x4] =	wrdreg $0x9  }
0xb1: {  	_ =	task.clear_ibuf [dreg:s6], $0x5FFFF;
	_ =	strace $0x9000004C  }
0xb2: {  	s29 =	simm.s32 $0x9;
	_ =	strace $0x8000004E  }
0xb3: {  	_ =	swait.ge [sflag:s29], $0x1  }
0xb4: {  	[sflag:s29] =	ssyncadd.s32 $0xFFFFFFFF  }
0xb5: {  	_ =	strace $0x9000004E  }
0xb6: {  	_ =	sfence  }
0xb7: {  	s30 =	sld [smem:$0x0];
	_ =	sdelay $0x2  }
0xb8: {  	s31 =	sshll.u32 s1, $0xD;
	s1 =	sshrl.u32 s1, $0x2  }
0xb9: {  	s3 =	sand.u32 $0x4000, s31;
	s1 =	sadd.s32 s1, s30  }
0xba: {  	s0 =	sor.u32 s3, s0;
	s1 =	sshll.u32 s1, $0x11  }
0xbb: {  	s0 =	sor.u32 s1, s0  }
0xbc: {  	s0 =	sadd.s32 $0x8F2B, s0  }
0xbd: {  	[sflag:s0] =	ssyncadd.remote.s32 $0x1  }
0xbe: {  	_ =	sfence.sel $0xFFFF  }
0xbf: {  	[dreg:$0x0] =	wrdreg $0xFFFFFFFF;
	(pc) =	sbr.abs _section_cstart, $3  }
0xc0: {  	[dreg:$0x1] =	wrdreg $0xFFFFFFFF  }
0xc1: {  	_ =	task.clear_ibuf [dreg:s6], $0x2FFFF;
	_ =	strace $0x9FFFFFFF  }
0xc2: {  	(tm) =	ssettm $0x7FFFFFFF  }
0xc3: {  	_ =	shalt  }
tec
execute0_lowered:
.L_overlay_start_1:
0x0: {  	(tag) =	ssettag $0x1  }
0x1: {  	s5 =	rddreg [dreg:$0x0]  }
0x2: {  	s1 =	rddreg [dreg:$0x1]  }
0x3: {  	s2 =	srdreg.scid;
	s0 =	rddreg [dreg:$0x2];
	s3 =	simm.s32 $0x0  }
0x4: {  	s14 =	simm.s32 $0x80;
	s15 =	simm.s32 $0x2800;
	s16 =	simm.s32 $0x6800  }
0x5: {  	s17 =	simm.s32 $0xA800;
	s18 =	simm.s32 $0x1;
	s19 =	simm.s32 $0x2  }
0x6: {  	s20 =	simm.s32 $0x2700;
	s21 =	simm.s32 $0x2780;
	s6 =	sand.u32 $0x1, s2  }
0x7: {  	s2 =	stileid.u32;
	[smem:$0x7FF] =	sst s3;
	s4 =	sadd.s32 $0x132C00, s5  }
0x8: {  	s10 =	sadd.s32 $0x4200, s5;
	s29 =	sadd.s32 $0xE200, s5;
	s7 =	smul.u32 $0x140000, s6  }
0x9: {  	s8 =	smul.u32 $0x14000, s2;
	s9 =	sshll.u32 s2, $0x1;
	_ =	strace $0x8000004D  }
0xa: {  	s12 =	smul.u32 $0x50000, s2;
	s9 =	sor.u32 s6, s9;
	s6 =	ssub.s32 $0x2, s6  }
0xb: {  	s7 =	sadd.s32 s8, s7;
	s28 =	smul.u32 $0x2800, s9;
	s11 =	sshrl.u32 s6, $0x1  }
0xc: {  	s30 =	sshrl.u32 s12, $0x2;
	s12 =	simm.s32 $0x3;
	s7 =	sshrl.u32 s7, $0x3  }
0xd: {  	s11 =	ssub.s32 s6, s11;
	s8 =	sshrl.u32 s28, $0x3;
	s13 =	sadd.s32 s7, s5  }
0xe: {  	s7 =	sadd.s32 s30, s1;
	s11 =	smax.u32 s11, $0x1;
	s31 =	sadd.s32 $0x280, s8  }
0xf: {  	s5 =	sadd.s32 s10, s8;
	s6 =	sadd.s32 s29, s8;
	s8 =	sadd.s32 s10, s31  }
0x10: {  	v0 =	vimm.f32 $0.0e+00;
	s9 =	sadd.s32 s29, s31;
	s10 =	sadd.s32 $0x42C00, s13;
	s13 =	simm.s32 $0x1400  }
.LBB2_1:
0x11: {  	s22 =	simm.s32 $0x0;
	s23 =	simm.s32 $0x200  }
.LBB2_2:
0x12: {  	p0 =	sne.s32 s23, $0x1E00;
	[tilespmem:s22+$0xA870] =	vst v0  }
0x13: {  	[tilespmem:s22+$0xA800] =	vst v0  }
0x14: {  	[tilespmem:s22+$0xA810] =	vst v0  }
.Ltmp0:
0x15: {  	[tilespmem:s22+$0xA820] =	vst v0;
	(pc) =	sbr.rel @p0 .LBB2_2-.Ltmp0, $4  }
0x16: {  	[tilespmem:s22+$0xA830] =	vst v0  }
0x17: {  	[tilespmem:s22+$0xA840] =	vst v0  }
0x18: {  	[tilespmem:s22+$0xA850] =	vst v0  }
0x19: {  	[tilespmem:s22+$0xA860] =	vst v0;
	s22 =	sshra.s32 s23, $0x2;
	s23 =	sadd.s32 $0x200, s23  }
0x1a: {  	[tilespmem:s22+$0xA870] =	vst v0  }
0x1b: {  	[tilespmem:s22+$0xA800] =	vst v0  }
0x1c: {  	[tilespmem:s22+$0xA810] =	vst v0  }
0x1d: {  	[tilespmem:s22+$0xA820] =	vst v0  }
0x1e: {  	[tilespmem:s22+$0xA830] =	vst v0  }
0x1f: {  	[tilespmem:s22+$0xA840] =	vst v0  }
0x20: {  	[tilespmem:s22+$0xA850] =	vst v0  }
0x21: {  	[tilespmem:s22+$0xA860] =	vst v0;
	s30 =	simm.s32 $0x0  }
0x22: {  	[tilespmem:s30], [sflag:$0x3] =	stream.linear.gather [hbm4b:s5+s30], $0x1400, $0x38;
	[tilespmem:$0x1F000] =	vst v63  }
0x23: {  	_ =	swait.ge [sflag:s12], $0x1400  }
0x24: {  	[sflag:s12] =	ssyncset.done $0x0  }
0x25: {  	[sflag:s12] =	ssyncadd.s32 $0xFFFFEC00  }
0x26: {  	[tilespmem:s13], [sflag:$0x3] =	stream.linear.gather [hbm4b:s6+s30], $0x1400, $0x38;
	[tilespmem:$0x1F000] =	vst v63  }
0x27: {  	_ =	swait.ge [sflag:s12], $0x1400  }
0x28: {  	[sflag:s12] =	ssyncset.done $0x0  }
0x29: {  	[sflag:s12] =	ssyncadd.s32 $0xFFFFEC00  }
0x2a: {  	[tilespmem:s15], [sflag:$0x1] =	stream.indirect.gather [hbm4b:s4+s14], $0x80, s30, s14, $0xb8;
	[tilespmem:$0x1F000] =	vst v63  }
0x2b: {  	_ = 	snop  }
0x2c: {  	[tilespmem:s16], [sflag:$0x2] =	stream.indirect.gather [hbm4b:s4+s14], $0x80, s14, s14, $0xb8;
	[tilespmem:$0x1F000] =	vst v63  }
0x2d: {  	s31 =	sadd.s32 $0x0, s7  }
0x2e: {  	[spmem:s31] =	stream.linear.scatter [tilespmem:s17], [sflag:$0x3], $0x800, $0x38;
	[tilespmem:$0x1F000] =	vst v63  }
0x2f: {  	s22 =	simm.s32 $0x2000;
	_ =	swait.ge [sflag:s12], $0x800  }
.LBB2_4:
0x30: {  	s23 =	sshra.s32 s22, $0x2;
	[sflag:s12] =	ssyncset.done $0x0;
	p0 =	sne.s32 s22, $0x4E000  }
.Ltmp1:
0x31: {  	s23 =	sadd.s32 s23, s7;
	[sflag:s12] =	ssyncadd.s32 $0xFFFFF800;
	(pc) =	sbr.rel @p0 .LBB2_4-.Ltmp1, $3  }
0x32: {  	[spmem:s23] =	stream.linear.scatter [tilespmem:s17], [sflag:$0x3], $0x800, $0x38;
	[tilespmem:$0x1F000] =	vst v63  }
0x33: {  	s22 =	sadd.s32 $0x2000, s22;
	_ =	sdelay $0x1  }
0x34: {  	_ =	swait.ge [sflag:s12], $0x800  }
0x35: {  	[sflag:s12] =	ssyncset.done $0x0  }
0x36: {  	[sflag:s12] =	ssyncadd.s32 $0xFFFFF800  }
0x37: {  	[bflag:$0x0] =	sbarrier.arrive $0xFFFF  }
0x38: {  	_ =	swait.ge [sflag:s18], $0x4000  }
0x39: {  	[sflag:s18] =	ssyncset.done $0x0  }
0x3a: {  	s22 =	simm.s32 $0x1400;
	[sflag:s18] =	ssyncadd.s32 $0xFFFFC000  }
0x3b: {  	[spmem:s1] =	stream.indirect.scatter.add.f32 [tilespmem:s15], [sflag:$0x3], $0x80, s22, s14, $0xb8;
	[tilespmem:$0x1F000] =	vst v63  }
0x3c: {  	_ =	swait.ge [sflag:s12], $0x4000  }
0x3d: {  	[sflag:s12] =	ssyncset.done $0x0  }
0x3e: {  	s30 =	simm.s32 $0x100;
	[sflag:s12] =	ssyncadd.s32 $0xFFFFC000  }
0x3f: {  	[tilespmem:s15], [sflag:$0x1] =	stream.indirect.gather [hbm4b:s4+s14], $0x80, s30, s14, $0xb8;
	[tilespmem:$0x1F000] =	vst v63  }
0x40: {  	_ =	swait.ge [sflag:s19], $0x4000  }
0x41: {  	[sflag:s19] =	ssyncset.done $0x0  }
0x42: {  	s31 =	simm.s32 $0x1480;
	[sflag:s19] =	ssyncadd.s32 $0xFFFFC000  }
0x43: {  	[spmem:s1] =	stream.indirect.scatter.add.f32 [tilespmem:s16], [sflag:$0x3], $0x80, s31, s14, $0xb8;
	[tilespmem:$0x1F000] =	vst v63  }
0x44: {  	_ =	swait.ge [sflag:s12], $0x4000  }
0x45: {  	[sflag:s12] =	ssyncset.done $0x0  }
0x46: {  	s23 =	simm.s32 $0x180;
	s22 =	simm.s32 $0x400;
	[sflag:s12] =	ssyncadd.s32 $0xFFFFC000  }
.LBB2_6:
0x47: {  	[tilespmem:s16], [sflag:$0x2] =	stream.indirect.gather [hbm4b:s4+s14], $0x80, s23, s14, $0xb8;
	[tilespmem:$0x1F000] =	vst v63  }
0x48: {  	s23 =	smov.u32 s22  }
0x49: {  	p0 =	sne.s32 s22, $0x4800;
	s22 =	sadd.s32 $0x400, s22;
	_ =	swait.ge [sflag:s18], $0x4000  }
0x4a: {  	s23 =	sshra.s32 s23, $0x2;
	[sflag:s18] =	ssyncset.done $0x0  }
0x4b: {  	s24 =	sadd.s32 $0x1400, s23;
	[sflag:s18] =	ssyncadd.s32 $0xFFFFC000  }
0x4c: {  	[spmem:s1] =	stream.indirect.scatter.add.f32 [tilespmem:s15], [sflag:$0x3], $0x80, s24, s14, $0xb8;
	[tilespmem:$0x1F000] =	vst v63  }
0x4d: {  	_ =	swait.ge [sflag:s12], $0x4000  }
0x4e: {  	[sflag:s12] =	ssyncset.done $0x0  }
0x4f: {  	s24 =	sadd.s32 $0x100, s23;
	[sflag:s12] =	ssyncadd.s32 $0xFFFFC000  }
0x50: {  	[tilespmem:s15], [sflag:$0x1] =	stream.indirect.gather [hbm4b:s4+s14], $0x80, s24, s14, $0xb8;
	[tilespmem:$0x1F000] =	vst v63  }
0x51: {  	_ =	swait.ge [sflag:s19], $0x4000  }
0x52: {  	[sflag:s19] =	ssyncset.done $0x0  }
.Ltmp2:
0x53: {  	s24 =	sadd.s32 $0x1480, s23;
	[sflag:s19] =	ssyncadd.s32 $0xFFFFC000;
	(pc) =	sbr.rel @p0 .LBB2_6-.Ltmp2, $4  }
0x54: {  	[spmem:s1] =	stream.indirect.scatter.add.f32 [tilespmem:s16], [sflag:$0x3], $0x80, s24, s14, $0xb8;
	[tilespmem:$0x1F000] =	vst v63  }
0x55: {  	_ =	swait.ge [sflag:s12], $0x4000  }
0x56: {  	[sflag:s12] =	ssyncset.done $0x0  }
0x57: {  	s23 =	sadd.s32 $0x180, s23;
	[sflag:s12] =	ssyncadd.s32 $0xFFFFC000  }
0x58: {  	[tilespmem:s16], [sflag:$0x2] =	stream.indirect.gather [hbm4b:s4+s14], $0x80, s23, s14, $0xb8;
	[tilespmem:$0x1F000] =	vst v63  }
0x59: {  	_ =	swait.ge [sflag:s18], $0x4000  }
0x5a: {  	[sflag:s18] =	ssyncset.done $0x0  }
0x5b: {  	[sflag:s18] =	ssyncadd.s32 $0xFFFFC000  }
0x5c: {  	[spmem:s1] =	stream.indirect.scatter.add.f32 [tilespmem:s15], [sflag:$0x3], $0x80, s20, s14, $0xb8;
	[tilespmem:$0x1F000] =	vst v63  }
0x5d: {  	_ =	swait.ge [sflag:s12], $0x4000  }
0x5e: {  	[sflag:s12] =	ssyncset.done $0x0  }
0x5f: {  	[sflag:s12] =	ssyncadd.s32 $0xFFFFC000  }
0x60: {  	_ =	swait.ge [sflag:s19], $0x4000  }
0x61: {  	[sflag:s19] =	ssyncset.done $0x0  }
0x62: {  	[sflag:s19] =	ssyncadd.s32 $0xFFFFC000  }
0x63: {  	[spmem:s1] =	stream.indirect.scatter.add.f32 [tilespmem:s16], [sflag:$0x3], $0x80, s21, s14, $0xb8;
	[tilespmem:$0x1F000] =	vst v63  }
0x64: {  	_ =	swait.ge [sflag:s12], $0x4000  }
0x65: {  	[sflag:s12] =	ssyncset.done $0x0  }
0x66: {  	s22 =	simm.s32 $0x0;
	[sflag:s12] =	ssyncadd.s32 $0xFFFFC000  }
0x67: {  	[tilespmem:s22], [sflag:$0x3] =	stream.linear.gather [hbm4b:s8+s22], $0x1400, $0x38;
	[tilespmem:$0x1F000] =	vst v63  }
0x68: {  	_ =	swait.ge [sflag:s12], $0x1400  }
0x69: {  	[sflag:s12] =	ssyncset.done $0x0  }
0x6a: {  	[sflag:s12] =	ssyncadd.s32 $0xFFFFEC00  }
0x6b: {  	[tilespmem:s13], [sflag:$0x3] =	stream.linear.gather [hbm4b:s9+s22], $0x1400, $0x38;
	[tilespmem:$0x1F000] =	vst v63  }
0x6c: {  	_ =	swait.ge [sflag:s12], $0x1400  }
0x6d: {  	[sflag:s12] =	ssyncset.done $0x0  }
0x6e: {  	[sflag:s12] =	ssyncadd.s32 $0xFFFFEC00  }
0x6f: {  	[tilespmem:s15], [sflag:$0x1] =	stream.indirect.gather [hbm4b:s4+s14], $0x80, s22, s14, $0xb8;
	[tilespmem:$0x1F000] =	vst v63  }
0x70: {  	_ = 	snop  }
0x71: {  	[tilespmem:s16], [sflag:$0x2] =	stream.indirect.gather [hbm4b:s4+s14], $0x80, s14, s14, $0xb8;
	[tilespmem:$0x1F000] =	vst v63  }
0x72: {  	_ =	swait.ge [sflag:s18], $0x4000  }
0x73: {  	[sflag:s18] =	ssyncset.done $0x0  }
0x74: {  	s29 =	simm.s32 $0x1400;
	[sflag:s18] =	ssyncadd.s32 $0xFFFFC000  }
0x75: {  	[spmem:s1] =	stream.indirect.scatter.add.f32 [tilespmem:s15], [sflag:$0x3], $0x80, s29, s14, $0xb8;
	[tilespmem:$0x1F000] =	vst v63  }
0x76: {  	_ =	swait.ge [sflag:s12], $0x4000  }
0x77: {  	[sflag:s12] =	ssyncset.done $0x0  }
0x78: {  	s30 =	simm.s32 $0x100;
	[sflag:s12] =	ssyncadd.s32 $0xFFFFC000  }
0x79: {  	[tilespmem:s15], [sflag:$0x1] =	stream.indirect.gather [hbm4b:s4+s14], $0x80, s30, s14, $0xb8;
	[tilespmem:$0x1F000] =	vst v63  }
0x7a: {  	_ =	swait.ge [sflag:s19], $0x4000  }
0x7b: {  	[sflag:s19] =	ssyncset.done $0x0  }
0x7c: {  	s31 =	simm.s32 $0x1480;
	[sflag:s19] =	ssyncadd.s32 $0xFFFFC000  }
0x7d: {  	[spmem:s1] =	stream.indirect.scatter.add.f32 [tilespmem:s16], [sflag:$0x3], $0x80, s31, s14, $0xb8;
	[tilespmem:$0x1F000] =	vst v63  }
0x7e: {  	_ =	swait.ge [sflag:s12], $0x4000  }
0x7f: {  	[sflag:s12] =	ssyncset.done $0x0  }
0x80: {  	s23 =	simm.s32 $0x180;
	s22 =	simm.s32 $0x400;
	[sflag:s12] =	ssyncadd.s32 $0xFFFFC000  }
.LBB2_8:
0x81: {  	[tilespmem:s16], [sflag:$0x2] =	stream.indirect.gather [hbm4b:s4+s14], $0x80, s23, s14, $0xb8;
	[tilespmem:$0x1F000] =	vst v63  }
0x82: {  	s23 =	smov.u32 s22  }
0x83: {  	p0 =	sne.s32 s22, $0x4800;
	s22 =	sadd.s32 $0x400, s22;
	_ =	swait.ge [sflag:s18], $0x4000  }
0x84: {  	s23 =	sshra.s32 s23, $0x2;
	[sflag:s18] =	ssyncset.done $0x0  }
0x85: {  	s24 =	sadd.s32 $0x1400, s23;
	[sflag:s18] =	ssyncadd.s32 $0xFFFFC000  }
0x86: {  	[spmem:s1] =	stream.indirect.scatter.add.f32 [tilespmem:s15], [sflag:$0x3], $0x80, s24, s14, $0xb8;
	[tilespmem:$0x1F000] =	vst v63  }
0x87: {  	_ =	swait.ge [sflag:s12], $0x4000  }
0x88: {  	[sflag:s12] =	ssyncset.done $0x0  }
0x89: {  	s24 =	sadd.s32 $0x100, s23;
	[sflag:s12] =	ssyncadd.s32 $0xFFFFC000  }
0x8a: {  	[tilespmem:s15], [sflag:$0x1] =	stream.indirect.gather [hbm4b:s4+s14], $0x80, s24, s14, $0xb8;
	[tilespmem:$0x1F000] =	vst v63  }
0x8b: {  	_ =	swait.ge [sflag:s19], $0x4000  }
0x8c: {  	[sflag:s19] =	ssyncset.done $0x0  }
.Ltmp3:
0x8d: {  	s24 =	sadd.s32 $0x1480, s23;
	[sflag:s19] =	ssyncadd.s32 $0xFFFFC000;
	(pc) =	sbr.rel @p0 .LBB2_8-.Ltmp3, $4  }
0x8e: {  	[spmem:s1] =	stream.indirect.scatter.add.f32 [tilespmem:s16], [sflag:$0x3], $0x80, s24, s14, $0xb8;
	[tilespmem:$0x1F000] =	vst v63  }
0x8f: {  	_ =	swait.ge [sflag:s12], $0x4000  }
0x90: {  	[sflag:s12] =	ssyncset.done $0x0  }
0x91: {  	s23 =	sadd.s32 $0x180, s23;
	[sflag:s12] =	ssyncadd.s32 $0xFFFFC000  }
0x92: {  	[tilespmem:s16], [sflag:$0x2] =	stream.indirect.gather [hbm4b:s4+s14], $0x80, s23, s14, $0xb8;
	[tilespmem:$0x1F000] =	vst v63  }
0x93: {  	_ =	swait.ge [sflag:s18], $0x4000  }
0x94: {  	[sflag:s18] =	ssyncset.done $0x0  }
0x95: {  	[sflag:s18] =	ssyncadd.s32 $0xFFFFC000  }
0x96: {  	[spmem:s1] =	stream.indirect.scatter.add.f32 [tilespmem:s15], [sflag:$0x3], $0x80, s20, s14, $0xb8;
	[tilespmem:$0x1F000] =	vst v63  }
0x97: {  	_ =	swait.ge [sflag:s12], $0x4000  }
0x98: {  	[sflag:s12] =	ssyncset.done $0x0  }
0x99: {  	[sflag:s12] =	ssyncadd.s32 $0xFFFFC000  }
0x9a: {  	_ =	swait.ge [sflag:s19], $0x4000  }
0x9b: {  	[sflag:s19] =	ssyncset.done $0x0  }
0x9c: {  	[sflag:s19] =	ssyncadd.s32 $0xFFFFC000  }
0x9d: {  	[spmem:s1] =	stream.indirect.scatter.add.f32 [tilespmem:s16], [sflag:$0x3], $0x80, s21, s14, $0xb8;
	[tilespmem:$0x1F000] =	vst v63  }
0x9e: {  	_ =	swait.ge [sflag:s12], $0x4000  }
0x9f: {  	s22 =	sshll.u32 s2, $0x6;
	s3 =	sadd.s32 $0x1, s3;
	[sflag:s12] =	ssyncset.done $0x0  }
0xa0: {  	s31 =	sshrl.u32 s7, $0x3;
	p0 =	sne.s32 s3, s11;
	[sflag:s12] =	ssyncadd.s32 $0xFFFFC000  }
.Ltmp4:
0xa1: {  	s22 =	sor.u32 $0x1C03, s22;
	[bflag:$0x0] =	sbarrier.arrive $0xFFFF;
	(pc) =	sbr.rel @p0 .LBB2_1-.Ltmp4, $4  }
0xa2: {  	[hbm:s10], [sflag:s22] =	dma.local [spmem:s31], $0x2800  }
0xa3: {  	_ =	swait.ge [sflag:s12], $0x2800  }
0xa4: {  	[sflag:s12] =	ssyncset.done $0x0  }
0xa5: {  	[sflag:s12] =	ssyncadd.s32 $0xFFFFD800  }
0xa6: {  	_ =	sfence.sel $0x180000  }
0xa7: {  	[bflag:$0x0] =	sbarrier.arrive $0xFFFF  }
0xa8: {  	p0 =	sne.s32 s2, $0x0;
	_ =	strace $0x9000004D  }
0xa9: {  	s0 =	sadd.s32 @!p0 $0x100000, s0;
	[bflag:$0x2] =	sbarrier.arrive $0xFFFF  }
0xaa: {  	[sflag:s0] =	ssyncadd.tile.s32 @!p0 $0x1;
	_ =	shalt  }
.Lfunc_end2:
_tile_overlayer_lowered:
.L_overlay_start_2:
0xab: {  	(tag) =	ssettag $0x2  }
0xac: {  	s0 =	rddreg [dreg:$0x0];
	s2 =	stileid.u32  }
0xad: {  	s1 =	rddreg [dreg:$0x1];
	p0 =	sne.s32 s2, $0x0  }
0xae: {  	s3 =	rddreg [dreg:$0x2];
	[bflag:$0x3] =	sbarrier.arrive $0xFFFF;
	s2 =	simm.s32 @!p0 $0x1C03  }
0xaf: {  	[timem:s3], [sflag:s2] =	dma.local @!p0 [hbm:s0], s1  }
0xb0: {  	s0 =	simm.s32 @!p0 $0x3  }
0xb1: {  	_ =	swait.ge @!p0 [sflag:s0], s1  }
0xb2: {  	s1 =	ssub.s32 @!p0 $0x0, s1;
	[sflag:s0] =	ssyncset.done @!p0 $0x0  }
0xb3: {  	[sflag:s0] =	ssyncadd.s32 @!p0 s1  }
0xb4: {  	[bflag:$0x3] =	sbarrier.arrive $0xFFFF  }
0xb5: {  	_ =	shalt  }

// kernel: kernel.21.cloned.1.call-start
scs
__scs_entry_jumppad:
0x0: {  	(pc) =	sbr.rel $0x88, $3  }
0x1: {  	(tag) =	ssettag $0x0;
	lr =	simm.s32 $0x1  }
0x2: {  	[smem:$0x3F92] =	sst lr;
	_ =	strace $0xD0000000  }
0x3: {  	_ = 	snop  }
0x4: {  	_ = 	snop  }
0x5: {  	_ = 	snop  }
0x6: {  	_ = 	snop  }
0x7: {  	_ = 	snop  }
__scs_overlays_trampoline_lowered:
0x8: {  	[smem:$0x3FA1] =	sst s0  }
0x9: {  	[smem:$0x3FA2] =	sst s1  }
0xa: {  	[smem:$0x3FA3] =	sst s2  }
0xb: {  	[smem:$0x3FA4] =	sst s3  }
0xc: {  	[smem:$0x3FA5] =	sst s4  }
0xd: {  	[smem:$0x3FA6] =	sst s5  }
0xe: {  	[smem:$0x3FA7] =	sst s6  }
0xf: {  	[smem:$0x3FA8] =	sst s7  }
0x10: {  	[smem:$0x3FA9] =	sst s8  }
0x11: {  	[smem:$0x3FAA] =	sst s9;
	s0 =	simm.s32 @!p0 $0x0  }
0x12: {  	s1 =	sld [smem:$0x3F90];
	s0 =	simm.s32 @p0 $0x1  }
0x13: {  	[smem:$0x3FAB] =	sst s0;
	s0 =	simm.s32 @!p1 $0x0  }
0x14: {  	s2 =	sld [smem:$0x3F8F];
	s0 =	simm.s32 @p1 $0x1  }
0x15: {  	[smem:$0x3FAC] =	sst s0;
	s0 =	simm.s32 @!p2 $0x0  }
0x16: {  	s3 =	sld [smem:$0x3FDB];
	s0 =	simm.s32 @p2 $0x1  }
0x17: {  	s4 =	simm.s32 $0x1BF5;
	[smem:$0x3FAE] =	sst s0  }
0x18: {  	s0 =	sld [smem:$0x3F91];
	_ =	swait.ge [sflag:s4], $0x0  }
0x19: {  	s7 =	sld [smem:$0x3F92]  }
0x1a: {  	s8 =	sadd.s32 $0xFFFFE003, lr  }
0x1b: {  	s9 =	sadd.s32 $0xFFFFFEF7, lr;
	s5 =	simm.s32 $0xFFFFFFFF;
	p2 =	slt.u32 s8, $0xFFFFF086  }
0x1c: {  	p1 =	slt.u32 s9, $0xF7A;
	s5 =	simm.s32 @!p2 $0x0  }
0x1d: {  	s5 =	simm.s32 @p1 $0x1;
	p0 =	seq.s32 s7, s2  }
0x1e: {  	s7 =	smul.u32 @!p0 $0xF7A, s2;
	p2 =	seq.s32 @!p0 s5, $0x0  }
0x1f: {  	s9 =	smul.u32 $0xF7A, s1;
	s8 =	simm.s32 @!p0 $0x1BF5;
	p2 =	por !p2, p0  }
0x20: {  	[sflag:s8] =	ssyncset.s32 @!p0 $0xFFFFF086;
	s6 =	sadd.s32 @!p0 s3, s7;
	s7 =	simm.s32 @!p0 $0x108  }
0x21: {  	s3 =	sadd.s32 s3, s9;
	s6 =	sadd.s32 @!p0 $0x88, s6;
	s7 =	simm.s32 @p2 $0x1082  }
0x22: {  	[simem:s7], [sflag:s8] =	dma.local @!p0 [hbm:s6], $0xF7A  }
0x23: {  	s9 =	sor.u32 $0xD0000000, s2;
	s6 =	simm.s32 $0x108;
	_ =	swait.ge @!p0 [sflag:s8], $0x0  }
0x24: {  	s3 =	sadd.s32 $0x88, s3;
	s6 =	simm.s32 @!p1 $0x1082;
	[sflag:s4] =	ssyncset.s32 $0xFFFFF086  }
0x25: {  	[simem:s6], [sflag:s4] =	dma.local [hbm:s3], $0xF7A  }
0x26: {  	[smem:$0x3F92] =	sst s1;
	(tag) =	ssettag s2;
	_ =	strace s9  }
0x27: {  	s1 =	sld [smem:$0x3FA2]  }
0x28: {  	s2 =	sld [smem:$0x3FA3]  }
0x29: {  	s4 =	sld [smem:$0x3FA5]  }
0x2a: {  	p0 =	seq.s32 s5, $0x0;
	s5 =	sld [smem:$0x3FA6]  }
0x2b: {  	s6 =	sld [smem:$0x3FA7]  }
0x2c: {  	s7 =	sld [smem:$0x3FA8]  }
0x2d: {  	s3 =	simm.s32 $0x108;
	s8 =	sld [smem:$0x3FA9]  }
0x2e: {  	s3 =	simm.s32 @!p0 $0x1082;
	s9 =	sld [smem:$0x3FAA]  }
0x2f: {  	lr =	sadd.s32 s0, s3;
	s0 =	sld [smem:$0x3FA1]  }
0x30: {  	s3 =	sld [smem:$0x3FA4]  }
0x31: {  	[smem:$0x3FAD] =	sst s10  }
0x32: {  	s10 =	sld [smem:$0x3FAB];
	_ =	sdelay $0x3  }
0x33: {  	p0 =	seq.s32 s10, $0x1;
	s10 =	sld [smem:$0x3FAD];
	_ =	sdelay $0x3  }
0x34: {  	[smem:$0x3FAD] =	sst s10  }
0x35: {  	s10 =	sld [smem:$0x3FAC];
	_ =	sdelay $0x3  }
0x36: {  	p1 =	seq.s32 s10, $0x1;
	s10 =	sld [smem:$0x3FAD];
	_ =	sdelay $0x3  }
0x37: {  	[smem:$0x3FAD] =	sst s10  }
0x38: {  	s10 =	sld [smem:$0x3FAE]  }
0x39: {  	_ = 	snop;
	(pc) =	sbr.ind lr, $3  }
0x3a: {  	_ = 	snop  }
0x3b: {  	_ = 	snop  }
0x3c: {  	p2 =	seq.s32 s10, $0x1;
	s10 =	sld [smem:$0x3FAD]  }
0x3d: {  	_ =	shalt  }
0x3e: {  	_ =	shalt  }
0x3f: {  	_ =	shalt  }
0x40: {  	_ =	shalt  }
0x41: {  	_ =	shalt  }
0x42: {  	_ =	shalt  }
0x43: {  	_ =	shalt  }
0x44: {  	_ =	shalt  }
0x45: {  	_ =	shalt  }
0x46: {  	_ =	shalt  }
0x47: {  	_ =	shalt  }
0x48: {  	_ =	shalt  }
0x49: {  	_ =	shalt  }
0x4a: {  	_ =	shalt  }
0x4b: {  	_ =	shalt  }
0x4c: {  	_ =	shalt  }
0x4d: {  	_ =	shalt  }
0x4e: {  	_ =	shalt  }
0x4f: {  	_ =	shalt  }
0x50: {  	_ =	shalt  }
0x51: {  	_ =	shalt  }
0x52: {  	_ =	shalt  }
0x53: {  	_ =	shalt  }
0x54: {  	_ =	shalt  }
0x55: {  	_ =	shalt  }
0x56: {  	_ =	shalt  }
0x57: {  	_ =	shalt  }
0x58: {  	_ =	shalt  }
0x59: {  	_ =	shalt  }
0x5a: {  	_ =	shalt  }
0x5b: {  	_ =	shalt  }
0x5c: {  	_ =	shalt  }
0x5d: {  	_ =	shalt  }
0x5e: {  	_ =	shalt  }
0x5f: {  	_ =	shalt  }
0x60: {  	_ =	shalt  }
0x61: {  	_ =	shalt  }
0x62: {  	_ =	shalt  }
0x63: {  	_ =	shalt  }
0x64: {  	_ =	shalt  }
0x65: {  	_ =	shalt  }
0x66: {  	_ =	shalt  }
0x67: {  	_ =	shalt  }
0x68: {  	_ =	shalt  }
0x69: {  	_ =	shalt  }
0x6a: {  	_ =	shalt  }
0x6b: {  	_ =	shalt  }
0x6c: {  	_ =	shalt  }
0x6d: {  	_ =	shalt  }
0x6e: {  	_ =	shalt  }
0x6f: {  	_ =	shalt  }
0x70: {  	_ =	shalt  }
0x71: {  	_ =	shalt  }
0x72: {  	_ =	shalt  }
0x73: {  	_ =	shalt  }
0x74: {  	_ =	shalt  }
0x75: {  	_ =	shalt  }
0x76: {  	_ =	shalt  }
0x77: {  	_ =	shalt  }
0x78: {  	_ =	shalt  }
0x79: {  	_ =	shalt  }
0x7a: {  	_ =	shalt  }
0x7b: {  	_ =	shalt  }
0x7c: {  	_ =	shalt  }
0x7d: {  	_ =	shalt  }
0x7e: {  	_ =	shalt  }
0x7f: {  	_ =	shalt  }
0x80: {  	_ =	shalt  }
0x81: {  	_ =	shalt  }
0x82: {  	_ =	shalt  }
0x83: {  	_ =	shalt  }
0x84: {  	_ =	shalt  }
0x85: {  	_ =	shalt  }
0x86: {  	_ =	shalt  }
0x87: {  	_ =	shalt  }
.Lfunc_end0:
.L_simem_size_0:
called_computation.3_lowered:
.L_overlay_start_0:
0x88: {  	s2 =	sld [smem:$0x3FD9]  }
0x89: {  	s3 =	sld [smem:$0x3FFE];
	_ =	sdelay $0x1  }
0x8a: {  	s1 =	srdreg.scid  }
0x8b: {  	s0 =	sand.u32 $0x1, s1  }
0x8c: {  	s16 =	sshll.u32 s0, $0xA;
	s2 =	sadd.s32 s3, s2  }
0x8d: {  	s2 =	sadd.s32 s2, s16  }
0x8e: {  	[smem:$0x3FB9] =	sst s2  }
0x8f: {  	_ = 	snop  }
0x90: {  	(tm) =	ssettm $0x1  }
0x91: {  	s17 =	sld [smem:$0x3FFB];
	_ =	sdelay $0x3  }
0x92: {  	_ =	strace s17  }
0x93: {  	s2 =	sld [smem:$0x3FFC];
	_ =	sdelay $0x3  }
0x94: {  	_ =	strace s2  }
0x95: {  	s2 =	sld [smem:$0x3FFD];
	_ =	sdelay $0x3  }
0x96: {  	_ =	strace s2  }
0x97: {  	_ =	strace $0x8FFFFFFF  }
0x98: {  	s18 =	sld [smem:$0x3FDB];
	_ =	sdelay $0x1  }
0x99: {  	s19 =	simm.s32 $_scs_section_size  }
0x9a: {  	s4 =	simm.s32 $_size__tile_overlayer_lowered;
	s5 =	simm.s32 $_tile_overlayer_lowered  }
0x9b: {  	s22 =	simm.s32 $0x1BFF;
	s21 =	sshll.u32 s5, $0x1;
	s2 =	sadd.s32 s19, s18  }
0x9c: {  	s6 =	simm.s32 $0x0;
	s20 =	sshll.u32 s4, $0x1;
	s4 =	sadd.s32 s21, s2  }
0x9d: {  	[timem:s6], [sflag:s22] =	dma.local [hbm:s4], s20  }
0x9e: {  	_ =	swait.ge [sflag:s22], s20  }
0x9f: {  	s3 =	ssub.s32 $0x0, s20;
	[sflag:s22] =	ssyncset.done $0x0  }
0xa0: {  	[sflag:s22] =	ssyncadd.s32 s3;
	_ =	sdelay $0x1  }
0xa1: {  	s23 =	simm.s32 $0x1B8B  }
0xa2: {  	_ =	swait.ge [sflag:s23], $0x1  }
0xa3: {  	[sflag:s23] =	ssyncset.done $0x0  }
0xa4: {  	s25 =	simm.s32 $0x1B8E;
	s24 =	sld [smem:$0x3FFE];
	[sflag:s23] =	ssyncadd.s32 $0xFFFFFFFF  }
0xa5: {  	s26 =	simm.s32 $execute0_lowered;
	[smem:$0x3FD2] =	sst s25  }
0xa6: {  	s4 =	sshll.u32 s26, $0x1;
	_ =	strace $0x8000004F;
	[dreg:$0x1] =	wrdreg $0xFFFFFFFF  }
0xa7: {  	s28 =	simm.s32 $_size_execute0_lowered;
	s2 =	sadd.s32 s2, s4;
	[dreg:$0x0] =	wrdreg $0x0  }
0xa8: {  	s4 =	sshll.u32 s28, $0x1;
	[dreg:$0x2] =	wrdreg s2  }
0xa9: {  	[dreg:$0x3] =	wrdreg s4  }
0xaa: {  	[dreg:$0x4] =	wrdreg $0xC0  }
0xab: {  	_ =	task [dreg:s6], $0x5FFFF  }
0xac: {  	[dreg:$0x1] =	wrdreg $0xFFFFFFFF  }
0xad: {  	[dreg:$0x0] =	wrdreg $0x60  }
0xae: {  	[dreg:$0x2] =	wrdreg s24  }
0xaf: {  	[dreg:$0x3] =	wrdreg $0xB0000  }
0xb0: {  	[dreg:$0x4] =	wrdreg $0x9  }
0xb1: {  	_ =	task.clear_ibuf [dreg:s6], $0x5FFFF;
	_ =	strace $0x9000004F  }
0xb2: {  	s29 =	simm.s32 $0x9;
	_ =	strace $0x80000051  }
0xb3: {  	_ =	swait.ge [sflag:s29], $0x1  }
0xb4: {  	[sflag:s29] =	ssyncadd.s32 $0xFFFFFFFF  }
0xb5: {  	_ =	strace $0x90000051  }
0xb6: {  	_ =	sfence  }
0xb7: {  	s30 =	sld [smem:$0x0];
	_ =	sdelay $0x2  }
0xb8: {  	s31 =	sshll.u32 s1, $0xD;
	s1 =	sshrl.u32 s1, $0x2  }
0xb9: {  	s3 =	sand.u32 $0x4000, s31;
	s1 =	sadd.s32 s1, s30  }
0xba: {  	s0 =	sor.u32 s3, s0;
	s1 =	sshll.u32 s1, $0x11  }
0xbb: {  	s0 =	sor.u32 s1, s0  }
0xbc: {  	s0 =	sadd.s32 $0x8F2B, s0  }
0xbd: {  	[sflag:s0] =	ssyncadd.remote.s32 $0x1  }
0xbe: {  	_ =	sfence.sel $0xFFFF  }
0xbf: {  	[dreg:$0x0] =	wrdreg $0xFFFFFFFF;
	(pc) =	sbr.abs _section_cstart, $3  }
0xc0: {  	[dreg:$0x1] =	wrdreg $0xFFFFFFFF  }
0xc1: {  	_ =	task.clear_ibuf [dreg:s6], $0x2FFFF;
	_ =	strace $0x9FFFFFFF  }
0xc2: {  	(tm) =	ssettm $0x7FFFFFFF  }
0xc3: {  	_ =	shalt  }
tec
execute0_lowered:
.L_overlay_start_1:
0x0: {  	(tag) =	ssettag $0x1  }
0x1: {  	s5 =	rddreg [dreg:$0x0]  }
0x2: {  	s1 =	rddreg [dreg:$0x1]  }
0x3: {  	s2 =	srdreg.scid;
	s0 =	rddreg [dreg:$0x2];
	s3 =	simm.s32 $0x0  }
0x4: {  	s14 =	simm.s32 $0x80;
	s15 =	simm.s32 $0x2800;
	s16 =	simm.s32 $0x6800  }
0x5: {  	s17 =	simm.s32 $0xA800;
	s18 =	simm.s32 $0x1;
	s19 =	simm.s32 $0x2  }
0x6: {  	s20 =	simm.s32 $0x2700;
	s21 =	simm.s32 $0x2780;
	s6 =	sand.u32 $0x1, s2  }
0x7: {  	s2 =	stileid.u32;
	[smem:$0x7FF] =	sst s3;
	s4 =	sadd.s32 $0x92C00, s5  }
0x8: {  	s10 =	sadd.s32 $0x4200, s5;
	s29 =	sadd.s32 $0xE200, s5;
	s7 =	smul.u32 $0x140000, s6  }
0x9: {  	s8 =	smul.u32 $0x14000, s2;
	s9 =	sshll.u32 s2, $0x1;
	_ =	strace $0x80000050  }
0xa: {  	s12 =	smul.u32 $0x50000, s2;
	s9 =	sor.u32 s6, s9;
	s6 =	ssub.s32 $0x2, s6  }
0xb: {  	s7 =	sadd.s32 s8, s7;
	s28 =	smul.u32 $0x2800, s9;
	s11 =	sshrl.u32 s6, $0x1  }
0xc: {  	s30 =	sshrl.u32 s12, $0x2;
	s12 =	simm.s32 $0x3;
	s7 =	sshrl.u32 s7, $0x3  }
0xd: {  	s11 =	ssub.s32 s6, s11;
	s8 =	sshrl.u32 s28, $0x3;
	s13 =	sadd.s32 s7, s5  }
0xe: {  	s7 =	sadd.s32 s30, s1;
	s11 =	smax.u32 s11, $0x1;
	s31 =	sadd.s32 $0x280, s8  }
0xf: {  	s5 =	sadd.s32 s10, s8;
	s6 =	sadd.s32 s29, s8;
	s8 =	sadd.s32 s10, s31  }
0x10: {  	v0 =	vimm.f32 $0.0e+00;
	s9 =	sadd.s32 s29, s31;
	s10 =	sadd.s32 $0x42C00, s13;
	s13 =	simm.s32 $0x1400  }
.LBB2_1:
0x11: {  	s22 =	simm.s32 $0x0;
	s23 =	simm.s32 $0x200  }
.LBB2_2:
0x12: {  	p0 =	sne.s32 s23, $0x1E00;
	[tilespmem:s22+$0xA870] =	vst v0  }
0x13: {  	[tilespmem:s22+$0xA800] =	vst v0  }
0x14: {  	[tilespmem:s22+$0xA810] =	vst v0  }
.Ltmp0:
0x15: {  	[tilespmem:s22+$0xA820] =	vst v0;
	(pc) =	sbr.rel @p0 .LBB2_2-.Ltmp0, $4  }
0x16: {  	[tilespmem:s22+$0xA830] =	vst v0  }
0x17: {  	[tilespmem:s22+$0xA840] =	vst v0  }
0x18: {  	[tilespmem:s22+$0xA850] =	vst v0  }
0x19: {  	[tilespmem:s22+$0xA860] =	vst v0;
	s22 =	sshra.s32 s23, $0x2;
	s23 =	sadd.s32 $0x200, s23  }
0x1a: {  	[tilespmem:s22+$0xA870] =	vst v0  }
0x1b: {  	[tilespmem:s22+$0xA800] =	vst v0  }
0x1c: {  	[tilespmem:s22+$0xA810] =	vst v0  }
0x1d: {  	[tilespmem:s22+$0xA820] =	vst v0  }
0x1e: {  	[tilespmem:s22+$0xA830] =	vst v0  }
0x1f: {  	[tilespmem:s22+$0xA840] =	vst v0  }
0x20: {  	[tilespmem:s22+$0xA850] =	vst v0  }
0x21: {  	[tilespmem:s22+$0xA860] =	vst v0;
	s30 =	simm.s32 $0x0  }
0x22: {  	[tilespmem:s30], [sflag:$0x3] =	stream.linear.gather [hbm4b:s5+s30], $0x1400, $0x38;
	[tilespmem:$0x1F000] =	vst v63  }
0x23: {  	_ =	swait.ge [sflag:s12], $0x1400  }
0x24: {  	[sflag:s12] =	ssyncset.done $0x0  }
0x25: {  	[sflag:s12] =	ssyncadd.s32 $0xFFFFEC00  }
0x26: {  	[tilespmem:s13], [sflag:$0x3] =	stream.linear.gather [hbm4b:s6+s30], $0x1400, $0x38;
	[tilespmem:$0x1F000] =	vst v63  }
0x27: {  	_ =	swait.ge [sflag:s12], $0x1400  }
0x28: {  	[sflag:s12] =	ssyncset.done $0x0  }
0x29: {  	[sflag:s12] =	ssyncadd.s32 $0xFFFFEC00  }
0x2a: {  	[tilespmem:s15], [sflag:$0x1] =	stream.indirect.gather [hbm4b:s4+s14], $0x80, s30, s14, $0xb8;
	[tilespmem:$0x1F000] =	vst v63  }
0x2b: {  	_ = 	snop  }
0x2c: {  	[tilespmem:s16], [sflag:$0x2] =	stream.indirect.gather [hbm4b:s4+s14], $0x80, s14, s14, $0xb8;
	[tilespmem:$0x1F000] =	vst v63  }
0x2d: {  	s31 =	sadd.s32 $0x0, s7  }
0x2e: {  	[spmem:s31] =	stream.linear.scatter [tilespmem:s17], [sflag:$0x3], $0x800, $0x38;
	[tilespmem:$0x1F000] =	vst v63  }
0x2f: {  	s22 =	simm.s32 $0x2000;
	_ =	swait.ge [sflag:s12], $0x800  }
.LBB2_4:
0x30: {  	s23 =	sshra.s32 s22, $0x2;
	[sflag:s12] =	ssyncset.done $0x0;
	p0 =	sne.s32 s22, $0x4E000  }
.Ltmp1:
0x31: {  	s23 =	sadd.s32 s23, s7;
	[sflag:s12] =	ssyncadd.s32 $0xFFFFF800;
	(pc) =	sbr.rel @p0 .LBB2_4-.Ltmp1, $3  }
0x32: {  	[spmem:s23] =	stream.linear.scatter [tilespmem:s17], [sflag:$0x3], $0x800, $0x38;
	[tilespmem:$0x1F000] =	vst v63  }
0x33: {  	s22 =	sadd.s32 $0x2000, s22;
	_ =	sdelay $0x1  }
0x34: {  	_ =	swait.ge [sflag:s12], $0x800  }
0x35: {  	[sflag:s12] =	ssyncset.done $0x0  }
0x36: {  	[sflag:s12] =	ssyncadd.s32 $0xFFFFF800  }
0x37: {  	[bflag:$0x0] =	sbarrier.arrive $0xFFFF  }
0x38: {  	_ =	swait.ge [sflag:s18], $0x4000  }
0x39: {  	[sflag:s18] =	ssyncset.done $0x0  }
0x3a: {  	s22 =	simm.s32 $0x1400;
	[sflag:s18] =	ssyncadd.s32 $0xFFFFC000  }
0x3b: {  	[spmem:s1] =	stream.indirect.scatter.add.f32 [tilespmem:s15], [sflag:$0x3], $0x80, s22, s14, $0xb8;
	[tilespmem:$0x1F000] =	vst v63  }
0x3c: {  	_ =	swait.ge [sflag:s12], $0x4000  }
0x3d: {  	[sflag:s12] =	ssyncset.done $0x0  }
0x3e: {  	s30 =	simm.s32 $0x100;
	[sflag:s12] =	ssyncadd.s32 $0xFFFFC000  }
0x3f: {  	[tilespmem:s15], [sflag:$0x1] =	stream.indirect.gather [hbm4b:s4+s14], $0x80, s30, s14, $0xb8;
	[tilespmem:$0x1F000] =	vst v63  }
0x40: {  	_ =	swait.ge [sflag:s19], $0x4000  }
0x41: {  	[sflag:s19] =	ssyncset.done $0x0  }
0x42: {  	s31 =	simm.s32 $0x1480;
	[sflag:s19] =	ssyncadd.s32 $0xFFFFC000  }
0x43: {  	[spmem:s1] =	stream.indirect.scatter.add.f32 [tilespmem:s16], [sflag:$0x3], $0x80, s31, s14, $0xb8;
	[tilespmem:$0x1F000] =	vst v63  }
0x44: {  	_ =	swait.ge [sflag:s12], $0x4000  }
0x45: {  	[sflag:s12] =	ssyncset.done $0x0  }
0x46: {  	s23 =	simm.s32 $0x180;
	s22 =	simm.s32 $0x400;
	[sflag:s12] =	ssyncadd.s32 $0xFFFFC000  }
.LBB2_6:
0x47: {  	[tilespmem:s16], [sflag:$0x2] =	stream.indirect.gather [hbm4b:s4+s14], $0x80, s23, s14, $0xb8;
	[tilespmem:$0x1F000] =	vst v63  }
0x48: {  	s23 =	smov.u32 s22  }
0x49: {  	p0 =	sne.s32 s22, $0x4800;
	s22 =	sadd.s32 $0x400, s22;
	_ =	swait.ge [sflag:s18], $0x4000  }
0x4a: {  	s23 =	sshra.s32 s23, $0x2;
	[sflag:s18] =	ssyncset.done $0x0  }
0x4b: {  	s24 =	sadd.s32 $0x1400, s23;
	[sflag:s18] =	ssyncadd.s32 $0xFFFFC000  }
0x4c: {  	[spmem:s1] =	stream.indirect.scatter.add.f32 [tilespmem:s15], [sflag:$0x3], $0x80, s24, s14, $0xb8;
	[tilespmem:$0x1F000] =	vst v63  }
0x4d: {  	_ =	swait.ge [sflag:s12], $0x4000  }
0x4e: {  	[sflag:s12] =	ssyncset.done $0x0  }
0x4f: {  	s24 =	sadd.s32 $0x100, s23;
	[sflag:s12] =	ssyncadd.s32 $0xFFFFC000  }
0x50: {  	[tilespmem:s15], [sflag:$0x1] =	stream.indirect.gather [hbm4b:s4+s14], $0x80, s24, s14, $0xb8;
	[tilespmem:$0x1F000] =	vst v63  }
0x51: {  	_ =	swait.ge [sflag:s19], $0x4000  }
0x52: {  	[sflag:s19] =	ssyncset.done $0x0  }
.Ltmp2:
0x53: {  	s24 =	sadd.s32 $0x1480, s23;
	[sflag:s19] =	ssyncadd.s32 $0xFFFFC000;
	(pc) =	sbr.rel @p0 .LBB2_6-.Ltmp2, $4  }
0x54: {  	[spmem:s1] =	stream.indirect.scatter.add.f32 [tilespmem:s16], [sflag:$0x3], $0x80, s24, s14, $0xb8;
	[tilespmem:$0x1F000] =	vst v63  }
0x55: {  	_ =	swait.ge [sflag:s12], $0x4000  }
0x56: {  	[sflag:s12] =	ssyncset.done $0x0  }
0x57: {  	s23 =	sadd.s32 $0x180, s23;
	[sflag:s12] =	ssyncadd.s32 $0xFFFFC000  }
0x58: {  	[tilespmem:s16], [sflag:$0x2] =	stream.indirect.gather [hbm4b:s4+s14], $0x80, s23, s14, $0xb8;
	[tilespmem:$0x1F000] =	vst v63  }
0x59: {  	_ =	swait.ge [sflag:s18], $0x4000  }
0x5a: {  	[sflag:s18] =	ssyncset.done $0x0  }
0x5b: {  	[sflag:s18] =	ssyncadd.s32 $0xFFFFC000  }
0x5c: {  	[spmem:s1] =	stream.indirect.scatter.add.f32 [tilespmem:s15], [sflag:$0x3], $0x80, s20, s14, $0xb8;
	[tilespmem:$0x1F000] =	vst v63  }
0x5d: {  	_ =	swait.ge [sflag:s12], $0x4000  }
0x5e: {  	[sflag:s12] =	ssyncset.done $0x0  }
0x5f: {  	[sflag:s12] =	ssyncadd.s32 $0xFFFFC000  }
0x60: {  	_ =	swait.ge [sflag:s19], $0x4000  }
0x61: {  	[sflag:s19] =	ssyncset.done $0x0  }
0x62: {  	[sflag:s19] =	ssyncadd.s32 $0xFFFFC000  }
0x63: {  	[spmem:s1] =	stream.indirect.scatter.add.f32 [tilespmem:s16], [sflag:$0x3], $0x80, s21, s14, $0xb8;
	[tilespmem:$0x1F000] =	vst v63  }
0x64: {  	_ =	swait.ge [sflag:s12], $0x4000  }
0x65: {  	[sflag:s12] =	ssyncset.done $0x0  }
0x66: {  	s22 =	simm.s32 $0x0;
	[sflag:s12] =	ssyncadd.s32 $0xFFFFC000  }
0x67: {  	[tilespmem:s22], [sflag:$0x3] =	stream.linear.gather [hbm4b:s8+s22], $0x1400, $0x38;
	[tilespmem:$0x1F000] =	vst v63  }
0x68: {  	_ =	swait.ge [sflag:s12], $0x1400  }
0x69: {  	[sflag:s12] =	ssyncset.done $0x0  }
0x6a: {  	[sflag:s12] =	ssyncadd.s32 $0xFFFFEC00  }
0x6b: {  	[tilespmem:s13], [sflag:$0x3] =	stream.linear.gather [hbm4b:s9+s22], $0x1400, $0x38;
	[tilespmem:$0x1F000] =	vst v63  }
0x6c: {  	_ =	swait.ge [sflag:s12], $0x1400  }
0x6d: {  	[sflag:s12] =	ssyncset.done $0x0  }
0x6e: {  	[sflag:s12] =	ssyncadd.s32 $0xFFFFEC00  }
0x6f: {  	[tilespmem:s15], [sflag:$0x1] =	stream.indirect.gather [hbm4b:s4+s14], $0x80, s22, s14, $0xb8;
	[tilespmem:$0x1F000] =	vst v63  }
0x70: {  	_ = 	snop  }
0x71: {  	[tilespmem:s16], [sflag:$0x2] =	stream.indirect.gather [hbm4b:s4+s14], $0x80, s14, s14, $0xb8;
	[tilespmem:$0x1F000] =	vst v63  }
0x72: {  	_ =	swait.ge [sflag:s18], $0x4000  }
0x73: {  	[sflag:s18] =	ssyncset.done $0x0  }
0x74: {  	s29 =	simm.s32 $0x1400;
	[sflag:s18] =	ssyncadd.s32 $0xFFFFC000  }
0x75: {  	[spmem:s1] =	stream.indirect.scatter.add.f32 [tilespmem:s15], [sflag:$0x3], $0x80, s29, s14, $0xb8;
	[tilespmem:$0x1F000] =	vst v63  }
0x76: {  	_ =	swait.ge [sflag:s12], $0x4000  }
0x77: {  	[sflag:s12] =	ssyncset.done $0x0  }
0x78: {  	s30 =	simm.s32 $0x100;
	[sflag:s12] =	ssyncadd.s32 $0xFFFFC000  }
0x79: {  	[tilespmem:s15], [sflag:$0x1] =	stream.indirect.gather [hbm4b:s4+s14], $0x80, s30, s14, $0xb8;
	[tilespmem:$0x1F000] =	vst v63  }
0x7a: {  	_ =	swait.ge [sflag:s19], $0x4000  }
0x7b: {  	[sflag:s19] =	ssyncset.done $0x0  }
0x7c: {  	s31 =	simm.s32 $0x1480;
	[sflag:s19] =	ssyncadd.s32 $0xFFFFC000  }
0x7d: {  	[spmem:s1] =	stream.indirect.scatter.add.f32 [tilespmem:s16], [sflag:$0x3], $0x80, s31, s14, $0xb8;
	[tilespmem:$0x1F000] =	vst v63  }
0x7e: {  	_ =	swait.ge [sflag:s12], $0x4000  }
0x7f: {  	[sflag:s12] =	ssyncset.done $0x0  }
0x80: {  	s23 =	simm.s32 $0x180;
	s22 =	simm.s32 $0x400;
	[sflag:s12] =	ssyncadd.s32 $0xFFFFC000  }
.LBB2_8:
0x81: {  	[tilespmem:s16], [sflag:$0x2] =	stream.indirect.gather [hbm4b:s4+s14], $0x80, s23, s14, $0xb8;
	[tilespmem:$0x1F000] =	vst v63  }
0x82: {  	s23 =	smov.u32 s22  }
0x83: {  	p0 =	sne.s32 s22, $0x4800;
	s22 =	sadd.s32 $0x400, s22;
	_ =	swait.ge [sflag:s18], $0x4000  }
0x84: {  	s23 =	sshra.s32 s23, $0x2;
	[sflag:s18] =	ssyncset.done $0x0  }
0x85: {  	s24 =	sadd.s32 $0x1400, s23;
	[sflag:s18] =	ssyncadd.s32 $0xFFFFC000  }
0x86: {  	[spmem:s1] =	stream.indirect.scatter.add.f32 [tilespmem:s15], [sflag:$0x3], $0x80, s24, s14, $0xb8;
	[tilespmem:$0x1F000] =	vst v63  }
0x87: {  	_ =	swait.ge [sflag:s12], $0x4000  }
0x88: {  	[sflag:s12] =	ssyncset.done $0x0  }
0x89: {  	s24 =	sadd.s32 $0x100, s23;
	[sflag:s12] =	ssyncadd.s32 $0xFFFFC000  }
0x8a: {  	[tilespmem:s15], [sflag:$0x1] =	stream.indirect.gather [hbm4b:s4+s14], $0x80, s24, s14, $0xb8;
	[tilespmem:$0x1F000] =	vst v63  }
0x8b: {  	_ =	swait.ge [sflag:s19], $0x4000  }
0x8c: {  	[sflag:s19] =	ssyncset.done $0x0  }
.Ltmp3:
0x8d: {  	s24 =	sadd.s32 $0x1480, s23;
	[sflag:s19] =	ssyncadd.s32 $0xFFFFC000;
	(pc) =	sbr.rel @p0 .LBB2_8-.Ltmp3, $4  }
0x8e: {  	[spmem:s1] =	stream.indirect.scatter.add.f32 [tilespmem:s16], [sflag:$0x3], $0x80, s24, s14, $0xb8;
	[tilespmem:$0x1F000] =	vst v63  }
0x8f: {  	_ =	swait.ge [sflag:s12], $0x4000  }
0x90: {  	[sflag:s12] =	ssyncset.done $0x0  }
0x91: {  	s23 =	sadd.s32 $0x180, s23;
	[sflag:s12] =	ssyncadd.s32 $0xFFFFC000  }
0x92: {  	[tilespmem:s16], [sflag:$0x2] =	stream.indirect.gather [hbm4b:s4+s14], $0x80, s23, s14, $0xb8;
	[tilespmem:$0x1F000] =	vst v63  }
0x93: {  	_ =	swait.ge [sflag:s18], $0x4000  }
0x94: {  	[sflag:s18] =	ssyncset.done $0x0  }
0x95: {  	[sflag:s18] =	ssyncadd.s32 $0xFFFFC000  }
0x96: {  	[spmem:s1] =	stream.indirect.scatter.add.f32 [tilespmem:s15], [sflag:$0x3], $0x80, s20, s14, $0xb8;
	[tilespmem:$0x1F000] =	vst v63  }
0x97: {  	_ =	swait.ge [sflag:s12], $0x4000  }
0x98: {  	[sflag:s12] =	ssyncset.done $0x0  }
0x99: {  	[sflag:s12] =	ssyncadd.s32 $0xFFFFC000  }
0x9a: {  	_ =	swait.ge [sflag:s19], $0x4000  }
0x9b: {  	[sflag:s19] =	ssyncset.done $0x0  }
0x9c: {  	[sflag:s19] =	ssyncadd.s32 $0xFFFFC000  }
0x9d: {  	[spmem:s1] =	stream.indirect.scatter.add.f32 [tilespmem:s16], [sflag:$0x3], $0x80, s21, s14, $0xb8;
	[tilespmem:$0x1F000] =	vst v63  }
0x9e: {  	_ =	swait.ge [sflag:s12], $0x4000  }
0x9f: {  	s22 =	sshll.u32 s2, $0x6;
	s3 =	sadd.s32 $0x1, s3;
	[sflag:s12] =	ssyncset.done $0x0  }
0xa0: {  	s31 =	sshrl.u32 s7, $0x3;
	p0 =	sne.s32 s3, s11;
	[sflag:s12] =	ssyncadd.s32 $0xFFFFC000  }
.Ltmp4:
0xa1: {  	s22 =	sor.u32 $0x1C03, s22;
	[bflag:$0x0] =	sbarrier.arrive $0xFFFF;
	(pc) =	sbr.rel @p0 .LBB2_1-.Ltmp4, $4  }
0xa2: {  	[hbm:s10], [sflag:s22] =	dma.local [spmem:s31], $0x2800  }
0xa3: {  	_ =	swait.ge [sflag:s12], $0x2800  }
0xa4: {  	[sflag:s12] =	ssyncset.done $0x0  }
0xa5: {  	[sflag:s12] =	ssyncadd.s32 $0xFFFFD800  }
0xa6: {  	_ =	sfence.sel $0x180000  }
0xa7: {  	[bflag:$0x0] =	sbarrier.arrive $0xFFFF  }
0xa8: {  	p0 =	sne.s32 s2, $0x0;
	_ =	strace $0x90000050  }
0xa9: {  	s0 =	sadd.s32 @!p0 $0x100000, s0;
	[bflag:$0x2] =	sbarrier.arrive $0xFFFF  }
0xaa: {  	[sflag:s0] =	ssyncadd.tile.s32 @!p0 $0x1;
	_ =	shalt  }
.Lfunc_end2:
_tile_overlayer_lowered:
.L_overlay_start_2:
0xab: {  	(tag) =	ssettag $0x2  }
0xac: {  	s0 =	rddreg [dreg:$0x0];
	s2 =	stileid.u32  }
0xad: {  	s1 =	rddreg [dreg:$0x1];
	p0 =	sne.s32 s2, $0x0  }
0xae: {  	s3 =	rddreg [dreg:$0x2];
	[bflag:$0x3] =	sbarrier.arrive $0xFFFF;
	s2 =	simm.s32 @!p0 $0x1C03  }
0xaf: {  	[timem:s3], [sflag:s2] =	dma.local @!p0 [hbm:s0], s1  }
0xb0: {  	s0 =	simm.s32 @!p0 $0x3  }
0xb1: {  	_ =	swait.ge @!p0 [sflag:s0], s1  }
0xb2: {  	s1 =	ssub.s32 @!p0 $0x0, s1;
	[sflag:s0] =	ssyncset.done @!p0 $0x0  }
0xb3: {  	[sflag:s0] =	ssyncadd.s32 @!p0 s1  }
0xb4: {  	[bflag:$0x3] =	sbarrier.arrive $0xFFFF  }
0xb5: {  	_ =	shalt  }

// kernel: kernel.24.cloned.1.call-start
scs
__scs_entry_jumppad:
0x0: {  	(pc) =	sbr.rel $0x88, $3  }
0x1: {  	(tag) =	ssettag $0x0;
	lr =	simm.s32 $0x1  }
0x2: {  	[smem:$0x3F92] =	sst lr;
	_ =	strace $0xD0000000  }
0x3: {  	_ = 	snop  }
0x4: {  	_ = 	snop  }
0x5: {  	_ = 	snop  }
0x6: {  	_ = 	snop  }
0x7: {  	_ = 	snop  }
__scs_overlays_trampoline_lowered:
0x8: {  	[smem:$0x3FA1] =	sst s0  }
0x9: {  	[smem:$0x3FA2] =	sst s1  }
0xa: {  	[smem:$0x3FA3] =	sst s2  }
0xb: {  	[smem:$0x3FA4] =	sst s3  }
0xc: {  	[smem:$0x3FA5] =	sst s4  }
0xd: {  	[smem:$0x3FA6] =	sst s5  }
0xe: {  	[smem:$0x3FA7] =	sst s6  }
0xf: {  	[smem:$0x3FA8] =	sst s7  }
0x10: {  	[smem:$0x3FA9] =	sst s8  }
0x11: {  	[smem:$0x3FAA] =	sst s9;
	s0 =	simm.s32 @!p0 $0x0  }
0x12: {  	s1 =	sld [smem:$0x3F90];
	s0 =	simm.s32 @p0 $0x1  }
0x13: {  	[smem:$0x3FAB] =	sst s0;
	s0 =	simm.s32 @!p1 $0x0  }
0x14: {  	s2 =	sld [smem:$0x3F8F];
	s0 =	simm.s32 @p1 $0x1  }
0x15: {  	[smem:$0x3FAC] =	sst s0;
	s0 =	simm.s32 @!p2 $0x0  }
0x16: {  	s3 =	sld [smem:$0x3FDB];
	s0 =	simm.s32 @p2 $0x1  }
0x17: {  	s4 =	simm.s32 $0x1BF5;
	[smem:$0x3FAE] =	sst s0  }
0x18: {  	s0 =	sld [smem:$0x3F91];
	_ =	swait.ge [sflag:s4], $0x0  }
0x19: {  	s7 =	sld [smem:$0x3F92]  }
0x1a: {  	s8 =	sadd.s32 $0xFFFFE003, lr  }
0x1b: {  	s9 =	sadd.s32 $0xFFFFFEF7, lr;
	s5 =	simm.s32 $0xFFFFFFFF;
	p2 =	slt.u32 s8, $0xFFFFF086  }
0x1c: {  	p1 =	slt.u32 s9, $0xF7A;
	s5 =	simm.s32 @!p2 $0x0  }
0x1d: {  	s5 =	simm.s32 @p1 $0x1;
	p0 =	seq.s32 s7, s2  }
0x1e: {  	s7 =	smul.u32 @!p0 $0xF7A, s2;
	p2 =	seq.s32 @!p0 s5, $0x0  }
0x1f: {  	s9 =	smul.u32 $0xF7A, s1;
	s8 =	simm.s32 @!p0 $0x1BF5;
	p2 =	por !p2, p0  }
0x20: {  	[sflag:s8] =	ssyncset.s32 @!p0 $0xFFFFF086;
	s6 =	sadd.s32 @!p0 s3, s7;
	s7 =	simm.s32 @!p0 $0x108  }
0x21: {  	s3 =	sadd.s32 s3, s9;
	s6 =	sadd.s32 @!p0 $0x88, s6;
	s7 =	simm.s32 @p2 $0x1082  }
0x22: {  	[simem:s7], [sflag:s8] =	dma.local @!p0 [hbm:s6], $0xF7A  }
0x23: {  	s9 =	sor.u32 $0xD0000000, s2;
	s6 =	simm.s32 $0x108;
	_ =	swait.ge @!p0 [sflag:s8], $0x0  }
0x24: {  	s3 =	sadd.s32 $0x88, s3;
	s6 =	simm.s32 @!p1 $0x1082;
	[sflag:s4] =	ssyncset.s32 $0xFFFFF086  }
0x25: {  	[simem:s6], [sflag:s4] =	dma.local [hbm:s3], $0xF7A  }
0x26: {  	[smem:$0x3F92] =	sst s1;
	(tag) =	ssettag s2;
	_ =	strace s9  }
0x27: {  	s1 =	sld [smem:$0x3FA2]  }
0x28: {  	s2 =	sld [smem:$0x3FA3]  }
0x29: {  	s4 =	sld [smem:$0x3FA5]  }
0x2a: {  	p0 =	seq.s32 s5, $0x0;
	s5 =	sld [smem:$0x3FA6]  }
0x2b: {  	s6 =	sld [smem:$0x3FA7]  }
0x2c: {  	s7 =	sld [smem:$0x3FA8]  }
0x2d: {  	s3 =	simm.s32 $0x108;
	s8 =	sld [smem:$0x3FA9]  }
0x2e: {  	s3 =	simm.s32 @!p0 $0x1082;
	s9 =	sld [smem:$0x3FAA]  }
0x2f: {  	lr =	sadd.s32 s0, s3;
	s0 =	sld [smem:$0x3FA1]  }
0x30: {  	s3 =	sld [smem:$0x3FA4]  }
0x31: {  	[smem:$0x3FAD] =	sst s10  }
0x32: {  	s10 =	sld [smem:$0x3FAB];
	_ =	sdelay $0x3  }
0x33: {  	p0 =	seq.s32 s10, $0x1;
	s10 =	sld [smem:$0x3FAD];
	_ =	sdelay $0x3  }
0x34: {  	[smem:$0x3FAD] =	sst s10  }
0x35: {  	s10 =	sld [smem:$0x3FAC];
	_ =	sdelay $0x3  }
0x36: {  	p1 =	seq.s32 s10, $0x1;
	s10 =	sld [smem:$0x3FAD];
	_ =	sdelay $0x3  }
0x37: {  	[smem:$0x3FAD] =	sst s10  }
0x38: {  	s10 =	sld [smem:$0x3FAE]  }
0x39: {  	_ = 	snop;
	(pc) =	sbr.ind lr, $3  }
0x3a: {  	_ = 	snop  }
0x3b: {  	_ = 	snop  }
0x3c: {  	p2 =	seq.s32 s10, $0x1;
	s10 =	sld [smem:$0x3FAD]  }
0x3d: {  	_ =	shalt  }
0x3e: {  	_ =	shalt  }
0x3f: {  	_ =	shalt  }
0x40: {  	_ =	shalt  }
0x41: {  	_ =	shalt  }
0x42: {  	_ =	shalt  }
0x43: {  	_ =	shalt  }
0x44: {  	_ =	shalt  }
0x45: {  	_ =	shalt  }
0x46: {  	_ =	shalt  }
0x47: {  	_ =	shalt  }
0x48: {  	_ =	shalt  }
0x49: {  	_ =	shalt  }
0x4a: {  	_ =	shalt  }
0x4b: {  	_ =	shalt  }
0x4c: {  	_ =	shalt  }
0x4d: {  	_ =	shalt  }
0x4e: {  	_ =	shalt  }
0x4f: {  	_ =	shalt  }
0x50: {  	_ =	shalt  }
0x51: {  	_ =	shalt  }
0x52: {  	_ =	shalt  }
0x53: {  	_ =	shalt  }
0x54: {  	_ =	shalt  }
0x55: {  	_ =	shalt  }
0x56: {  	_ =	shalt  }
0x57: {  	_ =	shalt  }
0x58: {  	_ =	shalt  }
0x59: {  	_ =	shalt  }
0x5a: {  	_ =	shalt  }
0x5b: {  	_ =	shalt  }
0x5c: {  	_ =	shalt  }
0x5d: {  	_ =	shalt  }
0x5e: {  	_ =	shalt  }
0x5f: {  	_ =	shalt  }
0x60: {  	_ =	shalt  }
0x61: {  	_ =	shalt  }
0x62: {  	_ =	shalt  }
0x63: {  	_ =	shalt  }
0x64: {  	_ =	shalt  }
0x65: {  	_ =	shalt  }
0x66: {  	_ =	shalt  }
0x67: {  	_ =	shalt  }
0x68: {  	_ =	shalt  }
0x69: {  	_ =	shalt  }
0x6a: {  	_ =	shalt  }
0x6b: {  	_ =	shalt  }
0x6c: {  	_ =	shalt  }
0x6d: {  	_ =	shalt  }
0x6e: {  	_ =	shalt  }
0x6f: {  	_ =	shalt  }
0x70: {  	_ =	shalt  }
0x71: {  	_ =	shalt  }
0x72: {  	_ =	shalt  }
0x73: {  	_ =	shalt  }
0x74: {  	_ =	shalt  }
0x75: {  	_ =	shalt  }
0x76: {  	_ =	shalt  }
0x77: {  	_ =	shalt  }
0x78: {  	_ =	shalt  }
0x79: {  	_ =	shalt  }
0x7a: {  	_ =	shalt  }
0x7b: {  	_ =	shalt  }
0x7c: {  	_ =	shalt  }
0x7d: {  	_ =	shalt  }
0x7e: {  	_ =	shalt  }
0x7f: {  	_ =	shalt  }
0x80: {  	_ =	shalt  }
0x81: {  	_ =	shalt  }
0x82: {  	_ =	shalt  }
0x83: {  	_ =	shalt  }
0x84: {  	_ =	shalt  }
0x85: {  	_ =	shalt  }
0x86: {  	_ =	shalt  }
0x87: {  	_ =	shalt  }
.Lfunc_end0:
.L_simem_size_0:
called_computation.4_lowered:
.L_overlay_start_0:
0x88: {  	s2 =	sld [smem:$0x3FD9]  }
0x89: {  	s3 =	sld [smem:$0x3FFE];
	_ =	sdelay $0x1  }
0x8a: {  	s1 =	srdreg.scid  }
0x8b: {  	s0 =	sand.u32 $0x1, s1  }
0x8c: {  	s16 =	sshll.u32 s0, $0xA;
	s2 =	sadd.s32 s3, s2  }
0x8d: {  	s2 =	sadd.s32 s2, s16  }
0x8e: {  	[smem:$0x3FB9] =	sst s2  }
0x8f: {  	_ = 	snop  }
0x90: {  	(tm) =	ssettm $0x1  }
0x91: {  	s17 =	sld [smem:$0x3FFB];
	_ =	sdelay $0x3  }
0x92: {  	_ =	strace s17  }
0x93: {  	s2 =	sld [smem:$0x3FFC];
	_ =	sdelay $0x3  }
0x94: {  	_ =	strace s2  }
0x95: {  	s2 =	sld [smem:$0x3FFD];
	_ =	sdelay $0x3  }
0x96: {  	_ =	strace s2  }
0x97: {  	_ =	strace $0x8FFFFFFF  }
0x98: {  	s18 =	sld [smem:$0x3FDB];
	_ =	sdelay $0x1  }
0x99: {  	s19 =	simm.s32 $_scs_section_size  }
0x9a: {  	s4 =	simm.s32 $_size__tile_overlayer_lowered;
	s5 =	simm.s32 $_tile_overlayer_lowered  }
0x9b: {  	s22 =	simm.s32 $0x1BFF;
	s21 =	sshll.u32 s5, $0x1;
	s2 =	sadd.s32 s19, s18  }
0x9c: {  	s6 =	simm.s32 $0x0;
	s20 =	sshll.u32 s4, $0x1;
	s4 =	sadd.s32 s21, s2  }
0x9d: {  	[timem:s6], [sflag:s22] =	dma.local [hbm:s4], s20  }
0x9e: {  	_ =	swait.ge [sflag:s22], s20  }
0x9f: {  	s3 =	ssub.s32 $0x0, s20;
	[sflag:s22] =	ssyncset.done $0x0  }
0xa0: {  	[sflag:s22] =	ssyncadd.s32 s3;
	_ =	sdelay $0x1  }
0xa1: {  	s23 =	simm.s32 $0x1B8B  }
0xa2: {  	_ =	swait.ge [sflag:s23], $0x1  }
0xa3: {  	[sflag:s23] =	ssyncset.done $0x0  }
0xa4: {  	s25 =	simm.s32 $0x1B8E;
	s24 =	sld [smem:$0x3FFE];
	[sflag:s23] =	ssyncadd.s32 $0xFFFFFFFF  }
0xa5: {  	s26 =	simm.s32 $execute0_lowered;
	[smem:$0x3FD2] =	sst s25  }
0xa6: {  	s4 =	sshll.u32 s26, $0x1;
	_ =	strace $0x80000052;
	[dreg:$0x1] =	wrdreg $0xFFFFFFFF  }
0xa7: {  	s28 =	simm.s32 $_size_execute0_lowered;
	s2 =	sadd.s32 s2, s4;
	[dreg:$0x0] =	wrdreg $0x0  }
0xa8: {  	s4 =	sshll.u32 s28, $0x1;
	[dreg:$0x2] =	wrdreg s2  }
0xa9: {  	[dreg:$0x3] =	wrdreg s4  }
0xaa: {  	[dreg:$0x4] =	wrdreg $0xC0  }
0xab: {  	_ =	task [dreg:s6], $0x5FFFF  }
0xac: {  	[dreg:$0x1] =	wrdreg $0xFFFFFFFF  }
0xad: {  	[dreg:$0x0] =	wrdreg $0x60  }
0xae: {  	[dreg:$0x2] =	wrdreg s24  }
0xaf: {  	[dreg:$0x3] =	wrdreg $0xB0000  }
0xb0: {  	[dreg:$0x4] =	wrdreg $0x9  }
0xb1: {  	_ =	task.clear_ibuf [dreg:s6], $0x5FFFF;
	_ =	strace $0x90000052  }
0xb2: {  	s29 =	simm.s32 $0x9;
	_ =	strace $0x80000054  }
0xb3: {  	_ =	swait.ge [sflag:s29], $0x1  }
0xb4: {  	[sflag:s29] =	ssyncadd.s32 $0xFFFFFFFF  }
0xb5: {  	_ =	strace $0x90000054  }
0xb6: {  	_ =	sfence  }
0xb7: {  	s30 =	sld [smem:$0x0];
	_ =	sdelay $0x2  }
0xb8: {  	s31 =	sshll.u32 s1, $0xD;
	s1 =	sshrl.u32 s1, $0x2  }
0xb9: {  	s3 =	sand.u32 $0x4000, s31;
	s1 =	sadd.s32 s1, s30  }
0xba: {  	s0 =	sor.u32 s3, s0;
	s1 =	sshll.u32 s1, $0x11  }
0xbb: {  	s0 =	sor.u32 s1, s0  }
0xbc: {  	s0 =	sadd.s32 $0x8F2B, s0  }
0xbd: {  	[sflag:s0] =	ssyncadd.remote.s32 $0x1  }
0xbe: {  	_ =	sfence.sel $0xFFFF  }
0xbf: {  	[dreg:$0x0] =	wrdreg $0xFFFFFFFF;
	(pc) =	sbr.abs _section_cstart, $3  }
0xc0: {  	[dreg:$0x1] =	wrdreg $0xFFFFFFFF  }
0xc1: {  	_ =	task.clear_ibuf [dreg:s6], $0x2FFFF;
	_ =	strace $0x9FFFFFFF  }
0xc2: {  	(tm) =	ssettm $0x7FFFFFFF  }
0xc3: {  	_ =	shalt  }
tec
execute0_lowered:
.L_overlay_start_1:
0x0: {  	(tag) =	ssettag $0x1  }
0x1: {  	s5 =	rddreg [dreg:$0x0]  }
0x2: {  	s1 =	rddreg [dreg:$0x1]  }
0x3: {  	s2 =	srdreg.scid;
	s0 =	rddreg [dreg:$0x2];
	s3 =	simm.s32 $0x0  }
0x4: {  	s14 =	simm.s32 $0x80;
	s15 =	simm.s32 $0x2800;
	s16 =	simm.s32 $0x6800  }
0x5: {  	s17 =	simm.s32 $0xA800;
	s18 =	simm.s32 $0x1;
	s19 =	simm.s32 $0x2  }
0x6: {  	s20 =	simm.s32 $0x2700;
	s21 =	simm.s32 $0x2780;
	s6 =	sand.u32 $0x1, s2  }
0x7: {  	s2 =	stileid.u32;
	[smem:$0x7FF] =	sst s3;
	s4 =	sadd.s32 $0x10AC00, s5  }
0x8: {  	s10 =	sadd.s32 $0x4200, s5;
	s29 =	sadd.s32 $0xE200, s5;
	s7 =	smul.u32 $0x140000, s6  }
0x9: {  	s8 =	smul.u32 $0x14000, s2;
	s9 =	sshll.u32 s2, $0x1;
	_ =	strace $0x80000053  }
0xa: {  	s12 =	smul.u32 $0x50000, s2;
	s9 =	sor.u32 s6, s9;
	s6 =	ssub.s32 $0x2, s6  }
0xb: {  	s7 =	sadd.s32 s8, s7;
	s28 =	smul.u32 $0x2800, s9;
	s11 =	sshrl.u32 s6, $0x1  }
0xc: {  	s30 =	sshrl.u32 s12, $0x2;
	s12 =	simm.s32 $0x3;
	s7 =	sshrl.u32 s7, $0x3  }
0xd: {  	s11 =	ssub.s32 s6, s11;
	s8 =	sshrl.u32 s28, $0x3;
	s13 =	sadd.s32 s7, s5  }
0xe: {  	s7 =	sadd.s32 s30, s1;
	s11 =	smax.u32 s11, $0x1;
	s31 =	sadd.s32 $0x280, s8  }
0xf: {  	s5 =	sadd.s32 s10, s8;
	s6 =	sadd.s32 s29, s8;
	s8 =	sadd.s32 s10, s31  }
0x10: {  	v0 =	vimm.f32 $0.0e+00;
	s9 =	sadd.s32 s29, s31;
	s10 =	sadd.s32 $0x19800, s13;
	s13 =	simm.s32 $0x1400  }
.LBB2_1:
0x11: {  	s22 =	simm.s32 $0x0;
	s23 =	simm.s32 $0x200  }
.LBB2_2:
0x12: {  	p0 =	sne.s32 s23, $0x1E00;
	[tilespmem:s22+$0xA870] =	vst v0  }
0x13: {  	[tilespmem:s22+$0xA800] =	vst v0  }
0x14: {  	[tilespmem:s22+$0xA810] =	vst v0  }
.Ltmp0:
0x15: {  	[tilespmem:s22+$0xA820] =	vst v0;
	(pc) =	sbr.rel @p0 .LBB2_2-.Ltmp0, $4  }
0x16: {  	[tilespmem:s22+$0xA830] =	vst v0  }
0x17: {  	[tilespmem:s22+$0xA840] =	vst v0  }
0x18: {  	[tilespmem:s22+$0xA850] =	vst v0  }
0x19: {  	[tilespmem:s22+$0xA860] =	vst v0;
	s22 =	sshra.s32 s23, $0x2;
	s23 =	sadd.s32 $0x200, s23  }
0x1a: {  	[tilespmem:s22+$0xA870] =	vst v0  }
0x1b: {  	[tilespmem:s22+$0xA800] =	vst v0  }
0x1c: {  	[tilespmem:s22+$0xA810] =	vst v0  }
0x1d: {  	[tilespmem:s22+$0xA820] =	vst v0  }
0x1e: {  	[tilespmem:s22+$0xA830] =	vst v0  }
0x1f: {  	[tilespmem:s22+$0xA840] =	vst v0  }
0x20: {  	[tilespmem:s22+$0xA850] =	vst v0  }
0x21: {  	[tilespmem:s22+$0xA860] =	vst v0;
	s30 =	simm.s32 $0x0  }
0x22: {  	[tilespmem:s30], [sflag:$0x3] =	stream.linear.gather [hbm4b:s5+s30], $0x1400, $0x38;
	[tilespmem:$0x1F000] =	vst v63  }
0x23: {  	_ =	swait.ge [sflag:s12], $0x1400  }
0x24: {  	[sflag:s12] =	ssyncset.done $0x0  }
0x25: {  	[sflag:s12] =	ssyncadd.s32 $0xFFFFEC00  }
0x26: {  	[tilespmem:s13], [sflag:$0x3] =	stream.linear.gather [hbm4b:s6+s30], $0x1400, $0x38;
	[tilespmem:$0x1F000] =	vst v63  }
0x27: {  	_ =	swait.ge [sflag:s12], $0x1400  }
0x28: {  	[sflag:s12] =	ssyncset.done $0x0  }
0x29: {  	[sflag:s12] =	ssyncadd.s32 $0xFFFFEC00  }
0x2a: {  	[tilespmem:s15], [sflag:$0x1] =	stream.indirect.gather [hbm4b:s4+s14], $0x80, s30, s14, $0xb8;
	[tilespmem:$0x1F000] =	vst v63  }
0x2b: {  	_ = 	snop  }
0x2c: {  	[tilespmem:s16], [sflag:$0x2] =	stream.indirect.gather [hbm4b:s4+s14], $0x80, s14, s14, $0xb8;
	[tilespmem:$0x1F000] =	vst v63  }
0x2d: {  	s31 =	sadd.s32 $0x0, s7  }
0x2e: {  	[spmem:s31] =	stream.linear.scatter [tilespmem:s17], [sflag:$0x3], $0x800, $0x38;
	[tilespmem:$0x1F000] =	vst v63  }
0x2f: {  	s22 =	simm.s32 $0x2000;
	_ =	swait.ge [sflag:s12], $0x800  }
.LBB2_4:
0x30: {  	s23 =	sshra.s32 s22, $0x2;
	[sflag:s12] =	ssyncset.done $0x0;
	p0 =	sne.s32 s22, $0x4E000  }
.Ltmp1:
0x31: {  	s23 =	sadd.s32 s23, s7;
	[sflag:s12] =	ssyncadd.s32 $0xFFFFF800;
	(pc) =	sbr.rel @p0 .LBB2_4-.Ltmp1, $3  }
0x32: {  	[spmem:s23] =	stream.linear.scatter [tilespmem:s17], [sflag:$0x3], $0x800, $0x38;
	[tilespmem:$0x1F000] =	vst v63  }
0x33: {  	s22 =	sadd.s32 $0x2000, s22;
	_ =	sdelay $0x1  }
0x34: {  	_ =	swait.ge [sflag:s12], $0x800  }
0x35: {  	[sflag:s12] =	ssyncset.done $0x0  }
0x36: {  	[sflag:s12] =	ssyncadd.s32 $0xFFFFF800  }
0x37: {  	[bflag:$0x0] =	sbarrier.arrive $0xFFFF  }
0x38: {  	_ =	swait.ge [sflag:s18], $0x4000  }
0x39: {  	[sflag:s18] =	ssyncset.done $0x0  }
0x3a: {  	s22 =	simm.s32 $0x1400;
	[sflag:s18] =	ssyncadd.s32 $0xFFFFC000  }
0x3b: {  	[spmem:s1] =	stream.indirect.scatter.add.f32 [tilespmem:s15], [sflag:$0x3], $0x80, s22, s14, $0xb8;
	[tilespmem:$0x1F000] =	vst v63  }
0x3c: {  	_ =	swait.ge [sflag:s12], $0x4000  }
0x3d: {  	[sflag:s12] =	ssyncset.done $0x0  }
0x3e: {  	s30 =	simm.s32 $0x100;
	[sflag:s12] =	ssyncadd.s32 $0xFFFFC000  }
0x3f: {  	[tilespmem:s15], [sflag:$0x1] =	stream.indirect.gather [hbm4b:s4+s14], $0x80, s30, s14, $0xb8;
	[tilespmem:$0x1F000] =	vst v63  }
0x40: {  	_ =	swait.ge [sflag:s19], $0x4000  }
0x41: {  	[sflag:s19] =	ssyncset.done $0x0  }
0x42: {  	s31 =	simm.s32 $0x1480;
	[sflag:s19] =	ssyncadd.s32 $0xFFFFC000  }
0x43: {  	[spmem:s1] =	stream.indirect.scatter.add.f32 [tilespmem:s16], [sflag:$0x3], $0x80, s31, s14, $0xb8;
	[tilespmem:$0x1F000] =	vst v63  }
0x44: {  	_ =	swait.ge [sflag:s12], $0x4000  }
0x45: {  	[sflag:s12] =	ssyncset.done $0x0  }
0x46: {  	s23 =	simm.s32 $0x180;
	s22 =	simm.s32 $0x400;
	[sflag:s12] =	ssyncadd.s32 $0xFFFFC000  }
.LBB2_6:
0x47: {  	[tilespmem:s16], [sflag:$0x2] =	stream.indirect.gather [hbm4b:s4+s14], $0x80, s23, s14, $0xb8;
	[tilespmem:$0x1F000] =	vst v63  }
0x48: {  	s23 =	smov.u32 s22  }
0x49: {  	p0 =	sne.s32 s22, $0x4800;
	s22 =	sadd.s32 $0x400, s22;
	_ =	swait.ge [sflag:s18], $0x4000  }
0x4a: {  	s23 =	sshra.s32 s23, $0x2;
	[sflag:s18] =	ssyncset.done $0x0  }
0x4b: {  	s24 =	sadd.s32 $0x1400, s23;
	[sflag:s18] =	ssyncadd.s32 $0xFFFFC000  }
0x4c: {  	[spmem:s1] =	stream.indirect.scatter.add.f32 [tilespmem:s15], [sflag:$0x3], $0x80, s24, s14, $0xb8;
	[tilespmem:$0x1F000] =	vst v63  }
0x4d: {  	_ =	swait.ge [sflag:s12], $0x4000  }
0x4e: {  	[sflag:s12] =	ssyncset.done $0x0  }
0x4f: {  	s24 =	sadd.s32 $0x100, s23;
	[sflag:s12] =	ssyncadd.s32 $0xFFFFC000  }
0x50: {  	[tilespmem:s15], [sflag:$0x1] =	stream.indirect.gather [hbm4b:s4+s14], $0x80, s24, s14, $0xb8;
	[tilespmem:$0x1F000] =	vst v63  }
0x51: {  	_ =	swait.ge [sflag:s19], $0x4000  }
0x52: {  	[sflag:s19] =	ssyncset.done $0x0  }
.Ltmp2:
0x53: {  	s24 =	sadd.s32 $0x1480, s23;
	[sflag:s19] =	ssyncadd.s32 $0xFFFFC000;
	(pc) =	sbr.rel @p0 .LBB2_6-.Ltmp2, $4  }
0x54: {  	[spmem:s1] =	stream.indirect.scatter.add.f32 [tilespmem:s16], [sflag:$0x3], $0x80, s24, s14, $0xb8;
	[tilespmem:$0x1F000] =	vst v63  }
0x55: {  	_ =	swait.ge [sflag:s12], $0x4000  }
0x56: {  	[sflag:s12] =	ssyncset.done $0x0  }
0x57: {  	s23 =	sadd.s32 $0x180, s23;
	[sflag:s12] =	ssyncadd.s32 $0xFFFFC000  }
0x58: {  	[tilespmem:s16], [sflag:$0x2] =	stream.indirect.gather [hbm4b:s4+s14], $0x80, s23, s14, $0xb8;
	[tilespmem:$0x1F000] =	vst v63  }
0x59: {  	_ =	swait.ge [sflag:s18], $0x4000  }
0x5a: {  	[sflag:s18] =	ssyncset.done $0x0  }
0x5b: {  	[sflag:s18] =	ssyncadd.s32 $0xFFFFC000  }
0x5c: {  	[spmem:s1] =	stream.indirect.scatter.add.f32 [tilespmem:s15], [sflag:$0x3], $0x80, s20, s14, $0xb8;
	[tilespmem:$0x1F000] =	vst v63  }
0x5d: {  	_ =	swait.ge [sflag:s12], $0x4000  }
0x5e: {  	[sflag:s12] =	ssyncset.done $0x0  }
0x5f: {  	[sflag:s12] =	ssyncadd.s32 $0xFFFFC000  }
0x60: {  	_ =	swait.ge [sflag:s19], $0x4000  }
0x61: {  	[sflag:s19] =	ssyncset.done $0x0  }
0x62: {  	[sflag:s19] =	ssyncadd.s32 $0xFFFFC000  }
0x63: {  	[spmem:s1] =	stream.indirect.scatter.add.f32 [tilespmem:s16], [sflag:$0x3], $0x80, s21, s14, $0xb8;
	[tilespmem:$0x1F000] =	vst v63  }
0x64: {  	_ =	swait.ge [sflag:s12], $0x4000  }
0x65: {  	[sflag:s12] =	ssyncset.done $0x0  }
0x66: {  	s22 =	simm.s32 $0x0;
	[sflag:s12] =	ssyncadd.s32 $0xFFFFC000  }
0x67: {  	[tilespmem:s22], [sflag:$0x3] =	stream.linear.gather [hbm4b:s8+s22], $0x1400, $0x38;
	[tilespmem:$0x1F000] =	vst v63  }
0x68: {  	_ =	swait.ge [sflag:s12], $0x1400  }
0x69: {  	[sflag:s12] =	ssyncset.done $0x0  }
0x6a: {  	[sflag:s12] =	ssyncadd.s32 $0xFFFFEC00  }
0x6b: {  	[tilespmem:s13], [sflag:$0x3] =	stream.linear.gather [hbm4b:s9+s22], $0x1400, $0x38;
	[tilespmem:$0x1F000] =	vst v63  }
0x6c: {  	_ =	swait.ge [sflag:s12], $0x1400  }
0x6d: {  	[sflag:s12] =	ssyncset.done $0x0  }
0x6e: {  	[sflag:s12] =	ssyncadd.s32 $0xFFFFEC00  }
0x6f: {  	[tilespmem:s15], [sflag:$0x1] =	stream.indirect.gather [hbm4b:s4+s14], $0x80, s22, s14, $0xb8;
	[tilespmem:$0x1F000] =	vst v63  }
0x70: {  	_ = 	snop  }
0x71: {  	[tilespmem:s16], [sflag:$0x2] =	stream.indirect.gather [hbm4b:s4+s14], $0x80, s14, s14, $0xb8;
	[tilespmem:$0x1F000] =	vst v63  }
0x72: {  	_ =	swait.ge [sflag:s18], $0x4000  }
0x73: {  	[sflag:s18] =	ssyncset.done $0x0  }
0x74: {  	s29 =	simm.s32 $0x1400;
	[sflag:s18] =	ssyncadd.s32 $0xFFFFC000  }
0x75: {  	[spmem:s1] =	stream.indirect.scatter.add.f32 [tilespmem:s15], [sflag:$0x3], $0x80, s29, s14, $0xb8;
	[tilespmem:$0x1F000] =	vst v63  }
0x76: {  	_ =	swait.ge [sflag:s12], $0x4000  }
0x77: {  	[sflag:s12] =	ssyncset.done $0x0  }
0x78: {  	s30 =	simm.s32 $0x100;
	[sflag:s12] =	ssyncadd.s32 $0xFFFFC000  }
0x79: {  	[tilespmem:s15], [sflag:$0x1] =	stream.indirect.gather [hbm4b:s4+s14], $0x80, s30, s14, $0xb8;
	[tilespmem:$0x1F000] =	vst v63  }
0x7a: {  	_ =	swait.ge [sflag:s19], $0x4000  }
0x7b: {  	[sflag:s19] =	ssyncset.done $0x0  }
0x7c: {  	s31 =	simm.s32 $0x1480;
	[sflag:s19] =	ssyncadd.s32 $0xFFFFC000  }
0x7d: {  	[spmem:s1] =	stream.indirect.scatter.add.f32 [tilespmem:s16], [sflag:$0x3], $0x80, s31, s14, $0xb8;
	[tilespmem:$0x1F000] =	vst v63  }
0x7e: {  	_ =	swait.ge [sflag:s12], $0x4000  }
0x7f: {  	[sflag:s12] =	ssyncset.done $0x0  }
0x80: {  	s23 =	simm.s32 $0x180;
	s22 =	simm.s32 $0x400;
	[sflag:s12] =	ssyncadd.s32 $0xFFFFC000  }
.LBB2_8:
0x81: {  	[tilespmem:s16], [sflag:$0x2] =	stream.indirect.gather [hbm4b:s4+s14], $0x80, s23, s14, $0xb8;
	[tilespmem:$0x1F000] =	vst v63  }
0x82: {  	s23 =	smov.u32 s22  }
0x83: {  	p0 =	sne.s32 s22, $0x4800;
	s22 =	sadd.s32 $0x400, s22;
	_ =	swait.ge [sflag:s18], $0x4000  }
0x84: {  	s23 =	sshra.s32 s23, $0x2;
	[sflag:s18] =	ssyncset.done $0x0  }
0x85: {  	s24 =	sadd.s32 $0x1400, s23;
	[sflag:s18] =	ssyncadd.s32 $0xFFFFC000  }
0x86: {  	[spmem:s1] =	stream.indirect.scatter.add.f32 [tilespmem:s15], [sflag:$0x3], $0x80, s24, s14, $0xb8;
	[tilespmem:$0x1F000] =	vst v63  }
0x87: {  	_ =	swait.ge [sflag:s12], $0x4000  }
0x88: {  	[sflag:s12] =	ssyncset.done $0x0  }
0x89: {  	s24 =	sadd.s32 $0x100, s23;
	[sflag:s12] =	ssyncadd.s32 $0xFFFFC000  }
0x8a: {  	[tilespmem:s15], [sflag:$0x1] =	stream.indirect.gather [hbm4b:s4+s14], $0x80, s24, s14, $0xb8;
	[tilespmem:$0x1F000] =	vst v63  }
0x8b: {  	_ =	swait.ge [sflag:s19], $0x4000  }
0x8c: {  	[sflag:s19] =	ssyncset.done $0x0  }
.Ltmp3:
0x8d: {  	s24 =	sadd.s32 $0x1480, s23;
	[sflag:s19] =	ssyncadd.s32 $0xFFFFC000;
	(pc) =	sbr.rel @p0 .LBB2_8-.Ltmp3, $4  }
0x8e: {  	[spmem:s1] =	stream.indirect.scatter.add.f32 [tilespmem:s16], [sflag:$0x3], $0x80, s24, s14, $0xb8;
	[tilespmem:$0x1F000] =	vst v63  }
0x8f: {  	_ =	swait.ge [sflag:s12], $0x4000  }
0x90: {  	[sflag:s12] =	ssyncset.done $0x0  }
0x91: {  	s23 =	sadd.s32 $0x180, s23;
	[sflag:s12] =	ssyncadd.s32 $0xFFFFC000  }
0x92: {  	[tilespmem:s16], [sflag:$0x2] =	stream.indirect.gather [hbm4b:s4+s14], $0x80, s23, s14, $0xb8;
	[tilespmem:$0x1F000] =	vst v63  }
0x93: {  	_ =	swait.ge [sflag:s18], $0x4000  }
0x94: {  	[sflag:s18] =	ssyncset.done $0x0  }
0x95: {  	[sflag:s18] =	ssyncadd.s32 $0xFFFFC000  }
0x96: {  	[spmem:s1] =	stream.indirect.scatter.add.f32 [tilespmem:s15], [sflag:$0x3], $0x80, s20, s14, $0xb8;
	[tilespmem:$0x1F000] =	vst v63  }
0x97: {  	_ =	swait.ge [sflag:s12], $0x4000  }
0x98: {  	[sflag:s12] =	ssyncset.done $0x0  }
0x99: {  	[sflag:s12] =	ssyncadd.s32 $0xFFFFC000  }
0x9a: {  	_ =	swait.ge [sflag:s19], $0x4000  }
0x9b: {  	[sflag:s19] =	ssyncset.done $0x0  }
0x9c: {  	[sflag:s19] =	ssyncadd.s32 $0xFFFFC000  }
0x9d: {  	[spmem:s1] =	stream.indirect.scatter.add.f32 [tilespmem:s16], [sflag:$0x3], $0x80, s21, s14, $0xb8;
	[tilespmem:$0x1F000] =	vst v63  }
0x9e: {  	_ =	swait.ge [sflag:s12], $0x4000  }
0x9f: {  	s22 =	sshll.u32 s2, $0x6;
	s3 =	sadd.s32 $0x1, s3;
	[sflag:s12] =	ssyncset.done $0x0  }
0xa0: {  	s31 =	sshrl.u32 s7, $0x3;
	p0 =	sne.s32 s3, s11;
	[sflag:s12] =	ssyncadd.s32 $0xFFFFC000  }
.Ltmp4:
0xa1: {  	s22 =	sor.u32 $0x1C03, s22;
	[bflag:$0x0] =	sbarrier.arrive $0xFFFF;
	(pc) =	sbr.rel @p0 .LBB2_1-.Ltmp4, $4  }
0xa2: {  	[hbm:s10], [sflag:s22] =	dma.local [spmem:s31], $0x2800  }
0xa3: {  	_ =	swait.ge [sflag:s12], $0x2800  }
0xa4: {  	[sflag:s12] =	ssyncset.done $0x0  }
0xa5: {  	[sflag:s12] =	ssyncadd.s32 $0xFFFFD800  }
0xa6: {  	_ =	sfence.sel $0x180000  }
0xa7: {  	[bflag:$0x0] =	sbarrier.arrive $0xFFFF  }
0xa8: {  	p0 =	sne.s32 s2, $0x0;
	_ =	strace $0x90000053  }
0xa9: {  	s0 =	sadd.s32 @!p0 $0x100000, s0;
	[bflag:$0x2] =	sbarrier.arrive $0xFFFF  }
0xaa: {  	[sflag:s0] =	ssyncadd.tile.s32 @!p0 $0x1;
	_ =	shalt  }
.Lfunc_end2:
_tile_overlayer_lowered:
.L_overlay_start_2:
0xab: {  	(tag) =	ssettag $0x2  }
0xac: {  	s0 =	rddreg [dreg:$0x0];
	s2 =	stileid.u32  }
0xad: {  	s1 =	rddreg [dreg:$0x1];
	p0 =	sne.s32 s2, $0x0  }
0xae: {  	s3 =	rddreg [dreg:$0x2];
	[bflag:$0x3] =	sbarrier.arrive $0xFFFF;
	s2 =	simm.s32 @!p0 $0x1C03  }
0xaf: {  	[timem:s3], [sflag:s2] =	dma.local @!p0 [hbm:s0], s1  }
0xb0: {  	s0 =	simm.s32 @!p0 $0x3  }
0xb1: {  	_ =	swait.ge @!p0 [sflag:s0], s1  }
0xb2: {  	s1 =	ssub.s32 @!p0 $0x0, s1;
	[sflag:s0] =	ssyncset.done @!p0 $0x0  }
0xb3: {  	[sflag:s0] =	ssyncadd.s32 @!p0 s1  }
0xb4: {  	[bflag:$0x3] =	sbarrier.arrive $0xFFFF  }
0xb5: {  	_ =	shalt  }

</sc_bundles>
